<compile_context>
chip_gen: v7x
topology: tpu7x:2x2x1
jax: 0.10.2.dev20260603
libtpu: 0.0.44.dev20260713+nightly
codegen_flags: <defaults>
</compile_context>

<pallas_src>
import functools

import jax
import jax.numpy as jnp
from jax import lax
from jax.experimental import pallas as pl
from jax.experimental.pallas import tpu as pltpu
from jax.experimental.pallas import tpu_sc as plsc


def _bf16r(v):
    u = plsc.bitcast(v, jnp.uint32)
    r = u + jnp.uint32(0x7FFF) + (lax.shift_right_logical(u, jnp.uint32(16))
                                  & jnp.uint32(1))
    r = r & jnp.uint32(0xFFFF0000)
    return plsc.bitcast(r, jnp.float32)


NC = 2
NS = 16
NW = NC * NS
L = 16


def _make_sc_kernel(B, C, H, W, N, P):
    PPW = N // NW
    CHUNKS = PPW // P
    PAIRS = CHUNKS // 2
    mesh = plsc.VectorSubcoreMesh(
        core_axis_name="c", subcore_axis_name="s",
        num_cores=NC, num_subcores=NS)

    @functools.partial(
        pl.kernel,
        out_type=(
            jax.ShapeDtypeStruct((B * N * (C + 3),), jnp.float32),
            jax.ShapeDtypeStruct((B * N,), jnp.int32),
        ),
        mesh=mesh,
        compiler_params=pltpu.CompilerParams(needs_layout_passes=False),
        scratch_types=[
            pltpu.VMEM((16,), jnp.float32),
            pltpu.VMEM((16,), jnp.float32),
            pltpu.VMEM((16,), jnp.float32),
            pltpu.VMEM((3 * N // NW,), jnp.float32),
            pltpu.VMEM((4 * P,), jnp.int32),
            pltpu.VMEM((4 * P,), jnp.int32),
            pltpu.VMEM((2, 4 * P), jnp.float32),
            pltpu.VMEM((2, 4 * P, C // 2), jnp.uint32),
            pltpu.VMEM((2 * P * (C + 3),), jnp.float32),
            pltpu.VMEM((PPW,), jnp.int32),
            pltpu.SemaphoreType.DMA,
            pltpu.SemaphoreType.DMA,
        ],
    )
    def sc_kernel(table_hbm, pts_hbm, ext_hbm, intr_hbm, par_hbm,
                  fused_hbm, valid_hbm,
                  ek_v, kk_v, par_v, pts_v, idx0_v, idx1_v, w_v, rows_v,
                  out_v, valid_v, sem0, sem1):
        wid = lax.axis_index("s") * NC + lax.axis_index("c")
        pltpu.sync_copy(par_hbm, par_v)
        pv = par_v[pl.ds(0, 16)]
        img_wf = pv[2]
        img_hf = pv[3]
        rwv = 1.0 / pv
        r_wm1 = rwv[0]
        r_hm1 = rwv[1]
        lanes = jnp.arange(L, dtype=jnp.int32)

        def batch_body(b, _):
            pltpu.sync_copy(ext_hbm.at[pl.ds(b * 16, 16)], ek_v)
            pltpu.sync_copy(intr_hbm.at[pl.ds(b * 16, 16)], kk_v)
            pltpu.sync_copy(
                pts_hbm.at[pl.ds((b * N + wid * PPW) * 3, PPW * 3)], pts_v)
            ev = _bf16r(ek_v[pl.ds(0, 16)])
            kv = _bf16r(kk_v[pl.ds(0, 16)])
            e = [ev[i] for i in range(16)]
            km = [kv[i] for i in range(9)]

            def proj(ci, buf, b=b, e=e, km=km):
                obase = buf * P * (C + 3)
                idx_v = idx0_v if buf == 0 else idx1_v
                for g in range(P // L):
                    prow = ci * P + g * L + lanes
                    x = plsc.load_gather(pts_v, [3 * prow])
                    y = plsc.load_gather(pts_v, [3 * prow + 1])
                    z = plsc.load_gather(pts_v, [3 * prow + 2])
                    xb = _bf16r(x)
                    yb = _bf16r(y)
                    zb = _bf16r(z)
                    cx = e[0] * xb + e[1] * yb + e[2] * zb + e[3]
                    cy = e[4] * xb + e[5] * yb + e[6] * zb + e[7]
                    cz = e[8] * xb + e[9] * yb + e[10] * zb + e[11]
                    cw = e[12] * xb + e[13] * yb + e[14] * zb + e[15]
                    cwc = jnp.maximum(cw, 1e-6)
                    cx = cx / cwc
                    cy = cy / cwc
                    cz = cz / cwc
                    cxb = _bf16r(cx)
                    cyb = _bf16r(cy)
                    czb = _bf16r(cz)
                    ux = km[0] * cxb + km[1] * cyb + km[2] * czb
                    uy = km[3] * cxb + km[4] * cyb + km[5] * czb
                    uw = km[6] * cxb + km[7] * cyb + km[8] * czb
                    uwc = jnp.maximum(uw, 1e-6)
                    px = ux / uwc
                    py = uy / uwc
                    valid = ((cz > 0.1) & (px >= 0.0) & (px < img_wf)
                             & (py >= 0.0) & (py < img_hf))
                    ix = ((px * r_wm1 * 2.0 - 1.0) + 1.0) * 0.5 * (W - 1)
                    iy = ((py * r_hm1 * 2.0 - 1.0) + 1.0) * 0.5 * (H - 1)
                    ix = jnp.clip(ix, -4.0, W + 4.0)
                    iy = jnp.clip(iy, -4.0, H + 4.0)
                    ixt = ix.astype(jnp.int32).astype(jnp.float32)
                    iyt = iy.astype(jnp.int32).astype(jnp.float32)
                    ix0 = ixt - jnp.where(ixt > ix, 1.0, 0.0)
                    iy0 = iyt - jnp.where(iyt > iy, 1.0, 0.0)
                    wx1 = ix - ix0
                    wx0 = 1.0 - wx1
                    wy1 = iy - iy0
                    wy0 = 1.0 - wy1
                    corners = (
                        (ix0, iy0, wx0 * wy0),
                        (ix0 + 1.0, iy0, wx1 * wy0),
                        (ix0, iy0 + 1.0, wx0 * wy1),
                        (ix0 + 1.0, iy0 + 1.0, wx1 * wy1),
                    )
                    prowl = g * L + lanes
                    for k, (xq, yq, wt) in enumerate(corners):
                        cv = (valid & (xq >= 0.0) & (xq <= W - 1)
                              & (yq >= 0.0) & (yq <= H - 1))
                        wk = jnp.where(cv, wt, 0.0)
                        xi = jnp.clip(xq, 0.0, W - 1).astype(jnp.int32)
                        yi = jnp.clip(yq, 0.0, H - 1).astype(jnp.int32)
                        row = yi * W + xi + b * H * W
                        idx_v[pl.ds(k * P + g * L, L)] = row
                        w_v[buf, pl.ds(k * P + g * L, L)] = wk
                    valid_v[pl.ds(ci * P + g * L, L)] = jnp.where(valid, 1, 0)
                    ocol = obase + prowl * (C + 3) + C
                    plsc.store_scatter(out_v, [ocol], x)
                    plsc.store_scatter(out_v, [ocol + 1], y)
                    plsc.store_scatter(out_v, [ocol + 2], z)

            def gather_desc(buf, sem):
                idx_ref = idx0_v if buf == 0 else idx1_v
                return pltpu.make_async_copy(
                    table_hbm.at[idx_ref], rows_v.at[buf], sem)

            def blend(ci, buf, sem, b=b):
                base = wid * PPW + ci * P
                gather_desc(buf, sem).wait()

                bufc = jnp.full((L,), buf, jnp.int32)

                def hilo(u):
                    lo = plsc.bitcast(lax.shift_left(u, jnp.uint32(16)),
                                      jnp.float32)
                    hi = plsc.bitcast(u & jnp.uint32(0xFFFF0000), jnp.float32)
                    return lo, hi

                def _blend(p, pidx):
                    wb0 = plsc.load_gather(w_v, [bufc, pidx])
                    wb1 = plsc.load_gather(w_v, [bufc, pidx + P])
                    wb2 = plsc.load_gather(w_v, [bufc, pidx + 2 * P])
                    wb3 = plsc.load_gather(w_v, [bufc, pidx + 3 * P])
                    for j in range(C // (2 * L)):
                        s = j * L
                        l0, h0 = hilo(rows_v[buf, p, pl.ds(s, L)])
                        l1, h1 = hilo(rows_v[buf, P + p, pl.ds(s, L)])
                        l2, h2 = hilo(rows_v[buf, 2 * P + p, pl.ds(s, L)])
                        l3, h3 = hilo(rows_v[buf, 3 * P + p, pl.ds(s, L)])
                        acc_l = (wb0 * l0 + wb1 * l1
                                 + wb2 * l2 + wb3 * l3)
                        acc_h = (wb0 * h0 + wb1 * h1
                                 + wb2 * h2 + wb3 * h3)
                        ob = buf * P * (C + 3) + p * (C + 3) + 2 * s
                        out_v[pl.ds(ob, L)] = acc_l
                        out_v[pl.ds(ob + L, L)] = acc_h
                    return pidx + 1

                lax.fori_loop(0, P, _blend, jnp.zeros((L,), jnp.int32))
                pltpu.sync_copy(
                    out_v.at[pl.ds(buf * P * (C + 3), P * (C + 3))],
                    fused_hbm.at[pl.ds((b * N + base) * (C + 3),
                                       P * (C + 3))])

            proj(jnp.int32(0), 0)
            gather_desc(0, sem0).start()

            def pair_body(j, _):
                c0 = 2 * j
                proj(c0 + 1, 1)
                gather_desc(1, sem1).start()
                blend(c0, 0, sem0)

                @pl.when(j < PAIRS - 1)
                def _():
                    proj(c0 + 2, 0)
                    gather_desc(0, sem0).start()

                blend(c0 + 1, 1, sem1)
                return 0

            lax.fori_loop(0, PAIRS, pair_body, 0)
            pltpu.sync_copy(valid_v, valid_hbm.at[pl.ds(b * N + wid * PPW, PPW)])
            return 0

        lax.fori_loop(0, B, batch_body, 0)

    return sc_kernel


def kernel(image_features, point_cloud, intrinsic, extrinsic, img_h, img_w):
    B, C, H, W = image_features.shape
    N = point_cloud.shape[1]
    P = 32
    table = (image_features.reshape(B, C, H * W)
             .transpose(0, 2, 1).reshape(B * H * W, C))
    tb = jax.lax.bitcast_convert_type(
        table.astype(jnp.bfloat16), jnp.uint16).astype(jnp.uint32)
    tb = tb.reshape(B * H * W, C // 32, 2, 16)
    table = (tb[:, :, 0, :] | (tb[:, :, 1, :] << jnp.uint32(16)))
    table = table.reshape(B * H * W, C // 2)
    ext16 = extrinsic.reshape(B * 16).astype(jnp.float32)
    intr16 = jnp.concatenate(
        [intrinsic.reshape(B, 9), jnp.zeros((B, 7), jnp.float32)],
        axis=1).reshape(B * 16).astype(jnp.float32)
    wf = jnp.asarray(img_w, jnp.float32)
    hf = jnp.asarray(img_h, jnp.float32)
    params = jnp.zeros((16,), jnp.float32)
    params = params.at[0].set(wf - 1.0).at[1].set(hf - 1.0)
    params = params.at[2].set(wf).at[3].set(hf)
    sc = _make_sc_kernel(B, C, H, W, N, P)
    pts_flat = point_cloud.reshape(B * N * 3)
    fused, valid_i32 = sc(table, pts_flat, ext16, intr16, params)
    return (fused.reshape(B, N, C + 3),
            valid_i32.reshape(B, N).astype(bool))

# --- scband reference (transcript-rebuilt; emitter-appended) ---
"""Pipeline reference for scband-feature-position-fusion-17815524344398 (READ-ONLY COPY).

The authoritative reference and input builder live on the scoring server;
editing this copy changes nothing except your own understanding.
"""

import jax, jax.numpy as jnp
import numpy as np


def setup_inputs(seed: int = 0) -> dict:
    key = jax.random.key(seed)
    k1, k2, k3 = jax.random.split(key, 3)
    B, C, H, W = 4, 256, 64, 64
    N = 65536
    image_features = jax.random.normal(k1, (B, C, H, W), dtype=jnp.float32)
    xy = jax.random.uniform(k2, (B, N, 2), minval=-5.0, maxval=5.0, dtype=jnp.float32)
    z = jax.random.uniform(k3, (B, N, 1), minval=0.5, maxval=15.0, dtype=jnp.float32)
    point_cloud = jnp.concatenate([xy, z], axis=-1)
    K = jnp.array([[300.0, 0.0, 256.0], [0.0, 300.0, 256.0], [0.0, 0.0, 1.0]], dtype=jnp.float32)
    intrinsic = jnp.broadcast_to(K, (B, 3, 3))
    T = jnp.eye(4, dtype=jnp.float32)
    extrinsic = jnp.broadcast_to(T, (B, 4, 4))
    return {"image_features": image_features, "point_cloud": point_cloud, "intrinsic": intrinsic, "extrinsic": extrinsic, "img_h": 512, "img_w": 512}


def _grid_sample_bilinear_zeros(feat, gx, gy):
    # feat: [B,C,H,W]; gx,gy: [B,N] normalized coords in [-1,1]; align_corners=True, padding zeros
    B, C, H, W = feat.shape
    ix = (gx + 1.0) * 0.5 * (W - 1)
    iy = (gy + 1.0) * 0.5 * (H - 1)
    ix0 = jnp.floor(ix)
    iy0 = jnp.floor(iy)
    ix1 = ix0 + 1.0
    iy1 = iy0 + 1.0
    wx1 = ix - ix0
    wx0 = 1.0 - wx1
    wy1 = iy - iy0
    wy0 = 1.0 - wy1
    flat = feat.reshape(B, C, H * W)

    def g(ixq, iyq):
        valid = (ixq >= 0) & (ixq <= W - 1) & (iyq >= 0) & (iyq <= H - 1)
        idx = jnp.clip(iyq, 0, H - 1).astype(jnp.int32) * W + jnp.clip(ixq, 0, W - 1).astype(jnp.int32)
        vals = jnp.take_along_axis(flat, idx[:, None, :], axis=2)
        return vals * valid[:, None, :].astype(feat.dtype)

    out = (g(ix0, iy0) * (wx0 * wy0)[:, None, :]
           + g(ix1, iy0) * (wx1 * wy0)[:, None, :]
           + g(ix0, iy1) * (wx0 * wy1)[:, None, :]
           + g(ix1, iy1) * (wx1 * wy1)[:, None, :])
    return out  # [B,C,N]


def reference(image_features, point_cloud, intrinsic, extrinsic, img_h, img_w):
    B, C, H, W = image_features.shape
    N = point_cloud.shape[1]
    ones = jnp.ones((B, N, 1), dtype=point_cloud.dtype)
    points_homo = jnp.concatenate([point_cloud, ones], axis=-1)  # [B,N,4]
    points_cam_full = jnp.matmul(extrinsic, jnp.transpose(points_homo, (0, 2, 1)))  # [B,4,N]
    points_cam = points_cam_full[:, :3, :] / jnp.clip(points_cam_full[:, 3:4, :], 1e-6, None)
    points_img = jnp.matmul(intrinsic, points_cam)  # [B,3,N]
    pixel_coords = points_img[:, :2, :] / jnp.clip(points_img[:, 2:3, :], 1e-6, None)
    pixel_coords = jnp.transpose(pixel_coords, (0, 2, 1))  # [B,N,2]
    z = points_cam[:, 2, :]
    valid_depth = z > 0.1
    valid_x = (pixel_coords[..., 0] >= 0) & (pixel_coords[..., 0] < img_w)
    valid_y = (pixel_coords[..., 1] >= 0) & (pixel_coords[..., 1] < img_h)
    valid_mask = valid_depth & valid_x & valid_y  # [B,N]
    gx = pixel_coords[..., 0] / (img_w - 1) * 2.0 - 1.0
    gy = pixel_coords[..., 1] / (img_h - 1) * 2.0 - 1.0
    sampled = _grid_sample_bilinear_zeros(image_features, gx, gy)  # [B,C,N]
    sampled = jnp.transpose(sampled, (0, 2, 1))  # [B,N,C]
    sampled = sampled * valid_mask[..., None].astype(sampled.dtype)
    fused_points = jnp.concatenate([sampled, point_cloud], axis=-1)  # [B,N,C+3]
    return (fused_points, valid_mask)

if __name__ == "__main__":
    import jax
    _d = setup_inputs()
    print(jax.jit(kernel)(*tuple(_d.values())))

</pallas_src>

<mosaic_0001>
#map = affine_map<(d0, d1) -> (0, 0)>
#map1 = affine_map<(d0, d1) -> (0)>
module attributes {stable_mosaic.version = 14 : i64} {
  func.func @sc_kernel(%arg0: i32, %arg1: i32, %arg2: memref<16384x128xi32, #tpu.memory_space<hbm>>, %arg3: memref<786432xf32, #tpu.memory_space<hbm>>, %arg4: memref<64xf32, #tpu.memory_space<hbm>>, %arg5: memref<64xf32, #tpu.memory_space<hbm>>, %arg6: memref<16xf32, #tpu.memory_space<hbm>>, %arg7: memref<67895296xf32, #tpu.memory_space<hbm>>, %arg8: memref<262144xi32, #tpu.memory_space<hbm>>, %arg9: memref<16xf32, #tpu.memory_space<vmem>>, %arg10: memref<16xf32, #tpu.memory_space<vmem>>, %arg11: memref<16xf32, #tpu.memory_space<vmem>>, %arg12: memref<6144xf32, #tpu.memory_space<vmem>>, %arg13: memref<128xi32, #tpu.memory_space<vmem>>, %arg14: memref<128xi32, #tpu.memory_space<vmem>>, %arg15: memref<2x128xf32, #tpu.memory_space<vmem>>, %arg16: memref<2x128x128xi32, #tpu.memory_space<vmem>>, %arg17: memref<16576xf32, #tpu.memory_space<vmem>>, %arg18: memref<2048xi32, #tpu.memory_space<vmem>>, %arg19: memref<!tpu.dma_semaphore, #tpu.memory_space<semaphore_mem>>, %arg20: memref<!tpu.dma_semaphore, #tpu.memory_space<semaphore_mem>>) attributes {dimension_semantics = [#tpu.dimension_semantics<core_parallel>, #tpu.dimension_semantics<subcore_parallel>], iteration_bounds = array<i64: 2, 16>, scalar_prefetch = 0 : i64, scratch_operands = 12 : i64, tpu.core_type = #tpu.core_type<sc_vector_subcore>, window_params = [{transform_indices = #map}, {transform_indices = #map1}, {transform_indices = #map1}, {transform_indices = #map1}, {transform_indices = #map1}, {transform_indices = #map1}, {transform_indices = #map1}]} {
    %mul3A = arith.constant 2 : i32
    %mul3A_0 = arith.muli %arg1, %mul3A : i32
    %add3A = arith.addi %mul3A_0, %arg0 : i32
    "tpu.region"() ({
      %run_scoped3A = tpu.sem_alloc : memref<!tpu.dma_semaphore, #tpu.memory_space<semaphore_mem>>
      tpu.enqueue_dma source(%arg6 : memref<16xf32, #tpu.memory_space<hbm>>) target(%arg11 : memref<16xf32, #tpu.memory_space<vmem>>) target_semaphore(%run_scoped3A : memref<!tpu.dma_semaphore, #tpu.memory_space<semaphore_mem>>)
      tpu.wait_dma2 semaphore(%run_scoped3A : memref<!tpu.dma_semaphore, #tpu.memory_space<semaphore_mem>>) src(%arg6 : memref<16xf32, #tpu.memory_space<hbm>>) dst(%arg11 : memref<16xf32, #tpu.memory_space<vmem>>)
      tpu.yield
    }) : () -> ()
    %get3A = arith.constant 0 : index
    %get3A_1 = tpu.vector_load %arg11[%get3A] {strides = array<i32>} : memref<16xf32, #tpu.memory_space<vmem>>, vector<16xf32>,
    %slice3A = vector.extract_strided_slice %get3A_1 {offsets = [2], sizes = [1], strides = [1]} : vector<16xf32> to vector<1xf32>
    %squeeze3A = vector.extract %slice3A[0] : f32 from vector<1xf32>
    %slice3A_2 = vector.extract_strided_slice %get3A_1 {offsets = [3], sizes = [1], strides = [1]} : vector<16xf32> to vector<1xf32>
    %squeeze3A_3 = vector.extract %slice3A_2[0] : f32 from vector<1xf32>
    %div3A = arith.constant 1.000000e+00 : f32
    %div3A_4 = vector.broadcast %div3A : f32 to vector<16xf32>
    %div3A_5 = arith.divf %div3A_4, %get3A_1 : vector<16xf32>
    %slice3A_6 = vector.extract_strided_slice %div3A_5 {offsets = [0], sizes = [1], strides = [1]} : vector<16xf32> to vector<1xf32>
    %squeeze3A_7 = vector.extract %slice3A_6[0] : f32 from vector<1xf32>
    %slice3A_8 = vector.extract_strided_slice %div3A_5 {offsets = [1], sizes = [1], strides = [1]} : vector<16xf32> to vector<1xf32>
    %squeeze3A_9 = vector.extract %slice3A_8[0] : f32 from vector<1xf32>
    %iota3A = tpu.iota {dimensions = array<i32: 0>} : vector<16xi32>
    %scan3A = arith.constant 0 : i32
    %scan3A_10 = arith.constant 0 : i32
    %scan3A_11 = arith.constant 4 : i32
    %scan3A_12 = arith.addi %scan3A_10, %scan3A_11 : i32
    %scan3A_13 = arith.constant 1 : i32
    %scan3A_14 = scf.for %scan3A_16 = %scan3A_10 to %scan3A_12 step %scan3A_13 iter_args(%scan3A_17 = %scan3A) -> (i32)  : i32 {
      %mul3A_18 = arith.constant 16 : i32
      %mul3A_19 = arith.muli %scan3A_16, %mul3A_18 : i32
      "tpu.region"() ({
        %run_scoped3A = tpu.sem_alloc : memref<!tpu.dma_semaphore, #tpu.memory_space<semaphore_mem>>
        %dma_start3A_1175 = tpu.memref_slice %arg4[%mul3A_19] : memref<64xf32, #tpu.memory_space<hbm>> -> memref<16xf32, #tpu.memory_space<hbm>>
        %dma_start3A_1176 = tpu.memref_slice %arg4[%mul3A_19] : memref<64xf32, #tpu.memory_space<hbm>> -> memref<16xf32, #tpu.memory_space<hbm>>
        tpu.enqueue_dma source(%dma_start3A_1176 : memref<16xf32, #tpu.memory_space<hbm>>) target(%arg9 : memref<16xf32, #tpu.memory_space<vmem>>) target_semaphore(%run_scoped3A : memref<!tpu.dma_semaphore, #tpu.memory_space<semaphore_mem>>)
        %dma_wait3A = tpu.memref_slice %arg4[%mul3A_19] : memref<64xf32, #tpu.memory_space<hbm>> -> memref<16xf32, #tpu.memory_space<hbm>>
        %dma_wait3A_1177 = tpu.memref_slice %arg4[%mul3A_19] : memref<64xf32, #tpu.memory_space<hbm>> -> memref<16xf32, #tpu.memory_space<hbm>>
        tpu.wait_dma2 semaphore(%run_scoped3A : memref<!tpu.dma_semaphore, #tpu.memory_space<semaphore_mem>>) src(%dma_wait3A_1177 : memref<16xf32, #tpu.memory_space<hbm>>) dst(%arg9 : memref<16xf32, #tpu.memory_space<vmem>>)
        tpu.yield
      }) : () -> ()
      %mul3A_20 = arith.constant 16 : i32
      %mul3A_21 = arith.muli %scan3A_16, %mul3A_20 : i32
      "tpu.region"() ({
        %run_scoped3A = tpu.sem_alloc : memref<!tpu.dma_semaphore, #tpu.memory_space<semaphore_mem>>
        %dma_start3A_1175 = tpu.memref_slice %arg5[%mul3A_21] : memref<64xf32, #tpu.memory_space<hbm>> -> memref<16xf32, #tpu.memory_space<hbm>>
        %dma_start3A_1176 = tpu.memref_slice %arg5[%mul3A_21] : memref<64xf32, #tpu.memory_space<hbm>> -> memref<16xf32, #tpu.memory_space<hbm>>
        tpu.enqueue_dma source(%dma_start3A_1176 : memref<16xf32, #tpu.memory_space<hbm>>) target(%arg10 : memref<16xf32, #tpu.memory_space<vmem>>) target_semaphore(%run_scoped3A : memref<!tpu.dma_semaphore, #tpu.memory_space<semaphore_mem>>)
        %dma_wait3A = tpu.memref_slice %arg5[%mul3A_21] : memref<64xf32, #tpu.memory_space<hbm>> -> memref<16xf32, #tpu.memory_space<hbm>>
        %dma_wait3A_1177 = tpu.memref_slice %arg5[%mul3A_21] : memref<64xf32, #tpu.memory_space<hbm>> -> memref<16xf32, #tpu.memory_space<hbm>>
        tpu.wait_dma2 semaphore(%run_scoped3A : memref<!tpu.dma_semaphore, #tpu.memory_space<semaphore_mem>>) src(%dma_wait3A_1177 : memref<16xf32, #tpu.memory_space<hbm>>) dst(%arg10 : memref<16xf32, #tpu.memory_space<vmem>>)
        tpu.yield
      }) : () -> ()
      %mul3A_22 = arith.constant 65536 : i32
      %mul3A_23 = arith.muli %scan3A_16, %mul3A_22 : i32
      %mul3A_24 = arith.constant 2048 : i32
      %mul3A_25 = arith.muli %add3A, %mul3A_24 : i32
      %add3A_26 = arith.addi %mul3A_23, %mul3A_25 : i32
      %mul3A_27 = arith.constant 3 : i32
      %mul3A_28 = arith.muli %add3A_26, %mul3A_27 : i32
      "tpu.region"() ({
        %run_scoped3A = tpu.sem_alloc : memref<!tpu.dma_semaphore, #tpu.memory_space<semaphore_mem>>
        %dma_start3A_1175 = tpu.memref_slice %arg3[%mul3A_28] : memref<786432xf32, #tpu.memory_space<hbm>> -> memref<6144xf32, #tpu.memory_space<hbm>>
        %dma_start3A_1176 = tpu.memref_slice %arg3[%mul3A_28] : memref<786432xf32, #tpu.memory_space<hbm>> -> memref<6144xf32, #tpu.memory_space<hbm>>
        tpu.enqueue_dma source(%dma_start3A_1176 : memref<6144xf32, #tpu.memory_space<hbm>>) target(%arg12 : memref<6144xf32, #tpu.memory_space<vmem>>) target_semaphore(%run_scoped3A : memref<!tpu.dma_semaphore, #tpu.memory_space<semaphore_mem>>)
        %dma_wait3A = tpu.memref_slice %arg3[%mul3A_28] : memref<786432xf32, #tpu.memory_space<hbm>> -> memref<6144xf32, #tpu.memory_space<hbm>>
        %dma_wait3A_1177 = tpu.memref_slice %arg3[%mul3A_28] : memref<786432xf32, #tpu.memory_space<hbm>> -> memref<6144xf32, #tpu.memory_space<hbm>>
        tpu.wait_dma2 semaphore(%run_scoped3A : memref<!tpu.dma_semaphore, #tpu.memory_space<semaphore_mem>>) src(%dma_wait3A_1177 : memref<6144xf32, #tpu.memory_space<hbm>>) dst(%arg12 : memref<6144xf32, #tpu.memory_space<vmem>>)
        tpu.yield
      }) : () -> ()
      %get3A_29 = arith.constant 0 : index
      %get3A_30 = tpu.vector_load %arg9[%get3A_29] {strides = array<i32>} : memref<16xf32, #tpu.memory_space<vmem>>, vector<16xf32>,
      %bitcast3A = vector.bitcast %get3A_30 : vector<16xf32> to vector<16xi32>
      %add3A_31 = arith.constant 32767 : i32
      %add3A_32 = vector.broadcast %add3A_31 : i32 to vector<16xi32>
      %add3A_33 = arith.addi %bitcast3A, %add3A_32 : vector<16xi32>
      %shift_right_logical3A = arith.constant 16 : i32
      %shift_right_logical3A_34 = vector.broadcast %shift_right_logical3A : i32 to vector<16xi32>
      %shift_right_logical3A_35 = arith.shrui %bitcast3A, %shift_right_logical3A_34 : vector<16xi32>
      %and3A = arith.constant 1 : i32
      %and3A_36 = vector.broadcast %and3A : i32 to vector<16xi32>
      %and3A_37 = arith.andi %shift_right_logical3A_35, %and3A_36 : vector<16xi32>
      %add3A_38 = arith.addi %add3A_33, %and3A_37 : vector<16xi32>
      %and3A_39 = arith.constant -65536 : i32
      %and3A_40 = vector.broadcast %and3A_39 : i32 to vector<16xi32>
      %and3A_41 = arith.andi %add3A_38, %and3A_40 : vector<16xi32>
      %bitcast3A_42 = vector.bitcast %and3A_41 : vector<16xi32> to vector<16xf32>
      %get3A_43 = arith.constant 0 : index
      %get3A_44 = tpu.vector_load %arg10[%get3A_43] {strides = array<i32>} : memref<16xf32, #tpu.memory_space<vmem>>, vector<16xf32>,
      %bitcast3A_45 = vector.bitcast %get3A_44 : vector<16xf32> to vector<16xi32>
      %add3A_46 = arith.constant 32767 : i32
      %add3A_47 = vector.broadcast %add3A_46 : i32 to vector<16xi32>
      %add3A_48 = arith.addi %bitcast3A_45, %add3A_47 : vector<16xi32>
      %shift_right_logical3A_49 = arith.constant 16 : i32
      %shift_right_logical3A_50 = vector.broadcast %shift_right_logical3A_49 : i32 to vector<16xi32>
      %shift_right_logical3A_51 = arith.shrui %bitcast3A_45, %shift_right_logical3A_50 : vector<16xi32>
      %and3A_52 = arith.constant 1 : i32
      %and3A_53 = vector.broadcast %and3A_52 : i32 to vector<16xi32>
      %and3A_54 = arith.andi %shift_right_logical3A_51, %and3A_53 : vector<16xi32>
      %add3A_55 = arith.addi %add3A_48, %and3A_54 : vector<16xi32>
      %and3A_56 = arith.constant -65536 : i32
      %and3A_57 = vector.broadcast %and3A_56 : i32 to vector<16xi32>
      %and3A_58 = arith.andi %add3A_55, %and3A_57 : vector<16xi32>
      %bitcast3A_59 = vector.bitcast %and3A_58 : vector<16xi32> to vector<16xf32>
      %slice3A_60 = vector.extract_strided_slice %bitcast3A_42 {offsets = [0], sizes = [1], strides = [1]} : vector<16xf32> to vector<1xf32>
      %squeeze3A_61 = vector.extract %slice3A_60[0] : f32 from vector<1xf32>
      %slice3A_62 = vector.extract_strided_slice %bitcast3A_42 {offsets = [1], sizes = [1], strides = [1]} : vector<16xf32> to vector<1xf32>
      %squeeze3A_63 = vector.extract %slice3A_62[0] : f32 from vector<1xf32>
      %slice3A_64 = vector.extract_strided_slice %bitcast3A_42 {offsets = [2], sizes = [1], strides = [1]} : vector<16xf32> to vector<1xf32>
      %squeeze3A_65 = vector.extract %slice3A_64[0] : f32 from vector<1xf32>
      %slice3A_66 = vector.extract_strided_slice %bitcast3A_42 {offsets = [3], sizes = [1], strides = [1]} : vector<16xf32> to vector<1xf32>
      %squeeze3A_67 = vector.extract %slice3A_66[0] : f32 from vector<1xf32>
      %slice3A_68 = vector.extract_strided_slice %bitcast3A_42 {offsets = [4], sizes = [1], strides = [1]} : vector<16xf32> to vector<1xf32>
      %squeeze3A_69 = vector.extract %slice3A_68[0] : f32 from vector<1xf32>
      %slice3A_70 = vector.extract_strided_slice %bitcast3A_42 {offsets = [5], sizes = [1], strides = [1]} : vector<16xf32> to vector<1xf32>
      %squeeze3A_71 = vector.extract %slice3A_70[0] : f32 from vector<1xf32>
      %slice3A_72 = vector.extract_strided_slice %bitcast3A_42 {offsets = [6], sizes = [1], strides = [1]} : vector<16xf32> to vector<1xf32>
      %squeeze3A_73 = vector.extract %slice3A_72[0] : f32 from vector<1xf32>
      %slice3A_74 = vector.extract_strided_slice %bitcast3A_42 {offsets = [7], sizes = [1], strides = [1]} : vector<16xf32> to vector<1xf32>
      %squeeze3A_75 = vector.extract %slice3A_74[0] : f32 from vector<1xf32>
      %slice3A_76 = vector.extract_strided_slice %bitcast3A_42 {offsets = [8], sizes = [1], strides = [1]} : vector<16xf32> to vector<1xf32>
      %squeeze3A_77 = vector.extract %slice3A_76[0] : f32 from vector<1xf32>
      %slice3A_78 = vector.extract_strided_slice %bitcast3A_42 {offsets = [9], sizes = [1], strides = [1]} : vector<16xf32> to vector<1xf32>
      %squeeze3A_79 = vector.extract %slice3A_78[0] : f32 from vector<1xf32>
      %slice3A_80 = vector.extract_strided_slice %bitcast3A_42 {offsets = [10], sizes = [1], strides = [1]} : vector<16xf32> to vector<1xf32>
      %squeeze3A_81 = vector.extract %slice3A_80[0] : f32 from vector<1xf32>
      %slice3A_82 = vector.extract_strided_slice %bitcast3A_42 {offsets = [11], sizes = [1], strides = [1]} : vector<16xf32> to vector<1xf32>
      %squeeze3A_83 = vector.extract %slice3A_82[0] : f32 from vector<1xf32>
      %slice3A_84 = vector.extract_strided_slice %bitcast3A_42 {offsets = [12], sizes = [1], strides = [1]} : vector<16xf32> to vector<1xf32>
      %squeeze3A_85 = vector.extract %slice3A_84[0] : f32 from vector<1xf32>
      %slice3A_86 = vector.extract_strided_slice %bitcast3A_42 {offsets = [13], sizes = [1], strides = [1]} : vector<16xf32> to vector<1xf32>
      %squeeze3A_87 = vector.extract %slice3A_86[0] : f32 from vector<1xf32>
      %slice3A_88 = vector.extract_strided_slice %bitcast3A_42 {offsets = [14], sizes = [1], strides = [1]} : vector<16xf32> to vector<1xf32>
      %squeeze3A_89 = vector.extract %slice3A_88[0] : f32 from vector<1xf32>
      %slice3A_90 = vector.extract_strided_slice %bitcast3A_42 {offsets = [15], sizes = [1], strides = [1]} : vector<16xf32> to vector<1xf32>
      %squeeze3A_91 = vector.extract %slice3A_90[0] : f32 from vector<1xf32>
      %slice3A_92 = vector.extract_strided_slice %bitcast3A_59 {offsets = [0], sizes = [1], strides = [1]} : vector<16xf32> to vector<1xf32>
      %squeeze3A_93 = vector.extract %slice3A_92[0] : f32 from vector<1xf32>
      %slice3A_94 = vector.extract_strided_slice %bitcast3A_59 {offsets = [1], sizes = [1], strides = [1]} : vector<16xf32> to vector<1xf32>
      %squeeze3A_95 = vector.extract %slice3A_94[0] : f32 from vector<1xf32>
      %slice3A_96 = vector.extract_strided_slice %bitcast3A_59 {offsets = [2], sizes = [1], strides = [1]} : vector<16xf32> to vector<1xf32>
      %squeeze3A_97 = vector.extract %slice3A_96[0] : f32 from vector<1xf32>
      %slice3A_98 = vector.extract_strided_slice %bitcast3A_59 {offsets = [3], sizes = [1], strides = [1]} : vector<16xf32> to vector<1xf32>
      %squeeze3A_99 = vector.extract %slice3A_98[0] : f32 from vector<1xf32>
      %slice3A_100 = vector.extract_strided_slice %bitcast3A_59 {offsets = [4], sizes = [1], strides = [1]} : vector<16xf32> to vector<1xf32>
      %squeeze3A_101 = vector.extract %slice3A_100[0] : f32 from vector<1xf32>
      %slice3A_102 = vector.extract_strided_slice %bitcast3A_59 {offsets = [5], sizes = [1], strides = [1]} : vector<16xf32> to vector<1xf32>
      %squeeze3A_103 = vector.extract %slice3A_102[0] : f32 from vector<1xf32>
      %slice3A_104 = vector.extract_strided_slice %bitcast3A_59 {offsets = [6], sizes = [1], strides = [1]} : vector<16xf32> to vector<1xf32>
      %squeeze3A_105 = vector.extract %slice3A_104[0] : f32 from vector<1xf32>
      %slice3A_106 = vector.extract_strided_slice %bitcast3A_59 {offsets = [7], sizes = [1], strides = [1]} : vector<16xf32> to vector<1xf32>
      %squeeze3A_107 = vector.extract %slice3A_106[0] : f32 from vector<1xf32>
      %slice3A_108 = vector.extract_strided_slice %bitcast3A_59 {offsets = [8], sizes = [1], strides = [1]} : vector<16xf32> to vector<1xf32>
      %squeeze3A_109 = vector.extract %slice3A_108[0] : f32 from vector<1xf32>
      %mul3A_110 = arith.constant 0 : i32
      %mul3A_111 = arith.constant 32 : i32
      %mul3A_112 = arith.muli %mul3A_110, %mul3A_111 : i32
      %add3A_113 = arith.constant 0 : i32
      %add3A_114 = arith.addi %mul3A_112, %add3A_113 : i32
      %add3A_115 = vector.broadcast %add3A_114 : i32 to vector<16xi32>
      %add3A_116 = arith.addi %add3A_115, %iota3A : vector<16xi32>
      %mul3A_117 = arith.constant 3 : i32
      %mul3A_118 = vector.broadcast %mul3A_117 : i32 to vector<16xi32>
      %mul3A_119 = arith.muli %mul3A_118, %add3A_116 : vector<16xi32>
      %gather3A = tpu.vector_load_idx %arg12[%mul3A_119] : memref<6144xf32, #tpu.memory_space<vmem>>[vector<16xi32>], vector<16xf32>,
      %mul3A_120 = arith.constant 3 : i32
      %mul3A_121 = vector.broadcast %mul3A_120 : i32 to vector<16xi32>
      %mul3A_122 = arith.muli %mul3A_121, %add3A_116 : vector<16xi32>
      %add3A_123 = arith.constant 1 : i32
      %add3A_124 = vector.broadcast %add3A_123 : i32 to vector<16xi32>
      %add3A_125 = arith.addi %mul3A_122, %add3A_124 : vector<16xi32>
      %gather3A_126 = tpu.vector_load_idx %arg12[%add3A_125] : memref<6144xf32, #tpu.memory_space<vmem>>[vector<16xi32>], vector<16xf32>,
      %mul3A_127 = arith.constant 3 : i32
      %mul3A_128 = vector.broadcast %mul3A_127 : i32 to vector<16xi32>
      %mul3A_129 = arith.muli %mul3A_128, %add3A_116 : vector<16xi32>
      %add3A_130 = arith.constant 2 : i32
      %add3A_131 = vector.broadcast %add3A_130 : i32 to vector<16xi32>
      %add3A_132 = arith.addi %mul3A_129, %add3A_131 : vector<16xi32>
      %gather3A_133 = tpu.vector_load_idx %arg12[%add3A_132] : memref<6144xf32, #tpu.memory_space<vmem>>[vector<16xi32>], vector<16xf32>,
      %bitcast3A_134 = vector.bitcast %gather3A : vector<16xf32> to vector<16xi32>
      %add3A_135 = arith.constant 32767 : i32
      %add3A_136 = vector.broadcast %add3A_135 : i32 to vector<16xi32>
      %add3A_137 = arith.addi %bitcast3A_134, %add3A_136 : vector<16xi32>
      %shift_right_logical3A_138 = arith.constant 16 : i32
      %shift_right_logical3A_139 = vector.broadcast %shift_right_logical3A_138 : i32 to vector<16xi32>
      %shift_right_logical3A_140 = arith.shrui %bitcast3A_134, %shift_right_logical3A_139 : vector<16xi32>
      %and3A_141 = arith.constant 1 : i32
      %and3A_142 = vector.broadcast %and3A_141 : i32 to vector<16xi32>
      %and3A_143 = arith.andi %shift_right_logical3A_140, %and3A_142 : vector<16xi32>
      %add3A_144 = arith.addi %add3A_137, %and3A_143 : vector<16xi32>
      %and3A_145 = arith.constant -65536 : i32
      %and3A_146 = vector.broadcast %and3A_145 : i32 to vector<16xi32>
      %and3A_147 = arith.andi %add3A_144, %and3A_146 : vector<16xi32>
      %bitcast3A_148 = vector.bitcast %and3A_147 : vector<16xi32> to vector<16xf32>
      %bitcast3A_149 = vector.bitcast %gather3A_126 : vector<16xf32> to vector<16xi32>
      %add3A_150 = arith.constant 32767 : i32
      %add3A_151 = vector.broadcast %add3A_150 : i32 to vector<16xi32>
      %add3A_152 = arith.addi %bitcast3A_149, %add3A_151 : vector<16xi32>
      %shift_right_logical3A_153 = arith.constant 16 : i32
      %shift_right_logical3A_154 = vector.broadcast %shift_right_logical3A_153 : i32 to vector<16xi32>
      %shift_right_logical3A_155 = arith.shrui %bitcast3A_149, %shift_right_logical3A_154 : vector<16xi32>
      %and3A_156 = arith.constant 1 : i32
      %and3A_157 = vector.broadcast %and3A_156 : i32 to vector<16xi32>
      %and3A_158 = arith.andi %shift_right_logical3A_155, %and3A_157 : vector<16xi32>
      %add3A_159 = arith.addi %add3A_152, %and3A_158 : vector<16xi32>
      %and3A_160 = arith.constant -65536 : i32
      %and3A_161 = vector.broadcast %and3A_160 : i32 to vector<16xi32>
      %and3A_162 = arith.andi %add3A_159, %and3A_161 : vector<16xi32>
      %bitcast3A_163 = vector.bitcast %and3A_162 : vector<16xi32> to vector<16xf32>
      %bitcast3A_164 = vector.bitcast %gather3A_133 : vector<16xf32> to vector<16xi32>
      %add3A_165 = arith.constant 32767 : i32
      %add3A_166 = vector.broadcast %add3A_165 : i32 to vector<16xi32>
      %add3A_167 = arith.addi %bitcast3A_164, %add3A_166 : vector<16xi32>
      %shift_right_logical3A_168 = arith.constant 16 : i32
      %shift_right_logical3A_169 = vector.broadcast %shift_right_logical3A_168 : i32 to vector<16xi32>
      %shift_right_logical3A_170 = arith.shrui %bitcast3A_164, %shift_right_logical3A_169 : vector<16xi32>
      %and3A_171 = arith.constant 1 : i32
      %and3A_172 = vector.broadcast %and3A_171 : i32 to vector<16xi32>
      %and3A_173 = arith.andi %shift_right_logical3A_170, %and3A_172 : vector<16xi32>
      %add3A_174 = arith.addi %add3A_167, %and3A_173 : vector<16xi32>
      %and3A_175 = arith.constant -65536 : i32
      %and3A_176 = vector.broadcast %and3A_175 : i32 to vector<16xi32>
      %and3A_177 = arith.andi %add3A_174, %and3A_176 : vector<16xi32>
      %bitcast3A_178 = vector.bitcast %and3A_177 : vector<16xi32> to vector<16xf32>
      %mul3A_179 = vector.broadcast %squeeze3A_61 : f32 to vector<16xf32>
      %mul3A_180 = arith.mulf %mul3A_179, %bitcast3A_148 : vector<16xf32>
      %mul3A_181 = vector.broadcast %squeeze3A_63 : f32 to vector<16xf32>
      %mul3A_182 = arith.mulf %mul3A_181, %bitcast3A_163 : vector<16xf32>
      %add3A_183 = arith.addf %mul3A_180, %mul3A_182 : vector<16xf32>
      %mul3A_184 = vector.broadcast %squeeze3A_65 : f32 to vector<16xf32>
      %mul3A_185 = arith.mulf %mul3A_184, %bitcast3A_178 : vector<16xf32>
      %add3A_186 = arith.addf %add3A_183, %mul3A_185 : vector<16xf32>
      %add3A_187 = vector.broadcast %squeeze3A_67 : f32 to vector<16xf32>
      %add3A_188 = arith.addf %add3A_186, %add3A_187 : vector<16xf32>
      %mul3A_189 = vector.broadcast %squeeze3A_69 : f32 to vector<16xf32>
      %mul3A_190 = arith.mulf %mul3A_189, %bitcast3A_148 : vector<16xf32>
      %mul3A_191 = vector.broadcast %squeeze3A_71 : f32 to vector<16xf32>
      %mul3A_192 = arith.mulf %mul3A_191, %bitcast3A_163 : vector<16xf32>
      %add3A_193 = arith.addf %mul3A_190, %mul3A_192 : vector<16xf32>
      %mul3A_194 = vector.broadcast %squeeze3A_73 : f32 to vector<16xf32>
      %mul3A_195 = arith.mulf %mul3A_194, %bitcast3A_178 : vector<16xf32>
      %add3A_196 = arith.addf %add3A_193, %mul3A_195 : vector<16xf32>
      %add3A_197 = vector.broadcast %squeeze3A_75 : f32 to vector<16xf32>
      %add3A_198 = arith.addf %add3A_196, %add3A_197 : vector<16xf32>
      %mul3A_199 = vector.broadcast %squeeze3A_77 : f32 to vector<16xf32>
      %mul3A_200 = arith.mulf %mul3A_199, %bitcast3A_148 : vector<16xf32>
      %mul3A_201 = vector.broadcast %squeeze3A_79 : f32 to vector<16xf32>
      %mul3A_202 = arith.mulf %mul3A_201, %bitcast3A_163 : vector<16xf32>
      %add3A_203 = arith.addf %mul3A_200, %mul3A_202 : vector<16xf32>
      %mul3A_204 = vector.broadcast %squeeze3A_81 : f32 to vector<16xf32>
      %mul3A_205 = arith.mulf %mul3A_204, %bitcast3A_178 : vector<16xf32>
      %add3A_206 = arith.addf %add3A_203, %mul3A_205 : vector<16xf32>
      %add3A_207 = vector.broadcast %squeeze3A_83 : f32 to vector<16xf32>
      %add3A_208 = arith.addf %add3A_206, %add3A_207 : vector<16xf32>
      %mul3A_209 = vector.broadcast %squeeze3A_85 : f32 to vector<16xf32>
      %mul3A_210 = arith.mulf %mul3A_209, %bitcast3A_148 : vector<16xf32>
      %mul3A_211 = vector.broadcast %squeeze3A_87 : f32 to vector<16xf32>
      %mul3A_212 = arith.mulf %mul3A_211, %bitcast3A_163 : vector<16xf32>
      %add3A_213 = arith.addf %mul3A_210, %mul3A_212 : vector<16xf32>
      %mul3A_214 = vector.broadcast %squeeze3A_89 : f32 to vector<16xf32>
      %mul3A_215 = arith.mulf %mul3A_214, %bitcast3A_178 : vector<16xf32>
      %add3A_216 = arith.addf %add3A_213, %mul3A_215 : vector<16xf32>
      %add3A_217 = vector.broadcast %squeeze3A_91 : f32 to vector<16xf32>
      %add3A_218 = arith.addf %add3A_216, %add3A_217 : vector<16xf32>
      %max3A = arith.constant 9.99999997E-7 : f32
      %max3A_219 = vector.broadcast %max3A : f32 to vector<16xf32>
      %max3A_220 = arith.maximumf %add3A_218, %max3A_219 : vector<16xf32>
      %div3A_221 = arith.divf %add3A_188, %max3A_220 : vector<16xf32>
      %div3A_222 = arith.divf %add3A_198, %max3A_220 : vector<16xf32>
      %div3A_223 = arith.divf %add3A_208, %max3A_220 : vector<16xf32>
      %bitcast3A_224 = vector.bitcast %div3A_221 : vector<16xf32> to vector<16xi32>
      %add3A_225 = arith.constant 32767 : i32
      %add3A_226 = vector.broadcast %add3A_225 : i32 to vector<16xi32>
      %add3A_227 = arith.addi %bitcast3A_224, %add3A_226 : vector<16xi32>
      %shift_right_logical3A_228 = arith.constant 16 : i32
      %shift_right_logical3A_229 = vector.broadcast %shift_right_logical3A_228 : i32 to vector<16xi32>
      %shift_right_logical3A_230 = arith.shrui %bitcast3A_224, %shift_right_logical3A_229 : vector<16xi32>
      %and3A_231 = arith.constant 1 : i32
      %and3A_232 = vector.broadcast %and3A_231 : i32 to vector<16xi32>
      %and3A_233 = arith.andi %shift_right_logical3A_230, %and3A_232 : vector<16xi32>
      %add3A_234 = arith.addi %add3A_227, %and3A_233 : vector<16xi32>
      %and3A_235 = arith.constant -65536 : i32
      %and3A_236 = vector.broadcast %and3A_235 : i32 to vector<16xi32>
      %and3A_237 = arith.andi %add3A_234, %and3A_236 : vector<16xi32>
      %bitcast3A_238 = vector.bitcast %and3A_237 : vector<16xi32> to vector<16xf32>
      %bitcast3A_239 = vector.bitcast %div3A_222 : vector<16xf32> to vector<16xi32>
      %add3A_240 = arith.constant 32767 : i32
      %add3A_241 = vector.broadcast %add3A_240 : i32 to vector<16xi32>
      %add3A_242 = arith.addi %bitcast3A_239, %add3A_241 : vector<16xi32>
      %shift_right_logical3A_243 = arith.constant 16 : i32
      %shift_right_logical3A_244 = vector.broadcast %shift_right_logical3A_243 : i32 to vector<16xi32>
      %shift_right_logical3A_245 = arith.shrui %bitcast3A_239, %shift_right_logical3A_244 : vector<16xi32>
      %and3A_246 = arith.constant 1 : i32
      %and3A_247 = vector.broadcast %and3A_246 : i32 to vector<16xi32>
      %and3A_248 = arith.andi %shift_right_logical3A_245, %and3A_247 : vector<16xi32>
      %add3A_249 = arith.addi %add3A_242, %and3A_248 : vector<16xi32>
      %and3A_250 = arith.constant -65536 : i32
      %and3A_251 = vector.broadcast %and3A_250 : i32 to vector<16xi32>
      %and3A_252 = arith.andi %add3A_249, %and3A_251 : vector<16xi32>
      %bitcast3A_253 = vector.bitcast %and3A_252 : vector<16xi32> to vector<16xf32>
      %bitcast3A_254 = vector.bitcast %div3A_223 : vector<16xf32> to vector<16xi32>
      %add3A_255 = arith.constant 32767 : i32
      %add3A_256 = vector.broadcast %add3A_255 : i32 to vector<16xi32>
      %add3A_257 = arith.addi %bitcast3A_254, %add3A_256 : vector<16xi32>
      %shift_right_logical3A_258 = arith.constant 16 : i32
      %shift_right_logical3A_259 = vector.broadcast %shift_right_logical3A_258 : i32 to vector<16xi32>
      %shift_right_logical3A_260 = arith.shrui %bitcast3A_254, %shift_right_logical3A_259 : vector<16xi32>
      %and3A_261 = arith.constant 1 : i32
      %and3A_262 = vector.broadcast %and3A_261 : i32 to vector<16xi32>
      %and3A_263 = arith.andi %shift_right_logical3A_260, %and3A_262 : vector<16xi32>
      %add3A_264 = arith.addi %add3A_257, %and3A_263 : vector<16xi32>
      %and3A_265 = arith.constant -65536 : i32
      %and3A_266 = vector.broadcast %and3A_265 : i32 to vector<16xi32>
      %and3A_267 = arith.andi %add3A_264, %and3A_266 : vector<16xi32>
      %bitcast3A_268 = vector.bitcast %and3A_267 : vector<16xi32> to vector<16xf32>
      %mul3A_269 = vector.broadcast %squeeze3A_93 : f32 to vector<16xf32>
      %mul3A_270 = arith.mulf %mul3A_269, %bitcast3A_238 : vector<16xf32>
      %mul3A_271 = vector.broadcast %squeeze3A_95 : f32 to vector<16xf32>
      %mul3A_272 = arith.mulf %mul3A_271, %bitcast3A_253 : vector<16xf32>
      %add3A_273 = arith.addf %mul3A_270, %mul3A_272 : vector<16xf32>
      %mul3A_274 = vector.broadcast %squeeze3A_97 : f32 to vector<16xf32>
      %mul3A_275 = arith.mulf %mul3A_274, %bitcast3A_268 : vector<16xf32>
      %add3A_276 = arith.addf %add3A_273, %mul3A_275 : vector<16xf32>
      %mul3A_277 = vector.broadcast %squeeze3A_99 : f32 to vector<16xf32>
      %mul3A_278 = arith.mulf %mul3A_277, %bitcast3A_238 : vector<16xf32>
      %mul3A_279 = vector.broadcast %squeeze3A_101 : f32 to vector<16xf32>
      %mul3A_280 = arith.mulf %mul3A_279, %bitcast3A_253 : vector<16xf32>
      %add3A_281 = arith.addf %mul3A_278, %mul3A_280 : vector<16xf32>
      %mul3A_282 = vector.broadcast %squeeze3A_103 : f32 to vector<16xf32>
      %mul3A_283 = arith.mulf %mul3A_282, %bitcast3A_268 : vector<16xf32>
      %add3A_284 = arith.addf %add3A_281, %mul3A_283 : vector<16xf32>
      %mul3A_285 = vector.broadcast %squeeze3A_105 : f32 to vector<16xf32>
      %mul3A_286 = arith.mulf %mul3A_285, %bitcast3A_238 : vector<16xf32>
      %mul3A_287 = vector.broadcast %squeeze3A_107 : f32 to vector<16xf32>
      %mul3A_288 = arith.mulf %mul3A_287, %bitcast3A_253 : vector<16xf32>
      %add3A_289 = arith.addf %mul3A_286, %mul3A_288 : vector<16xf32>
      %mul3A_290 = vector.broadcast %squeeze3A_109 : f32 to vector<16xf32>
      %mul3A_291 = arith.mulf %mul3A_290, %bitcast3A_268 : vector<16xf32>
      %add3A_292 = arith.addf %add3A_289, %mul3A_291 : vector<16xf32>
      %max3A_293 = arith.constant 9.99999997E-7 : f32
      %max3A_294 = vector.broadcast %max3A_293 : f32 to vector<16xf32>
      %max3A_295 = arith.maximumf %add3A_292, %max3A_294 : vector<16xf32>
      %div3A_296 = arith.divf %add3A_276, %max3A_295 : vector<16xf32>
      %div3A_297 = arith.divf %add3A_284, %max3A_295 : vector<16xf32>
      %gt3A = arith.constant 1.000000e-01 : f32
      %gt3A_298 = vector.broadcast %gt3A : f32 to vector<16xf32>
      %gt3A_299 = arith.cmpf ogt, %div3A_223, %gt3A_298 : vector<16xf32>
      %ge3A = arith.constant 0.000000e+00 : f32
      %ge3A_300 = vector.broadcast %ge3A : f32 to vector<16xf32>
      %ge3A_301 = arith.cmpf oge, %div3A_296, %ge3A_300 : vector<16xf32>
      %and3A_302 = arith.andi %gt3A_299, %ge3A_301 : vector<16xi1>
      %lt3A = vector.broadcast %squeeze3A : f32 to vector<16xf32>
      %lt3A_303 = arith.cmpf olt, %div3A_296, %lt3A : vector<16xf32>
      %and3A_304 = arith.andi %and3A_302, %lt3A_303 : vector<16xi1>
      %ge3A_305 = arith.constant 0.000000e+00 : f32
      %ge3A_306 = vector.broadcast %ge3A_305 : f32 to vector<16xf32>
      %ge3A_307 = arith.cmpf oge, %div3A_297, %ge3A_306 : vector<16xf32>
      %and3A_308 = arith.andi %and3A_304, %ge3A_307 : vector<16xi1>
      %lt3A_309 = vector.broadcast %squeeze3A_3 : f32 to vector<16xf32>
      %lt3A_310 = arith.cmpf olt, %div3A_297, %lt3A_309 : vector<16xf32>
      %and3A_311 = arith.andi %and3A_308, %lt3A_310 : vector<16xi1>
      %mul3A_312 = vector.broadcast %squeeze3A_7 : f32 to vector<16xf32>
      %mul3A_313 = arith.mulf %div3A_296, %mul3A_312 : vector<16xf32>
      %mul3A_314 = arith.constant 2.000000e+00 : f32
      %mul3A_315 = vector.broadcast %mul3A_314 : f32 to vector<16xf32>
      %mul3A_316 = arith.mulf %mul3A_313, %mul3A_315 : vector<16xf32>
      %sub3A = arith.constant 1.000000e+00 : f32
      %sub3A_317 = vector.broadcast %sub3A : f32 to vector<16xf32>
      %sub3A_318 = arith.subf %mul3A_316, %sub3A_317 : vector<16xf32>
      %add3A_319 = arith.constant 1.000000e+00 : f32
      %add3A_320 = vector.broadcast %add3A_319 : f32 to vector<16xf32>
      %add3A_321 = arith.addf %sub3A_318, %add3A_320 : vector<16xf32>
      %mul3A_322 = arith.constant 5.000000e-01 : f32
      %mul3A_323 = vector.broadcast %mul3A_322 : f32 to vector<16xf32>
      %mul3A_324 = arith.mulf %add3A_321, %mul3A_323 : vector<16xf32>
      %mul3A_325 = arith.constant 6.300000e+01 : f32
      %mul3A_326 = vector.broadcast %mul3A_325 : f32 to vector<16xf32>
      %mul3A_327 = arith.mulf %mul3A_324, %mul3A_326 : vector<16xf32>
      %mul3A_328 = vector.broadcast %squeeze3A_9 : f32 to vector<16xf32>
      %mul3A_329 = arith.mulf %div3A_297, %mul3A_328 : vector<16xf32>
      %mul3A_330 = arith.constant 2.000000e+00 : f32
      %mul3A_331 = vector.broadcast %mul3A_330 : f32 to vector<16xf32>
      %mul3A_332 = arith.mulf %mul3A_329, %mul3A_331 : vector<16xf32>
      %sub3A_333 = arith.constant 1.000000e+00 : f32
      %sub3A_334 = vector.broadcast %sub3A_333 : f32 to vector<16xf32>
      %sub3A_335 = arith.subf %mul3A_332, %sub3A_334 : vector<16xf32>
      %add3A_336 = arith.constant 1.000000e+00 : f32
      %add3A_337 = vector.broadcast %add3A_336 : f32 to vector<16xf32>
      %add3A_338 = arith.addf %sub3A_335, %add3A_337 : vector<16xf32>
      %mul3A_339 = arith.constant 5.000000e-01 : f32
      %mul3A_340 = vector.broadcast %mul3A_339 : f32 to vector<16xf32>
      %mul3A_341 = arith.mulf %add3A_338, %mul3A_340 : vector<16xf32>
      %mul3A_342 = arith.constant 6.300000e+01 : f32
      %mul3A_343 = vector.broadcast %mul3A_342 : f32 to vector<16xf32>
      %mul3A_344 = arith.mulf %mul3A_341, %mul3A_343 : vector<16xf32>
      %jit3A = arith.constant -4.000000e+00 : f32
      %jit3A_345 = arith.constant 6.800000e+01 : f32
      %max3A_346 = vector.broadcast %jit3A : f32 to vector<16xf32>
      %max3A_347 = arith.maximumf %max3A_346, %mul3A_327 : vector<16xf32>
      %min3A = vector.broadcast %jit3A_345 : f32 to vector<16xf32>
      %min3A_348 = arith.minimumf %min3A, %max3A_347 : vector<16xf32>
      %jit3A_349 = arith.constant -4.000000e+00 : f32
      %jit3A_350 = arith.constant 6.800000e+01 : f32
      %max3A_351 = vector.broadcast %jit3A_349 : f32 to vector<16xf32>
      %max3A_352 = arith.maximumf %max3A_351, %mul3A_344 : vector<16xf32>
      %min3A_353 = vector.broadcast %jit3A_350 : f32 to vector<16xf32>
      %min3A_354 = arith.minimumf %min3A_353, %max3A_352 : vector<16xf32>
      %convert_element_type3A = arith.fptosi %min3A_348 : vector<16xf32> to vector<16xi32>
      %convert_element_type3A_355 = arith.sitofp %convert_element_type3A : vector<16xi32> to vector<16xf32>
      %convert_element_type3A_356 = arith.fptosi %min3A_354 : vector<16xf32> to vector<16xi32>
      %convert_element_type3A_357 = arith.sitofp %convert_element_type3A_356 : vector<16xi32> to vector<16xf32>
      %gt3A_358 = arith.cmpf ogt, %convert_element_type3A_355, %min3A_348 : vector<16xf32>
      %jit3A_359 = arith.constant 1.000000e+00 : f32
      %jit3A_360 = arith.constant 0.000000e+00 : f32
      %broadcast_in_dim3A = vector.broadcast %jit3A_359 : f32 to vector<16xf32>
      %broadcast_in_dim3A_361 = vector.broadcast %jit3A_360 : f32 to vector<16xf32>
      %select_n3A = arith.select %gt3A_358, %broadcast_in_dim3A, %broadcast_in_dim3A_361 : vector<16xi1>, vector<16xf32>
      %sub3A_362 = arith.subf %convert_element_type3A_355, %select_n3A : vector<16xf32>
      %gt3A_363 = arith.cmpf ogt, %convert_element_type3A_357, %min3A_354 : vector<16xf32>
      %jit3A_364 = arith.constant 1.000000e+00 : f32
      %jit3A_365 = arith.constant 0.000000e+00 : f32
      %broadcast_in_dim3A_366 = vector.broadcast %jit3A_364 : f32 to vector<16xf32>
      %broadcast_in_dim3A_367 = vector.broadcast %jit3A_365 : f32 to vector<16xf32>
      %select_n3A_368 = arith.select %gt3A_363, %broadcast_in_dim3A_366, %broadcast_in_dim3A_367 : vector<16xi1>, vector<16xf32>
      %sub3A_369 = arith.subf %convert_element_type3A_357, %select_n3A_368 : vector<16xf32>
      %sub3A_370 = arith.subf %min3A_348, %sub3A_362 : vector<16xf32>
      %sub3A_371 = arith.constant 1.000000e+00 : f32
      %sub3A_372 = vector.broadcast %sub3A_371 : f32 to vector<16xf32>
      %sub3A_373 = arith.subf %sub3A_372, %sub3A_370 : vector<16xf32>
      %sub3A_374 = arith.subf %min3A_354, %sub3A_369 : vector<16xf32>
      %sub3A_375 = arith.constant 1.000000e+00 : f32
      %sub3A_376 = vector.broadcast %sub3A_375 : f32 to vector<16xf32>
      %sub3A_377 = arith.subf %sub3A_376, %sub3A_374 : vector<16xf32>
      %mul3A_378 = arith.mulf %sub3A_373, %sub3A_377 : vector<16xf32>
      %add3A_379 = arith.constant 1.000000e+00 : f32
      %add3A_380 = vector.broadcast %add3A_379 : f32 to vector<16xf32>
      %add3A_381 = arith.addf %sub3A_362, %add3A_380 : vector<16xf32>
      %mul3A_382 = arith.mulf %sub3A_370, %sub3A_377 : vector<16xf32>
      %add3A_383 = arith.constant 1.000000e+00 : f32
      %add3A_384 = vector.broadcast %add3A_383 : f32 to vector<16xf32>
      %add3A_385 = arith.addf %sub3A_369, %add3A_384 : vector<16xf32>
      %mul3A_386 = arith.mulf %sub3A_373, %sub3A_374 : vector<16xf32>
      %add3A_387 = arith.constant 1.000000e+00 : f32
      %add3A_388 = vector.broadcast %add3A_387 : f32 to vector<16xf32>
      %add3A_389 = arith.addf %sub3A_362, %add3A_388 : vector<16xf32>
      %add3A_390 = arith.constant 1.000000e+00 : f32
      %add3A_391 = vector.broadcast %add3A_390 : f32 to vector<16xf32>
      %add3A_392 = arith.addf %sub3A_369, %add3A_391 : vector<16xf32>
      %mul3A_393 = arith.mulf %sub3A_370, %sub3A_374 : vector<16xf32>
      %add3A_394 = arith.constant 0 : i32
      %add3A_395 = vector.broadcast %add3A_394 : i32 to vector<16xi32>
      %add3A_396 = arith.addi %add3A_395, %iota3A : vector<16xi32>
      %ge3A_397 = arith.constant 0.000000e+00 : f32
      %ge3A_398 = vector.broadcast %ge3A_397 : f32 to vector<16xf32>
      %ge3A_399 = arith.cmpf oge, %sub3A_362, %ge3A_398 : vector<16xf32>
      %and3A_400 = arith.andi %and3A_311, %ge3A_399 : vector<16xi1>
      %le3A = arith.constant 6.300000e+01 : f32
      %le3A_401 = vector.broadcast %le3A : f32 to vector<16xf32>
      %le3A_402 = arith.cmpf ole, %sub3A_362, %le3A_401 : vector<16xf32>
      %and3A_403 = arith.andi %and3A_400, %le3A_402 : vector<16xi1>
      %ge3A_404 = arith.constant 0.000000e+00 : f32
      %ge3A_405 = vector.broadcast %ge3A_404 : f32 to vector<16xf32>
      %ge3A_406 = arith.cmpf oge, %sub3A_369, %ge3A_405 : vector<16xf32>
      %and3A_407 = arith.andi %and3A_403, %ge3A_406 : vector<16xi1>
      %le3A_408 = arith.constant 6.300000e+01 : f32
      %le3A_409 = vector.broadcast %le3A_408 : f32 to vector<16xf32>
      %le3A_410 = arith.cmpf ole, %sub3A_369, %le3A_409 : vector<16xf32>
      %and3A_411 = arith.andi %and3A_407, %le3A_410 : vector<16xi1>
      %jit3A_412 = arith.constant 0.000000e+00 : f32
      %broadcast_in_dim3A_413 = vector.broadcast %jit3A_412 : f32 to vector<16xf32>
      %select_n3A_414 = arith.select %and3A_411, %mul3A_378, %broadcast_in_dim3A_413 : vector<16xi1>, vector<16xf32>
      %jit3A_415 = arith.constant 0.000000e+00 : f32
      %jit3A_416 = arith.constant 63 : i32
      %max3A_417 = vector.broadcast %jit3A_415 : f32 to vector<16xf32>
      %max3A_418 = arith.maximumf %max3A_417, %sub3A_362 : vector<16xf32>
      %convert_element_type3A_419 = arith.sitofp %jit3A_416 : i32 to f32
      %min3A_420 = vector.broadcast %convert_element_type3A_419 : f32 to vector<16xf32>
      %min3A_421 = arith.minimumf %min3A_420, %max3A_418 : vector<16xf32>
      %convert_element_type3A_422 = arith.fptosi %min3A_421 : vector<16xf32> to vector<16xi32>
      %jit3A_423 = arith.constant 0.000000e+00 : f32
      %jit3A_424 = arith.constant 63 : i32
      %max3A_425 = vector.broadcast %jit3A_423 : f32 to vector<16xf32>
      %max3A_426 = arith.maximumf %max3A_425, %sub3A_369 : vector<16xf32>
      %convert_element_type3A_427 = arith.sitofp %jit3A_424 : i32 to f32
      %min3A_428 = vector.broadcast %convert_element_type3A_427 : f32 to vector<16xf32>
      %min3A_429 = arith.minimumf %min3A_428, %max3A_426 : vector<16xf32>
      %convert_element_type3A_430 = arith.fptosi %min3A_429 : vector<16xf32> to vector<16xi32>
      %mul3A_431 = arith.constant 64 : i32
      %mul3A_432 = vector.broadcast %mul3A_431 : i32 to vector<16xi32>
      %mul3A_433 = arith.muli %convert_element_type3A_430, %mul3A_432 : vector<16xi32>
      %add3A_434 = arith.addi %mul3A_433, %convert_element_type3A_422 : vector<16xi32>
      %mul3A_435 = arith.constant 64 : i32
      %mul3A_436 = arith.muli %scan3A_16, %mul3A_435 : i32
      %mul3A_437 = arith.constant 64 : i32
      %mul3A_438 = arith.muli %mul3A_436, %mul3A_437 : i32
      %add3A_439 = vector.broadcast %mul3A_438 : i32 to vector<16xi32>
      %add3A_440 = arith.addi %add3A_434, %add3A_439 : vector<16xi32>
      %swap3A = arith.constant 0 : index
      %swap3A_441 = tpu.vector_load %arg13[%swap3A] {strides = array<i32>} : memref<128xi32, #tpu.memory_space<vmem>>, vector<16xi32>,
      tpu.vector_store %arg13[%swap3A], %add3A_440 {strides = array<i32>} : memref<128xi32, #tpu.memory_space<vmem>>, vector<16xi32>,
      %swap3A_442 = arith.constant 0 : i32
      %swap3A_443 = arith.index_cast %swap3A_442 : i32 to index
      %swap3A_444 = arith.constant 0 : index
      %swap3A_445 = tpu.vector_load %arg15[%swap3A_443, %swap3A_444] {strides = array<i32>} : memref<2x128xf32, #tpu.memory_space<vmem>>, vector<16xf32>,
      tpu.vector_store %arg15[%swap3A_443, %swap3A_444], %select_n3A_414 {strides = array<i32>} : memref<2x128xf32, #tpu.memory_space<vmem>>, vector<16xf32>,
      %ge3A_446 = arith.constant 0.000000e+00 : f32
      %ge3A_447 = vector.broadcast %ge3A_446 : f32 to vector<16xf32>
      %ge3A_448 = arith.cmpf oge, %add3A_381, %ge3A_447 : vector<16xf32>
      %and3A_449 = arith.andi %and3A_311, %ge3A_448 : vector<16xi1>
      %le3A_450 = arith.constant 6.300000e+01 : f32
      %le3A_451 = vector.broadcast %le3A_450 : f32 to vector<16xf32>
      %le3A_452 = arith.cmpf ole, %add3A_381, %le3A_451 : vector<16xf32>
      %and3A_453 = arith.andi %and3A_449, %le3A_452 : vector<16xi1>
      %ge3A_454 = arith.constant 0.000000e+00 : f32
      %ge3A_455 = vector.broadcast %ge3A_454 : f32 to vector<16xf32>
      %ge3A_456 = arith.cmpf oge, %sub3A_369, %ge3A_455 : vector<16xf32>
      %and3A_457 = arith.andi %and3A_453, %ge3A_456 : vector<16xi1>
      %le3A_458 = arith.constant 6.300000e+01 : f32
      %le3A_459 = vector.broadcast %le3A_458 : f32 to vector<16xf32>
      %le3A_460 = arith.cmpf ole, %sub3A_369, %le3A_459 : vector<16xf32>
      %and3A_461 = arith.andi %and3A_457, %le3A_460 : vector<16xi1>
      %jit3A_462 = arith.constant 0.000000e+00 : f32
      %broadcast_in_dim3A_463 = vector.broadcast %jit3A_462 : f32 to vector<16xf32>
      %select_n3A_464 = arith.select %and3A_461, %mul3A_382, %broadcast_in_dim3A_463 : vector<16xi1>, vector<16xf32>
      %jit3A_465 = arith.constant 0.000000e+00 : f32
      %jit3A_466 = arith.constant 63 : i32
      %max3A_467 = vector.broadcast %jit3A_465 : f32 to vector<16xf32>
      %max3A_468 = arith.maximumf %max3A_467, %add3A_381 : vector<16xf32>
      %convert_element_type3A_469 = arith.sitofp %jit3A_466 : i32 to f32
      %min3A_470 = vector.broadcast %convert_element_type3A_469 : f32 to vector<16xf32>
      %min3A_471 = arith.minimumf %min3A_470, %max3A_468 : vector<16xf32>
      %convert_element_type3A_472 = arith.fptosi %min3A_471 : vector<16xf32> to vector<16xi32>
      %jit3A_473 = arith.constant 0.000000e+00 : f32
      %jit3A_474 = arith.constant 63 : i32
      %max3A_475 = vector.broadcast %jit3A_473 : f32 to vector<16xf32>
      %max3A_476 = arith.maximumf %max3A_475, %sub3A_369 : vector<16xf32>
      %convert_element_type3A_477 = arith.sitofp %jit3A_474 : i32 to f32
      %min3A_478 = vector.broadcast %convert_element_type3A_477 : f32 to vector<16xf32>
      %min3A_479 = arith.minimumf %min3A_478, %max3A_476 : vector<16xf32>
      %convert_element_type3A_480 = arith.fptosi %min3A_479 : vector<16xf32> to vector<16xi32>
      %mul3A_481 = arith.constant 64 : i32
      %mul3A_482 = vector.broadcast %mul3A_481 : i32 to vector<16xi32>
      %mul3A_483 = arith.muli %convert_element_type3A_480, %mul3A_482 : vector<16xi32>
      %add3A_484 = arith.addi %mul3A_483, %convert_element_type3A_472 : vector<16xi32>
      %mul3A_485 = arith.constant 64 : i32
      %mul3A_486 = arith.muli %scan3A_16, %mul3A_485 : i32
      %mul3A_487 = arith.constant 64 : i32
      %mul3A_488 = arith.muli %mul3A_486, %mul3A_487 : i32
      %add3A_489 = vector.broadcast %mul3A_488 : i32 to vector<16xi32>
      %add3A_490 = arith.addi %add3A_484, %add3A_489 : vector<16xi32>
      %swap3A_491 = arith.constant 32 : index
      %swap3A_492 = tpu.vector_load %arg13[%swap3A_491] {strides = array<i32>} : memref<128xi32, #tpu.memory_space<vmem>>, vector<16xi32>,
      tpu.vector_store %arg13[%swap3A_491], %add3A_490 {strides = array<i32>} : memref<128xi32, #tpu.memory_space<vmem>>, vector<16xi32>,
      %swap3A_493 = arith.constant 0 : i32
      %swap3A_494 = arith.index_cast %swap3A_493 : i32 to index
      %swap3A_495 = arith.constant 32 : index
      %swap3A_496 = tpu.vector_load %arg15[%swap3A_494, %swap3A_495] {strides = array<i32>} : memref<2x128xf32, #tpu.memory_space<vmem>>, vector<16xf32>,
      tpu.vector_store %arg15[%swap3A_494, %swap3A_495], %select_n3A_464 {strides = array<i32>} : memref<2x128xf32, #tpu.memory_space<vmem>>, vector<16xf32>,
      %ge3A_497 = arith.constant 0.000000e+00 : f32
      %ge3A_498 = vector.broadcast %ge3A_497 : f32 to vector<16xf32>
      %ge3A_499 = arith.cmpf oge, %sub3A_362, %ge3A_498 : vector<16xf32>
      %and3A_500 = arith.andi %and3A_311, %ge3A_499 : vector<16xi1>
      %le3A_501 = arith.constant 6.300000e+01 : f32
      %le3A_502 = vector.broadcast %le3A_501 : f32 to vector<16xf32>
      %le3A_503 = arith.cmpf ole, %sub3A_362, %le3A_502 : vector<16xf32>
      %and3A_504 = arith.andi %and3A_500, %le3A_503 : vector<16xi1>
      %ge3A_505 = arith.constant 0.000000e+00 : f32
      %ge3A_506 = vector.broadcast %ge3A_505 : f32 to vector<16xf32>
      %ge3A_507 = arith.cmpf oge, %add3A_385, %ge3A_506 : vector<16xf32>
      %and3A_508 = arith.andi %and3A_504, %ge3A_507 : vector<16xi1>
      %le3A_509 = arith.constant 6.300000e+01 : f32
      %le3A_510 = vector.broadcast %le3A_509 : f32 to vector<16xf32>
      %le3A_511 = arith.cmpf ole, %add3A_385, %le3A_510 : vector<16xf32>
      %and3A_512 = arith.andi %and3A_508, %le3A_511 : vector<16xi1>
      %jit3A_513 = arith.constant 0.000000e+00 : f32
      %broadcast_in_dim3A_514 = vector.broadcast %jit3A_513 : f32 to vector<16xf32>
      %select_n3A_515 = arith.select %and3A_512, %mul3A_386, %broadcast_in_dim3A_514 : vector<16xi1>, vector<16xf32>
      %jit3A_516 = arith.constant 0.000000e+00 : f32
      %jit3A_517 = arith.constant 63 : i32
      %max3A_518 = vector.broadcast %jit3A_516 : f32 to vector<16xf32>
      %max3A_519 = arith.maximumf %max3A_518, %sub3A_362 : vector<16xf32>
      %convert_element_type3A_520 = arith.sitofp %jit3A_517 : i32 to f32
      %min3A_521 = vector.broadcast %convert_element_type3A_520 : f32 to vector<16xf32>
      %min3A_522 = arith.minimumf %min3A_521, %max3A_519 : vector<16xf32>
      %convert_element_type3A_523 = arith.fptosi %min3A_522 : vector<16xf32> to vector<16xi32>
      %jit3A_524 = arith.constant 0.000000e+00 : f32
      %jit3A_525 = arith.constant 63 : i32
      %max3A_526 = vector.broadcast %jit3A_524 : f32 to vector<16xf32>
      %max3A_527 = arith.maximumf %max3A_526, %add3A_385 : vector<16xf32>
      %convert_element_type3A_528 = arith.sitofp %jit3A_525 : i32 to f32
      %min3A_529 = vector.broadcast %convert_element_type3A_528 : f32 to vector<16xf32>
      %min3A_530 = arith.minimumf %min3A_529, %max3A_527 : vector<16xf32>
      %convert_element_type3A_531 = arith.fptosi %min3A_530 : vector<16xf32> to vector<16xi32>
      %mul3A_532 = arith.constant 64 : i32
      %mul3A_533 = vector.broadcast %mul3A_532 : i32 to vector<16xi32>
      %mul3A_534 = arith.muli %convert_element_type3A_531, %mul3A_533 : vector<16xi32>
      %add3A_535 = arith.addi %mul3A_534, %convert_element_type3A_523 : vector<16xi32>
      %mul3A_536 = arith.constant 64 : i32
      %mul3A_537 = arith.muli %scan3A_16, %mul3A_536 : i32
      %mul3A_538 = arith.constant 64 : i32
      %mul3A_539 = arith.muli %mul3A_537, %mul3A_538 : i32
      %add3A_540 = vector.broadcast %mul3A_539 : i32 to vector<16xi32>
      %add3A_541 = arith.addi %add3A_535, %add3A_540 : vector<16xi32>
      %swap3A_542 = arith.constant 64 : index
      %swap3A_543 = tpu.vector_load %arg13[%swap3A_542] {strides = array<i32>} : memref<128xi32, #tpu.memory_space<vmem>>, vector<16xi32>,
      tpu.vector_store %arg13[%swap3A_542], %add3A_541 {strides = array<i32>} : memref<128xi32, #tpu.memory_space<vmem>>, vector<16xi32>,
      %swap3A_544 = arith.constant 0 : i32
      %swap3A_545 = arith.index_cast %swap3A_544 : i32 to index
      %swap3A_546 = arith.constant 64 : index
      %swap3A_547 = tpu.vector_load %arg15[%swap3A_545, %swap3A_546] {strides = array<i32>} : memref<2x128xf32, #tpu.memory_space<vmem>>, vector<16xf32>,
      tpu.vector_store %arg15[%swap3A_545, %swap3A_546], %select_n3A_515 {strides = array<i32>} : memref<2x128xf32, #tpu.memory_space<vmem>>, vector<16xf32>,
      %ge3A_548 = arith.constant 0.000000e+00 : f32
      %ge3A_549 = vector.broadcast %ge3A_548 : f32 to vector<16xf32>
      %ge3A_550 = arith.cmpf oge, %add3A_389, %ge3A_549 : vector<16xf32>
      %and3A_551 = arith.andi %and3A_311, %ge3A_550 : vector<16xi1>
      %le3A_552 = arith.constant 6.300000e+01 : f32
      %le3A_553 = vector.broadcast %le3A_552 : f32 to vector<16xf32>
      %le3A_554 = arith.cmpf ole, %add3A_389, %le3A_553 : vector<16xf32>
      %and3A_555 = arith.andi %and3A_551, %le3A_554 : vector<16xi1>
      %ge3A_556 = arith.constant 0.000000e+00 : f32
      %ge3A_557 = vector.broadcast %ge3A_556 : f32 to vector<16xf32>
      %ge3A_558 = arith.cmpf oge, %add3A_392, %ge3A_557 : vector<16xf32>
      %and3A_559 = arith.andi %and3A_555, %ge3A_558 : vector<16xi1>
      %le3A_560 = arith.constant 6.300000e+01 : f32
      %le3A_561 = vector.broadcast %le3A_560 : f32 to vector<16xf32>
      %le3A_562 = arith.cmpf ole, %add3A_392, %le3A_561 : vector<16xf32>
      %and3A_563 = arith.andi %and3A_559, %le3A_562 : vector<16xi1>
      %jit3A_564 = arith.constant 0.000000e+00 : f32
      %broadcast_in_dim3A_565 = vector.broadcast %jit3A_564 : f32 to vector<16xf32>
      %select_n3A_566 = arith.select %and3A_563, %mul3A_393, %broadcast_in_dim3A_565 : vector<16xi1>, vector<16xf32>
      %jit3A_567 = arith.constant 0.000000e+00 : f32
      %jit3A_568 = arith.constant 63 : i32
      %max3A_569 = vector.broadcast %jit3A_567 : f32 to vector<16xf32>
      %max3A_570 = arith.maximumf %max3A_569, %add3A_389 : vector<16xf32>
      %convert_element_type3A_571 = arith.sitofp %jit3A_568 : i32 to f32
      %min3A_572 = vector.broadcast %convert_element_type3A_571 : f32 to vector<16xf32>
      %min3A_573 = arith.minimumf %min3A_572, %max3A_570 : vector<16xf32>
      %convert_element_type3A_574 = arith.fptosi %min3A_573 : vector<16xf32> to vector<16xi32>
      %jit3A_575 = arith.constant 0.000000e+00 : f32
      %jit3A_576 = arith.constant 63 : i32
      %max3A_577 = vector.broadcast %jit3A_575 : f32 to vector<16xf32>
      %max3A_578 = arith.maximumf %max3A_577, %add3A_392 : vector<16xf32>
      %convert_element_type3A_579 = arith.sitofp %jit3A_576 : i32 to f32
      %min3A_580 = vector.broadcast %convert_element_type3A_579 : f32 to vector<16xf32>
      %min3A_581 = arith.minimumf %min3A_580, %max3A_578 : vector<16xf32>
      %convert_element_type3A_582 = arith.fptosi %min3A_581 : vector<16xf32> to vector<16xi32>
      %mul3A_583 = arith.constant 64 : i32
      %mul3A_584 = vector.broadcast %mul3A_583 : i32 to vector<16xi32>
      %mul3A_585 = arith.muli %convert_element_type3A_582, %mul3A_584 : vector<16xi32>
      %add3A_586 = arith.addi %mul3A_585, %convert_element_type3A_574 : vector<16xi32>
      %mul3A_587 = arith.constant 64 : i32
      %mul3A_588 = arith.muli %scan3A_16, %mul3A_587 : i32
      %mul3A_589 = arith.constant 64 : i32
      %mul3A_590 = arith.muli %mul3A_588, %mul3A_589 : i32
      %add3A_591 = vector.broadcast %mul3A_590 : i32 to vector<16xi32>
      %add3A_592 = arith.addi %add3A_586, %add3A_591 : vector<16xi32>
      %swap3A_593 = arith.constant 96 : index
      %swap3A_594 = tpu.vector_load %arg13[%swap3A_593] {strides = array<i32>} : memref<128xi32, #tpu.memory_space<vmem>>, vector<16xi32>,
      tpu.vector_store %arg13[%swap3A_593], %add3A_592 {strides = array<i32>} : memref<128xi32, #tpu.memory_space<vmem>>, vector<16xi32>,
      %swap3A_595 = arith.constant 0 : i32
      %swap3A_596 = arith.index_cast %swap3A_595 : i32 to index
      %swap3A_597 = arith.constant 96 : index
      %swap3A_598 = tpu.vector_load %arg15[%swap3A_596, %swap3A_597] {strides = array<i32>} : memref<2x128xf32, #tpu.memory_space<vmem>>, vector<16xf32>,
      tpu.vector_store %arg15[%swap3A_596, %swap3A_597], %select_n3A_566 {strides = array<i32>} : memref<2x128xf32, #tpu.memory_space<vmem>>, vector<16xf32>,
      %jit3A_599 = arith.constant 1 : i32
      %jit3A_600 = arith.constant 0 : i32
      %broadcast_in_dim3A_601 = vector.broadcast %jit3A_599 : i32 to vector<16xi32>
      %broadcast_in_dim3A_602 = vector.broadcast %jit3A_600 : i32 to vector<16xi32>
      %select_n3A_603 = arith.select %and3A_311, %broadcast_in_dim3A_601, %broadcast_in_dim3A_602 : vector<16xi1>, vector<16xi32>
      %mul3A_604 = arith.constant 0 : i32
      %mul3A_605 = arith.constant 32 : i32
      %mul3A_606 = arith.muli %mul3A_604, %mul3A_605 : i32
      %add3A_607 = arith.constant 0 : i32
      %add3A_608 = arith.addi %mul3A_606, %add3A_607 : i32
      %swap3A_609 = arith.index_cast %add3A_608 : i32 to index
      %swap3A_610 = tpu.vector_load %arg18[%swap3A_609] {strides = array<i32>} : memref<2048xi32, #tpu.memory_space<vmem>>, vector<16xi32>,
      tpu.vector_store %arg18[%swap3A_609], %select_n3A_603 {strides = array<i32>} : memref<2048xi32, #tpu.memory_space<vmem>>, vector<16xi32>,
      %mul3A_611 = arith.constant 259 : i32
      %mul3A_612 = vector.broadcast %mul3A_611 : i32 to vector<16xi32>
      %mul3A_613 = arith.muli %add3A_396, %mul3A_612 : vector<16xi32>
      %add3A_614 = arith.constant 0 : i32
      %add3A_615 = vector.broadcast %add3A_614 : i32 to vector<16xi32>
      %add3A_616 = arith.addi %add3A_615, %mul3A_613 : vector<16xi32>
      %add3A_617 = arith.constant 256 : i32
      %add3A_618 = vector.broadcast %add3A_617 : i32 to vector<16xi32>
      %add3A_619 = arith.addi %add3A_616, %add3A_618 : vector<16xi32>
      tpu.vector_store_idx %arg17[%add3A_619], %gather3A : memref<16576xf32, #tpu.memory_space<vmem>>[vector<16xi32>], vector<16xf32>,
      %add3A_620 = arith.constant 1 : i32
      %add3A_621 = vector.broadcast %add3A_620 : i32 to vector<16xi32>
      %add3A_622 = arith.addi %add3A_619, %add3A_621 : vector<16xi32>
      tpu.vector_store_idx %arg17[%add3A_622], %gather3A_126 : memref<16576xf32, #tpu.memory_space<vmem>>[vector<16xi32>], vector<16xf32>,
      %add3A_623 = arith.constant 2 : i32
      %add3A_624 = vector.broadcast %add3A_623 : i32 to vector<16xi32>
      %add3A_625 = arith.addi %add3A_619, %add3A_624 : vector<16xi32>
      tpu.vector_store_idx %arg17[%add3A_625], %gather3A_133 : memref<16576xf32, #tpu.memory_space<vmem>>[vector<16xi32>], vector<16xf32>,
      %mul3A_626 = arith.constant 0 : i32
      %mul3A_627 = arith.constant 32 : i32
      %mul3A_628 = arith.muli %mul3A_626, %mul3A_627 : i32
      %add3A_629 = arith.constant 16 : i32
      %add3A_630 = arith.addi %mul3A_628, %add3A_629 : i32
      %add3A_631 = vector.broadcast %add3A_630 : i32 to vector<16xi32>
      %add3A_632 = arith.addi %add3A_631, %iota3A : vector<16xi32>
      %mul3A_633 = arith.constant 3 : i32
      %mul3A_634 = vector.broadcast %mul3A_633 : i32 to vector<16xi32>
      %mul3A_635 = arith.muli %mul3A_634, %add3A_632 : vector<16xi32>
      %gather3A_636 = tpu.vector_load_idx %arg12[%mul3A_635] : memref<6144xf32, #tpu.memory_space<vmem>>[vector<16xi32>], vector<16xf32>,
      %mul3A_637 = arith.constant 3 : i32
      %mul3A_638 = vector.broadcast %mul3A_637 : i32 to vector<16xi32>
      %mul3A_639 = arith.muli %mul3A_638, %add3A_632 : vector<16xi32>
      %add3A_640 = arith.constant 1 : i32
      %add3A_641 = vector.broadcast %add3A_640 : i32 to vector<16xi32>
      %add3A_642 = arith.addi %mul3A_639, %add3A_641 : vector<16xi32>
      %gather3A_643 = tpu.vector_load_idx %arg12[%add3A_642] : memref<6144xf32, #tpu.memory_space<vmem>>[vector<16xi32>], vector<16xf32>,
      %mul3A_644 = arith.constant 3 : i32
      %mul3A_645 = vector.broadcast %mul3A_644 : i32 to vector<16xi32>
      %mul3A_646 = arith.muli %mul3A_645, %add3A_632 : vector<16xi32>
      %add3A_647 = arith.constant 2 : i32
      %add3A_648 = vector.broadcast %add3A_647 : i32 to vector<16xi32>
      %add3A_649 = arith.addi %mul3A_646, %add3A_648 : vector<16xi32>
      %gather3A_650 = tpu.vector_load_idx %arg12[%add3A_649] : memref<6144xf32, #tpu.memory_space<vmem>>[vector<16xi32>], vector<16xf32>,
      %bitcast3A_651 = vector.bitcast %gather3A_636 : vector<16xf32> to vector<16xi32>
      %add3A_652 = arith.constant 32767 : i32
      %add3A_653 = vector.broadcast %add3A_652 : i32 to vector<16xi32>
      %add3A_654 = arith.addi %bitcast3A_651, %add3A_653 : vector<16xi32>
      %shift_right_logical3A_655 = arith.constant 16 : i32
      %shift_right_logical3A_656 = vector.broadcast %shift_right_logical3A_655 : i32 to vector<16xi32>
      %shift_right_logical3A_657 = arith.shrui %bitcast3A_651, %shift_right_logical3A_656 : vector<16xi32>
      %and3A_658 = arith.constant 1 : i32
      %and3A_659 = vector.broadcast %and3A_658 : i32 to vector<16xi32>
      %and3A_660 = arith.andi %shift_right_logical3A_657, %and3A_659 : vector<16xi32>
      %add3A_661 = arith.addi %add3A_654, %and3A_660 : vector<16xi32>
      %and3A_662 = arith.constant -65536 : i32
      %and3A_663 = vector.broadcast %and3A_662 : i32 to vector<16xi32>
      %and3A_664 = arith.andi %add3A_661, %and3A_663 : vector<16xi32>
      %bitcast3A_665 = vector.bitcast %and3A_664 : vector<16xi32> to vector<16xf32>
      %bitcast3A_666 = vector.bitcast %gather3A_643 : vector<16xf32> to vector<16xi32>
      %add3A_667 = arith.constant 32767 : i32
      %add3A_668 = vector.broadcast %add3A_667 : i32 to vector<16xi32>
      %add3A_669 = arith.addi %bitcast3A_666, %add3A_668 : vector<16xi32>
      %shift_right_logical3A_670 = arith.constant 16 : i32
      %shift_right_logical3A_671 = vector.broadcast %shift_right_logical3A_670 : i32 to vector<16xi32>
      %shift_right_logical3A_672 = arith.shrui %bitcast3A_666, %shift_right_logical3A_671 : vector<16xi32>
      %and3A_673 = arith.constant 1 : i32
      %and3A_674 = vector.broadcast %and3A_673 : i32 to vector<16xi32>
      %and3A_675 = arith.andi %shift_right_logical3A_672, %and3A_674 : vector<16xi32>
      %add3A_676 = arith.addi %add3A_669, %and3A_675 : vector<16xi32>
      %and3A_677 = arith.constant -65536 : i32
      %and3A_678 = vector.broadcast %and3A_677 : i32 to vector<16xi32>
      %and3A_679 = arith.andi %add3A_676, %and3A_678 : vector<16xi32>
      %bitcast3A_680 = vector.bitcast %and3A_679 : vector<16xi32> to vector<16xf32>
      %bitcast3A_681 = vector.bitcast %gather3A_650 : vector<16xf32> to vector<16xi32>
      %add3A_682 = arith.constant 32767 : i32
      %add3A_683 = vector.broadcast %add3A_682 : i32 to vector<16xi32>
      %add3A_684 = arith.addi %bitcast3A_681, %add3A_683 : vector<16xi32>
      %shift_right_logical3A_685 = arith.constant 16 : i32
      %shift_right_logical3A_686 = vector.broadcast %shift_right_logical3A_685 : i32 to vector<16xi32>
      %shift_right_logical3A_687 = arith.shrui %bitcast3A_681, %shift_right_logical3A_686 : vector<16xi32>
      %and3A_688 = arith.constant 1 : i32
      %and3A_689 = vector.broadcast %and3A_688 : i32 to vector<16xi32>
      %and3A_690 = arith.andi %shift_right_logical3A_687, %and3A_689 : vector<16xi32>
      %add3A_691 = arith.addi %add3A_684, %and3A_690 : vector<16xi32>
      %and3A_692 = arith.constant -65536 : i32
      %and3A_693 = vector.broadcast %and3A_692 : i32 to vector<16xi32>
      %and3A_694 = arith.andi %add3A_691, %and3A_693 : vector<16xi32>
      %bitcast3A_695 = vector.bitcast %and3A_694 : vector<16xi32> to vector<16xf32>
      %mul3A_696 = vector.broadcast %squeeze3A_61 : f32 to vector<16xf32>
      %mul3A_697 = arith.mulf %mul3A_696, %bitcast3A_665 : vector<16xf32>
      %mul3A_698 = vector.broadcast %squeeze3A_63 : f32 to vector<16xf32>
      %mul3A_699 = arith.mulf %mul3A_698, %bitcast3A_680 : vector<16xf32>
      %add3A_700 = arith.addf %mul3A_697, %mul3A_699 : vector<16xf32>
      %mul3A_701 = vector.broadcast %squeeze3A_65 : f32 to vector<16xf32>
      %mul3A_702 = arith.mulf %mul3A_701, %bitcast3A_695 : vector<16xf32>
      %add3A_703 = arith.addf %add3A_700, %mul3A_702 : vector<16xf32>
      %add3A_704 = vector.broadcast %squeeze3A_67 : f32 to vector<16xf32>
      %add3A_705 = arith.addf %add3A_703, %add3A_704 : vector<16xf32>
      %mul3A_706 = vector.broadcast %squeeze3A_69 : f32 to vector<16xf32>
      %mul3A_707 = arith.mulf %mul3A_706, %bitcast3A_665 : vector<16xf32>
      %mul3A_708 = vector.broadcast %squeeze3A_71 : f32 to vector<16xf32>
      %mul3A_709 = arith.mulf %mul3A_708, %bitcast3A_680 : vector<16xf32>
      %add3A_710 = arith.addf %mul3A_707, %mul3A_709 : vector<16xf32>
      %mul3A_711 = vector.broadcast %squeeze3A_73 : f32 to vector<16xf32>
      %mul3A_712 = arith.mulf %mul3A_711, %bitcast3A_695 : vector<16xf32>
      %add3A_713 = arith.addf %add3A_710, %mul3A_712 : vector<16xf32>
      %add3A_714 = vector.broadcast %squeeze3A_75 : f32 to vector<16xf32>
      %add3A_715 = arith.addf %add3A_713, %add3A_714 : vector<16xf32>
      %mul3A_716 = vector.broadcast %squeeze3A_77 : f32 to vector<16xf32>
      %mul3A_717 = arith.mulf %mul3A_716, %bitcast3A_665 : vector<16xf32>
      %mul3A_718 = vector.broadcast %squeeze3A_79 : f32 to vector<16xf32>
      %mul3A_719 = arith.mulf %mul3A_718, %bitcast3A_680 : vector<16xf32>
      %add3A_720 = arith.addf %mul3A_717, %mul3A_719 : vector<16xf32>
      %mul3A_721 = vector.broadcast %squeeze3A_81 : f32 to vector<16xf32>
      %mul3A_722 = arith.mulf %mul3A_721, %bitcast3A_695 : vector<16xf32>
      %add3A_723 = arith.addf %add3A_720, %mul3A_722 : vector<16xf32>
      %add3A_724 = vector.broadcast %squeeze3A_83 : f32 to vector<16xf32>
      %add3A_725 = arith.addf %add3A_723, %add3A_724 : vector<16xf32>
      %mul3A_726 = vector.broadcast %squeeze3A_85 : f32 to vector<16xf32>
      %mul3A_727 = arith.mulf %mul3A_726, %bitcast3A_665 : vector<16xf32>
      %mul3A_728 = vector.broadcast %squeeze3A_87 : f32 to vector<16xf32>
      %mul3A_729 = arith.mulf %mul3A_728, %bitcast3A_680 : vector<16xf32>
      %add3A_730 = arith.addf %mul3A_727, %mul3A_729 : vector<16xf32>
      %mul3A_731 = vector.broadcast %squeeze3A_89 : f32 to vector<16xf32>
      %mul3A_732 = arith.mulf %mul3A_731, %bitcast3A_695 : vector<16xf32>
      %add3A_733 = arith.addf %add3A_730, %mul3A_732 : vector<16xf32>
      %add3A_734 = vector.broadcast %squeeze3A_91 : f32 to vector<16xf32>
      %add3A_735 = arith.addf %add3A_733, %add3A_734 : vector<16xf32>
      %max3A_736 = arith.constant 9.99999997E-7 : f32
      %max3A_737 = vector.broadcast %max3A_736 : f32 to vector<16xf32>
      %max3A_738 = arith.maximumf %add3A_735, %max3A_737 : vector<16xf32>
      %div3A_739 = arith.divf %add3A_705, %max3A_738 : vector<16xf32>
      %div3A_740 = arith.divf %add3A_715, %max3A_738 : vector<16xf32>
      %div3A_741 = arith.divf %add3A_725, %max3A_738 : vector<16xf32>
      %bitcast3A_742 = vector.bitcast %div3A_739 : vector<16xf32> to vector<16xi32>
      %add3A_743 = arith.constant 32767 : i32
      %add3A_744 = vector.broadcast %add3A_743 : i32 to vector<16xi32>
      %add3A_745 = arith.addi %bitcast3A_742, %add3A_744 : vector<16xi32>
      %shift_right_logical3A_746 = arith.constant 16 : i32
      %shift_right_logical3A_747 = vector.broadcast %shift_right_logical3A_746 : i32 to vector<16xi32>
      %shift_right_logical3A_748 = arith.shrui %bitcast3A_742, %shift_right_logical3A_747 : vector<16xi32>
      %and3A_749 = arith.constant 1 : i32
      %and3A_750 = vector.broadcast %and3A_749 : i32 to vector<16xi32>
      %and3A_751 = arith.andi %shift_right_logical3A_748, %and3A_750 : vector<16xi32>
      %add3A_752 = arith.addi %add3A_745, %and3A_751 : vector<16xi32>
      %and3A_753 = arith.constant -65536 : i32
      %and3A_754 = vector.broadcast %and3A_753 : i32 to vector<16xi32>
      %and3A_755 = arith.andi %add3A_752, %and3A_754 : vector<16xi32>
      %bitcast3A_756 = vector.bitcast %and3A_755 : vector<16xi32> to vector<16xf32>
      %bitcast3A_757 = vector.bitcast %div3A_740 : vector<16xf32> to vector<16xi32>
      %add3A_758 = arith.constant 32767 : i32
      %add3A_759 = vector.broadcast %add3A_758 : i32 to vector<16xi32>
      %add3A_760 = arith.addi %bitcast3A_757, %add3A_759 : vector<16xi32>
      %shift_right_logical3A_761 = arith.constant 16 : i32
      %shift_right_logical3A_762 = vector.broadcast %shift_right_logical3A_761 : i32 to vector<16xi32>
      %shift_right_logical3A_763 = arith.shrui %bitcast3A_757, %shift_right_logical3A_762 : vector<16xi32>
      %and3A_764 = arith.constant 1 : i32
      %and3A_765 = vector.broadcast %and3A_764 : i32 to vector<16xi32>
      %and3A_766 = arith.andi %shift_right_logical3A_763, %and3A_765 : vector<16xi32>
      %add3A_767 = arith.addi %add3A_760, %and3A_766 : vector<16xi32>
      %and3A_768 = arith.constant -65536 : i32
      %and3A_769 = vector.broadcast %and3A_768 : i32 to vector<16xi32>
      %and3A_770 = arith.andi %add3A_767, %and3A_769 : vector<16xi32>
      %bitcast3A_771 = vector.bitcast %and3A_770 : vector<16xi32> to vector<16xf32>
      %bitcast3A_772 = vector.bitcast %div3A_741 : vector<16xf32> to vector<16xi32>
      %add3A_773 = arith.constant 32767 : i32
      %add3A_774 = vector.broadcast %add3A_773 : i32 to vector<16xi32>
      %add3A_775 = arith.addi %bitcast3A_772, %add3A_774 : vector<16xi32>
      %shift_right_logical3A_776 = arith.constant 16 : i32
      %shift_right_logical3A_777 = vector.broadcast %shift_right_logical3A_776 : i32 to vector<16xi32>
      %shift_right_logical3A_778 = arith.shrui %bitcast3A_772, %shift_right_logical3A_777 : vector<16xi32>
      %and3A_779 = arith.constant 1 : i32
      %and3A_780 = vector.broadcast %and3A_779 : i32 to vector<16xi32>
      %and3A_781 = arith.andi %shift_right_logical3A_778, %and3A_780 : vector<16xi32>
      %add3A_782 = arith.addi %add3A_775, %and3A_781 : vector<16xi32>
      %and3A_783 = arith.constant -65536 : i32
      %and3A_784 = vector.broadcast %and3A_783 : i32 to vector<16xi32>
      %and3A_785 = arith.andi %add3A_782, %and3A_784 : vector<16xi32>
      %bitcast3A_786 = vector.bitcast %and3A_785 : vector<16xi32> to vector<16xf32>
      %mul3A_787 = vector.broadcast %squeeze3A_93 : f32 to vector<16xf32>
      %mul3A_788 = arith.mulf %mul3A_787, %bitcast3A_756 : vector<16xf32>
      %mul3A_789 = vector.broadcast %squeeze3A_95 : f32 to vector<16xf32>
      %mul3A_790 = arith.mulf %mul3A_789, %bitcast3A_771 : vector<16xf32>
      %add3A_791 = arith.addf %mul3A_788, %mul3A_790 : vector<16xf32>
      %mul3A_792 = vector.broadcast %squeeze3A_97 : f32 to vector<16xf32>
      %mul3A_793 = arith.mulf %mul3A_792, %bitcast3A_786 : vector<16xf32>
      %add3A_794 = arith.addf %add3A_791, %mul3A_793 : vector<16xf32>
      %mul3A_795 = vector.broadcast %squeeze3A_99 : f32 to vector<16xf32>
      %mul3A_796 = arith.mulf %mul3A_795, %bitcast3A_756 : vector<16xf32>
      %mul3A_797 = vector.broadcast %squeeze3A_101 : f32 to vector<16xf32>
      %mul3A_798 = arith.mulf %mul3A_797, %bitcast3A_771 : vector<16xf32>
      %add3A_799 = arith.addf %mul3A_796, %mul3A_798 : vector<16xf32>
      %mul3A_800 = vector.broadcast %squeeze3A_103 : f32 to vector<16xf32>
      %mul3A_801 = arith.mulf %mul3A_800, %bitcast3A_786 : vector<16xf32>
      %add3A_802 = arith.addf %add3A_799, %mul3A_801 : vector<16xf32>
      %mul3A_803 = vector.broadcast %squeeze3A_105 : f32 to vector<16xf32>
      %mul3A_804 = arith.mulf %mul3A_803, %bitcast3A_756 : vector<16xf32>
      %mul3A_805 = vector.broadcast %squeeze3A_107 : f32 to vector<16xf32>
      %mul3A_806 = arith.mulf %mul3A_805, %bitcast3A_771 : vector<16xf32>
      %add3A_807 = arith.addf %mul3A_804, %mul3A_806 : vector<16xf32>
      %mul3A_808 = vector.broadcast %squeeze3A_109 : f32 to vector<16xf32>
      %mul3A_809 = arith.mulf %mul3A_808, %bitcast3A_786 : vector<16xf32>
      %add3A_810 = arith.addf %add3A_807, %mul3A_809 : vector<16xf32>
      %max3A_811 = arith.constant 9.99999997E-7 : f32
      %max3A_812 = vector.broadcast %max3A_811 : f32 to vector<16xf32>
      %max3A_813 = arith.maximumf %add3A_810, %max3A_812 : vector<16xf32>
      %div3A_814 = arith.divf %add3A_794, %max3A_813 : vector<16xf32>
      %div3A_815 = arith.divf %add3A_802, %max3A_813 : vector<16xf32>
      %gt3A_816 = arith.constant 1.000000e-01 : f32
      %gt3A_817 = vector.broadcast %gt3A_816 : f32 to vector<16xf32>
      %gt3A_818 = arith.cmpf ogt, %div3A_741, %gt3A_817 : vector<16xf32>
      %ge3A_819 = arith.constant 0.000000e+00 : f32
      %ge3A_820 = vector.broadcast %ge3A_819 : f32 to vector<16xf32>
      %ge3A_821 = arith.cmpf oge, %div3A_814, %ge3A_820 : vector<16xf32>
      %and3A_822 = arith.andi %gt3A_818, %ge3A_821 : vector<16xi1>
      %lt3A_823 = vector.broadcast %squeeze3A : f32 to vector<16xf32>
      %lt3A_824 = arith.cmpf olt, %div3A_814, %lt3A_823 : vector<16xf32>
      %and3A_825 = arith.andi %and3A_822, %lt3A_824 : vector<16xi1>
      %ge3A_826 = arith.constant 0.000000e+00 : f32
      %ge3A_827 = vector.broadcast %ge3A_826 : f32 to vector<16xf32>
      %ge3A_828 = arith.cmpf oge, %div3A_815, %ge3A_827 : vector<16xf32>
      %and3A_829 = arith.andi %and3A_825, %ge3A_828 : vector<16xi1>
      %lt3A_830 = vector.broadcast %squeeze3A_3 : f32 to vector<16xf32>
      %lt3A_831 = arith.cmpf olt, %div3A_815, %lt3A_830 : vector<16xf32>
      %and3A_832 = arith.andi %and3A_829, %lt3A_831 : vector<16xi1>
      %mul3A_833 = vector.broadcast %squeeze3A_7 : f32 to vector<16xf32>
      %mul3A_834 = arith.mulf %div3A_814, %mul3A_833 : vector<16xf32>
      %mul3A_835 = arith.constant 2.000000e+00 : f32
      %mul3A_836 = vector.broadcast %mul3A_835 : f32 to vector<16xf32>
      %mul3A_837 = arith.mulf %mul3A_834, %mul3A_836 : vector<16xf32>
      %sub3A_838 = arith.constant 1.000000e+00 : f32
      %sub3A_839 = vector.broadcast %sub3A_838 : f32 to vector<16xf32>
      %sub3A_840 = arith.subf %mul3A_837, %sub3A_839 : vector<16xf32>
      %add3A_841 = arith.constant 1.000000e+00 : f32
      %add3A_842 = vector.broadcast %add3A_841 : f32 to vector<16xf32>
      %add3A_843 = arith.addf %sub3A_840, %add3A_842 : vector<16xf32>
      %mul3A_844 = arith.constant 5.000000e-01 : f32
      %mul3A_845 = vector.broadcast %mul3A_844 : f32 to vector<16xf32>
      %mul3A_846 = arith.mulf %add3A_843, %mul3A_845 : vector<16xf32>
      %mul3A_847 = arith.constant 6.300000e+01 : f32
      %mul3A_848 = vector.broadcast %mul3A_847 : f32 to vector<16xf32>
      %mul3A_849 = arith.mulf %mul3A_846, %mul3A_848 : vector<16xf32>
      %mul3A_850 = vector.broadcast %squeeze3A_9 : f32 to vector<16xf32>
      %mul3A_851 = arith.mulf %div3A_815, %mul3A_850 : vector<16xf32>
      %mul3A_852 = arith.constant 2.000000e+00 : f32
      %mul3A_853 = vector.broadcast %mul3A_852 : f32 to vector<16xf32>
      %mul3A_854 = arith.mulf %mul3A_851, %mul3A_853 : vector<16xf32>
      %sub3A_855 = arith.constant 1.000000e+00 : f32
      %sub3A_856 = vector.broadcast %sub3A_855 : f32 to vector<16xf32>
      %sub3A_857 = arith.subf %mul3A_854, %sub3A_856 : vector<16xf32>
      %add3A_858 = arith.constant 1.000000e+00 : f32
      %add3A_859 = vector.broadcast %add3A_858 : f32 to vector<16xf32>
      %add3A_860 = arith.addf %sub3A_857, %add3A_859 : vector<16xf32>
      %mul3A_861 = arith.constant 5.000000e-01 : f32
      %mul3A_862 = vector.broadcast %mul3A_861 : f32 to vector<16xf32>
      %mul3A_863 = arith.mulf %add3A_860, %mul3A_862 : vector<16xf32>
      %mul3A_864 = arith.constant 6.300000e+01 : f32
      %mul3A_865 = vector.broadcast %mul3A_864 : f32 to vector<16xf32>
      %mul3A_866 = arith.mulf %mul3A_863, %mul3A_865 : vector<16xf32>
      %jit3A_867 = arith.constant -4.000000e+00 : f32
      %jit3A_868 = arith.constant 6.800000e+01 : f32
      %max3A_869 = vector.broadcast %jit3A_867 : f32 to vector<16xf32>
      %max3A_870 = arith.maximumf %max3A_869, %mul3A_849 : vector<16xf32>
      %min3A_871 = vector.broadcast %jit3A_868 : f32 to vector<16xf32>
      %min3A_872 = arith.minimumf %min3A_871, %max3A_870 : vector<16xf32>
      %jit3A_873 = arith.constant -4.000000e+00 : f32
      %jit3A_874 = arith.constant 6.800000e+01 : f32
      %max3A_875 = vector.broadcast %jit3A_873 : f32 to vector<16xf32>
      %max3A_876 = arith.maximumf %max3A_875, %mul3A_866 : vector<16xf32>
      %min3A_877 = vector.broadcast %jit3A_874 : f32 to vector<16xf32>
      %min3A_878 = arith.minimumf %min3A_877, %max3A_876 : vector<16xf32>
      %convert_element_type3A_879 = arith.fptosi %min3A_872 : vector<16xf32> to vector<16xi32>
      %convert_element_type3A_880 = arith.sitofp %convert_element_type3A_879 : vector<16xi32> to vector<16xf32>
      %convert_element_type3A_881 = arith.fptosi %min3A_878 : vector<16xf32> to vector<16xi32>
      %convert_element_type3A_882 = arith.sitofp %convert_element_type3A_881 : vector<16xi32> to vector<16xf32>
      %gt3A_883 = arith.cmpf ogt, %convert_element_type3A_880, %min3A_872 : vector<16xf32>
      %jit3A_884 = arith.constant 1.000000e+00 : f32
      %jit3A_885 = arith.constant 0.000000e+00 : f32
      %broadcast_in_dim3A_886 = vector.broadcast %jit3A_884 : f32 to vector<16xf32>
      %broadcast_in_dim3A_887 = vector.broadcast %jit3A_885 : f32 to vector<16xf32>
      %select_n3A_888 = arith.select %gt3A_883, %broadcast_in_dim3A_886, %broadcast_in_dim3A_887 : vector<16xi1>, vector<16xf32>
      %sub3A_889 = arith.subf %convert_element_type3A_880, %select_n3A_888 : vector<16xf32>
      %gt3A_890 = arith.cmpf ogt, %convert_element_type3A_882, %min3A_878 : vector<16xf32>
      %jit3A_891 = arith.constant 1.000000e+00 : f32
      %jit3A_892 = arith.constant 0.000000e+00 : f32
      %broadcast_in_dim3A_893 = vector.broadcast %jit3A_891 : f32 to vector<16xf32>
      %broadcast_in_dim3A_894 = vector.broadcast %jit3A_892 : f32 to vector<16xf32>
      %select_n3A_895 = arith.select %gt3A_890, %broadcast_in_dim3A_893, %broadcast_in_dim3A_894 : vector<16xi1>, vector<16xf32>
      %sub3A_896 = arith.subf %convert_element_type3A_882, %select_n3A_895 : vector<16xf32>
      %sub3A_897 = arith.subf %min3A_872, %sub3A_889 : vector<16xf32>
      %sub3A_898 = arith.constant 1.000000e+00 : f32
      %sub3A_899 = vector.broadcast %sub3A_898 : f32 to vector<16xf32>
      %sub3A_900 = arith.subf %sub3A_899, %sub3A_897 : vector<16xf32>
      %sub3A_901 = arith.subf %min3A_878, %sub3A_896 : vector<16xf32>
      %sub3A_902 = arith.constant 1.000000e+00 : f32
      %sub3A_903 = vector.broadcast %sub3A_902 : f32 to vector<16xf32>
      %sub3A_904 = arith.subf %sub3A_903, %sub3A_901 : vector<16xf32>
      %mul3A_905 = arith.mulf %sub3A_900, %sub3A_904 : vector<16xf32>
      %add3A_906 = arith.constant 1.000000e+00 : f32
      %add3A_907 = vector.broadcast %add3A_906 : f32 to vector<16xf32>
      %add3A_908 = arith.addf %sub3A_889, %add3A_907 : vector<16xf32>
      %mul3A_909 = arith.mulf %sub3A_897, %sub3A_904 : vector<16xf32>
      %add3A_910 = arith.constant 1.000000e+00 : f32
      %add3A_911 = vector.broadcast %add3A_910 : f32 to vector<16xf32>
      %add3A_912 = arith.addf %sub3A_896, %add3A_911 : vector<16xf32>
      %mul3A_913 = arith.mulf %sub3A_900, %sub3A_901 : vector<16xf32>
      %add3A_914 = arith.constant 1.000000e+00 : f32
      %add3A_915 = vector.broadcast %add3A_914 : f32 to vector<16xf32>
      %add3A_916 = arith.addf %sub3A_889, %add3A_915 : vector<16xf32>
      %add3A_917 = arith.constant 1.000000e+00 : f32
      %add3A_918 = vector.broadcast %add3A_917 : f32 to vector<16xf32>
      %add3A_919 = arith.addf %sub3A_896, %add3A_918 : vector<16xf32>
      %mul3A_920 = arith.mulf %sub3A_897, %sub3A_901 : vector<16xf32>
      %add3A_921 = arith.constant 16 : i32
      %add3A_922 = vector.broadcast %add3A_921 : i32 to vector<16xi32>
      %add3A_923 = arith.addi %add3A_922, %iota3A : vector<16xi32>
      %ge3A_924 = arith.constant 0.000000e+00 : f32
      %ge3A_925 = vector.broadcast %ge3A_924 : f32 to vector<16xf32>
      %ge3A_926 = arith.cmpf oge, %sub3A_889, %ge3A_925 : vector<16xf32>
      %and3A_927 = arith.andi %and3A_832, %ge3A_926 : vector<16xi1>
      %le3A_928 = arith.constant 6.300000e+01 : f32
      %le3A_929 = vector.broadcast %le3A_928 : f32 to vector<16xf32>
      %le3A_930 = arith.cmpf ole, %sub3A_889, %le3A_929 : vector<16xf32>
      %and3A_931 = arith.andi %and3A_927, %le3A_930 : vector<16xi1>
      %ge3A_932 = arith.constant 0.000000e+00 : f32
      %ge3A_933 = vector.broadcast %ge3A_932 : f32 to vector<16xf32>
      %ge3A_934 = arith.cmpf oge, %sub3A_896, %ge3A_933 : vector<16xf32>
      %and3A_935 = arith.andi %and3A_931, %ge3A_934 : vector<16xi1>
      %le3A_936 = arith.constant 6.300000e+01 : f32
      %le3A_937 = vector.broadcast %le3A_936 : f32 to vector<16xf32>
      %le3A_938 = arith.cmpf ole, %sub3A_896, %le3A_937 : vector<16xf32>
      %and3A_939 = arith.andi %and3A_935, %le3A_938 : vector<16xi1>
      %jit3A_940 = arith.constant 0.000000e+00 : f32
      %broadcast_in_dim3A_941 = vector.broadcast %jit3A_940 : f32 to vector<16xf32>
      %select_n3A_942 = arith.select %and3A_939, %mul3A_905, %broadcast_in_dim3A_941 : vector<16xi1>, vector<16xf32>
      %jit3A_943 = arith.constant 0.000000e+00 : f32
      %jit3A_944 = arith.constant 63 : i32
      %max3A_945 = vector.broadcast %jit3A_943 : f32 to vector<16xf32>
      %max3A_946 = arith.maximumf %max3A_945, %sub3A_889 : vector<16xf32>
      %convert_element_type3A_947 = arith.sitofp %jit3A_944 : i32 to f32
      %min3A_948 = vector.broadcast %convert_element_type3A_947 : f32 to vector<16xf32>
      %min3A_949 = arith.minimumf %min3A_948, %max3A_946 : vector<16xf32>
      %convert_element_type3A_950 = arith.fptosi %min3A_949 : vector<16xf32> to vector<16xi32>
      %jit3A_951 = arith.constant 0.000000e+00 : f32
      %jit3A_952 = arith.constant 63 : i32
      %max3A_953 = vector.broadcast %jit3A_951 : f32 to vector<16xf32>
      %max3A_954 = arith.maximumf %max3A_953, %sub3A_896 : vector<16xf32>
      %convert_element_type3A_955 = arith.sitofp %jit3A_952 : i32 to f32
      %min3A_956 = vector.broadcast %convert_element_type3A_955 : f32 to vector<16xf32>
      %min3A_957 = arith.minimumf %min3A_956, %max3A_954 : vector<16xf32>
      %convert_element_type3A_958 = arith.fptosi %min3A_957 : vector<16xf32> to vector<16xi32>
      %mul3A_959 = arith.constant 64 : i32
      %mul3A_960 = vector.broadcast %mul3A_959 : i32 to vector<16xi32>
      %mul3A_961 = arith.muli %convert_element_type3A_958, %mul3A_960 : vector<16xi32>
      %add3A_962 = arith.addi %mul3A_961, %convert_element_type3A_950 : vector<16xi32>
      %mul3A_963 = arith.constant 64 : i32
      %mul3A_964 = arith.muli %scan3A_16, %mul3A_963 : i32
      %mul3A_965 = arith.constant 64 : i32
      %mul3A_966 = arith.muli %mul3A_964, %mul3A_965 : i32
      %add3A_967 = vector.broadcast %mul3A_966 : i32 to vector<16xi32>
      %add3A_968 = arith.addi %add3A_962, %add3A_967 : vector<16xi32>
      %swap3A_969 = arith.constant 16 : index
      %swap3A_970 = tpu.vector_load %arg13[%swap3A_969] {strides = array<i32>} : memref<128xi32, #tpu.memory_space<vmem>>, vector<16xi32>,
      tpu.vector_store %arg13[%swap3A_969], %add3A_968 {strides = array<i32>} : memref<128xi32, #tpu.memory_space<vmem>>, vector<16xi32>,
      %swap3A_971 = arith.constant 0 : i32
      %swap3A_972 = arith.index_cast %swap3A_971 : i32 to index
      %swap3A_973 = arith.constant 16 : index
      %swap3A_974 = tpu.vector_load %arg15[%swap3A_972, %swap3A_973] {strides = array<i32>} : memref<2x128xf32, #tpu.memory_space<vmem>>, vector<16xf32>,
      tpu.vector_store %arg15[%swap3A_972, %swap3A_973], %select_n3A_942 {strides = array<i32>} : memref<2x128xf32, #tpu.memory_space<vmem>>, vector<16xf32>,
      %ge3A_975 = arith.constant 0.000000e+00 : f32
      %ge3A_976 = vector.broadcast %ge3A_975 : f32 to vector<16xf32>
      %ge3A_977 = arith.cmpf oge, %add3A_908, %ge3A_976 : vector<16xf32>
      %and3A_978 = arith.andi %and3A_832, %ge3A_977 : vector<16xi1>
      %le3A_979 = arith.constant 6.300000e+01 : f32
      %le3A_980 = vector.broadcast %le3A_979 : f32 to vector<16xf32>
      %le3A_981 = arith.cmpf ole, %add3A_908, %le3A_980 : vector<16xf32>
      %and3A_982 = arith.andi %and3A_978, %le3A_981 : vector<16xi1>
      %ge3A_983 = arith.constant 0.000000e+00 : f32
      %ge3A_984 = vector.broadcast %ge3A_983 : f32 to vector<16xf32>
      %ge3A_985 = arith.cmpf oge, %sub3A_896, %ge3A_984 : vector<16xf32>
      %and3A_986 = arith.andi %and3A_982, %ge3A_985 : vector<16xi1>
      %le3A_987 = arith.constant 6.300000e+01 : f32
      %le3A_988 = vector.broadcast %le3A_987 : f32 to vector<16xf32>
      %le3A_989 = arith.cmpf ole, %sub3A_896, %le3A_988 : vector<16xf32>
      %and3A_990 = arith.andi %and3A_986, %le3A_989 : vector<16xi1>
      %jit3A_991 = arith.constant 0.000000e+00 : f32
      %broadcast_in_dim3A_992 = vector.broadcast %jit3A_991 : f32 to vector<16xf32>
      %select_n3A_993 = arith.select %and3A_990, %mul3A_909, %broadcast_in_dim3A_992 : vector<16xi1>, vector<16xf32>
      %jit3A_994 = arith.constant 0.000000e+00 : f32
      %jit3A_995 = arith.constant 63 : i32
      %max3A_996 = vector.broadcast %jit3A_994 : f32 to vector<16xf32>
      %max3A_997 = arith.maximumf %max3A_996, %add3A_908 : vector<16xf32>
      %convert_element_type3A_998 = arith.sitofp %jit3A_995 : i32 to f32
      %min3A_999 = vector.broadcast %convert_element_type3A_998 : f32 to vector<16xf32>
      %min3A_1000 = arith.minimumf %min3A_999, %max3A_997 : vector<16xf32>
      %convert_element_type3A_1001 = arith.fptosi %min3A_1000 : vector<16xf32> to vector<16xi32>
      %jit3A_1002 = arith.constant 0.000000e+00 : f32
      %jit3A_1003 = arith.constant 63 : i32
      %max3A_1004 = vector.broadcast %jit3A_1002 : f32 to vector<16xf32>
      %max3A_1005 = arith.maximumf %max3A_1004, %sub3A_896 : vector<16xf32>
      %convert_element_type3A_1006 = arith.sitofp %jit3A_1003 : i32 to f32
      %min3A_1007 = vector.broadcast %convert_element_type3A_1006 : f32 to vector<16xf32>
      %min3A_1008 = arith.minimumf %min3A_1007, %max3A_1005 : vector<16xf32>
      %convert_element_type3A_1009 = arith.fptosi %min3A_1008 : vector<16xf32> to vector<16xi32>
      %mul3A_1010 = arith.constant 64 : i32
      %mul3A_1011 = vector.broadcast %mul3A_1010 : i32 to vector<16xi32>
      %mul3A_1012 = arith.muli %convert_element_type3A_1009, %mul3A_1011 : vector<16xi32>
      %add3A_1013 = arith.addi %mul3A_1012, %convert_element_type3A_1001 : vector<16xi32>
      %mul3A_1014 = arith.constant 64 : i32
      %mul3A_1015 = arith.muli %scan3A_16, %mul3A_1014 : i32
      %mul3A_1016 = arith.constant 64 : i32
      %mul3A_1017 = arith.muli %mul3A_1015, %mul3A_1016 : i32
      %add3A_1018 = vector.broadcast %mul3A_1017 : i32 to vector<16xi32>
      %add3A_1019 = arith.addi %add3A_1013, %add3A_1018 : vector<16xi32>
      %swap3A_1020 = arith.constant 48 : index
      %swap3A_1021 = tpu.vector_load %arg13[%swap3A_1020] {strides = array<i32>} : memref<128xi32, #tpu.memory_space<vmem>>, vector<16xi32>,
      tpu.vector_store %arg13[%swap3A_1020], %add3A_1019 {strides = array<i32>} : memref<128xi32, #tpu.memory_space<vmem>>, vector<16xi32>,
      %swap3A_1022 = arith.constant 0 : i32
      %swap3A_1023 = arith.index_cast %swap3A_1022 : i32 to index
      %swap3A_1024 = arith.constant 48 : index
      %swap3A_1025 = tpu.vector_load %arg15[%swap3A_1023, %swap3A_1024] {strides = array<i32>} : memref<2x128xf32, #tpu.memory_space<vmem>>, vector<16xf32>,
      tpu.vector_store %arg15[%swap3A_1023, %swap3A_1024], %select_n3A_993 {strides = array<i32>} : memref<2x128xf32, #tpu.memory_space<vmem>>, vector<16xf32>,
      %ge3A_1026 = arith.constant 0.000000e+00 : f32
      %ge3A_1027 = vector.broadcast %ge3A_1026 : f32 to vector<16xf32>
      %ge3A_1028 = arith.cmpf oge, %sub3A_889, %ge3A_1027 : vector<16xf32>
      %and3A_1029 = arith.andi %and3A_832, %ge3A_1028 : vector<16xi1>
      %le3A_1030 = arith.constant 6.300000e+01 : f32
      %le3A_1031 = vector.broadcast %le3A_1030 : f32 to vector<16xf32>
      %le3A_1032 = arith.cmpf ole, %sub3A_889, %le3A_1031 : vector<16xf32>
      %and3A_1033 = arith.andi %and3A_1029, %le3A_1032 : vector<16xi1>
      %ge3A_1034 = arith.constant 0.000000e+00 : f32
      %ge3A_1035 = vector.broadcast %ge3A_1034 : f32 to vector<16xf32>
      %ge3A_1036 = arith.cmpf oge, %add3A_912, %ge3A_1035 : vector<16xf32>
      %and3A_1037 = arith.andi %and3A_1033, %ge3A_1036 : vector<16xi1>
      %le3A_1038 = arith.constant 6.300000e+01 : f32
      %le3A_1039 = vector.broadcast %le3A_1038 : f32 to vector<16xf32>
      %le3A_1040 = arith.cmpf ole, %add3A_912, %le3A_1039 : vector<16xf32>
      %and3A_1041 = arith.andi %and3A_1037, %le3A_1040 : vector<16xi1>
      %jit3A_1042 = arith.constant 0.000000e+00 : f32
      %broadcast_in_dim3A_1043 = vector.broadcast %jit3A_1042 : f32 to vector<16xf32>
      %select_n3A_1044 = arith.select %and3A_1041, %mul3A_913, %broadcast_in_dim3A_1043 : vector<16xi1>, vector<16xf32>
      %jit3A_1045 = arith.constant 0.000000e+00 : f32
      %jit3A_1046 = arith.constant 63 : i32
      %max3A_1047 = vector.broadcast %jit3A_1045 : f32 to vector<16xf32>
      %max3A_1048 = arith.maximumf %max3A_1047, %sub3A_889 : vector<16xf32>
      %convert_element_type3A_1049 = arith.sitofp %jit3A_1046 : i32 to f32
      %min3A_1050 = vector.broadcast %convert_element_type3A_1049 : f32 to vector<16xf32>
      %min3A_1051 = arith.minimumf %min3A_1050, %max3A_1048 : vector<16xf32>
      %convert_element_type3A_1052 = arith.fptosi %min3A_1051 : vector<16xf32> to vector<16xi32>
      %jit3A_1053 = arith.constant 0.000000e+00 : f32
      %jit3A_1054 = arith.constant 63 : i32
      %max3A_1055 = vector.broadcast %jit3A_1053 : f32 to vector<16xf32>
      %max3A_1056 = arith.maximumf %max3A_1055, %add3A_912 : vector<16xf32>
      %convert_element_type3A_1057 = arith.sitofp %jit3A_1054 : i32 to f32
      %min3A_1058 = vector.broadcast %convert_element_type3A_1057 : f32 to vector<16xf32>
      %min3A_1059 = arith.minimumf %min3A_1058, %max3A_1056 : vector<16xf32>
      %convert_element_type3A_1060 = arith.fptosi %min3A_1059 : vector<16xf32> to vector<16xi32>
      %mul3A_1061 = arith.constant 64 : i32
      %mul3A_1062 = vector.broadcast %mul3A_1061 : i32 to vector<16xi32>
      %mul3A_1063 = arith.muli %convert_element_type3A_1060, %mul3A_1062 : vector<16xi32>
      %add3A_1064 = arith.addi %mul3A_1063, %convert_element_type3A_1052 : vector<16xi32>
      %mul3A_1065 = arith.constant 64 : i32
      %mul3A_1066 = arith.muli %scan3A_16, %mul3A_1065 : i32
      %mul3A_1067 = arith.constant 64 : i32
      %mul3A_1068 = arith.muli %mul3A_1066, %mul3A_1067 : i32
      %add3A_1069 = vector.broadcast %mul3A_1068 : i32 to vector<16xi32>
      %add3A_1070 = arith.addi %add3A_1064, %add3A_1069 : vector<16xi32>
      %swap3A_1071 = arith.constant 80 : index
      %swap3A_1072 = tpu.vector_load %arg13[%swap3A_1071] {strides = array<i32>} : memref<128xi32, #tpu.memory_space<vmem>>, vector<16xi32>,
      tpu.vector_store %arg13[%swap3A_1071], %add3A_1070 {strides = array<i32>} : memref<128xi32, #tpu.memory_space<vmem>>, vector<16xi32>,
      %swap3A_1073 = arith.constant 0 : i32
      %swap3A_1074 = arith.index_cast %swap3A_1073 : i32 to index
      %swap3A_1075 = arith.constant 80 : index
      %swap3A_1076 = tpu.vector_load %arg15[%swap3A_1074, %swap3A_1075] {strides = array<i32>} : memref<2x128xf32, #tpu.memory_space<vmem>>, vector<16xf32>,
      tpu.vector_store %arg15[%swap3A_1074, %swap3A_1075], %select_n3A_1044 {strides = array<i32>} : memref<2x128xf32, #tpu.memory_space<vmem>>, vector<16xf32>,
      %ge3A_1077 = arith.constant 0.000000e+00 : f32
      %ge3A_1078 = vector.broadcast %ge3A_1077 : f32 to vector<16xf32>
      %ge3A_1079 = arith.cmpf oge, %add3A_916, %ge3A_1078 : vector<16xf32>
      %and3A_1080 = arith.andi %and3A_832, %ge3A_1079 : vector<16xi1>
      %le3A_1081 = arith.constant 6.300000e+01 : f32
      %le3A_1082 = vector.broadcast %le3A_1081 : f32 to vector<16xf32>
      %le3A_1083 = arith.cmpf ole, %add3A_916, %le3A_1082 : vector<16xf32>
      %and3A_1084 = arith.andi %and3A_1080, %le3A_1083 : vector<16xi1>
      %ge3A_1085 = arith.constant 0.000000e+00 : f32
      %ge3A_1086 = vector.broadcast %ge3A_1085 : f32 to vector<16xf32>
      %ge3A_1087 = arith.cmpf oge, %add3A_919, %ge3A_1086 : vector<16xf32>
      %and3A_1088 = arith.andi %and3A_1084, %ge3A_1087 : vector<16xi1>
      %le3A_1089 = arith.constant 6.300000e+01 : f32
      %le3A_1090 = vector.broadcast %le3A_1089 : f32 to vector<16xf32>
      %le3A_1091 = arith.cmpf ole, %add3A_919, %le3A_1090 : vector<16xf32>
      %and3A_1092 = arith.andi %and3A_1088, %le3A_1091 : vector<16xi1>
      %jit3A_1093 = arith.constant 0.000000e+00 : f32
      %broadcast_in_dim3A_1094 = vector.broadcast %jit3A_1093 : f32 to vector<16xf32>
      %select_n3A_1095 = arith.select %and3A_1092, %mul3A_920, %broadcast_in_dim3A_1094 : vector<16xi1>, vector<16xf32>
      %jit3A_1096 = arith.constant 0.000000e+00 : f32
      %jit3A_1097 = arith.constant 63 : i32
      %max3A_1098 = vector.broadcast %jit3A_1096 : f32 to vector<16xf32>
      %max3A_1099 = arith.maximumf %max3A_1098, %add3A_916 : vector<16xf32>
      %convert_element_type3A_1100 = arith.sitofp %jit3A_1097 : i32 to f32
      %min3A_1101 = vector.broadcast %convert_element_type3A_1100 : f32 to vector<16xf32>
      %min3A_1102 = arith.minimumf %min3A_1101, %max3A_1099 : vector<16xf32>
      %convert_element_type3A_1103 = arith.fptosi %min3A_1102 : vector<16xf32> to vector<16xi32>
      %jit3A_1104 = arith.constant 0.000000e+00 : f32
      %jit3A_1105 = arith.constant 63 : i32
      %max3A_1106 = vector.broadcast %jit3A_1104 : f32 to vector<16xf32>
      %max3A_1107 = arith.maximumf %max3A_1106, %add3A_919 : vector<16xf32>
      %convert_element_type3A_1108 = arith.sitofp %jit3A_1105 : i32 to f32
      %min3A_1109 = vector.broadcast %convert_element_type3A_1108 : f32 to vector<16xf32>
      %min3A_1110 = arith.minimumf %min3A_1109, %max3A_1107 : vector<16xf32>
      %convert_element_type3A_1111 = arith.fptosi %min3A_1110 : vector<16xf32> to vector<16xi32>
      %mul3A_1112 = arith.constant 64 : i32
      %mul3A_1113 = vector.broadcast %mul3A_1112 : i32 to vector<16xi32>
      %mul3A_1114 = arith.muli %convert_element_type3A_1111, %mul3A_1113 : vector<16xi32>
      %add3A_1115 = arith.addi %mul3A_1114, %convert_element_type3A_1103 : vector<16xi32>
      %mul3A_1116 = arith.constant 64 : i32
      %mul3A_1117 = arith.muli %scan3A_16, %mul3A_1116 : i32
      %mul3A_1118 = arith.constant 64 : i32
      %mul3A_1119 = arith.muli %mul3A_1117, %mul3A_1118 : i32
      %add3A_1120 = vector.broadcast %mul3A_1119 : i32 to vector<16xi32>
      %add3A_1121 = arith.addi %add3A_1115, %add3A_1120 : vector<16xi32>
      %swap3A_1122 = arith.constant 112 : index
      %swap3A_1123 = tpu.vector_load %arg13[%swap3A_1122] {strides = array<i32>} : memref<128xi32, #tpu.memory_space<vmem>>, vector<16xi32>,
      tpu.vector_store %arg13[%swap3A_1122], %add3A_1121 {strides = array<i32>} : memref<128xi32, #tpu.memory_space<vmem>>, vector<16xi32>,
      %swap3A_1124 = arith.constant 0 : i32
      %swap3A_1125 = arith.index_cast %swap3A_1124 : i32 to index
      %swap3A_1126 = arith.constant 112 : index
      %swap3A_1127 = tpu.vector_load %arg15[%swap3A_1125, %swap3A_1126] {strides = array<i32>} : memref<2x128xf32, #tpu.memory_space<vmem>>, vector<16xf32>,
      tpu.vector_store %arg15[%swap3A_1125, %swap3A_1126], %select_n3A_1095 {strides = array<i32>} : memref<2x128xf32, #tpu.memory_space<vmem>>, vector<16xf32>,
      %jit3A_1128 = arith.constant 1 : i32
      %jit3A_1129 = arith.constant 0 : i32
      %broadcast_in_dim3A_1130 = vector.broadcast %jit3A_1128 : i32 to vector<16xi32>
      %broadcast_in_dim3A_1131 = vector.broadcast %jit3A_1129 : i32 to vector<16xi32>
      %select_n3A_1132 = arith.select %and3A_832, %broadcast_in_dim3A_1130, %broadcast_in_dim3A_1131 : vector<16xi1>, vector<16xi32>
      %mul3A_1133 = arith.constant 0 : i32
      %mul3A_1134 = arith.constant 32 : i32
      %mul3A_1135 = arith.muli %mul3A_1133, %mul3A_1134 : i32
      %add3A_1136 = arith.constant 16 : i32
      %add3A_1137 = arith.addi %mul3A_1135, %add3A_1136 : i32
      %swap3A_1138 = arith.index_cast %add3A_1137 : i32 to index
      %swap3A_1139 = tpu.vector_load %arg18[%swap3A_1138] {strides = array<i32>} : memref<2048xi32, #tpu.memory_space<vmem>>, vector<16xi32>,
      tpu.vector_store %arg18[%swap3A_1138], %select_n3A_1132 {strides = array<i32>} : memref<2048xi32, #tpu.memory_space<vmem>>, vector<16xi32>,
      %mul3A_1140 = arith.constant 259 : i32
      %mul3A_1141 = vector.broadcast %mul3A_1140 : i32 to vector<16xi32>
      %mul3A_1142 = arith.muli %add3A_923, %mul3A_1141 : vector<16xi32>
      %add3A_1143 = arith.constant 0 : i32
      %add3A_1144 = vector.broadcast %add3A_1143 : i32 to vector<16xi32>
      %add3A_1145 = arith.addi %add3A_1144, %mul3A_1142 : vector<16xi32>
      %add3A_1146 = arith.constant 256 : i32
      %add3A_1147 = vector.broadcast %add3A_1146 : i32 to vector<16xi32>
      %add3A_1148 = arith.addi %add3A_1145, %add3A_1147 : vector<16xi32>
      tpu.vector_store_idx %arg17[%add3A_1148], %gather3A_636 : memref<16576xf32, #tpu.memory_space<vmem>>[vector<16xi32>], vector<16xf32>,
      %add3A_1149 = arith.constant 1 : i32
      %add3A_1150 = vector.broadcast %add3A_1149 : i32 to vector<16xi32>
      %add3A_1151 = arith.addi %add3A_1148, %add3A_1150 : vector<16xi32>
      tpu.vector_store_idx %arg17[%add3A_1151], %gather3A_643 : memref<16576xf32, #tpu.memory_space<vmem>>[vector<16xi32>], vector<16xf32>,
      %add3A_1152 = arith.constant 2 : i32
      %add3A_1153 = vector.broadcast %add3A_1152 : i32 to vector<16xi32>
      %add3A_1154 = arith.addi %add3A_1148, %add3A_1153 : vector<16xi32>
      tpu.vector_store_idx %arg17[%add3A_1154], %gather3A_650 : memref<16576xf32, #tpu.memory_space<vmem>>[vector<16xi32>], vector<16xf32>,
      %dma_start3A = arith.constant 0 : i32
      %dma_start3A_1155 = arith.constant 0 : i32
      %dma_start3A_1156 = arith.constant 0 : i32
      %dma_start3A_1157 = tpu.memref_slice %arg16[%dma_start3A, %dma_start3A_1155, %dma_start3A_1156] : memref<2x128x128xi32, #tpu.memory_space<vmem>> -> memref<1x128x128xi32, #tpu.memory_space<vmem>>
      %dma_start3A_1158 = tpu.memref_squeeze %dma_start3A_1157 : memref<1x128x128xi32, #tpu.memory_space<vmem>> -> memref<128x128xi32, #tpu.memory_space<vmem>>
      %dma_start3A_1159 = arith.constant 0 : i32
      %dma_start3A_1160 = arith.constant 0 : i32
      %dma_start3A_1161 = tpu.memref_slice %arg2[%dma_start3A_1159, %dma_start3A_1160] : memref<16384x128xi32, #tpu.memory_space<hbm>> -> memref<16384x128xi32, #tpu.memory_space<hbm>>
      tpu.enqueue_indirect_dma source(%dma_start3A_1161 : memref<16384x128xi32, #tpu.memory_space<hbm>>) target(%dma_start3A_1158 : memref<128x128xi32, #tpu.memory_space<vmem>>) offsets(%arg13 : memref<128xi32, #tpu.memory_space<vmem>>) semaphore(%arg19 : memref<!tpu.dma_semaphore, #tpu.memory_space<semaphore_mem>>)
      %scan3A_1162 = arith.constant 0 : i32
      %scan3A_1163 = arith.constant 0 : i32
      %scan3A_1164 = arith.constant 32 : i32
      %scan3A_1165 = arith.addi %scan3A_1163, %scan3A_1164 : i32
      %scan3A_1166 = arith.constant 1 : i32
      %scan3A_1167 = scf.for %scan3A_1175 = %scan3A_1163 to %scan3A_1165 step %scan3A_1166 iter_args(%scan3A_1176 = %scan3A_1162) -> (i32)  : i32 {
        %mul3A_1177 = arith.constant 2 : i32
        %mul3A_1178 = arith.muli %mul3A_1177, %scan3A_1175 : i32
        %add3A_1179 = arith.constant 1 : i32
        %add3A_1180 = arith.addi %mul3A_1178, %add3A_1179 : i32
        %mul3A_1181 = arith.constant 32 : i32
        %mul3A_1182 = arith.muli %add3A_1180, %mul3A_1181 : i32
        %add3A_1183 = arith.constant 0 : i32
        %add3A_1184 = arith.addi %mul3A_1182, %add3A_1183 : i32
        %add3A_1185 = vector.broadcast %add3A_1184 : i32 to vector<16xi32>
        %add3A_1186 = arith.addi %add3A_1185, %iota3A : vector<16xi32>
        %mul3A_1187 = arith.constant 3 : i32
        %mul3A_1188 = vector.broadcast %mul3A_1187 : i32 to vector<16xi32>
        %mul3A_1189 = arith.muli %mul3A_1188, %add3A_1186 : vector<16xi32>
        %gather3A_1190 = tpu.vector_load_idx %arg12[%mul3A_1189] : memref<6144xf32, #tpu.memory_space<vmem>>[vector<16xi32>], vector<16xf32>,
        %mul3A_1191 = arith.constant 3 : i32
        %mul3A_1192 = vector.broadcast %mul3A_1191 : i32 to vector<16xi32>
        %mul3A_1193 = arith.muli %mul3A_1192, %add3A_1186 : vector<16xi32>
        %add3A_1194 = arith.constant 1 : i32
        %add3A_1195 = vector.broadcast %add3A_1194 : i32 to vector<16xi32>
        %add3A_1196 = arith.addi %mul3A_1193, %add3A_1195 : vector<16xi32>
        %gather3A_1197 = tpu.vector_load_idx %arg12[%add3A_1196] : memref<6144xf32, #tpu.memory_space<vmem>>[vector<16xi32>], vector<16xf32>,
        %mul3A_1198 = arith.constant 3 : i32
        %mul3A_1199 = vector.broadcast %mul3A_1198 : i32 to vector<16xi32>
        %mul3A_1200 = arith.muli %mul3A_1199, %add3A_1186 : vector<16xi32>
        %add3A_1201 = arith.constant 2 : i32
        %add3A_1202 = vector.broadcast %add3A_1201 : i32 to vector<16xi32>
        %add3A_1203 = arith.addi %mul3A_1200, %add3A_1202 : vector<16xi32>
        %gather3A_1204 = tpu.vector_load_idx %arg12[%add3A_1203] : memref<6144xf32, #tpu.memory_space<vmem>>[vector<16xi32>], vector<16xf32>,
        %bitcast3A_1205 = vector.bitcast %gather3A_1190 : vector<16xf32> to vector<16xi32>
        %add3A_1206 = arith.constant 32767 : i32
        %add3A_1207 = vector.broadcast %add3A_1206 : i32 to vector<16xi32>
        %add3A_1208 = arith.addi %bitcast3A_1205, %add3A_1207 : vector<16xi32>
        %shift_right_logical3A_1209 = arith.constant 16 : i32
        %shift_right_logical3A_1210 = vector.broadcast %shift_right_logical3A_1209 : i32 to vector<16xi32>
        %shift_right_logical3A_1211 = arith.shrui %bitcast3A_1205, %shift_right_logical3A_1210 : vector<16xi32>
        %and3A_1212 = arith.constant 1 : i32
        %and3A_1213 = vector.broadcast %and3A_1212 : i32 to vector<16xi32>
        %and3A_1214 = arith.andi %shift_right_logical3A_1211, %and3A_1213 : vector<16xi32>
        %add3A_1215 = arith.addi %add3A_1208, %and3A_1214 : vector<16xi32>
        %and3A_1216 = arith.constant -65536 : i32
        %and3A_1217 = vector.broadcast %and3A_1216 : i32 to vector<16xi32>
        %and3A_1218 = arith.andi %add3A_1215, %and3A_1217 : vector<16xi32>
        %bitcast3A_1219 = vector.bitcast %and3A_1218 : vector<16xi32> to vector<16xf32>
        %bitcast3A_1220 = vector.bitcast %gather3A_1197 : vector<16xf32> to vector<16xi32>
        %add3A_1221 = arith.constant 32767 : i32
        %add3A_1222 = vector.broadcast %add3A_1221 : i32 to vector<16xi32>
        %add3A_1223 = arith.addi %bitcast3A_1220, %add3A_1222 : vector<16xi32>
        %shift_right_logical3A_1224 = arith.constant 16 : i32
        %shift_right_logical3A_1225 = vector.broadcast %shift_right_logical3A_1224 : i32 to vector<16xi32>
        %shift_right_logical3A_1226 = arith.shrui %bitcast3A_1220, %shift_right_logical3A_1225 : vector<16xi32>
        %and3A_1227 = arith.constant 1 : i32
        %and3A_1228 = vector.broadcast %and3A_1227 : i32 to vector<16xi32>
        %and3A_1229 = arith.andi %shift_right_logical3A_1226, %and3A_1228 : vector<16xi32>
        %add3A_1230 = arith.addi %add3A_1223, %and3A_1229 : vector<16xi32>
        %and3A_1231 = arith.constant -65536 : i32
        %and3A_1232 = vector.broadcast %and3A_1231 : i32 to vector<16xi32>
        %and3A_1233 = arith.andi %add3A_1230, %and3A_1232 : vector<16xi32>
        %bitcast3A_1234 = vector.bitcast %and3A_1233 : vector<16xi32> to vector<16xf32>
        %bitcast3A_1235 = vector.bitcast %gather3A_1204 : vector<16xf32> to vector<16xi32>
        %add3A_1236 = arith.constant 32767 : i32
        %add3A_1237 = vector.broadcast %add3A_1236 : i32 to vector<16xi32>
        %add3A_1238 = arith.addi %bitcast3A_1235, %add3A_1237 : vector<16xi32>
        %shift_right_logical3A_1239 = arith.constant 16 : i32
        %shift_right_logical3A_1240 = vector.broadcast %shift_right_logical3A_1239 : i32 to vector<16xi32>
        %shift_right_logical3A_1241 = arith.shrui %bitcast3A_1235, %shift_right_logical3A_1240 : vector<16xi32>
        %and3A_1242 = arith.constant 1 : i32
        %and3A_1243 = vector.broadcast %and3A_1242 : i32 to vector<16xi32>
        %and3A_1244 = arith.andi %shift_right_logical3A_1241, %and3A_1243 : vector<16xi32>
        %add3A_1245 = arith.addi %add3A_1238, %and3A_1244 : vector<16xi32>
        %and3A_1246 = arith.constant -65536 : i32
        %and3A_1247 = vector.broadcast %and3A_1246 : i32 to vector<16xi32>
        %and3A_1248 = arith.andi %add3A_1245, %and3A_1247 : vector<16xi32>
        %bitcast3A_1249 = vector.bitcast %and3A_1248 : vector<16xi32> to vector<16xf32>
        %mul3A_1250 = vector.broadcast %squeeze3A_61 : f32 to vector<16xf32>
        %mul3A_1251 = arith.mulf %mul3A_1250, %bitcast3A_1219 : vector<16xf32>
        %mul3A_1252 = vector.broadcast %squeeze3A_63 : f32 to vector<16xf32>
        %mul3A_1253 = arith.mulf %mul3A_1252, %bitcast3A_1234 : vector<16xf32>
        %add3A_1254 = arith.addf %mul3A_1251, %mul3A_1253 : vector<16xf32>
        %mul3A_1255 = vector.broadcast %squeeze3A_65 : f32 to vector<16xf32>
        %mul3A_1256 = arith.mulf %mul3A_1255, %bitcast3A_1249 : vector<16xf32>
        %add3A_1257 = arith.addf %add3A_1254, %mul3A_1256 : vector<16xf32>
        %add3A_1258 = vector.broadcast %squeeze3A_67 : f32 to vector<16xf32>
        %add3A_1259 = arith.addf %add3A_1257, %add3A_1258 : vector<16xf32>
        %mul3A_1260 = vector.broadcast %squeeze3A_69 : f32 to vector<16xf32>
        %mul3A_1261 = arith.mulf %mul3A_1260, %bitcast3A_1219 : vector<16xf32>
        %mul3A_1262 = vector.broadcast %squeeze3A_71 : f32 to vector<16xf32>
        %mul3A_1263 = arith.mulf %mul3A_1262, %bitcast3A_1234 : vector<16xf32>
        %add3A_1264 = arith.addf %mul3A_1261, %mul3A_1263 : vector<16xf32>
        %mul3A_1265 = vector.broadcast %squeeze3A_73 : f32 to vector<16xf32>
        %mul3A_1266 = arith.mulf %mul3A_1265, %bitcast3A_1249 : vector<16xf32>
        %add3A_1267 = arith.addf %add3A_1264, %mul3A_1266 : vector<16xf32>
        %add3A_1268 = vector.broadcast %squeeze3A_75 : f32 to vector<16xf32>
        %add3A_1269 = arith.addf %add3A_1267, %add3A_1268 : vector<16xf32>
        %mul3A_1270 = vector.broadcast %squeeze3A_77 : f32 to vector<16xf32>
        %mul3A_1271 = arith.mulf %mul3A_1270, %bitcast3A_1219 : vector<16xf32>
        %mul3A_1272 = vector.broadcast %squeeze3A_79 : f32 to vector<16xf32>
        %mul3A_1273 = arith.mulf %mul3A_1272, %bitcast3A_1234 : vector<16xf32>
        %add3A_1274 = arith.addf %mul3A_1271, %mul3A_1273 : vector<16xf32>
        %mul3A_1275 = vector.broadcast %squeeze3A_81 : f32 to vector<16xf32>
        %mul3A_1276 = arith.mulf %mul3A_1275, %bitcast3A_1249 : vector<16xf32>
        %add3A_1277 = arith.addf %add3A_1274, %mul3A_1276 : vector<16xf32>
        %add3A_1278 = vector.broadcast %squeeze3A_83 : f32 to vector<16xf32>
        %add3A_1279 = arith.addf %add3A_1277, %add3A_1278 : vector<16xf32>
        %mul3A_1280 = vector.broadcast %squeeze3A_85 : f32 to vector<16xf32>
        %mul3A_1281 = arith.mulf %mul3A_1280, %bitcast3A_1219 : vector<16xf32>
        %mul3A_1282 = vector.broadcast %squeeze3A_87 : f32 to vector<16xf32>
        %mul3A_1283 = arith.mulf %mul3A_1282, %bitcast3A_1234 : vector<16xf32>
        %add3A_1284 = arith.addf %mul3A_1281, %mul3A_1283 : vector<16xf32>
        %mul3A_1285 = vector.broadcast %squeeze3A_89 : f32 to vector<16xf32>
        %mul3A_1286 = arith.mulf %mul3A_1285, %bitcast3A_1249 : vector<16xf32>
        %add3A_1287 = arith.addf %add3A_1284, %mul3A_1286 : vector<16xf32>
        %add3A_1288 = vector.broadcast %squeeze3A_91 : f32 to vector<16xf32>
        %add3A_1289 = arith.addf %add3A_1287, %add3A_1288 : vector<16xf32>
        %max3A_1290 = arith.constant 9.99999997E-7 : f32
        %max3A_1291 = vector.broadcast %max3A_1290 : f32 to vector<16xf32>
        %max3A_1292 = arith.maximumf %add3A_1289, %max3A_1291 : vector<16xf32>
        %div3A_1293 = arith.divf %add3A_1259, %max3A_1292 : vector<16xf32>
        %div3A_1294 = arith.divf %add3A_1269, %max3A_1292 : vector<16xf32>
        %div3A_1295 = arith.divf %add3A_1279, %max3A_1292 : vector<16xf32>
        %bitcast3A_1296 = vector.bitcast %div3A_1293 : vector<16xf32> to vector<16xi32>
        %add3A_1297 = arith.constant 32767 : i32
        %add3A_1298 = vector.broadcast %add3A_1297 : i32 to vector<16xi32>
        %add3A_1299 = arith.addi %bitcast3A_1296, %add3A_1298 : vector<16xi32>
        %shift_right_logical3A_1300 = arith.constant 16 : i32
        %shift_right_logical3A_1301 = vector.broadcast %shift_right_logical3A_1300 : i32 to vector<16xi32>
        %shift_right_logical3A_1302 = arith.shrui %bitcast3A_1296, %shift_right_logical3A_1301 : vector<16xi32>
        %and3A_1303 = arith.constant 1 : i32
        %and3A_1304 = vector.broadcast %and3A_1303 : i32 to vector<16xi32>
        %and3A_1305 = arith.andi %shift_right_logical3A_1302, %and3A_1304 : vector<16xi32>
        %add3A_1306 = arith.addi %add3A_1299, %and3A_1305 : vector<16xi32>
        %and3A_1307 = arith.constant -65536 : i32
        %and3A_1308 = vector.broadcast %and3A_1307 : i32 to vector<16xi32>
        %and3A_1309 = arith.andi %add3A_1306, %and3A_1308 : vector<16xi32>
        %bitcast3A_1310 = vector.bitcast %and3A_1309 : vector<16xi32> to vector<16xf32>
        %bitcast3A_1311 = vector.bitcast %div3A_1294 : vector<16xf32> to vector<16xi32>
        %add3A_1312 = arith.constant 32767 : i32
        %add3A_1313 = vector.broadcast %add3A_1312 : i32 to vector<16xi32>
        %add3A_1314 = arith.addi %bitcast3A_1311, %add3A_1313 : vector<16xi32>
        %shift_right_logical3A_1315 = arith.constant 16 : i32
        %shift_right_logical3A_1316 = vector.broadcast %shift_right_logical3A_1315 : i32 to vector<16xi32>
        %shift_right_logical3A_1317 = arith.shrui %bitcast3A_1311, %shift_right_logical3A_1316 : vector<16xi32>
        %and3A_1318 = arith.constant 1 : i32
        %and3A_1319 = vector.broadcast %and3A_1318 : i32 to vector<16xi32>
        %and3A_1320 = arith.andi %shift_right_logical3A_1317, %and3A_1319 : vector<16xi32>
        %add3A_1321 = arith.addi %add3A_1314, %and3A_1320 : vector<16xi32>
        %and3A_1322 = arith.constant -65536 : i32
        %and3A_1323 = vector.broadcast %and3A_1322 : i32 to vector<16xi32>
        %and3A_1324 = arith.andi %add3A_1321, %and3A_1323 : vector<16xi32>
        %bitcast3A_1325 = vector.bitcast %and3A_1324 : vector<16xi32> to vector<16xf32>
        %bitcast3A_1326 = vector.bitcast %div3A_1295 : vector<16xf32> to vector<16xi32>
        %add3A_1327 = arith.constant 32767 : i32
        %add3A_1328 = vector.broadcast %add3A_1327 : i32 to vector<16xi32>
        %add3A_1329 = arith.addi %bitcast3A_1326, %add3A_1328 : vector<16xi32>
        %shift_right_logical3A_1330 = arith.constant 16 : i32
        %shift_right_logical3A_1331 = vector.broadcast %shift_right_logical3A_1330 : i32 to vector<16xi32>
        %shift_right_logical3A_1332 = arith.shrui %bitcast3A_1326, %shift_right_logical3A_1331 : vector<16xi32>
        %and3A_1333 = arith.constant 1 : i32
        %and3A_1334 = vector.broadcast %and3A_1333 : i32 to vector<16xi32>
        %and3A_1335 = arith.andi %shift_right_logical3A_1332, %and3A_1334 : vector<16xi32>
        %add3A_1336 = arith.addi %add3A_1329, %and3A_1335 : vector<16xi32>
        %and3A_1337 = arith.constant -65536 : i32
        %and3A_1338 = vector.broadcast %and3A_1337 : i32 to vector<16xi32>
        %and3A_1339 = arith.andi %add3A_1336, %and3A_1338 : vector<16xi32>
        %bitcast3A_1340 = vector.bitcast %and3A_1339 : vector<16xi32> to vector<16xf32>
        %mul3A_1341 = vector.broadcast %squeeze3A_93 : f32 to vector<16xf32>
        %mul3A_1342 = arith.mulf %mul3A_1341, %bitcast3A_1310 : vector<16xf32>
        %mul3A_1343 = vector.broadcast %squeeze3A_95 : f32 to vector<16xf32>
        %mul3A_1344 = arith.mulf %mul3A_1343, %bitcast3A_1325 : vector<16xf32>
        %add3A_1345 = arith.addf %mul3A_1342, %mul3A_1344 : vector<16xf32>
        %mul3A_1346 = vector.broadcast %squeeze3A_97 : f32 to vector<16xf32>
        %mul3A_1347 = arith.mulf %mul3A_1346, %bitcast3A_1340 : vector<16xf32>
        %add3A_1348 = arith.addf %add3A_1345, %mul3A_1347 : vector<16xf32>
        %mul3A_1349 = vector.broadcast %squeeze3A_99 : f32 to vector<16xf32>
        %mul3A_1350 = arith.mulf %mul3A_1349, %bitcast3A_1310 : vector<16xf32>
        %mul3A_1351 = vector.broadcast %squeeze3A_101 : f32 to vector<16xf32>
        %mul3A_1352 = arith.mulf %mul3A_1351, %bitcast3A_1325 : vector<16xf32>
        %add3A_1353 = arith.addf %mul3A_1350, %mul3A_1352 : vector<16xf32>
        %mul3A_1354 = vector.broadcast %squeeze3A_103 : f32 to vector<16xf32>
        %mul3A_1355 = arith.mulf %mul3A_1354, %bitcast3A_1340 : vector<16xf32>
        %add3A_1356 = arith.addf %add3A_1353, %mul3A_1355 : vector<16xf32>
        %mul3A_1357 = vector.broadcast %squeeze3A_105 : f32 to vector<16xf32>
        %mul3A_1358 = arith.mulf %mul3A_1357, %bitcast3A_1310 : vector<16xf32>
        %mul3A_1359 = vector.broadcast %squeeze3A_107 : f32 to vector<16xf32>
        %mul3A_1360 = arith.mulf %mul3A_1359, %bitcast3A_1325 : vector<16xf32>
        %add3A_1361 = arith.addf %mul3A_1358, %mul3A_1360 : vector<16xf32>
        %mul3A_1362 = vector.broadcast %squeeze3A_109 : f32 to vector<16xf32>
        %mul3A_1363 = arith.mulf %mul3A_1362, %bitcast3A_1340 : vector<16xf32>
        %add3A_1364 = arith.addf %add3A_1361, %mul3A_1363 : vector<16xf32>
        %max3A_1365 = arith.constant 9.99999997E-7 : f32
        %max3A_1366 = vector.broadcast %max3A_1365 : f32 to vector<16xf32>
        %max3A_1367 = arith.maximumf %add3A_1364, %max3A_1366 : vector<16xf32>
        %div3A_1368 = arith.divf %add3A_1348, %max3A_1367 : vector<16xf32>
        %div3A_1369 = arith.divf %add3A_1356, %max3A_1367 : vector<16xf32>
        %gt3A_1370 = arith.constant 1.000000e-01 : f32
        %gt3A_1371 = vector.broadcast %gt3A_1370 : f32 to vector<16xf32>
        %gt3A_1372 = arith.cmpf ogt, %div3A_1295, %gt3A_1371 : vector<16xf32>
        %ge3A_1373 = arith.constant 0.000000e+00 : f32
        %ge3A_1374 = vector.broadcast %ge3A_1373 : f32 to vector<16xf32>
        %ge3A_1375 = arith.cmpf oge, %div3A_1368, %ge3A_1374 : vector<16xf32>
        %and3A_1376 = arith.andi %gt3A_1372, %ge3A_1375 : vector<16xi1>
        %lt3A_1377 = vector.broadcast %squeeze3A : f32 to vector<16xf32>
        %lt3A_1378 = arith.cmpf olt, %div3A_1368, %lt3A_1377 : vector<16xf32>
        %and3A_1379 = arith.andi %and3A_1376, %lt3A_1378 : vector<16xi1>
        %ge3A_1380 = arith.constant 0.000000e+00 : f32
        %ge3A_1381 = vector.broadcast %ge3A_1380 : f32 to vector<16xf32>
        %ge3A_1382 = arith.cmpf oge, %div3A_1369, %ge3A_1381 : vector<16xf32>
        %and3A_1383 = arith.andi %and3A_1379, %ge3A_1382 : vector<16xi1>
        %lt3A_1384 = vector.broadcast %squeeze3A_3 : f32 to vector<16xf32>
        %lt3A_1385 = arith.cmpf olt, %div3A_1369, %lt3A_1384 : vector<16xf32>
        %and3A_1386 = arith.andi %and3A_1383, %lt3A_1385 : vector<16xi1>
        %mul3A_1387 = vector.broadcast %squeeze3A_7 : f32 to vector<16xf32>
        %mul3A_1388 = arith.mulf %div3A_1368, %mul3A_1387 : vector<16xf32>
        %mul3A_1389 = arith.constant 2.000000e+00 : f32
        %mul3A_1390 = vector.broadcast %mul3A_1389 : f32 to vector<16xf32>
        %mul3A_1391 = arith.mulf %mul3A_1388, %mul3A_1390 : vector<16xf32>
        %sub3A_1392 = arith.constant 1.000000e+00 : f32
        %sub3A_1393 = vector.broadcast %sub3A_1392 : f32 to vector<16xf32>
        %sub3A_1394 = arith.subf %mul3A_1391, %sub3A_1393 : vector<16xf32>
        %add3A_1395 = arith.constant 1.000000e+00 : f32
        %add3A_1396 = vector.broadcast %add3A_1395 : f32 to vector<16xf32>
        %add3A_1397 = arith.addf %sub3A_1394, %add3A_1396 : vector<16xf32>
        %mul3A_1398 = arith.constant 5.000000e-01 : f32
        %mul3A_1399 = vector.broadcast %mul3A_1398 : f32 to vector<16xf32>
        %mul3A_1400 = arith.mulf %add3A_1397, %mul3A_1399 : vector<16xf32>
        %mul3A_1401 = arith.constant 6.300000e+01 : f32
        %mul3A_1402 = vector.broadcast %mul3A_1401 : f32 to vector<16xf32>
        %mul3A_1403 = arith.mulf %mul3A_1400, %mul3A_1402 : vector<16xf32>
        %mul3A_1404 = vector.broadcast %squeeze3A_9 : f32 to vector<16xf32>
        %mul3A_1405 = arith.mulf %div3A_1369, %mul3A_1404 : vector<16xf32>
        %mul3A_1406 = arith.constant 2.000000e+00 : f32
        %mul3A_1407 = vector.broadcast %mul3A_1406 : f32 to vector<16xf32>
        %mul3A_1408 = arith.mulf %mul3A_1405, %mul3A_1407 : vector<16xf32>
        %sub3A_1409 = arith.constant 1.000000e+00 : f32
        %sub3A_1410 = vector.broadcast %sub3A_1409 : f32 to vector<16xf32>
        %sub3A_1411 = arith.subf %mul3A_1408, %sub3A_1410 : vector<16xf32>
        %add3A_1412 = arith.constant 1.000000e+00 : f32
        %add3A_1413 = vector.broadcast %add3A_1412 : f32 to vector<16xf32>
        %add3A_1414 = arith.addf %sub3A_1411, %add3A_1413 : vector<16xf32>
        %mul3A_1415 = arith.constant 5.000000e-01 : f32
        %mul3A_1416 = vector.broadcast %mul3A_1415 : f32 to vector<16xf32>
        %mul3A_1417 = arith.mulf %add3A_1414, %mul3A_1416 : vector<16xf32>
        %mul3A_1418 = arith.constant 6.300000e+01 : f32
        %mul3A_1419 = vector.broadcast %mul3A_1418 : f32 to vector<16xf32>
        %mul3A_1420 = arith.mulf %mul3A_1417, %mul3A_1419 : vector<16xf32>
        %jit3A_1421 = arith.constant -4.000000e+00 : f32
        %jit3A_1422 = arith.constant 6.800000e+01 : f32
        %max3A_1423 = vector.broadcast %jit3A_1421 : f32 to vector<16xf32>
        %max3A_1424 = arith.maximumf %max3A_1423, %mul3A_1403 : vector<16xf32>
        %min3A_1425 = vector.broadcast %jit3A_1422 : f32 to vector<16xf32>
        %min3A_1426 = arith.minimumf %min3A_1425, %max3A_1424 : vector<16xf32>
        %jit3A_1427 = arith.constant -4.000000e+00 : f32
        %jit3A_1428 = arith.constant 6.800000e+01 : f32
        %max3A_1429 = vector.broadcast %jit3A_1427 : f32 to vector<16xf32>
        %max3A_1430 = arith.maximumf %max3A_1429, %mul3A_1420 : vector<16xf32>
        %min3A_1431 = vector.broadcast %jit3A_1428 : f32 to vector<16xf32>
        %min3A_1432 = arith.minimumf %min3A_1431, %max3A_1430 : vector<16xf32>
        %convert_element_type3A_1433 = arith.fptosi %min3A_1426 : vector<16xf32> to vector<16xi32>
        %convert_element_type3A_1434 = arith.sitofp %convert_element_type3A_1433 : vector<16xi32> to vector<16xf32>
        %convert_element_type3A_1435 = arith.fptosi %min3A_1432 : vector<16xf32> to vector<16xi32>
        %convert_element_type3A_1436 = arith.sitofp %convert_element_type3A_1435 : vector<16xi32> to vector<16xf32>
        %gt3A_1437 = arith.cmpf ogt, %convert_element_type3A_1434, %min3A_1426 : vector<16xf32>
        %jit3A_1438 = arith.constant 1.000000e+00 : f32
        %jit3A_1439 = arith.constant 0.000000e+00 : f32
        %broadcast_in_dim3A_1440 = vector.broadcast %jit3A_1438 : f32 to vector<16xf32>
        %broadcast_in_dim3A_1441 = vector.broadcast %jit3A_1439 : f32 to vector<16xf32>
        %select_n3A_1442 = arith.select %gt3A_1437, %broadcast_in_dim3A_1440, %broadcast_in_dim3A_1441 : vector<16xi1>, vector<16xf32>
        %sub3A_1443 = arith.subf %convert_element_type3A_1434, %select_n3A_1442 : vector<16xf32>
        %gt3A_1444 = arith.cmpf ogt, %convert_element_type3A_1436, %min3A_1432 : vector<16xf32>
        %jit3A_1445 = arith.constant 1.000000e+00 : f32
        %jit3A_1446 = arith.constant 0.000000e+00 : f32
        %broadcast_in_dim3A_1447 = vector.broadcast %jit3A_1445 : f32 to vector<16xf32>
        %broadcast_in_dim3A_1448 = vector.broadcast %jit3A_1446 : f32 to vector<16xf32>
        %select_n3A_1449 = arith.select %gt3A_1444, %broadcast_in_dim3A_1447, %broadcast_in_dim3A_1448 : vector<16xi1>, vector<16xf32>
        %sub3A_1450 = arith.subf %convert_element_type3A_1436, %select_n3A_1449 : vector<16xf32>
        %sub3A_1451 = arith.subf %min3A_1426, %sub3A_1443 : vector<16xf32>
        %sub3A_1452 = arith.constant 1.000000e+00 : f32
        %sub3A_1453 = vector.broadcast %sub3A_1452 : f32 to vector<16xf32>
        %sub3A_1454 = arith.subf %sub3A_1453, %sub3A_1451 : vector<16xf32>
        %sub3A_1455 = arith.subf %min3A_1432, %sub3A_1450 : vector<16xf32>
        %sub3A_1456 = arith.constant 1.000000e+00 : f32
        %sub3A_1457 = vector.broadcast %sub3A_1456 : f32 to vector<16xf32>
        %sub3A_1458 = arith.subf %sub3A_1457, %sub3A_1455 : vector<16xf32>
        %mul3A_1459 = arith.mulf %sub3A_1454, %sub3A_1458 : vector<16xf32>
        %add3A_1460 = arith.constant 1.000000e+00 : f32
        %add3A_1461 = vector.broadcast %add3A_1460 : f32 to vector<16xf32>
        %add3A_1462 = arith.addf %sub3A_1443, %add3A_1461 : vector<16xf32>
        %mul3A_1463 = arith.mulf %sub3A_1451, %sub3A_1458 : vector<16xf32>
        %add3A_1464 = arith.constant 1.000000e+00 : f32
        %add3A_1465 = vector.broadcast %add3A_1464 : f32 to vector<16xf32>
        %add3A_1466 = arith.addf %sub3A_1450, %add3A_1465 : vector<16xf32>
        %mul3A_1467 = arith.mulf %sub3A_1454, %sub3A_1455 : vector<16xf32>
        %add3A_1468 = arith.constant 1.000000e+00 : f32
        %add3A_1469 = vector.broadcast %add3A_1468 : f32 to vector<16xf32>
        %add3A_1470 = arith.addf %sub3A_1443, %add3A_1469 : vector<16xf32>
        %add3A_1471 = arith.constant 1.000000e+00 : f32
        %add3A_1472 = vector.broadcast %add3A_1471 : f32 to vector<16xf32>
        %add3A_1473 = arith.addf %sub3A_1450, %add3A_1472 : vector<16xf32>
        %mul3A_1474 = arith.mulf %sub3A_1451, %sub3A_1455 : vector<16xf32>
        %add3A_1475 = arith.constant 0 : i32
        %add3A_1476 = vector.broadcast %add3A_1475 : i32 to vector<16xi32>
        %add3A_1477 = arith.addi %add3A_1476, %iota3A : vector<16xi32>
        %ge3A_1478 = arith.constant 0.000000e+00 : f32
        %ge3A_1479 = vector.broadcast %ge3A_1478 : f32 to vector<16xf32>
        %ge3A_1480 = arith.cmpf oge, %sub3A_1443, %ge3A_1479 : vector<16xf32>
        %and3A_1481 = arith.andi %and3A_1386, %ge3A_1480 : vector<16xi1>
        %le3A_1482 = arith.constant 6.300000e+01 : f32
        %le3A_1483 = vector.broadcast %le3A_1482 : f32 to vector<16xf32>
        %le3A_1484 = arith.cmpf ole, %sub3A_1443, %le3A_1483 : vector<16xf32>
        %and3A_1485 = arith.andi %and3A_1481, %le3A_1484 : vector<16xi1>
        %ge3A_1486 = arith.constant 0.000000e+00 : f32
        %ge3A_1487 = vector.broadcast %ge3A_1486 : f32 to vector<16xf32>
        %ge3A_1488 = arith.cmpf oge, %sub3A_1450, %ge3A_1487 : vector<16xf32>
        %and3A_1489 = arith.andi %and3A_1485, %ge3A_1488 : vector<16xi1>
        %le3A_1490 = arith.constant 6.300000e+01 : f32
        %le3A_1491 = vector.broadcast %le3A_1490 : f32 to vector<16xf32>
        %le3A_1492 = arith.cmpf ole, %sub3A_1450, %le3A_1491 : vector<16xf32>
        %and3A_1493 = arith.andi %and3A_1489, %le3A_1492 : vector<16xi1>
        %jit3A_1494 = arith.constant 0.000000e+00 : f32
        %broadcast_in_dim3A_1495 = vector.broadcast %jit3A_1494 : f32 to vector<16xf32>
        %select_n3A_1496 = arith.select %and3A_1493, %mul3A_1459, %broadcast_in_dim3A_1495 : vector<16xi1>, vector<16xf32>
        %jit3A_1497 = arith.constant 0.000000e+00 : f32
        %jit3A_1498 = arith.constant 63 : i32
        %max3A_1499 = vector.broadcast %jit3A_1497 : f32 to vector<16xf32>
        %max3A_1500 = arith.maximumf %max3A_1499, %sub3A_1443 : vector<16xf32>
        %convert_element_type3A_1501 = arith.sitofp %jit3A_1498 : i32 to f32
        %min3A_1502 = vector.broadcast %convert_element_type3A_1501 : f32 to vector<16xf32>
        %min3A_1503 = arith.minimumf %min3A_1502, %max3A_1500 : vector<16xf32>
        %convert_element_type3A_1504 = arith.fptosi %min3A_1503 : vector<16xf32> to vector<16xi32>
        %jit3A_1505 = arith.constant 0.000000e+00 : f32
        %jit3A_1506 = arith.constant 63 : i32
        %max3A_1507 = vector.broadcast %jit3A_1505 : f32 to vector<16xf32>
        %max3A_1508 = arith.maximumf %max3A_1507, %sub3A_1450 : vector<16xf32>
        %convert_element_type3A_1509 = arith.sitofp %jit3A_1506 : i32 to f32
        %min3A_1510 = vector.broadcast %convert_element_type3A_1509 : f32 to vector<16xf32>
        %min3A_1511 = arith.minimumf %min3A_1510, %max3A_1508 : vector<16xf32>
        %convert_element_type3A_1512 = arith.fptosi %min3A_1511 : vector<16xf32> to vector<16xi32>
        %mul3A_1513 = arith.constant 64 : i32
        %mul3A_1514 = vector.broadcast %mul3A_1513 : i32 to vector<16xi32>
        %mul3A_1515 = arith.muli %convert_element_type3A_1512, %mul3A_1514 : vector<16xi32>
        %add3A_1516 = arith.addi %mul3A_1515, %convert_element_type3A_1504 : vector<16xi32>
        %mul3A_1517 = arith.constant 64 : i32
        %mul3A_1518 = arith.muli %scan3A_16, %mul3A_1517 : i32
        %mul3A_1519 = arith.constant 64 : i32
        %mul3A_1520 = arith.muli %mul3A_1518, %mul3A_1519 : i32
        %add3A_1521 = vector.broadcast %mul3A_1520 : i32 to vector<16xi32>
        %add3A_1522 = arith.addi %add3A_1516, %add3A_1521 : vector<16xi32>
        %swap3A_1523 = arith.constant 0 : index
        %swap3A_1524 = tpu.vector_load %arg14[%swap3A_1523] {strides = array<i32>} : memref<128xi32, #tpu.memory_space<vmem>>, vector<16xi32>,
        tpu.vector_store %arg14[%swap3A_1523], %add3A_1522 {strides = array<i32>} : memref<128xi32, #tpu.memory_space<vmem>>, vector<16xi32>,
        %swap3A_1525 = arith.constant 1 : i32
        %swap3A_1526 = arith.index_cast %swap3A_1525 : i32 to index
        %swap3A_1527 = arith.constant 0 : index
        %swap3A_1528 = tpu.vector_load %arg15[%swap3A_1526, %swap3A_1527] {strides = array<i32>} : memref<2x128xf32, #tpu.memory_space<vmem>>, vector<16xf32>,
        tpu.vector_store %arg15[%swap3A_1526, %swap3A_1527], %select_n3A_1496 {strides = array<i32>} : memref<2x128xf32, #tpu.memory_space<vmem>>, vector<16xf32>,
        %ge3A_1529 = arith.constant 0.000000e+00 : f32
        %ge3A_1530 = vector.broadcast %ge3A_1529 : f32 to vector<16xf32>
        %ge3A_1531 = arith.cmpf oge, %add3A_1462, %ge3A_1530 : vector<16xf32>
        %and3A_1532 = arith.andi %and3A_1386, %ge3A_1531 : vector<16xi1>
        %le3A_1533 = arith.constant 6.300000e+01 : f32
        %le3A_1534 = vector.broadcast %le3A_1533 : f32 to vector<16xf32>
        %le3A_1535 = arith.cmpf ole, %add3A_1462, %le3A_1534 : vector<16xf32>
        %and3A_1536 = arith.andi %and3A_1532, %le3A_1535 : vector<16xi1>
        %ge3A_1537 = arith.constant 0.000000e+00 : f32
        %ge3A_1538 = vector.broadcast %ge3A_1537 : f32 to vector<16xf32>
        %ge3A_1539 = arith.cmpf oge, %sub3A_1450, %ge3A_1538 : vector<16xf32>
        %and3A_1540 = arith.andi %and3A_1536, %ge3A_1539 : vector<16xi1>
        %le3A_1541 = arith.constant 6.300000e+01 : f32
        %le3A_1542 = vector.broadcast %le3A_1541 : f32 to vector<16xf32>
        %le3A_1543 = arith.cmpf ole, %sub3A_1450, %le3A_1542 : vector<16xf32>
        %and3A_1544 = arith.andi %and3A_1540, %le3A_1543 : vector<16xi1>
        %jit3A_1545 = arith.constant 0.000000e+00 : f32
        %broadcast_in_dim3A_1546 = vector.broadcast %jit3A_1545 : f32 to vector<16xf32>
        %select_n3A_1547 = arith.select %and3A_1544, %mul3A_1463, %broadcast_in_dim3A_1546 : vector<16xi1>, vector<16xf32>
        %jit3A_1548 = arith.constant 0.000000e+00 : f32
        %jit3A_1549 = arith.constant 63 : i32
        %max3A_1550 = vector.broadcast %jit3A_1548 : f32 to vector<16xf32>
        %max3A_1551 = arith.maximumf %max3A_1550, %add3A_1462 : vector<16xf32>
        %convert_element_type3A_1552 = arith.sitofp %jit3A_1549 : i32 to f32
        %min3A_1553 = vector.broadcast %convert_element_type3A_1552 : f32 to vector<16xf32>
        %min3A_1554 = arith.minimumf %min3A_1553, %max3A_1551 : vector<16xf32>
        %convert_element_type3A_1555 = arith.fptosi %min3A_1554 : vector<16xf32> to vector<16xi32>
        %jit3A_1556 = arith.constant 0.000000e+00 : f32
        %jit3A_1557 = arith.constant 63 : i32
        %max3A_1558 = vector.broadcast %jit3A_1556 : f32 to vector<16xf32>
        %max3A_1559 = arith.maximumf %max3A_1558, %sub3A_1450 : vector<16xf32>
        %convert_element_type3A_1560 = arith.sitofp %jit3A_1557 : i32 to f32
        %min3A_1561 = vector.broadcast %convert_element_type3A_1560 : f32 to vector<16xf32>
        %min3A_1562 = arith.minimumf %min3A_1561, %max3A_1559 : vector<16xf32>
        %convert_element_type3A_1563 = arith.fptosi %min3A_1562 : vector<16xf32> to vector<16xi32>
        %mul3A_1564 = arith.constant 64 : i32
        %mul3A_1565 = vector.broadcast %mul3A_1564 : i32 to vector<16xi32>
        %mul3A_1566 = arith.muli %convert_element_type3A_1563, %mul3A_1565 : vector<16xi32>
        %add3A_1567 = arith.addi %mul3A_1566, %convert_element_type3A_1555 : vector<16xi32>
        %mul3A_1568 = arith.constant 64 : i32
        %mul3A_1569 = arith.muli %scan3A_16, %mul3A_1568 : i32
        %mul3A_1570 = arith.constant 64 : i32
        %mul3A_1571 = arith.muli %mul3A_1569, %mul3A_1570 : i32
        %add3A_1572 = vector.broadcast %mul3A_1571 : i32 to vector<16xi32>
        %add3A_1573 = arith.addi %add3A_1567, %add3A_1572 : vector<16xi32>
        %swap3A_1574 = arith.constant 32 : index
        %swap3A_1575 = tpu.vector_load %arg14[%swap3A_1574] {strides = array<i32>} : memref<128xi32, #tpu.memory_space<vmem>>, vector<16xi32>,
        tpu.vector_store %arg14[%swap3A_1574], %add3A_1573 {strides = array<i32>} : memref<128xi32, #tpu.memory_space<vmem>>, vector<16xi32>,
        %swap3A_1576 = arith.constant 1 : i32
        %swap3A_1577 = arith.index_cast %swap3A_1576 : i32 to index
        %swap3A_1578 = arith.constant 32 : index
        %swap3A_1579 = tpu.vector_load %arg15[%swap3A_1577, %swap3A_1578] {strides = array<i32>} : memref<2x128xf32, #tpu.memory_space<vmem>>, vector<16xf32>,
        tpu.vector_store %arg15[%swap3A_1577, %swap3A_1578], %select_n3A_1547 {strides = array<i32>} : memref<2x128xf32, #tpu.memory_space<vmem>>, vector<16xf32>,
        %ge3A_1580 = arith.constant 0.000000e+00 : f32
        %ge3A_1581 = vector.broadcast %ge3A_1580 : f32 to vector<16xf32>
        %ge3A_1582 = arith.cmpf oge, %sub3A_1443, %ge3A_1581 : vector<16xf32>
        %and3A_1583 = arith.andi %and3A_1386, %ge3A_1582 : vector<16xi1>
        %le3A_1584 = arith.constant 6.300000e+01 : f32
        %le3A_1585 = vector.broadcast %le3A_1584 : f32 to vector<16xf32>
        %le3A_1586 = arith.cmpf ole, %sub3A_1443, %le3A_1585 : vector<16xf32>
        %and3A_1587 = arith.andi %and3A_1583, %le3A_1586 : vector<16xi1>
        %ge3A_1588 = arith.constant 0.000000e+00 : f32
        %ge3A_1589 = vector.broadcast %ge3A_1588 : f32 to vector<16xf32>
        %ge3A_1590 = arith.cmpf oge, %add3A_1466, %ge3A_1589 : vector<16xf32>
        %and3A_1591 = arith.andi %and3A_1587, %ge3A_1590 : vector<16xi1>
        %le3A_1592 = arith.constant 6.300000e+01 : f32
        %le3A_1593 = vector.broadcast %le3A_1592 : f32 to vector<16xf32>
        %le3A_1594 = arith.cmpf ole, %add3A_1466, %le3A_1593 : vector<16xf32>
        %and3A_1595 = arith.andi %and3A_1591, %le3A_1594 : vector<16xi1>
        %jit3A_1596 = arith.constant 0.000000e+00 : f32
        %broadcast_in_dim3A_1597 = vector.broadcast %jit3A_1596 : f32 to vector<16xf32>
        %select_n3A_1598 = arith.select %and3A_1595, %mul3A_1467, %broadcast_in_dim3A_1597 : vector<16xi1>, vector<16xf32>
        %jit3A_1599 = arith.constant 0.000000e+00 : f32
        %jit3A_1600 = arith.constant 63 : i32
        %max3A_1601 = vector.broadcast %jit3A_1599 : f32 to vector<16xf32>
        %max3A_1602 = arith.maximumf %max3A_1601, %sub3A_1443 : vector<16xf32>
        %convert_element_type3A_1603 = arith.sitofp %jit3A_1600 : i32 to f32
        %min3A_1604 = vector.broadcast %convert_element_type3A_1603 : f32 to vector<16xf32>
        %min3A_1605 = arith.minimumf %min3A_1604, %max3A_1602 : vector<16xf32>
        %convert_element_type3A_1606 = arith.fptosi %min3A_1605 : vector<16xf32> to vector<16xi32>
        %jit3A_1607 = arith.constant 0.000000e+00 : f32
        %jit3A_1608 = arith.constant 63 : i32
        %max3A_1609 = vector.broadcast %jit3A_1607 : f32 to vector<16xf32>
        %max3A_1610 = arith.maximumf %max3A_1609, %add3A_1466 : vector<16xf32>
        %convert_element_type3A_1611 = arith.sitofp %jit3A_1608 : i32 to f32
        %min3A_1612 = vector.broadcast %convert_element_type3A_1611 : f32 to vector<16xf32>
        %min3A_1613 = arith.minimumf %min3A_1612, %max3A_1610 : vector<16xf32>
        %convert_element_type3A_1614 = arith.fptosi %min3A_1613 : vector<16xf32> to vector<16xi32>
        %mul3A_1615 = arith.constant 64 : i32
        %mul3A_1616 = vector.broadcast %mul3A_1615 : i32 to vector<16xi32>
        %mul3A_1617 = arith.muli %convert_element_type3A_1614, %mul3A_1616 : vector<16xi32>
        %add3A_1618 = arith.addi %mul3A_1617, %convert_element_type3A_1606 : vector<16xi32>
        %mul3A_1619 = arith.constant 64 : i32
        %mul3A_1620 = arith.muli %scan3A_16, %mul3A_1619 : i32
        %mul3A_1621 = arith.constant 64 : i32
        %mul3A_1622 = arith.muli %mul3A_1620, %mul3A_1621 : i32
        %add3A_1623 = vector.broadcast %mul3A_1622 : i32 to vector<16xi32>
        %add3A_1624 = arith.addi %add3A_1618, %add3A_1623 : vector<16xi32>
        %swap3A_1625 = arith.constant 64 : index
        %swap3A_1626 = tpu.vector_load %arg14[%swap3A_1625] {strides = array<i32>} : memref<128xi32, #tpu.memory_space<vmem>>, vector<16xi32>,
        tpu.vector_store %arg14[%swap3A_1625], %add3A_1624 {strides = array<i32>} : memref<128xi32, #tpu.memory_space<vmem>>, vector<16xi32>,
        %swap3A_1627 = arith.constant 1 : i32
        %swap3A_1628 = arith.index_cast %swap3A_1627 : i32 to index
        %swap3A_1629 = arith.constant 64 : index
        %swap3A_1630 = tpu.vector_load %arg15[%swap3A_1628, %swap3A_1629] {strides = array<i32>} : memref<2x128xf32, #tpu.memory_space<vmem>>, vector<16xf32>,
        tpu.vector_store %arg15[%swap3A_1628, %swap3A_1629], %select_n3A_1598 {strides = array<i32>} : memref<2x128xf32, #tpu.memory_space<vmem>>, vector<16xf32>,
        %ge3A_1631 = arith.constant 0.000000e+00 : f32
        %ge3A_1632 = vector.broadcast %ge3A_1631 : f32 to vector<16xf32>
        %ge3A_1633 = arith.cmpf oge, %add3A_1470, %ge3A_1632 : vector<16xf32>
        %and3A_1634 = arith.andi %and3A_1386, %ge3A_1633 : vector<16xi1>
        %le3A_1635 = arith.constant 6.300000e+01 : f32
        %le3A_1636 = vector.broadcast %le3A_1635 : f32 to vector<16xf32>
        %le3A_1637 = arith.cmpf ole, %add3A_1470, %le3A_1636 : vector<16xf32>
        %and3A_1638 = arith.andi %and3A_1634, %le3A_1637 : vector<16xi1>
        %ge3A_1639 = arith.constant 0.000000e+00 : f32
        %ge3A_1640 = vector.broadcast %ge3A_1639 : f32 to vector<16xf32>
        %ge3A_1641 = arith.cmpf oge, %add3A_1473, %ge3A_1640 : vector<16xf32>
        %and3A_1642 = arith.andi %and3A_1638, %ge3A_1641 : vector<16xi1>
        %le3A_1643 = arith.constant 6.300000e+01 : f32
        %le3A_1644 = vector.broadcast %le3A_1643 : f32 to vector<16xf32>
        %le3A_1645 = arith.cmpf ole, %add3A_1473, %le3A_1644 : vector<16xf32>
        %and3A_1646 = arith.andi %and3A_1642, %le3A_1645 : vector<16xi1>
        %jit3A_1647 = arith.constant 0.000000e+00 : f32
        %broadcast_in_dim3A_1648 = vector.broadcast %jit3A_1647 : f32 to vector<16xf32>
        %select_n3A_1649 = arith.select %and3A_1646, %mul3A_1474, %broadcast_in_dim3A_1648 : vector<16xi1>, vector<16xf32>
        %jit3A_1650 = arith.constant 0.000000e+00 : f32
        %jit3A_1651 = arith.constant 63 : i32
        %max3A_1652 = vector.broadcast %jit3A_1650 : f32 to vector<16xf32>
        %max3A_1653 = arith.maximumf %max3A_1652, %add3A_1470 : vector<16xf32>
        %convert_element_type3A_1654 = arith.sitofp %jit3A_1651 : i32 to f32
        %min3A_1655 = vector.broadcast %convert_element_type3A_1654 : f32 to vector<16xf32>
        %min3A_1656 = arith.minimumf %min3A_1655, %max3A_1653 : vector<16xf32>
        %convert_element_type3A_1657 = arith.fptosi %min3A_1656 : vector<16xf32> to vector<16xi32>
        %jit3A_1658 = arith.constant 0.000000e+00 : f32
        %jit3A_1659 = arith.constant 63 : i32
        %max3A_1660 = vector.broadcast %jit3A_1658 : f32 to vector<16xf32>
        %max3A_1661 = arith.maximumf %max3A_1660, %add3A_1473 : vector<16xf32>
        %convert_element_type3A_1662 = arith.sitofp %jit3A_1659 : i32 to f32
        %min3A_1663 = vector.broadcast %convert_element_type3A_1662 : f32 to vector<16xf32>
        %min3A_1664 = arith.minimumf %min3A_1663, %max3A_1661 : vector<16xf32>
        %convert_element_type3A_1665 = arith.fptosi %min3A_1664 : vector<16xf32> to vector<16xi32>
        %mul3A_1666 = arith.constant 64 : i32
        %mul3A_1667 = vector.broadcast %mul3A_1666 : i32 to vector<16xi32>
        %mul3A_1668 = arith.muli %convert_element_type3A_1665, %mul3A_1667 : vector<16xi32>
        %add3A_1669 = arith.addi %mul3A_1668, %convert_element_type3A_1657 : vector<16xi32>
        %mul3A_1670 = arith.constant 64 : i32
        %mul3A_1671 = arith.muli %scan3A_16, %mul3A_1670 : i32
        %mul3A_1672 = arith.constant 64 : i32
        %mul3A_1673 = arith.muli %mul3A_1671, %mul3A_1672 : i32
        %add3A_1674 = vector.broadcast %mul3A_1673 : i32 to vector<16xi32>
        %add3A_1675 = arith.addi %add3A_1669, %add3A_1674 : vector<16xi32>
        %swap3A_1676 = arith.constant 96 : index
        %swap3A_1677 = tpu.vector_load %arg14[%swap3A_1676] {strides = array<i32>} : memref<128xi32, #tpu.memory_space<vmem>>, vector<16xi32>,
        tpu.vector_store %arg14[%swap3A_1676], %add3A_1675 {strides = array<i32>} : memref<128xi32, #tpu.memory_space<vmem>>, vector<16xi32>,
        %swap3A_1678 = arith.constant 1 : i32
        %swap3A_1679 = arith.index_cast %swap3A_1678 : i32 to index
        %swap3A_1680 = arith.constant 96 : index
        %swap3A_1681 = tpu.vector_load %arg15[%swap3A_1679, %swap3A_1680] {strides = array<i32>} : memref<2x128xf32, #tpu.memory_space<vmem>>, vector<16xf32>,
        tpu.vector_store %arg15[%swap3A_1679, %swap3A_1680], %select_n3A_1649 {strides = array<i32>} : memref<2x128xf32, #tpu.memory_space<vmem>>, vector<16xf32>,
        %jit3A_1682 = arith.constant 1 : i32
        %jit3A_1683 = arith.constant 0 : i32
        %broadcast_in_dim3A_1684 = vector.broadcast %jit3A_1682 : i32 to vector<16xi32>
        %broadcast_in_dim3A_1685 = vector.broadcast %jit3A_1683 : i32 to vector<16xi32>
        %select_n3A_1686 = arith.select %and3A_1386, %broadcast_in_dim3A_1684, %broadcast_in_dim3A_1685 : vector<16xi1>, vector<16xi32>
        %mul3A_1687 = arith.constant 32 : i32
        %mul3A_1688 = arith.muli %add3A_1180, %mul3A_1687 : i32
        %add3A_1689 = arith.constant 0 : i32
        %add3A_1690 = arith.addi %mul3A_1688, %add3A_1689 : i32
        %swap3A_1691 = arith.index_cast %add3A_1690 : i32 to index
        %swap3A_1692 = tpu.vector_load %arg18[%swap3A_1691] {strides = array<i32>} : memref<2048xi32, #tpu.memory_space<vmem>>, vector<16xi32>,
        tpu.vector_store %arg18[%swap3A_1691], %select_n3A_1686 {strides = array<i32>} : memref<2048xi32, #tpu.memory_space<vmem>>, vector<16xi32>,
        %mul3A_1693 = arith.constant 259 : i32
        %mul3A_1694 = vector.broadcast %mul3A_1693 : i32 to vector<16xi32>
        %mul3A_1695 = arith.muli %add3A_1477, %mul3A_1694 : vector<16xi32>
        %add3A_1696 = arith.constant 8288 : i32
        %add3A_1697 = vector.broadcast %add3A_1696 : i32 to vector<16xi32>
        %add3A_1698 = arith.addi %add3A_1697, %mul3A_1695 : vector<16xi32>
        %add3A_1699 = arith.constant 256 : i32
        %add3A_1700 = vector.broadcast %add3A_1699 : i32 to vector<16xi32>
        %add3A_1701 = arith.addi %add3A_1698, %add3A_1700 : vector<16xi32>
        tpu.vector_store_idx %arg17[%add3A_1701], %gather3A_1190 : memref<16576xf32, #tpu.memory_space<vmem>>[vector<16xi32>], vector<16xf32>,
        %add3A_1702 = arith.constant 1 : i32
        %add3A_1703 = vector.broadcast %add3A_1702 : i32 to vector<16xi32>
        %add3A_1704 = arith.addi %add3A_1701, %add3A_1703 : vector<16xi32>
        tpu.vector_store_idx %arg17[%add3A_1704], %gather3A_1197 : memref<16576xf32, #tpu.memory_space<vmem>>[vector<16xi32>], vector<16xf32>,
        %add3A_1705 = arith.constant 2 : i32
        %add3A_1706 = vector.broadcast %add3A_1705 : i32 to vector<16xi32>
        %add3A_1707 = arith.addi %add3A_1701, %add3A_1706 : vector<16xi32>
        tpu.vector_store_idx %arg17[%add3A_1707], %gather3A_1204 : memref<16576xf32, #tpu.memory_space<vmem>>[vector<16xi32>], vector<16xf32>,
        %mul3A_1708 = arith.constant 32 : i32
        %mul3A_1709 = arith.muli %add3A_1180, %mul3A_1708 : i32
        %add3A_1710 = arith.constant 16 : i32
        %add3A_1711 = arith.addi %mul3A_1709, %add3A_1710 : i32
        %add3A_1712 = vector.broadcast %add3A_1711 : i32 to vector<16xi32>
        %add3A_1713 = arith.addi %add3A_1712, %iota3A : vector<16xi32>
        %mul3A_1714 = arith.constant 3 : i32
        %mul3A_1715 = vector.broadcast %mul3A_1714 : i32 to vector<16xi32>
        %mul3A_1716 = arith.muli %mul3A_1715, %add3A_1713 : vector<16xi32>
        %gather3A_1717 = tpu.vector_load_idx %arg12[%mul3A_1716] : memref<6144xf32, #tpu.memory_space<vmem>>[vector<16xi32>], vector<16xf32>,
        %mul3A_1718 = arith.constant 3 : i32
        %mul3A_1719 = vector.broadcast %mul3A_1718 : i32 to vector<16xi32>
        %mul3A_1720 = arith.muli %mul3A_1719, %add3A_1713 : vector<16xi32>
        %add3A_1721 = arith.constant 1 : i32
        %add3A_1722 = vector.broadcast %add3A_1721 : i32 to vector<16xi32>
        %add3A_1723 = arith.addi %mul3A_1720, %add3A_1722 : vector<16xi32>
        %gather3A_1724 = tpu.vector_load_idx %arg12[%add3A_1723] : memref<6144xf32, #tpu.memory_space<vmem>>[vector<16xi32>], vector<16xf32>,
        %mul3A_1725 = arith.constant 3 : i32
        %mul3A_1726 = vector.broadcast %mul3A_1725 : i32 to vector<16xi32>
        %mul3A_1727 = arith.muli %mul3A_1726, %add3A_1713 : vector<16xi32>
        %add3A_1728 = arith.constant 2 : i32
        %add3A_1729 = vector.broadcast %add3A_1728 : i32 to vector<16xi32>
        %add3A_1730 = arith.addi %mul3A_1727, %add3A_1729 : vector<16xi32>
        %gather3A_1731 = tpu.vector_load_idx %arg12[%add3A_1730] : memref<6144xf32, #tpu.memory_space<vmem>>[vector<16xi32>], vector<16xf32>,
        %bitcast3A_1732 = vector.bitcast %gather3A_1717 : vector<16xf32> to vector<16xi32>
        %add3A_1733 = arith.constant 32767 : i32
        %add3A_1734 = vector.broadcast %add3A_1733 : i32 to vector<16xi32>
        %add3A_1735 = arith.addi %bitcast3A_1732, %add3A_1734 : vector<16xi32>
        %shift_right_logical3A_1736 = arith.constant 16 : i32
        %shift_right_logical3A_1737 = vector.broadcast %shift_right_logical3A_1736 : i32 to vector<16xi32>
        %shift_right_logical3A_1738 = arith.shrui %bitcast3A_1732, %shift_right_logical3A_1737 : vector<16xi32>
        %and3A_1739 = arith.constant 1 : i32
        %and3A_1740 = vector.broadcast %and3A_1739 : i32 to vector<16xi32>
        %and3A_1741 = arith.andi %shift_right_logical3A_1738, %and3A_1740 : vector<16xi32>
        %add3A_1742 = arith.addi %add3A_1735, %and3A_1741 : vector<16xi32>
        %and3A_1743 = arith.constant -65536 : i32
        %and3A_1744 = vector.broadcast %and3A_1743 : i32 to vector<16xi32>
        %and3A_1745 = arith.andi %add3A_1742, %and3A_1744 : vector<16xi32>
        %bitcast3A_1746 = vector.bitcast %and3A_1745 : vector<16xi32> to vector<16xf32>
        %bitcast3A_1747 = vector.bitcast %gather3A_1724 : vector<16xf32> to vector<16xi32>
        %add3A_1748 = arith.constant 32767 : i32
        %add3A_1749 = vector.broadcast %add3A_1748 : i32 to vector<16xi32>
        %add3A_1750 = arith.addi %bitcast3A_1747, %add3A_1749 : vector<16xi32>
        %shift_right_logical3A_1751 = arith.constant 16 : i32
        %shift_right_logical3A_1752 = vector.broadcast %shift_right_logical3A_1751 : i32 to vector<16xi32>
        %shift_right_logical3A_1753 = arith.shrui %bitcast3A_1747, %shift_right_logical3A_1752 : vector<16xi32>
        %and3A_1754 = arith.constant 1 : i32
        %and3A_1755 = vector.broadcast %and3A_1754 : i32 to vector<16xi32>
        %and3A_1756 = arith.andi %shift_right_logical3A_1753, %and3A_1755 : vector<16xi32>
        %add3A_1757 = arith.addi %add3A_1750, %and3A_1756 : vector<16xi32>
        %and3A_1758 = arith.constant -65536 : i32
        %and3A_1759 = vector.broadcast %and3A_1758 : i32 to vector<16xi32>
        %and3A_1760 = arith.andi %add3A_1757, %and3A_1759 : vector<16xi32>
        %bitcast3A_1761 = vector.bitcast %and3A_1760 : vector<16xi32> to vector<16xf32>
        %bitcast3A_1762 = vector.bitcast %gather3A_1731 : vector<16xf32> to vector<16xi32>
        %add3A_1763 = arith.constant 32767 : i32
        %add3A_1764 = vector.broadcast %add3A_1763 : i32 to vector<16xi32>
        %add3A_1765 = arith.addi %bitcast3A_1762, %add3A_1764 : vector<16xi32>
        %shift_right_logical3A_1766 = arith.constant 16 : i32
        %shift_right_logical3A_1767 = vector.broadcast %shift_right_logical3A_1766 : i32 to vector<16xi32>
        %shift_right_logical3A_1768 = arith.shrui %bitcast3A_1762, %shift_right_logical3A_1767 : vector<16xi32>
        %and3A_1769 = arith.constant 1 : i32
        %and3A_1770 = vector.broadcast %and3A_1769 : i32 to vector<16xi32>
        %and3A_1771 = arith.andi %shift_right_logical3A_1768, %and3A_1770 : vector<16xi32>
        %add3A_1772 = arith.addi %add3A_1765, %and3A_1771 : vector<16xi32>
        %and3A_1773 = arith.constant -65536 : i32
        %and3A_1774 = vector.broadcast %and3A_1773 : i32 to vector<16xi32>
        %and3A_1775 = arith.andi %add3A_1772, %and3A_1774 : vector<16xi32>
        %bitcast3A_1776 = vector.bitcast %and3A_1775 : vector<16xi32> to vector<16xf32>
        %mul3A_1777 = vector.broadcast %squeeze3A_61 : f32 to vector<16xf32>
        %mul3A_1778 = arith.mulf %mul3A_1777, %bitcast3A_1746 : vector<16xf32>
        %mul3A_1779 = vector.broadcast %squeeze3A_63 : f32 to vector<16xf32>
        %mul3A_1780 = arith.mulf %mul3A_1779, %bitcast3A_1761 : vector<16xf32>
        %add3A_1781 = arith.addf %mul3A_1778, %mul3A_1780 : vector<16xf32>
        %mul3A_1782 = vector.broadcast %squeeze3A_65 : f32 to vector<16xf32>
        %mul3A_1783 = arith.mulf %mul3A_1782, %bitcast3A_1776 : vector<16xf32>
        %add3A_1784 = arith.addf %add3A_1781, %mul3A_1783 : vector<16xf32>
        %add3A_1785 = vector.broadcast %squeeze3A_67 : f32 to vector<16xf32>
        %add3A_1786 = arith.addf %add3A_1784, %add3A_1785 : vector<16xf32>
        %mul3A_1787 = vector.broadcast %squeeze3A_69 : f32 to vector<16xf32>
        %mul3A_1788 = arith.mulf %mul3A_1787, %bitcast3A_1746 : vector<16xf32>
        %mul3A_1789 = vector.broadcast %squeeze3A_71 : f32 to vector<16xf32>
        %mul3A_1790 = arith.mulf %mul3A_1789, %bitcast3A_1761 : vector<16xf32>
        %add3A_1791 = arith.addf %mul3A_1788, %mul3A_1790 : vector<16xf32>
        %mul3A_1792 = vector.broadcast %squeeze3A_73 : f32 to vector<16xf32>
        %mul3A_1793 = arith.mulf %mul3A_1792, %bitcast3A_1776 : vector<16xf32>
        %add3A_1794 = arith.addf %add3A_1791, %mul3A_1793 : vector<16xf32>
        %add3A_1795 = vector.broadcast %squeeze3A_75 : f32 to vector<16xf32>
        %add3A_1796 = arith.addf %add3A_1794, %add3A_1795 : vector<16xf32>
        %mul3A_1797 = vector.broadcast %squeeze3A_77 : f32 to vector<16xf32>
        %mul3A_1798 = arith.mulf %mul3A_1797, %bitcast3A_1746 : vector<16xf32>
        %mul3A_1799 = vector.broadcast %squeeze3A_79 : f32 to vector<16xf32>
        %mul3A_1800 = arith.mulf %mul3A_1799, %bitcast3A_1761 : vector<16xf32>
        %add3A_1801 = arith.addf %mul3A_1798, %mul3A_1800 : vector<16xf32>
        %mul3A_1802 = vector.broadcast %squeeze3A_81 : f32 to vector<16xf32>
        %mul3A_1803 = arith.mulf %mul3A_1802, %bitcast3A_1776 : vector<16xf32>
        %add3A_1804 = arith.addf %add3A_1801, %mul3A_1803 : vector<16xf32>
        %add3A_1805 = vector.broadcast %squeeze3A_83 : f32 to vector<16xf32>
        %add3A_1806 = arith.addf %add3A_1804, %add3A_1805 : vector<16xf32>
        %mul3A_1807 = vector.broadcast %squeeze3A_85 : f32 to vector<16xf32>
        %mul3A_1808 = arith.mulf %mul3A_1807, %bitcast3A_1746 : vector<16xf32>
        %mul3A_1809 = vector.broadcast %squeeze3A_87 : f32 to vector<16xf32>
        %mul3A_1810 = arith.mulf %mul3A_1809, %bitcast3A_1761 : vector<16xf32>
        %add3A_1811 = arith.addf %mul3A_1808, %mul3A_1810 : vector<16xf32>
        %mul3A_1812 = vector.broadcast %squeeze3A_89 : f32 to vector<16xf32>
        %mul3A_1813 = arith.mulf %mul3A_1812, %bitcast3A_1776 : vector<16xf32>
        %add3A_1814 = arith.addf %add3A_1811, %mul3A_1813 : vector<16xf32>
        %add3A_1815 = vector.broadcast %squeeze3A_91 : f32 to vector<16xf32>
        %add3A_1816 = arith.addf %add3A_1814, %add3A_1815 : vector<16xf32>
        %max3A_1817 = arith.constant 9.99999997E-7 : f32
        %max3A_1818 = vector.broadcast %max3A_1817 : f32 to vector<16xf32>
        %max3A_1819 = arith.maximumf %add3A_1816, %max3A_1818 : vector<16xf32>
        %div3A_1820 = arith.divf %add3A_1786, %max3A_1819 : vector<16xf32>
        %div3A_1821 = arith.divf %add3A_1796, %max3A_1819 : vector<16xf32>
        %div3A_1822 = arith.divf %add3A_1806, %max3A_1819 : vector<16xf32>
        %bitcast3A_1823 = vector.bitcast %div3A_1820 : vector<16xf32> to vector<16xi32>
        %add3A_1824 = arith.constant 32767 : i32
        %add3A_1825 = vector.broadcast %add3A_1824 : i32 to vector<16xi32>
        %add3A_1826 = arith.addi %bitcast3A_1823, %add3A_1825 : vector<16xi32>
        %shift_right_logical3A_1827 = arith.constant 16 : i32
        %shift_right_logical3A_1828 = vector.broadcast %shift_right_logical3A_1827 : i32 to vector<16xi32>
        %shift_right_logical3A_1829 = arith.shrui %bitcast3A_1823, %shift_right_logical3A_1828 : vector<16xi32>
        %and3A_1830 = arith.constant 1 : i32
        %and3A_1831 = vector.broadcast %and3A_1830 : i32 to vector<16xi32>
        %and3A_1832 = arith.andi %shift_right_logical3A_1829, %and3A_1831 : vector<16xi32>
        %add3A_1833 = arith.addi %add3A_1826, %and3A_1832 : vector<16xi32>
        %and3A_1834 = arith.constant -65536 : i32
        %and3A_1835 = vector.broadcast %and3A_1834 : i32 to vector<16xi32>
        %and3A_1836 = arith.andi %add3A_1833, %and3A_1835 : vector<16xi32>
        %bitcast3A_1837 = vector.bitcast %and3A_1836 : vector<16xi32> to vector<16xf32>
        %bitcast3A_1838 = vector.bitcast %div3A_1821 : vector<16xf32> to vector<16xi32>
        %add3A_1839 = arith.constant 32767 : i32
        %add3A_1840 = vector.broadcast %add3A_1839 : i32 to vector<16xi32>
        %add3A_1841 = arith.addi %bitcast3A_1838, %add3A_1840 : vector<16xi32>
        %shift_right_logical3A_1842 = arith.constant 16 : i32
        %shift_right_logical3A_1843 = vector.broadcast %shift_right_logical3A_1842 : i32 to vector<16xi32>
        %shift_right_logical3A_1844 = arith.shrui %bitcast3A_1838, %shift_right_logical3A_1843 : vector<16xi32>
        %and3A_1845 = arith.constant 1 : i32
        %and3A_1846 = vector.broadcast %and3A_1845 : i32 to vector<16xi32>
        %and3A_1847 = arith.andi %shift_right_logical3A_1844, %and3A_1846 : vector<16xi32>
        %add3A_1848 = arith.addi %add3A_1841, %and3A_1847 : vector<16xi32>
        %and3A_1849 = arith.constant -65536 : i32
        %and3A_1850 = vector.broadcast %and3A_1849 : i32 to vector<16xi32>
        %and3A_1851 = arith.andi %add3A_1848, %and3A_1850 : vector<16xi32>
        %bitcast3A_1852 = vector.bitcast %and3A_1851 : vector<16xi32> to vector<16xf32>
        %bitcast3A_1853 = vector.bitcast %div3A_1822 : vector<16xf32> to vector<16xi32>
        %add3A_1854 = arith.constant 32767 : i32
        %add3A_1855 = vector.broadcast %add3A_1854 : i32 to vector<16xi32>
        %add3A_1856 = arith.addi %bitcast3A_1853, %add3A_1855 : vector<16xi32>
        %shift_right_logical3A_1857 = arith.constant 16 : i32
        %shift_right_logical3A_1858 = vector.broadcast %shift_right_logical3A_1857 : i32 to vector<16xi32>
        %shift_right_logical3A_1859 = arith.shrui %bitcast3A_1853, %shift_right_logical3A_1858 : vector<16xi32>
        %and3A_1860 = arith.constant 1 : i32
        %and3A_1861 = vector.broadcast %and3A_1860 : i32 to vector<16xi32>
        %and3A_1862 = arith.andi %shift_right_logical3A_1859, %and3A_1861 : vector<16xi32>
        %add3A_1863 = arith.addi %add3A_1856, %and3A_1862 : vector<16xi32>
        %and3A_1864 = arith.constant -65536 : i32
        %and3A_1865 = vector.broadcast %and3A_1864 : i32 to vector<16xi32>
        %and3A_1866 = arith.andi %add3A_1863, %and3A_1865 : vector<16xi32>
        %bitcast3A_1867 = vector.bitcast %and3A_1866 : vector<16xi32> to vector<16xf32>
        %mul3A_1868 = vector.broadcast %squeeze3A_93 : f32 to vector<16xf32>
        %mul3A_1869 = arith.mulf %mul3A_1868, %bitcast3A_1837 : vector<16xf32>
        %mul3A_1870 = vector.broadcast %squeeze3A_95 : f32 to vector<16xf32>
        %mul3A_1871 = arith.mulf %mul3A_1870, %bitcast3A_1852 : vector<16xf32>
        %add3A_1872 = arith.addf %mul3A_1869, %mul3A_1871 : vector<16xf32>
        %mul3A_1873 = vector.broadcast %squeeze3A_97 : f32 to vector<16xf32>
        %mul3A_1874 = arith.mulf %mul3A_1873, %bitcast3A_1867 : vector<16xf32>
        %add3A_1875 = arith.addf %add3A_1872, %mul3A_1874 : vector<16xf32>
        %mul3A_1876 = vector.broadcast %squeeze3A_99 : f32 to vector<16xf32>
        %mul3A_1877 = arith.mulf %mul3A_1876, %bitcast3A_1837 : vector<16xf32>
        %mul3A_1878 = vector.broadcast %squeeze3A_101 : f32 to vector<16xf32>
        %mul3A_1879 = arith.mulf %mul3A_1878, %bitcast3A_1852 : vector<16xf32>
        %add3A_1880 = arith.addf %mul3A_1877, %mul3A_1879 : vector<16xf32>
        %mul3A_1881 = vector.broadcast %squeeze3A_103 : f32 to vector<16xf32>
        %mul3A_1882 = arith.mulf %mul3A_1881, %bitcast3A_1867 : vector<16xf32>
        %add3A_1883 = arith.addf %add3A_1880, %mul3A_1882 : vector<16xf32>
        %mul3A_1884 = vector.broadcast %squeeze3A_105 : f32 to vector<16xf32>
        %mul3A_1885 = arith.mulf %mul3A_1884, %bitcast3A_1837 : vector<16xf32>
        %mul3A_1886 = vector.broadcast %squeeze3A_107 : f32 to vector<16xf32>
        %mul3A_1887 = arith.mulf %mul3A_1886, %bitcast3A_1852 : vector<16xf32>
        %add3A_1888 = arith.addf %mul3A_1885, %mul3A_1887 : vector<16xf32>
        %mul3A_1889 = vector.broadcast %squeeze3A_109 : f32 to vector<16xf32>
        %mul3A_1890 = arith.mulf %mul3A_1889, %bitcast3A_1867 : vector<16xf32>
        %add3A_1891 = arith.addf %add3A_1888, %mul3A_1890 : vector<16xf32>
        %max3A_1892 = arith.constant 9.99999997E-7 : f32
        %max3A_1893 = vector.broadcast %max3A_1892 : f32 to vector<16xf32>
        %max3A_1894 = arith.maximumf %add3A_1891, %max3A_1893 : vector<16xf32>
        %div3A_1895 = arith.divf %add3A_1875, %max3A_1894 : vector<16xf32>
        %div3A_1896 = arith.divf %add3A_1883, %max3A_1894 : vector<16xf32>
        %gt3A_1897 = arith.constant 1.000000e-01 : f32
        %gt3A_1898 = vector.broadcast %gt3A_1897 : f32 to vector<16xf32>
        %gt3A_1899 = arith.cmpf ogt, %div3A_1822, %gt3A_1898 : vector<16xf32>
        %ge3A_1900 = arith.constant 0.000000e+00 : f32
        %ge3A_1901 = vector.broadcast %ge3A_1900 : f32 to vector<16xf32>
        %ge3A_1902 = arith.cmpf oge, %div3A_1895, %ge3A_1901 : vector<16xf32>
        %and3A_1903 = arith.andi %gt3A_1899, %ge3A_1902 : vector<16xi1>
        %lt3A_1904 = vector.broadcast %squeeze3A : f32 to vector<16xf32>
        %lt3A_1905 = arith.cmpf olt, %div3A_1895, %lt3A_1904 : vector<16xf32>
        %and3A_1906 = arith.andi %and3A_1903, %lt3A_1905 : vector<16xi1>
        %ge3A_1907 = arith.constant 0.000000e+00 : f32
        %ge3A_1908 = vector.broadcast %ge3A_1907 : f32 to vector<16xf32>
        %ge3A_1909 = arith.cmpf oge, %div3A_1896, %ge3A_1908 : vector<16xf32>
        %and3A_1910 = arith.andi %and3A_1906, %ge3A_1909 : vector<16xi1>
        %lt3A_1911 = vector.broadcast %squeeze3A_3 : f32 to vector<16xf32>
        %lt3A_1912 = arith.cmpf olt, %div3A_1896, %lt3A_1911 : vector<16xf32>
        %and3A_1913 = arith.andi %and3A_1910, %lt3A_1912 : vector<16xi1>
        %mul3A_1914 = vector.broadcast %squeeze3A_7 : f32 to vector<16xf32>
        %mul3A_1915 = arith.mulf %div3A_1895, %mul3A_1914 : vector<16xf32>
        %mul3A_1916 = arith.constant 2.000000e+00 : f32
        %mul3A_1917 = vector.broadcast %mul3A_1916 : f32 to vector<16xf32>
        %mul3A_1918 = arith.mulf %mul3A_1915, %mul3A_1917 : vector<16xf32>
        %sub3A_1919 = arith.constant 1.000000e+00 : f32
        %sub3A_1920 = vector.broadcast %sub3A_1919 : f32 to vector<16xf32>
        %sub3A_1921 = arith.subf %mul3A_1918, %sub3A_1920 : vector<16xf32>
        %add3A_1922 = arith.constant 1.000000e+00 : f32
        %add3A_1923 = vector.broadcast %add3A_1922 : f32 to vector<16xf32>
        %add3A_1924 = arith.addf %sub3A_1921, %add3A_1923 : vector<16xf32>
        %mul3A_1925 = arith.constant 5.000000e-01 : f32
        %mul3A_1926 = vector.broadcast %mul3A_1925 : f32 to vector<16xf32>
        %mul3A_1927 = arith.mulf %add3A_1924, %mul3A_1926 : vector<16xf32>
        %mul3A_1928 = arith.constant 6.300000e+01 : f32
        %mul3A_1929 = vector.broadcast %mul3A_1928 : f32 to vector<16xf32>
        %mul3A_1930 = arith.mulf %mul3A_1927, %mul3A_1929 : vector<16xf32>
        %mul3A_1931 = vector.broadcast %squeeze3A_9 : f32 to vector<16xf32>
        %mul3A_1932 = arith.mulf %div3A_1896, %mul3A_1931 : vector<16xf32>
        %mul3A_1933 = arith.constant 2.000000e+00 : f32
        %mul3A_1934 = vector.broadcast %mul3A_1933 : f32 to vector<16xf32>
        %mul3A_1935 = arith.mulf %mul3A_1932, %mul3A_1934 : vector<16xf32>
        %sub3A_1936 = arith.constant 1.000000e+00 : f32
        %sub3A_1937 = vector.broadcast %sub3A_1936 : f32 to vector<16xf32>
        %sub3A_1938 = arith.subf %mul3A_1935, %sub3A_1937 : vector<16xf32>
        %add3A_1939 = arith.constant 1.000000e+00 : f32
        %add3A_1940 = vector.broadcast %add3A_1939 : f32 to vector<16xf32>
        %add3A_1941 = arith.addf %sub3A_1938, %add3A_1940 : vector<16xf32>
        %mul3A_1942 = arith.constant 5.000000e-01 : f32
        %mul3A_1943 = vector.broadcast %mul3A_1942 : f32 to vector<16xf32>
        %mul3A_1944 = arith.mulf %add3A_1941, %mul3A_1943 : vector<16xf32>
        %mul3A_1945 = arith.constant 6.300000e+01 : f32
        %mul3A_1946 = vector.broadcast %mul3A_1945 : f32 to vector<16xf32>
        %mul3A_1947 = arith.mulf %mul3A_1944, %mul3A_1946 : vector<16xf32>
        %jit3A_1948 = arith.constant -4.000000e+00 : f32
        %jit3A_1949 = arith.constant 6.800000e+01 : f32
        %max3A_1950 = vector.broadcast %jit3A_1948 : f32 to vector<16xf32>
        %max3A_1951 = arith.maximumf %max3A_1950, %mul3A_1930 : vector<16xf32>
        %min3A_1952 = vector.broadcast %jit3A_1949 : f32 to vector<16xf32>
        %min3A_1953 = arith.minimumf %min3A_1952, %max3A_1951 : vector<16xf32>
        %jit3A_1954 = arith.constant -4.000000e+00 : f32
        %jit3A_1955 = arith.constant 6.800000e+01 : f32
        %max3A_1956 = vector.broadcast %jit3A_1954 : f32 to vector<16xf32>
        %max3A_1957 = arith.maximumf %max3A_1956, %mul3A_1947 : vector<16xf32>
        %min3A_1958 = vector.broadcast %jit3A_1955 : f32 to vector<16xf32>
        %min3A_1959 = arith.minimumf %min3A_1958, %max3A_1957 : vector<16xf32>
        %convert_element_type3A_1960 = arith.fptosi %min3A_1953 : vector<16xf32> to vector<16xi32>
        %convert_element_type3A_1961 = arith.sitofp %convert_element_type3A_1960 : vector<16xi32> to vector<16xf32>
        %convert_element_type3A_1962 = arith.fptosi %min3A_1959 : vector<16xf32> to vector<16xi32>
        %convert_element_type3A_1963 = arith.sitofp %convert_element_type3A_1962 : vector<16xi32> to vector<16xf32>
        %gt3A_1964 = arith.cmpf ogt, %convert_element_type3A_1961, %min3A_1953 : vector<16xf32>
        %jit3A_1965 = arith.constant 1.000000e+00 : f32
        %jit3A_1966 = arith.constant 0.000000e+00 : f32
        %broadcast_in_dim3A_1967 = vector.broadcast %jit3A_1965 : f32 to vector<16xf32>
        %broadcast_in_dim3A_1968 = vector.broadcast %jit3A_1966 : f32 to vector<16xf32>
        %select_n3A_1969 = arith.select %gt3A_1964, %broadcast_in_dim3A_1967, %broadcast_in_dim3A_1968 : vector<16xi1>, vector<16xf32>
        %sub3A_1970 = arith.subf %convert_element_type3A_1961, %select_n3A_1969 : vector<16xf32>
        %gt3A_1971 = arith.cmpf ogt, %convert_element_type3A_1963, %min3A_1959 : vector<16xf32>
        %jit3A_1972 = arith.constant 1.000000e+00 : f32
        %jit3A_1973 = arith.constant 0.000000e+00 : f32
        %broadcast_in_dim3A_1974 = vector.broadcast %jit3A_1972 : f32 to vector<16xf32>
        %broadcast_in_dim3A_1975 = vector.broadcast %jit3A_1973 : f32 to vector<16xf32>
        %select_n3A_1976 = arith.select %gt3A_1971, %broadcast_in_dim3A_1974, %broadcast_in_dim3A_1975 : vector<16xi1>, vector<16xf32>
        %sub3A_1977 = arith.subf %convert_element_type3A_1963, %select_n3A_1976 : vector<16xf32>
        %sub3A_1978 = arith.subf %min3A_1953, %sub3A_1970 : vector<16xf32>
        %sub3A_1979 = arith.constant 1.000000e+00 : f32
        %sub3A_1980 = vector.broadcast %sub3A_1979 : f32 to vector<16xf32>
        %sub3A_1981 = arith.subf %sub3A_1980, %sub3A_1978 : vector<16xf32>
        %sub3A_1982 = arith.subf %min3A_1959, %sub3A_1977 : vector<16xf32>
        %sub3A_1983 = arith.constant 1.000000e+00 : f32
        %sub3A_1984 = vector.broadcast %sub3A_1983 : f32 to vector<16xf32>
        %sub3A_1985 = arith.subf %sub3A_1984, %sub3A_1982 : vector<16xf32>
        %mul3A_1986 = arith.mulf %sub3A_1981, %sub3A_1985 : vector<16xf32>
        %add3A_1987 = arith.constant 1.000000e+00 : f32
        %add3A_1988 = vector.broadcast %add3A_1987 : f32 to vector<16xf32>
        %add3A_1989 = arith.addf %sub3A_1970, %add3A_1988 : vector<16xf32>
        %mul3A_1990 = arith.mulf %sub3A_1978, %sub3A_1985 : vector<16xf32>
        %add3A_1991 = arith.constant 1.000000e+00 : f32
        %add3A_1992 = vector.broadcast %add3A_1991 : f32 to vector<16xf32>
        %add3A_1993 = arith.addf %sub3A_1977, %add3A_1992 : vector<16xf32>
        %mul3A_1994 = arith.mulf %sub3A_1981, %sub3A_1982 : vector<16xf32>
        %add3A_1995 = arith.constant 1.000000e+00 : f32
        %add3A_1996 = vector.broadcast %add3A_1995 : f32 to vector<16xf32>
        %add3A_1997 = arith.addf %sub3A_1970, %add3A_1996 : vector<16xf32>
        %add3A_1998 = arith.constant 1.000000e+00 : f32
        %add3A_1999 = vector.broadcast %add3A_1998 : f32 to vector<16xf32>
        %add3A_2000 = arith.addf %sub3A_1977, %add3A_1999 : vector<16xf32>
        %mul3A_2001 = arith.mulf %sub3A_1978, %sub3A_1982 : vector<16xf32>
        %add3A_2002 = arith.constant 16 : i32
        %add3A_2003 = vector.broadcast %add3A_2002 : i32 to vector<16xi32>
        %add3A_2004 = arith.addi %add3A_2003, %iota3A : vector<16xi32>
        %ge3A_2005 = arith.constant 0.000000e+00 : f32
        %ge3A_2006 = vector.broadcast %ge3A_2005 : f32 to vector<16xf32>
        %ge3A_2007 = arith.cmpf oge, %sub3A_1970, %ge3A_2006 : vector<16xf32>
        %and3A_2008 = arith.andi %and3A_1913, %ge3A_2007 : vector<16xi1>
        %le3A_2009 = arith.constant 6.300000e+01 : f32
        %le3A_2010 = vector.broadcast %le3A_2009 : f32 to vector<16xf32>
        %le3A_2011 = arith.cmpf ole, %sub3A_1970, %le3A_2010 : vector<16xf32>
        %and3A_2012 = arith.andi %and3A_2008, %le3A_2011 : vector<16xi1>
        %ge3A_2013 = arith.constant 0.000000e+00 : f32
        %ge3A_2014 = vector.broadcast %ge3A_2013 : f32 to vector<16xf32>
        %ge3A_2015 = arith.cmpf oge, %sub3A_1977, %ge3A_2014 : vector<16xf32>
        %and3A_2016 = arith.andi %and3A_2012, %ge3A_2015 : vector<16xi1>
        %le3A_2017 = arith.constant 6.300000e+01 : f32
        %le3A_2018 = vector.broadcast %le3A_2017 : f32 to vector<16xf32>
        %le3A_2019 = arith.cmpf ole, %sub3A_1977, %le3A_2018 : vector<16xf32>
        %and3A_2020 = arith.andi %and3A_2016, %le3A_2019 : vector<16xi1>
        %jit3A_2021 = arith.constant 0.000000e+00 : f32
        %broadcast_in_dim3A_2022 = vector.broadcast %jit3A_2021 : f32 to vector<16xf32>
        %select_n3A_2023 = arith.select %and3A_2020, %mul3A_1986, %broadcast_in_dim3A_2022 : vector<16xi1>, vector<16xf32>
        %jit3A_2024 = arith.constant 0.000000e+00 : f32
        %jit3A_2025 = arith.constant 63 : i32
        %max3A_2026 = vector.broadcast %jit3A_2024 : f32 to vector<16xf32>
        %max3A_2027 = arith.maximumf %max3A_2026, %sub3A_1970 : vector<16xf32>
        %convert_element_type3A_2028 = arith.sitofp %jit3A_2025 : i32 to f32
        %min3A_2029 = vector.broadcast %convert_element_type3A_2028 : f32 to vector<16xf32>
        %min3A_2030 = arith.minimumf %min3A_2029, %max3A_2027 : vector<16xf32>
        %convert_element_type3A_2031 = arith.fptosi %min3A_2030 : vector<16xf32> to vector<16xi32>
        %jit3A_2032 = arith.constant 0.000000e+00 : f32
        %jit3A_2033 = arith.constant 63 : i32
        %max3A_2034 = vector.broadcast %jit3A_2032 : f32 to vector<16xf32>
        %max3A_2035 = arith.maximumf %max3A_2034, %sub3A_1977 : vector<16xf32>
        %convert_element_type3A_2036 = arith.sitofp %jit3A_2033 : i32 to f32
        %min3A_2037 = vector.broadcast %convert_element_type3A_2036 : f32 to vector<16xf32>
        %min3A_2038 = arith.minimumf %min3A_2037, %max3A_2035 : vector<16xf32>
        %convert_element_type3A_2039 = arith.fptosi %min3A_2038 : vector<16xf32> to vector<16xi32>
        %mul3A_2040 = arith.constant 64 : i32
        %mul3A_2041 = vector.broadcast %mul3A_2040 : i32 to vector<16xi32>
        %mul3A_2042 = arith.muli %convert_element_type3A_2039, %mul3A_2041 : vector<16xi32>
        %add3A_2043 = arith.addi %mul3A_2042, %convert_element_type3A_2031 : vector<16xi32>
        %mul3A_2044 = arith.constant 64 : i32
        %mul3A_2045 = arith.muli %scan3A_16, %mul3A_2044 : i32
        %mul3A_2046 = arith.constant 64 : i32
        %mul3A_2047 = arith.muli %mul3A_2045, %mul3A_2046 : i32
        %add3A_2048 = vector.broadcast %mul3A_2047 : i32 to vector<16xi32>
        %add3A_2049 = arith.addi %add3A_2043, %add3A_2048 : vector<16xi32>
        %swap3A_2050 = arith.constant 16 : index
        %swap3A_2051 = tpu.vector_load %arg14[%swap3A_2050] {strides = array<i32>} : memref<128xi32, #tpu.memory_space<vmem>>, vector<16xi32>,
        tpu.vector_store %arg14[%swap3A_2050], %add3A_2049 {strides = array<i32>} : memref<128xi32, #tpu.memory_space<vmem>>, vector<16xi32>,
        %swap3A_2052 = arith.constant 1 : i32
        %swap3A_2053 = arith.index_cast %swap3A_2052 : i32 to index
        %swap3A_2054 = arith.constant 16 : index
        %swap3A_2055 = tpu.vector_load %arg15[%swap3A_2053, %swap3A_2054] {strides = array<i32>} : memref<2x128xf32, #tpu.memory_space<vmem>>, vector<16xf32>,
        tpu.vector_store %arg15[%swap3A_2053, %swap3A_2054], %select_n3A_2023 {strides = array<i32>} : memref<2x128xf32, #tpu.memory_space<vmem>>, vector<16xf32>,
        %ge3A_2056 = arith.constant 0.000000e+00 : f32
        %ge3A_2057 = vector.broadcast %ge3A_2056 : f32 to vector<16xf32>
        %ge3A_2058 = arith.cmpf oge, %add3A_1989, %ge3A_2057 : vector<16xf32>
        %and3A_2059 = arith.andi %and3A_1913, %ge3A_2058 : vector<16xi1>
        %le3A_2060 = arith.constant 6.300000e+01 : f32
        %le3A_2061 = vector.broadcast %le3A_2060 : f32 to vector<16xf32>
        %le3A_2062 = arith.cmpf ole, %add3A_1989, %le3A_2061 : vector<16xf32>
        %and3A_2063 = arith.andi %and3A_2059, %le3A_2062 : vector<16xi1>
        %ge3A_2064 = arith.constant 0.000000e+00 : f32
        %ge3A_2065 = vector.broadcast %ge3A_2064 : f32 to vector<16xf32>
        %ge3A_2066 = arith.cmpf oge, %sub3A_1977, %ge3A_2065 : vector<16xf32>
        %and3A_2067 = arith.andi %and3A_2063, %ge3A_2066 : vector<16xi1>
        %le3A_2068 = arith.constant 6.300000e+01 : f32
        %le3A_2069 = vector.broadcast %le3A_2068 : f32 to vector<16xf32>
        %le3A_2070 = arith.cmpf ole, %sub3A_1977, %le3A_2069 : vector<16xf32>
        %and3A_2071 = arith.andi %and3A_2067, %le3A_2070 : vector<16xi1>
        %jit3A_2072 = arith.constant 0.000000e+00 : f32
        %broadcast_in_dim3A_2073 = vector.broadcast %jit3A_2072 : f32 to vector<16xf32>
        %select_n3A_2074 = arith.select %and3A_2071, %mul3A_1990, %broadcast_in_dim3A_2073 : vector<16xi1>, vector<16xf32>
        %jit3A_2075 = arith.constant 0.000000e+00 : f32
        %jit3A_2076 = arith.constant 63 : i32
        %max3A_2077 = vector.broadcast %jit3A_2075 : f32 to vector<16xf32>
        %max3A_2078 = arith.maximumf %max3A_2077, %add3A_1989 : vector<16xf32>
        %convert_element_type3A_2079 = arith.sitofp %jit3A_2076 : i32 to f32
        %min3A_2080 = vector.broadcast %convert_element_type3A_2079 : f32 to vector<16xf32>
        %min3A_2081 = arith.minimumf %min3A_2080, %max3A_2078 : vector<16xf32>
        %convert_element_type3A_2082 = arith.fptosi %min3A_2081 : vector<16xf32> to vector<16xi32>
        %jit3A_2083 = arith.constant 0.000000e+00 : f32
        %jit3A_2084 = arith.constant 63 : i32
        %max3A_2085 = vector.broadcast %jit3A_2083 : f32 to vector<16xf32>
        %max3A_2086 = arith.maximumf %max3A_2085, %sub3A_1977 : vector<16xf32>
        %convert_element_type3A_2087 = arith.sitofp %jit3A_2084 : i32 to f32
        %min3A_2088 = vector.broadcast %convert_element_type3A_2087 : f32 to vector<16xf32>
        %min3A_2089 = arith.minimumf %min3A_2088, %max3A_2086 : vector<16xf32>
        %convert_element_type3A_2090 = arith.fptosi %min3A_2089 : vector<16xf32> to vector<16xi32>
        %mul3A_2091 = arith.constant 64 : i32
        %mul3A_2092 = vector.broadcast %mul3A_2091 : i32 to vector<16xi32>
        %mul3A_2093 = arith.muli %convert_element_type3A_2090, %mul3A_2092 : vector<16xi32>
        %add3A_2094 = arith.addi %mul3A_2093, %convert_element_type3A_2082 : vector<16xi32>
        %mul3A_2095 = arith.constant 64 : i32
        %mul3A_2096 = arith.muli %scan3A_16, %mul3A_2095 : i32
        %mul3A_2097 = arith.constant 64 : i32
        %mul3A_2098 = arith.muli %mul3A_2096, %mul3A_2097 : i32
        %add3A_2099 = vector.broadcast %mul3A_2098 : i32 to vector<16xi32>
        %add3A_2100 = arith.addi %add3A_2094, %add3A_2099 : vector<16xi32>
        %swap3A_2101 = arith.constant 48 : index
        %swap3A_2102 = tpu.vector_load %arg14[%swap3A_2101] {strides = array<i32>} : memref<128xi32, #tpu.memory_space<vmem>>, vector<16xi32>,
        tpu.vector_store %arg14[%swap3A_2101], %add3A_2100 {strides = array<i32>} : memref<128xi32, #tpu.memory_space<vmem>>, vector<16xi32>,
        %swap3A_2103 = arith.constant 1 : i32
        %swap3A_2104 = arith.index_cast %swap3A_2103 : i32 to index
        %swap3A_2105 = arith.constant 48 : index
        %swap3A_2106 = tpu.vector_load %arg15[%swap3A_2104, %swap3A_2105] {strides = array<i32>} : memref<2x128xf32, #tpu.memory_space<vmem>>, vector<16xf32>,
        tpu.vector_store %arg15[%swap3A_2104, %swap3A_2105], %select_n3A_2074 {strides = array<i32>} : memref<2x128xf32, #tpu.memory_space<vmem>>, vector<16xf32>,
        %ge3A_2107 = arith.constant 0.000000e+00 : f32
        %ge3A_2108 = vector.broadcast %ge3A_2107 : f32 to vector<16xf32>
        %ge3A_2109 = arith.cmpf oge, %sub3A_1970, %ge3A_2108 : vector<16xf32>
        %and3A_2110 = arith.andi %and3A_1913, %ge3A_2109 : vector<16xi1>
        %le3A_2111 = arith.constant 6.300000e+01 : f32
        %le3A_2112 = vector.broadcast %le3A_2111 : f32 to vector<16xf32>
        %le3A_2113 = arith.cmpf ole, %sub3A_1970, %le3A_2112 : vector<16xf32>
        %and3A_2114 = arith.andi %and3A_2110, %le3A_2113 : vector<16xi1>
        %ge3A_2115 = arith.constant 0.000000e+00 : f32
        %ge3A_2116 = vector.broadcast %ge3A_2115 : f32 to vector<16xf32>
        %ge3A_2117 = arith.cmpf oge, %add3A_1993, %ge3A_2116 : vector<16xf32>
        %and3A_2118 = arith.andi %and3A_2114, %ge3A_2117 : vector<16xi1>
        %le3A_2119 = arith.constant 6.300000e+01 : f32
        %le3A_2120 = vector.broadcast %le3A_2119 : f32 to vector<16xf32>
        %le3A_2121 = arith.cmpf ole, %add3A_1993, %le3A_2120 : vector<16xf32>
        %and3A_2122 = arith.andi %and3A_2118, %le3A_2121 : vector<16xi1>
        %jit3A_2123 = arith.constant 0.000000e+00 : f32
        %broadcast_in_dim3A_2124 = vector.broadcast %jit3A_2123 : f32 to vector<16xf32>
        %select_n3A_2125 = arith.select %and3A_2122, %mul3A_1994, %broadcast_in_dim3A_2124 : vector<16xi1>, vector<16xf32>
        %jit3A_2126 = arith.constant 0.000000e+00 : f32
        %jit3A_2127 = arith.constant 63 : i32
        %max3A_2128 = vector.broadcast %jit3A_2126 : f32 to vector<16xf32>
        %max3A_2129 = arith.maximumf %max3A_2128, %sub3A_1970 : vector<16xf32>
        %convert_element_type3A_2130 = arith.sitofp %jit3A_2127 : i32 to f32
        %min3A_2131 = vector.broadcast %convert_element_type3A_2130 : f32 to vector<16xf32>
        %min3A_2132 = arith.minimumf %min3A_2131, %max3A_2129 : vector<16xf32>
        %convert_element_type3A_2133 = arith.fptosi %min3A_2132 : vector<16xf32> to vector<16xi32>
        %jit3A_2134 = arith.constant 0.000000e+00 : f32
        %jit3A_2135 = arith.constant 63 : i32
        %max3A_2136 = vector.broadcast %jit3A_2134 : f32 to vector<16xf32>
        %max3A_2137 = arith.maximumf %max3A_2136, %add3A_1993 : vector<16xf32>
        %convert_element_type3A_2138 = arith.sitofp %jit3A_2135 : i32 to f32
        %min3A_2139 = vector.broadcast %convert_element_type3A_2138 : f32 to vector<16xf32>
        %min3A_2140 = arith.minimumf %min3A_2139, %max3A_2137 : vector<16xf32>
        %convert_element_type3A_2141 = arith.fptosi %min3A_2140 : vector<16xf32> to vector<16xi32>
        %mul3A_2142 = arith.constant 64 : i32
        %mul3A_2143 = vector.broadcast %mul3A_2142 : i32 to vector<16xi32>
        %mul3A_2144 = arith.muli %convert_element_type3A_2141, %mul3A_2143 : vector<16xi32>
        %add3A_2145 = arith.addi %mul3A_2144, %convert_element_type3A_2133 : vector<16xi32>
        %mul3A_2146 = arith.constant 64 : i32
        %mul3A_2147 = arith.muli %scan3A_16, %mul3A_2146 : i32
        %mul3A_2148 = arith.constant 64 : i32
        %mul3A_2149 = arith.muli %mul3A_2147, %mul3A_2148 : i32
        %add3A_2150 = vector.broadcast %mul3A_2149 : i32 to vector<16xi32>
        %add3A_2151 = arith.addi %add3A_2145, %add3A_2150 : vector<16xi32>
        %swap3A_2152 = arith.constant 80 : index
        %swap3A_2153 = tpu.vector_load %arg14[%swap3A_2152] {strides = array<i32>} : memref<128xi32, #tpu.memory_space<vmem>>, vector<16xi32>,
        tpu.vector_store %arg14[%swap3A_2152], %add3A_2151 {strides = array<i32>} : memref<128xi32, #tpu.memory_space<vmem>>, vector<16xi32>,
        %swap3A_2154 = arith.constant 1 : i32
        %swap3A_2155 = arith.index_cast %swap3A_2154 : i32 to index
        %swap3A_2156 = arith.constant 80 : index
        %swap3A_2157 = tpu.vector_load %arg15[%swap3A_2155, %swap3A_2156] {strides = array<i32>} : memref<2x128xf32, #tpu.memory_space<vmem>>, vector<16xf32>,
        tpu.vector_store %arg15[%swap3A_2155, %swap3A_2156], %select_n3A_2125 {strides = array<i32>} : memref<2x128xf32, #tpu.memory_space<vmem>>, vector<16xf32>,
        %ge3A_2158 = arith.constant 0.000000e+00 : f32
        %ge3A_2159 = vector.broadcast %ge3A_2158 : f32 to vector<16xf32>
        %ge3A_2160 = arith.cmpf oge, %add3A_1997, %ge3A_2159 : vector<16xf32>
        %and3A_2161 = arith.andi %and3A_1913, %ge3A_2160 : vector<16xi1>
        %le3A_2162 = arith.constant 6.300000e+01 : f32
        %le3A_2163 = vector.broadcast %le3A_2162 : f32 to vector<16xf32>
        %le3A_2164 = arith.cmpf ole, %add3A_1997, %le3A_2163 : vector<16xf32>
        %and3A_2165 = arith.andi %and3A_2161, %le3A_2164 : vector<16xi1>
        %ge3A_2166 = arith.constant 0.000000e+00 : f32
        %ge3A_2167 = vector.broadcast %ge3A_2166 : f32 to vector<16xf32>
        %ge3A_2168 = arith.cmpf oge, %add3A_2000, %ge3A_2167 : vector<16xf32>
        %and3A_2169 = arith.andi %and3A_2165, %ge3A_2168 : vector<16xi1>
        %le3A_2170 = arith.constant 6.300000e+01 : f32
        %le3A_2171 = vector.broadcast %le3A_2170 : f32 to vector<16xf32>
        %le3A_2172 = arith.cmpf ole, %add3A_2000, %le3A_2171 : vector<16xf32>
        %and3A_2173 = arith.andi %and3A_2169, %le3A_2172 : vector<16xi1>
        %jit3A_2174 = arith.constant 0.000000e+00 : f32
        %broadcast_in_dim3A_2175 = vector.broadcast %jit3A_2174 : f32 to vector<16xf32>
        %select_n3A_2176 = arith.select %and3A_2173, %mul3A_2001, %broadcast_in_dim3A_2175 : vector<16xi1>, vector<16xf32>
        %jit3A_2177 = arith.constant 0.000000e+00 : f32
        %jit3A_2178 = arith.constant 63 : i32
        %max3A_2179 = vector.broadcast %jit3A_2177 : f32 to vector<16xf32>
        %max3A_2180 = arith.maximumf %max3A_2179, %add3A_1997 : vector<16xf32>
        %convert_element_type3A_2181 = arith.sitofp %jit3A_2178 : i32 to f32
        %min3A_2182 = vector.broadcast %convert_element_type3A_2181 : f32 to vector<16xf32>
        %min3A_2183 = arith.minimumf %min3A_2182, %max3A_2180 : vector<16xf32>
        %convert_element_type3A_2184 = arith.fptosi %min3A_2183 : vector<16xf32> to vector<16xi32>
        %jit3A_2185 = arith.constant 0.000000e+00 : f32
        %jit3A_2186 = arith.constant 63 : i32
        %max3A_2187 = vector.broadcast %jit3A_2185 : f32 to vector<16xf32>
        %max3A_2188 = arith.maximumf %max3A_2187, %add3A_2000 : vector<16xf32>
        %convert_element_type3A_2189 = arith.sitofp %jit3A_2186 : i32 to f32
        %min3A_2190 = vector.broadcast %convert_element_type3A_2189 : f32 to vector<16xf32>
        %min3A_2191 = arith.minimumf %min3A_2190, %max3A_2188 : vector<16xf32>
        %convert_element_type3A_2192 = arith.fptosi %min3A_2191 : vector<16xf32> to vector<16xi32>
        %mul3A_2193 = arith.constant 64 : i32
        %mul3A_2194 = vector.broadcast %mul3A_2193 : i32 to vector<16xi32>
        %mul3A_2195 = arith.muli %convert_element_type3A_2192, %mul3A_2194 : vector<16xi32>
        %add3A_2196 = arith.addi %mul3A_2195, %convert_element_type3A_2184 : vector<16xi32>
        %mul3A_2197 = arith.constant 64 : i32
        %mul3A_2198 = arith.muli %scan3A_16, %mul3A_2197 : i32
        %mul3A_2199 = arith.constant 64 : i32
        %mul3A_2200 = arith.muli %mul3A_2198, %mul3A_2199 : i32
        %add3A_2201 = vector.broadcast %mul3A_2200 : i32 to vector<16xi32>
        %add3A_2202 = arith.addi %add3A_2196, %add3A_2201 : vector<16xi32>
        %swap3A_2203 = arith.constant 112 : index
        %swap3A_2204 = tpu.vector_load %arg14[%swap3A_2203] {strides = array<i32>} : memref<128xi32, #tpu.memory_space<vmem>>, vector<16xi32>,
        tpu.vector_store %arg14[%swap3A_2203], %add3A_2202 {strides = array<i32>} : memref<128xi32, #tpu.memory_space<vmem>>, vector<16xi32>,
        %swap3A_2205 = arith.constant 1 : i32
        %swap3A_2206 = arith.index_cast %swap3A_2205 : i32 to index
        %swap3A_2207 = arith.constant 112 : index
        %swap3A_2208 = tpu.vector_load %arg15[%swap3A_2206, %swap3A_2207] {strides = array<i32>} : memref<2x128xf32, #tpu.memory_space<vmem>>, vector<16xf32>,
        tpu.vector_store %arg15[%swap3A_2206, %swap3A_2207], %select_n3A_2176 {strides = array<i32>} : memref<2x128xf32, #tpu.memory_space<vmem>>, vector<16xf32>,
        %jit3A_2209 = arith.constant 1 : i32
        %jit3A_2210 = arith.constant 0 : i32
        %broadcast_in_dim3A_2211 = vector.broadcast %jit3A_2209 : i32 to vector<16xi32>
        %broadcast_in_dim3A_2212 = vector.broadcast %jit3A_2210 : i32 to vector<16xi32>
        %select_n3A_2213 = arith.select %and3A_1913, %broadcast_in_dim3A_2211, %broadcast_in_dim3A_2212 : vector<16xi1>, vector<16xi32>
        %mul3A_2214 = arith.constant 32 : i32
        %mul3A_2215 = arith.muli %add3A_1180, %mul3A_2214 : i32
        %add3A_2216 = arith.constant 16 : i32
        %add3A_2217 = arith.addi %mul3A_2215, %add3A_2216 : i32
        %swap3A_2218 = arith.index_cast %add3A_2217 : i32 to index
        %swap3A_2219 = tpu.vector_load %arg18[%swap3A_2218] {strides = array<i32>} : memref<2048xi32, #tpu.memory_space<vmem>>, vector<16xi32>,
        tpu.vector_store %arg18[%swap3A_2218], %select_n3A_2213 {strides = array<i32>} : memref<2048xi32, #tpu.memory_space<vmem>>, vector<16xi32>,
        %mul3A_2220 = arith.constant 259 : i32
        %mul3A_2221 = vector.broadcast %mul3A_2220 : i32 to vector<16xi32>
        %mul3A_2222 = arith.muli %add3A_2004, %mul3A_2221 : vector<16xi32>
        %add3A_2223 = arith.constant 8288 : i32
        %add3A_2224 = vector.broadcast %add3A_2223 : i32 to vector<16xi32>
        %add3A_2225 = arith.addi %add3A_2224, %mul3A_2222 : vector<16xi32>
        %add3A_2226 = arith.constant 256 : i32
        %add3A_2227 = vector.broadcast %add3A_2226 : i32 to vector<16xi32>
        %add3A_2228 = arith.addi %add3A_2225, %add3A_2227 : vector<16xi32>
        tpu.vector_store_idx %arg17[%add3A_2228], %gather3A_1717 : memref<16576xf32, #tpu.memory_space<vmem>>[vector<16xi32>], vector<16xf32>,
        %add3A_2229 = arith.constant 1 : i32
        %add3A_2230 = vector.broadcast %add3A_2229 : i32 to vector<16xi32>
        %add3A_2231 = arith.addi %add3A_2228, %add3A_2230 : vector<16xi32>
        tpu.vector_store_idx %arg17[%add3A_2231], %gather3A_1724 : memref<16576xf32, #tpu.memory_space<vmem>>[vector<16xi32>], vector<16xf32>,
        %add3A_2232 = arith.constant 2 : i32
        %add3A_2233 = vector.broadcast %add3A_2232 : i32 to vector<16xi32>
        %add3A_2234 = arith.addi %add3A_2228, %add3A_2233 : vector<16xi32>
        tpu.vector_store_idx %arg17[%add3A_2234], %gather3A_1731 : memref<16576xf32, #tpu.memory_space<vmem>>[vector<16xi32>], vector<16xf32>,
        %dma_start3A_2235 = arith.constant 1 : i32
        %dma_start3A_2236 = arith.constant 0 : i32
        %dma_start3A_2237 = arith.constant 0 : i32
        %dma_start3A_2238 = tpu.memref_slice %arg16[%dma_start3A_2235, %dma_start3A_2236, %dma_start3A_2237] : memref<2x128x128xi32, #tpu.memory_space<vmem>> -> memref<1x128x128xi32, #tpu.memory_space<vmem>>
        %dma_start3A_2239 = tpu.memref_squeeze %dma_start3A_2238 : memref<1x128x128xi32, #tpu.memory_space<vmem>> -> memref<128x128xi32, #tpu.memory_space<vmem>>
        %dma_start3A_2240 = arith.constant 0 : i32
        %dma_start3A_2241 = arith.constant 0 : i32
        %dma_start3A_2242 = tpu.memref_slice %arg2[%dma_start3A_2240, %dma_start3A_2241] : memref<16384x128xi32, #tpu.memory_space<hbm>> -> memref<16384x128xi32, #tpu.memory_space<hbm>>
        tpu.enqueue_indirect_dma source(%dma_start3A_2242 : memref<16384x128xi32, #tpu.memory_space<hbm>>) target(%dma_start3A_2239 : memref<128x128xi32, #tpu.memory_space<vmem>>) offsets(%arg14 : memref<128xi32, #tpu.memory_space<vmem>>) semaphore(%arg20 : memref<!tpu.dma_semaphore, #tpu.memory_space<semaphore_mem>>)
        %mul3A_2243 = arith.constant 2048 : i32
        %mul3A_2244 = arith.muli %add3A, %mul3A_2243 : i32
        %mul3A_2245 = arith.constant 32 : i32
        %mul3A_2246 = arith.muli %mul3A_1178, %mul3A_2245 : i32
        %add3A_2247 = arith.addi %mul3A_2244, %mul3A_2246 : i32
        %dma_wait3A = arith.constant 0 : i32
        %dma_wait3A_2248 = arith.constant 0 : i32
        %dma_wait3A_2249 = arith.constant 0 : i32
        %dma_wait3A_2250 = tpu.memref_slice %arg16[%dma_wait3A, %dma_wait3A_2248, %dma_wait3A_2249] : memref<2x128x128xi32, #tpu.memory_space<vmem>> -> memref<1x128x128xi32, #tpu.memory_space<vmem>>
        %dma_wait3A_2251 = tpu.memref_squeeze %dma_wait3A_2250 : memref<1x128x128xi32, #tpu.memory_space<vmem>> -> memref<128x128xi32, #tpu.memory_space<vmem>>
        %dma_wait3A_2252 = arith.constant 0 : i32
        %dma_wait3A_2253 = arith.constant 0 : i32
        %dma_wait3A_2254 = tpu.memref_slice %arg2[%dma_wait3A_2252, %dma_wait3A_2253] : memref<16384x128xi32, #tpu.memory_space<hbm>> -> memref<16384x128xi32, #tpu.memory_space<hbm>>
        tpu.wait_indirect_dma semaphore(%arg19 : memref<!tpu.dma_semaphore, #tpu.memory_space<semaphore_mem>>) src(%dma_wait3A_2254 : memref<16384x128xi32, #tpu.memory_space<hbm>>) dst(%dma_wait3A_2251 : memref<128x128xi32, #tpu.memory_space<vmem>>)
        %broadcast_in_dim3A_2255 = arith.constant 0 : i32
        %broadcast_in_dim3A_2256 = vector.broadcast %broadcast_in_dim3A_2255 : i32 to vector<16xi32>
        %broadcast_in_dim3A_2257 = arith.constant 0 : i32
        %broadcast_in_dim3A_2258 = vector.broadcast %broadcast_in_dim3A_2257 : i32 to vector<16xi32>
        %scan3A_2259 = arith.constant 0 : i32
        %scan3A_2260 = arith.constant 32 : i32
        %scan3A_2261 = arith.addi %scan3A_2259, %scan3A_2260 : i32
        %scan3A_2262 = arith.constant 1 : i32
        %scan3A_2263 = scf.for %scan3A_2305 = %scan3A_2259 to %scan3A_2261 step %scan3A_2262 iter_args(%scan3A_2306 = %broadcast_in_dim3A_2258) -> (vector<16xi32>)  : i32 {
          %gather3A_2307 = tpu.vector_load_idx %arg15[%broadcast_in_dim3A_2256, %scan3A_2306] : memref<2x128xf32, #tpu.memory_space<vmem>>[vector<16xi32>, vector<16xi32>], vector<16xf32>,
          %add3A_2308 = arith.constant 32 : i32
          %add3A_2309 = vector.broadcast %add3A_2308 : i32 to vector<16xi32>
          %add3A_2310 = arith.addi %scan3A_2306, %add3A_2309 : vector<16xi32>
          %gather3A_2311 = tpu.vector_load_idx %arg15[%broadcast_in_dim3A_2256, %add3A_2310] : memref<2x128xf32, #tpu.memory_space<vmem>>[vector<16xi32>, vector<16xi32>], vector<16xf32>,
          %add3A_2312 = arith.constant 64 : i32
          %add3A_2313 = vector.broadcast %add3A_2312 : i32 to vector<16xi32>
          %add3A_2314 = arith.addi %scan3A_2306, %add3A_2313 : vector<16xi32>
          %gather3A_2315 = tpu.vector_load_idx %arg15[%broadcast_in_dim3A_2256, %add3A_2314] : memref<2x128xf32, #tpu.memory_space<vmem>>[vector<16xi32>, vector<16xi32>], vector<16xf32>,
          %add3A_2316 = arith.constant 96 : i32
          %add3A_2317 = vector.broadcast %add3A_2316 : i32 to vector<16xi32>
          %add3A_2318 = arith.addi %scan3A_2306, %add3A_2317 : vector<16xi32>
          %gather3A_2319 = tpu.vector_load_idx %arg15[%broadcast_in_dim3A_2256, %add3A_2318] : memref<2x128xf32, #tpu.memory_space<vmem>>[vector<16xi32>, vector<16xi32>], vector<16xf32>,
          %get3A_2320 = arith.constant 0 : i32
          %get3A_2321 = arith.index_cast %get3A_2320 : i32 to index
          %get3A_2322 = arith.index_cast %scan3A_2305 : i32 to index
          %get3A_2323 = arith.constant 0 : index
          %get3A_2324 = tpu.vector_load %arg16[%get3A_2321, %get3A_2322, %get3A_2323] {strides = array<i32>} : memref<2x128x128xi32, #tpu.memory_space<vmem>>, vector<16xi32>,
          %shift_left3A = arith.constant 16 : i32
          %shift_left3A_2325 = vector.broadcast %shift_left3A : i32 to vector<16xi32>
          %shift_left3A_2326 = arith.shli %get3A_2324, %shift_left3A_2325 : vector<16xi32>
          %bitcast3A_2327 = vector.bitcast %shift_left3A_2326 : vector<16xi32> to vector<16xf32>
          %and3A_2328 = arith.constant -65536 : i32
          %and3A_2329 = vector.broadcast %and3A_2328 : i32 to vector<16xi32>
          %and3A_2330 = arith.andi %get3A_2324, %and3A_2329 : vector<16xi32>
          %bitcast3A_2331 = vector.bitcast %and3A_2330 : vector<16xi32> to vector<16xf32>
          %add3A_2332 = arith.constant 32 : i32
          %add3A_2333 = arith.addi %add3A_2332, %scan3A_2305 : i32
          %get3A_2334 = arith.constant 0 : i32
          %get3A_2335 = arith.index_cast %get3A_2334 : i32 to index
          %get3A_2336 = arith.index_cast %add3A_2333 : i32 to index
          %get3A_2337 = arith.constant 0 : index
          %get3A_2338 = tpu.vector_load %arg16[%get3A_2335, %get3A_2336, %get3A_2337] {strides = array<i32>} : memref<2x128x128xi32, #tpu.memory_space<vmem>>, vector<16xi32>,
          %shift_left3A_2339 = arith.constant 16 : i32
          %shift_left3A_2340 = vector.broadcast %shift_left3A_2339 : i32 to vector<16xi32>
          %shift_left3A_2341 = arith.shli %get3A_2338, %shift_left3A_2340 : vector<16xi32>
          %bitcast3A_2342 = vector.bitcast %shift_left3A_2341 : vector<16xi32> to vector<16xf32>
          %and3A_2343 = arith.constant -65536 : i32
          %and3A_2344 = vector.broadcast %and3A_2343 : i32 to vector<16xi32>
          %and3A_2345 = arith.andi %get3A_2338, %and3A_2344 : vector<16xi32>
          %bitcast3A_2346 = vector.bitcast %and3A_2345 : vector<16xi32> to vector<16xf32>
          %add3A_2347 = arith.constant 64 : i32
          %add3A_2348 = arith.addi %add3A_2347, %scan3A_2305 : i32
          %get3A_2349 = arith.constant 0 : i32
          %get3A_2350 = arith.index_cast %get3A_2349 : i32 to index
          %get3A_2351 = arith.index_cast %add3A_2348 : i32 to index
          %get3A_2352 = arith.constant 0 : index
          %get3A_2353 = tpu.vector_load %arg16[%get3A_2350, %get3A_2351, %get3A_2352] {strides = array<i32>} : memref<2x128x128xi32, #tpu.memory_space<vmem>>, vector<16xi32>,
          %shift_left3A_2354 = arith.constant 16 : i32
          %shift_left3A_2355 = vector.broadcast %shift_left3A_2354 : i32 to vector<16xi32>
          %shift_left3A_2356 = arith.shli %get3A_2353, %shift_left3A_2355 : vector<16xi32>
          %bitcast3A_2357 = vector.bitcast %shift_left3A_2356 : vector<16xi32> to vector<16xf32>
          %and3A_2358 = arith.constant -65536 : i32
          %and3A_2359 = vector.broadcast %and3A_2358 : i32 to vector<16xi32>
          %and3A_2360 = arith.andi %get3A_2353, %and3A_2359 : vector<16xi32>
          %bitcast3A_2361 = vector.bitcast %and3A_2360 : vector<16xi32> to vector<16xf32>
          %add3A_2362 = arith.constant 96 : i32
          %add3A_2363 = arith.addi %add3A_2362, %scan3A_2305 : i32
          %get3A_2364 = arith.constant 0 : i32
          %get3A_2365 = arith.index_cast %get3A_2364 : i32 to index
          %get3A_2366 = arith.index_cast %add3A_2363 : i32 to index
          %get3A_2367 = arith.constant 0 : index
          %get3A_2368 = tpu.vector_load %arg16[%get3A_2365, %get3A_2366, %get3A_2367] {strides = array<i32>} : memref<2x128x128xi32, #tpu.memory_space<vmem>>, vector<16xi32>,
          %shift_left3A_2369 = arith.constant 16 : i32
          %shift_left3A_2370 = vector.broadcast %shift_left3A_2369 : i32 to vector<16xi32>
          %shift_left3A_2371 = arith.shli %get3A_2368, %shift_left3A_2370 : vector<16xi32>
          %bitcast3A_2372 = vector.bitcast %shift_left3A_2371 : vector<16xi32> to vector<16xf32>
          %and3A_2373 = arith.constant -65536 : i32
          %and3A_2374 = vector.broadcast %and3A_2373 : i32 to vector<16xi32>
          %and3A_2375 = arith.andi %get3A_2368, %and3A_2374 : vector<16xi32>
          %bitcast3A_2376 = vector.bitcast %and3A_2375 : vector<16xi32> to vector<16xf32>
          %mul3A_2377 = arith.mulf %gather3A_2307, %bitcast3A_2327 : vector<16xf32>
          %mul3A_2378 = arith.mulf %gather3A_2311, %bitcast3A_2342 : vector<16xf32>
          %add3A_2379 = arith.addf %mul3A_2377, %mul3A_2378 : vector<16xf32>
          %mul3A_2380 = arith.mulf %gather3A_2315, %bitcast3A_2357 : vector<16xf32>
          %add3A_2381 = arith.addf %add3A_2379, %mul3A_2380 : vector<16xf32>
          %mul3A_2382 = arith.mulf %gather3A_2319, %bitcast3A_2372 : vector<16xf32>
          %add3A_2383 = arith.addf %add3A_2381, %mul3A_2382 : vector<16xf32>
          %mul3A_2384 = arith.mulf %gather3A_2307, %bitcast3A_2331 : vector<16xf32>
          %mul3A_2385 = arith.mulf %gather3A_2311, %bitcast3A_2346 : vector<16xf32>
          %add3A_2386 = arith.addf %mul3A_2384, %mul3A_2385 : vector<16xf32>
          %mul3A_2387 = arith.mulf %gather3A_2315, %bitcast3A_2361 : vector<16xf32>
          %add3A_2388 = arith.addf %add3A_2386, %mul3A_2387 : vector<16xf32>
          %mul3A_2389 = arith.mulf %gather3A_2319, %bitcast3A_2376 : vector<16xf32>
          %add3A_2390 = arith.addf %add3A_2388, %mul3A_2389 : vector<16xf32>
          %mul3A_2391 = arith.constant 259 : i32
          %mul3A_2392 = arith.muli %scan3A_2305, %mul3A_2391 : i32
          %add3A_2393 = arith.constant 0 : i32
          %add3A_2394 = arith.addi %add3A_2393, %mul3A_2392 : i32
          %add3A_2395 = arith.constant 0 : i32
          %add3A_2396 = arith.addi %add3A_2394, %add3A_2395 : i32
          %swap3A_2397 = arith.index_cast %add3A_2396 : i32 to index
          %swap3A_2398 = tpu.vector_load %arg17[%swap3A_2397] {strides = array<i32>} : memref<16576xf32, #tpu.memory_space<vmem>>, vector<16xf32>,
          tpu.vector_store %arg17[%swap3A_2397], %add3A_2383 {strides = array<i32>} : memref<16576xf32, #tpu.memory_space<vmem>>, vector<16xf32>,
          %add3A_2399 = arith.constant 16 : i32
          %add3A_2400 = arith.addi %add3A_2396, %add3A_2399 : i32
          %swap3A_2401 = arith.index_cast %add3A_2400 : i32 to index
          %swap3A_2402 = tpu.vector_load %arg17[%swap3A_2401] {strides = array<i32>} : memref<16576xf32, #tpu.memory_space<vmem>>, vector<16xf32>,
          tpu.vector_store %arg17[%swap3A_2401], %add3A_2390 {strides = array<i32>} : memref<16576xf32, #tpu.memory_space<vmem>>, vector<16xf32>,
          %get3A_2403 = arith.constant 0 : i32
          %get3A_2404 = arith.index_cast %get3A_2403 : i32 to index
          %get3A_2405 = arith.index_cast %scan3A_2305 : i32 to index
          %get3A_2406 = arith.constant 16 : index
          %get3A_2407 = tpu.vector_load %arg16[%get3A_2404, %get3A_2405, %get3A_2406] {strides = array<i32>} : memref<2x128x128xi32, #tpu.memory_space<vmem>>, vector<16xi32>,
          %shift_left3A_2408 = arith.constant 16 : i32
          %shift_left3A_2409 = vector.broadcast %shift_left3A_2408 : i32 to vector<16xi32>
          %shift_left3A_2410 = arith.shli %get3A_2407, %shift_left3A_2409 : vector<16xi32>
          %bitcast3A_2411 = vector.bitcast %shift_left3A_2410 : vector<16xi32> to vector<16xf32>
          %and3A_2412 = arith.constant -65536 : i32
          %and3A_2413 = vector.broadcast %and3A_2412 : i32 to vector<16xi32>
          %and3A_2414 = arith.andi %get3A_2407, %and3A_2413 : vector<16xi32>
          %bitcast3A_2415 = vector.bitcast %and3A_2414 : vector<16xi32> to vector<16xf32>
          %add3A_2416 = arith.constant 32 : i32
          %add3A_2417 = arith.addi %add3A_2416, %scan3A_2305 : i32
          %get3A_2418 = arith.constant 0 : i32
          %get3A_2419 = arith.index_cast %get3A_2418 : i32 to index
          %get3A_2420 = arith.index_cast %add3A_2417 : i32 to index
          %get3A_2421 = arith.constant 16 : index
          %get3A_2422 = tpu.vector_load %arg16[%get3A_2419, %get3A_2420, %get3A_2421] {strides = array<i32>} : memref<2x128x128xi32, #tpu.memory_space<vmem>>, vector<16xi32>,
          %shift_left3A_2423 = arith.constant 16 : i32
          %shift_left3A_2424 = vector.broadcast %shift_left3A_2423 : i32 to vector<16xi32>
          %shift_left3A_2425 = arith.shli %get3A_2422, %shift_left3A_2424 : vector<16xi32>
          %bitcast3A_2426 = vector.bitcast %shift_left3A_2425 : vector<16xi32> to vector<16xf32>
          %and3A_2427 = arith.constant -65536 : i32
          %and3A_2428 = vector.broadcast %and3A_2427 : i32 to vector<16xi32>
          %and3A_2429 = arith.andi %get3A_2422, %and3A_2428 : vector<16xi32>
          %bitcast3A_2430 = vector.bitcast %and3A_2429 : vector<16xi32> to vector<16xf32>
          %add3A_2431 = arith.constant 64 : i32
          %add3A_2432 = arith.addi %add3A_2431, %scan3A_2305 : i32
          %get3A_2433 = arith.constant 0 : i32
          %get3A_2434 = arith.index_cast %get3A_2433 : i32 to index
          %get3A_2435 = arith.index_cast %add3A_2432 : i32 to index
          %get3A_2436 = arith.constant 16 : index
          %get3A_2437 = tpu.vector_load %arg16[%get3A_2434, %get3A_2435, %get3A_2436] {strides = array<i32>} : memref<2x128x128xi32, #tpu.memory_space<vmem>>, vector<16xi32>,
          %shift_left3A_2438 = arith.constant 16 : i32
          %shift_left3A_2439 = vector.broadcast %shift_left3A_2438 : i32 to vector<16xi32>
          %shift_left3A_2440 = arith.shli %get3A_2437, %shift_left3A_2439 : vector<16xi32>
          %bitcast3A_2441 = vector.bitcast %shift_left3A_2440 : vector<16xi32> to vector<16xf32>
          %and3A_2442 = arith.constant -65536 : i32
          %and3A_2443 = vector.broadcast %and3A_2442 : i32 to vector<16xi32>
          %and3A_2444 = arith.andi %get3A_2437, %and3A_2443 : vector<16xi32>
          %bitcast3A_2445 = vector.bitcast %and3A_2444 : vector<16xi32> to vector<16xf32>
          %add3A_2446 = arith.constant 96 : i32
          %add3A_2447 = arith.addi %add3A_2446, %scan3A_2305 : i32
          %get3A_2448 = arith.constant 0 : i32
          %get3A_2449 = arith.index_cast %get3A_2448 : i32 to index
          %get3A_2450 = arith.index_cast %add3A_2447 : i32 to index
          %get3A_2451 = arith.constant 16 : index
          %get3A_2452 = tpu.vector_load %arg16[%get3A_2449, %get3A_2450, %get3A_2451] {strides = array<i32>} : memref<2x128x128xi32, #tpu.memory_space<vmem>>, vector<16xi32>,
          %shift_left3A_2453 = arith.constant 16 : i32
          %shift_left3A_2454 = vector.broadcast %shift_left3A_2453 : i32 to vector<16xi32>
          %shift_left3A_2455 = arith.shli %get3A_2452, %shift_left3A_2454 : vector<16xi32>
          %bitcast3A_2456 = vector.bitcast %shift_left3A_2455 : vector<16xi32> to vector<16xf32>
          %and3A_2457 = arith.constant -65536 : i32
          %and3A_2458 = vector.broadcast %and3A_2457 : i32 to vector<16xi32>
          %and3A_2459 = arith.andi %get3A_2452, %and3A_2458 : vector<16xi32>
          %bitcast3A_2460 = vector.bitcast %and3A_2459 : vector<16xi32> to vector<16xf32>
          %mul3A_2461 = arith.mulf %gather3A_2307, %bitcast3A_2411 : vector<16xf32>
          %mul3A_2462 = arith.mulf %gather3A_2311, %bitcast3A_2426 : vector<16xf32>
          %add3A_2463 = arith.addf %mul3A_2461, %mul3A_2462 : vector<16xf32>
          %mul3A_2464 = arith.mulf %gather3A_2315, %bitcast3A_2441 : vector<16xf32>
          %add3A_2465 = arith.addf %add3A_2463, %mul3A_2464 : vector<16xf32>
          %mul3A_2466 = arith.mulf %gather3A_2319, %bitcast3A_2456 : vector<16xf32>
          %add3A_2467 = arith.addf %add3A_2465, %mul3A_2466 : vector<16xf32>
          %mul3A_2468 = arith.mulf %gather3A_2307, %bitcast3A_2415 : vector<16xf32>
          %mul3A_2469 = arith.mulf %gather3A_2311, %bitcast3A_2430 : vector<16xf32>
          %add3A_2470 = arith.addf %mul3A_2468, %mul3A_2469 : vector<16xf32>
          %mul3A_2471 = arith.mulf %gather3A_2315, %bitcast3A_2445 : vector<16xf32>
          %add3A_2472 = arith.addf %add3A_2470, %mul3A_2471 : vector<16xf32>
          %mul3A_2473 = arith.mulf %gather3A_2319, %bitcast3A_2460 : vector<16xf32>
          %add3A_2474 = arith.addf %add3A_2472, %mul3A_2473 : vector<16xf32>
          %mul3A_2475 = arith.constant 259 : i32
          %mul3A_2476 = arith.muli %scan3A_2305, %mul3A_2475 : i32
          %add3A_2477 = arith.constant 0 : i32
          %add3A_2478 = arith.addi %add3A_2477, %mul3A_2476 : i32
          %add3A_2479 = arith.constant 32 : i32
          %add3A_2480 = arith.addi %add3A_2478, %add3A_2479 : i32
          %swap3A_2481 = arith.index_cast %add3A_2480 : i32 to index
          %swap3A_2482 = tpu.vector_load %arg17[%swap3A_2481] {strides = array<i32>} : memref<16576xf32, #tpu.memory_space<vmem>>, vector<16xf32>,
          tpu.vector_store %arg17[%swap3A_2481], %add3A_2467 {strides = array<i32>} : memref<16576xf32, #tpu.memory_space<vmem>>, vector<16xf32>,
          %add3A_2483 = arith.constant 16 : i32
          %add3A_2484 = arith.addi %add3A_2480, %add3A_2483 : i32
          %swap3A_2485 = arith.index_cast %add3A_2484 : i32 to index
          %swap3A_2486 = tpu.vector_load %arg17[%swap3A_2485] {strides = array<i32>} : memref<16576xf32, #tpu.memory_space<vmem>>, vector<16xf32>,
          tpu.vector_store %arg17[%swap3A_2485], %add3A_2474 {strides = array<i32>} : memref<16576xf32, #tpu.memory_space<vmem>>, vector<16xf32>,
          %get3A_2487 = arith.constant 0 : i32
          %get3A_2488 = arith.index_cast %get3A_2487 : i32 to index
          %get3A_2489 = arith.index_cast %scan3A_2305 : i32 to index
          %get3A_2490 = arith.constant 32 : index
          %get3A_2491 = tpu.vector_load %arg16[%get3A_2488, %get3A_2489, %get3A_2490] {strides = array<i32>} : memref<2x128x128xi32, #tpu.memory_space<vmem>>, vector<16xi32>,
          %shift_left3A_2492 = arith.constant 16 : i32
          %shift_left3A_2493 = vector.broadcast %shift_left3A_2492 : i32 to vector<16xi32>
          %shift_left3A_2494 = arith.shli %get3A_2491, %shift_left3A_2493 : vector<16xi32>
          %bitcast3A_2495 = vector.bitcast %shift_left3A_2494 : vector<16xi32> to vector<16xf32>
          %and3A_2496 = arith.constant -65536 : i32
          %and3A_2497 = vector.broadcast %and3A_2496 : i32 to vector<16xi32>
          %and3A_2498 = arith.andi %get3A_2491, %and3A_2497 : vector<16xi32>
          %bitcast3A_2499 = vector.bitcast %and3A_2498 : vector<16xi32> to vector<16xf32>
          %add3A_2500 = arith.constant 32 : i32
          %add3A_2501 = arith.addi %add3A_2500, %scan3A_2305 : i32
          %get3A_2502 = arith.constant 0 : i32
          %get3A_2503 = arith.index_cast %get3A_2502 : i32 to index
          %get3A_2504 = arith.index_cast %add3A_2501 : i32 to index
          %get3A_2505 = arith.constant 32 : index
          %get3A_2506 = tpu.vector_load %arg16[%get3A_2503, %get3A_2504, %get3A_2505] {strides = array<i32>} : memref<2x128x128xi32, #tpu.memory_space<vmem>>, vector<16xi32>,
          %shift_left3A_2507 = arith.constant 16 : i32
          %shift_left3A_2508 = vector.broadcast %shift_left3A_2507 : i32 to vector<16xi32>
          %shift_left3A_2509 = arith.shli %get3A_2506, %shift_left3A_2508 : vector<16xi32>
          %bitcast3A_2510 = vector.bitcast %shift_left3A_2509 : vector<16xi32> to vector<16xf32>
          %and3A_2511 = arith.constant -65536 : i32
          %and3A_2512 = vector.broadcast %and3A_2511 : i32 to vector<16xi32>
          %and3A_2513 = arith.andi %get3A_2506, %and3A_2512 : vector<16xi32>
          %bitcast3A_2514 = vector.bitcast %and3A_2513 : vector<16xi32> to vector<16xf32>
          %add3A_2515 = arith.constant 64 : i32
          %add3A_2516 = arith.addi %add3A_2515, %scan3A_2305 : i32
          %get3A_2517 = arith.constant 0 : i32
          %get3A_2518 = arith.index_cast %get3A_2517 : i32 to index
          %get3A_2519 = arith.index_cast %add3A_2516 : i32 to index
          %get3A_2520 = arith.constant 32 : index
          %get3A_2521 = tpu.vector_load %arg16[%get3A_2518, %get3A_2519, %get3A_2520] {strides = array<i32>} : memref<2x128x128xi32, #tpu.memory_space<vmem>>, vector<16xi32>,
          %shift_left3A_2522 = arith.constant 16 : i32
          %shift_left3A_2523 = vector.broadcast %shift_left3A_2522 : i32 to vector<16xi32>
          %shift_left3A_2524 = arith.shli %get3A_2521, %shift_left3A_2523 : vector<16xi32>
          %bitcast3A_2525 = vector.bitcast %shift_left3A_2524 : vector<16xi32> to vector<16xf32>
          %and3A_2526 = arith.constant -65536 : i32
          %and3A_2527 = vector.broadcast %and3A_2526 : i32 to vector<16xi32>
          %and3A_2528 = arith.andi %get3A_2521, %and3A_2527 : vector<16xi32>
          %bitcast3A_2529 = vector.bitcast %and3A_2528 : vector<16xi32> to vector<16xf32>
          %add3A_2530 = arith.constant 96 : i32
          %add3A_2531 = arith.addi %add3A_2530, %scan3A_2305 : i32
          %get3A_2532 = arith.constant 0 : i32
          %get3A_2533 = arith.index_cast %get3A_2532 : i32 to index
          %get3A_2534 = arith.index_cast %add3A_2531 : i32 to index
          %get3A_2535 = arith.constant 32 : index
          %get3A_2536 = tpu.vector_load %arg16[%get3A_2533, %get3A_2534, %get3A_2535] {strides = array<i32>} : memref<2x128x128xi32, #tpu.memory_space<vmem>>, vector<16xi32>,
          %shift_left3A_2537 = arith.constant 16 : i32
          %shift_left3A_2538 = vector.broadcast %shift_left3A_2537 : i32 to vector<16xi32>
          %shift_left3A_2539 = arith.shli %get3A_2536, %shift_left3A_2538 : vector<16xi32>
          %bitcast3A_2540 = vector.bitcast %shift_left3A_2539 : vector<16xi32> to vector<16xf32>
          %and3A_2541 = arith.constant -65536 : i32
          %and3A_2542 = vector.broadcast %and3A_2541 : i32 to vector<16xi32>
          %and3A_2543 = arith.andi %get3A_2536, %and3A_2542 : vector<16xi32>
          %bitcast3A_2544 = vector.bitcast %and3A_2543 : vector<16xi32> to vector<16xf32>
          %mul3A_2545 = arith.mulf %gather3A_2307, %bitcast3A_2495 : vector<16xf32>
          %mul3A_2546 = arith.mulf %gather3A_2311, %bitcast3A_2510 : vector<16xf32>
          %add3A_2547 = arith.addf %mul3A_2545, %mul3A_2546 : vector<16xf32>
          %mul3A_2548 = arith.mulf %gather3A_2315, %bitcast3A_2525 : vector<16xf32>
          %add3A_2549 = arith.addf %add3A_2547, %mul3A_2548 : vector<16xf32>
          %mul3A_2550 = arith.mulf %gather3A_2319, %bitcast3A_2540 : vector<16xf32>
          %add3A_2551 = arith.addf %add3A_2549, %mul3A_2550 : vector<16xf32>
          %mul3A_2552 = arith.mulf %gather3A_2307, %bitcast3A_2499 : vector<16xf32>
          %mul3A_2553 = arith.mulf %gather3A_2311, %bitcast3A_2514 : vector<16xf32>
          %add3A_2554 = arith.addf %mul3A_2552, %mul3A_2553 : vector<16xf32>
          %mul3A_2555 = arith.mulf %gather3A_2315, %bitcast3A_2529 : vector<16xf32>
          %add3A_2556 = arith.addf %add3A_2554, %mul3A_2555 : vector<16xf32>
          %mul3A_2557 = arith.mulf %gather3A_2319, %bitcast3A_2544 : vector<16xf32>
          %add3A_2558 = arith.addf %add3A_2556, %mul3A_2557 : vector<16xf32>
          %mul3A_2559 = arith.constant 259 : i32
          %mul3A_2560 = arith.muli %scan3A_2305, %mul3A_2559 : i32
          %add3A_2561 = arith.constant 0 : i32
          %add3A_2562 = arith.addi %add3A_2561, %mul3A_2560 : i32
          %add3A_2563 = arith.constant 64 : i32
          %add3A_2564 = arith.addi %add3A_2562, %add3A_2563 : i32
          %swap3A_2565 = arith.index_cast %add3A_2564 : i32 to index
          %swap3A_2566 = tpu.vector_load %arg17[%swap3A_2565] {strides = array<i32>} : memref<16576xf32, #tpu.memory_space<vmem>>, vector<16xf32>,
          tpu.vector_store %arg17[%swap3A_2565], %add3A_2551 {strides = array<i32>} : memref<16576xf32, #tpu.memory_space<vmem>>, vector<16xf32>,
          %add3A_2567 = arith.constant 16 : i32
          %add3A_2568 = arith.addi %add3A_2564, %add3A_2567 : i32
          %swap3A_2569 = arith.index_cast %add3A_2568 : i32 to index
          %swap3A_2570 = tpu.vector_load %arg17[%swap3A_2569] {strides = array<i32>} : memref<16576xf32, #tpu.memory_space<vmem>>, vector<16xf32>,
          tpu.vector_store %arg17[%swap3A_2569], %add3A_2558 {strides = array<i32>} : memref<16576xf32, #tpu.memory_space<vmem>>, vector<16xf32>,
          %get3A_2571 = arith.constant 0 : i32
          %get3A_2572 = arith.index_cast %get3A_2571 : i32 to index
          %get3A_2573 = arith.index_cast %scan3A_2305 : i32 to index
          %get3A_2574 = arith.constant 48 : index
          %get3A_2575 = tpu.vector_load %arg16[%get3A_2572, %get3A_2573, %get3A_2574] {strides = array<i32>} : memref<2x128x128xi32, #tpu.memory_space<vmem>>, vector<16xi32>,
          %shift_left3A_2576 = arith.constant 16 : i32
          %shift_left3A_2577 = vector.broadcast %shift_left3A_2576 : i32 to vector<16xi32>
          %shift_left3A_2578 = arith.shli %get3A_2575, %shift_left3A_2577 : vector<16xi32>
          %bitcast3A_2579 = vector.bitcast %shift_left3A_2578 : vector<16xi32> to vector<16xf32>
          %and3A_2580 = arith.constant -65536 : i32
          %and3A_2581 = vector.broadcast %and3A_2580 : i32 to vector<16xi32>
          %and3A_2582 = arith.andi %get3A_2575, %and3A_2581 : vector<16xi32>
          %bitcast3A_2583 = vector.bitcast %and3A_2582 : vector<16xi32> to vector<16xf32>
          %add3A_2584 = arith.constant 32 : i32
          %add3A_2585 = arith.addi %add3A_2584, %scan3A_2305 : i32
          %get3A_2586 = arith.constant 0 : i32
          %get3A_2587 = arith.index_cast %get3A_2586 : i32 to index
          %get3A_2588 = arith.index_cast %add3A_2585 : i32 to index
          %get3A_2589 = arith.constant 48 : index
          %get3A_2590 = tpu.vector_load %arg16[%get3A_2587, %get3A_2588, %get3A_2589] {strides = array<i32>} : memref<2x128x128xi32, #tpu.memory_space<vmem>>, vector<16xi32>,
          %shift_left3A_2591 = arith.constant 16 : i32
          %shift_left3A_2592 = vector.broadcast %shift_left3A_2591 : i32 to vector<16xi32>
          %shift_left3A_2593 = arith.shli %get3A_2590, %shift_left3A_2592 : vector<16xi32>
          %bitcast3A_2594 = vector.bitcast %shift_left3A_2593 : vector<16xi32> to vector<16xf32>
          %and3A_2595 = arith.constant -65536 : i32
          %and3A_2596 = vector.broadcast %and3A_2595 : i32 to vector<16xi32>
          %and3A_2597 = arith.andi %get3A_2590, %and3A_2596 : vector<16xi32>
          %bitcast3A_2598 = vector.bitcast %and3A_2597 : vector<16xi32> to vector<16xf32>
          %add3A_2599 = arith.constant 64 : i32
          %add3A_2600 = arith.addi %add3A_2599, %scan3A_2305 : i32
          %get3A_2601 = arith.constant 0 : i32
          %get3A_2602 = arith.index_cast %get3A_2601 : i32 to index
          %get3A_2603 = arith.index_cast %add3A_2600 : i32 to index
          %get3A_2604 = arith.constant 48 : index
          %get3A_2605 = tpu.vector_load %arg16[%get3A_2602, %get3A_2603, %get3A_2604] {strides = array<i32>} : memref<2x128x128xi32, #tpu.memory_space<vmem>>, vector<16xi32>,
          %shift_left3A_2606 = arith.constant 16 : i32
          %shift_left3A_2607 = vector.broadcast %shift_left3A_2606 : i32 to vector<16xi32>
          %shift_left3A_2608 = arith.shli %get3A_2605, %shift_left3A_2607 : vector<16xi32>
          %bitcast3A_2609 = vector.bitcast %shift_left3A_2608 : vector<16xi32> to vector<16xf32>
          %and3A_2610 = arith.constant -65536 : i32
          %and3A_2611 = vector.broadcast %and3A_2610 : i32 to vector<16xi32>
          %and3A_2612 = arith.andi %get3A_2605, %and3A_2611 : vector<16xi32>
          %bitcast3A_2613 = vector.bitcast %and3A_2612 : vector<16xi32> to vector<16xf32>
          %add3A_2614 = arith.constant 96 : i32
          %add3A_2615 = arith.addi %add3A_2614, %scan3A_2305 : i32
          %get3A_2616 = arith.constant 0 : i32
          %get3A_2617 = arith.index_cast %get3A_2616 : i32 to index
          %get3A_2618 = arith.index_cast %add3A_2615 : i32 to index
          %get3A_2619 = arith.constant 48 : index
          %get3A_2620 = tpu.vector_load %arg16[%get3A_2617, %get3A_2618, %get3A_2619] {strides = array<i32>} : memref<2x128x128xi32, #tpu.memory_space<vmem>>, vector<16xi32>,
          %shift_left3A_2621 = arith.constant 16 : i32
          %shift_left3A_2622 = vector.broadcast %shift_left3A_2621 : i32 to vector<16xi32>
          %shift_left3A_2623 = arith.shli %get3A_2620, %shift_left3A_2622 : vector<16xi32>
          %bitcast3A_2624 = vector.bitcast %shift_left3A_2623 : vector<16xi32> to vector<16xf32>
          %and3A_2625 = arith.constant -65536 : i32
          %and3A_2626 = vector.broadcast %and3A_2625 : i32 to vector<16xi32>
          %and3A_2627 = arith.andi %get3A_2620, %and3A_2626 : vector<16xi32>
          %bitcast3A_2628 = vector.bitcast %and3A_2627 : vector<16xi32> to vector<16xf32>
          %mul3A_2629 = arith.mulf %gather3A_2307, %bitcast3A_2579 : vector<16xf32>
          %mul3A_2630 = arith.mulf %gather3A_2311, %bitcast3A_2594 : vector<16xf32>
          %add3A_2631 = arith.addf %mul3A_2629, %mul3A_2630 : vector<16xf32>
          %mul3A_2632 = arith.mulf %gather3A_2315, %bitcast3A_2609 : vector<16xf32>
          %add3A_2633 = arith.addf %add3A_2631, %mul3A_2632 : vector<16xf32>
          %mul3A_2634 = arith.mulf %gather3A_2319, %bitcast3A_2624 : vector<16xf32>
          %add3A_2635 = arith.addf %add3A_2633, %mul3A_2634 : vector<16xf32>
          %mul3A_2636 = arith.mulf %gather3A_2307, %bitcast3A_2583 : vector<16xf32>
          %mul3A_2637 = arith.mulf %gather3A_2311, %bitcast3A_2598 : vector<16xf32>
          %add3A_2638 = arith.addf %mul3A_2636, %mul3A_2637 : vector<16xf32>
          %mul3A_2639 = arith.mulf %gather3A_2315, %bitcast3A_2613 : vector<16xf32>
          %add3A_2640 = arith.addf %add3A_2638, %mul3A_2639 : vector<16xf32>
          %mul3A_2641 = arith.mulf %gather3A_2319, %bitcast3A_2628 : vector<16xf32>
          %add3A_2642 = arith.addf %add3A_2640, %mul3A_2641 : vector<16xf32>
          %mul3A_2643 = arith.constant 259 : i32
          %mul3A_2644 = arith.muli %scan3A_2305, %mul3A_2643 : i32
          %add3A_2645 = arith.constant 0 : i32
          %add3A_2646 = arith.addi %add3A_2645, %mul3A_2644 : i32
          %add3A_2647 = arith.constant 96 : i32
          %add3A_2648 = arith.addi %add3A_2646, %add3A_2647 : i32
          %swap3A_2649 = arith.index_cast %add3A_2648 : i32 to index
          %swap3A_2650 = tpu.vector_load %arg17[%swap3A_2649] {strides = array<i32>} : memref<16576xf32, #tpu.memory_space<vmem>>, vector<16xf32>,
          tpu.vector_store %arg17[%swap3A_2649], %add3A_2635 {strides = array<i32>} : memref<16576xf32, #tpu.memory_space<vmem>>, vector<16xf32>,
          %add3A_2651 = arith.constant 16 : i32
          %add3A_2652 = arith.addi %add3A_2648, %add3A_2651 : i32
          %swap3A_2653 = arith.index_cast %add3A_2652 : i32 to index
          %swap3A_2654 = tpu.vector_load %arg17[%swap3A_2653] {strides = array<i32>} : memref<16576xf32, #tpu.memory_space<vmem>>, vector<16xf32>,
          tpu.vector_store %arg17[%swap3A_2653], %add3A_2642 {strides = array<i32>} : memref<16576xf32, #tpu.memory_space<vmem>>, vector<16xf32>,
          %get3A_2655 = arith.constant 0 : i32
          %get3A_2656 = arith.index_cast %get3A_2655 : i32 to index
          %get3A_2657 = arith.index_cast %scan3A_2305 : i32 to index
          %get3A_2658 = arith.constant 64 : index
          %get3A_2659 = tpu.vector_load %arg16[%get3A_2656, %get3A_2657, %get3A_2658] {strides = array<i32>} : memref<2x128x128xi32, #tpu.memory_space<vmem>>, vector<16xi32>,
          %shift_left3A_2660 = arith.constant 16 : i32
          %shift_left3A_2661 = vector.broadcast %shift_left3A_2660 : i32 to vector<16xi32>
          %shift_left3A_2662 = arith.shli %get3A_2659, %shift_left3A_2661 : vector<16xi32>
          %bitcast3A_2663 = vector.bitcast %shift_left3A_2662 : vector<16xi32> to vector<16xf32>
          %and3A_2664 = arith.constant -65536 : i32
          %and3A_2665 = vector.broadcast %and3A_2664 : i32 to vector<16xi32>
          %and3A_2666 = arith.andi %get3A_2659, %and3A_2665 : vector<16xi32>
          %bitcast3A_2667 = vector.bitcast %and3A_2666 : vector<16xi32> to vector<16xf32>
          %add3A_2668 = arith.constant 32 : i32
          %add3A_2669 = arith.addi %add3A_2668, %scan3A_2305 : i32
          %get3A_2670 = arith.constant 0 : i32
          %get3A_2671 = arith.index_cast %get3A_2670 : i32 to index
          %get3A_2672 = arith.index_cast %add3A_2669 : i32 to index
          %get3A_2673 = arith.constant 64 : index
          %get3A_2674 = tpu.vector_load %arg16[%get3A_2671, %get3A_2672, %get3A_2673] {strides = array<i32>} : memref<2x128x128xi32, #tpu.memory_space<vmem>>, vector<16xi32>,
          %shift_left3A_2675 = arith.constant 16 : i32
          %shift_left3A_2676 = vector.broadcast %shift_left3A_2675 : i32 to vector<16xi32>
          %shift_left3A_2677 = arith.shli %get3A_2674, %shift_left3A_2676 : vector<16xi32>
          %bitcast3A_2678 = vector.bitcast %shift_left3A_2677 : vector<16xi32> to vector<16xf32>
          %and3A_2679 = arith.constant -65536 : i32
          %and3A_2680 = vector.broadcast %and3A_2679 : i32 to vector<16xi32>
          %and3A_2681 = arith.andi %get3A_2674, %and3A_2680 : vector<16xi32>
          %bitcast3A_2682 = vector.bitcast %and3A_2681 : vector<16xi32> to vector<16xf32>
          %add3A_2683 = arith.constant 64 : i32
          %add3A_2684 = arith.addi %add3A_2683, %scan3A_2305 : i32
          %get3A_2685 = arith.constant 0 : i32
          %get3A_2686 = arith.index_cast %get3A_2685 : i32 to index
          %get3A_2687 = arith.index_cast %add3A_2684 : i32 to index
          %get3A_2688 = arith.constant 64 : index
          %get3A_2689 = tpu.vector_load %arg16[%get3A_2686, %get3A_2687, %get3A_2688] {strides = array<i32>} : memref<2x128x128xi32, #tpu.memory_space<vmem>>, vector<16xi32>,
          %shift_left3A_2690 = arith.constant 16 : i32
          %shift_left3A_2691 = vector.broadcast %shift_left3A_2690 : i32 to vector<16xi32>
          %shift_left3A_2692 = arith.shli %get3A_2689, %shift_left3A_2691 : vector<16xi32>
          %bitcast3A_2693 = vector.bitcast %shift_left3A_2692 : vector<16xi32> to vector<16xf32>
          %and3A_2694 = arith.constant -65536 : i32
          %and3A_2695 = vector.broadcast %and3A_2694 : i32 to vector<16xi32>
          %and3A_2696 = arith.andi %get3A_2689, %and3A_2695 : vector<16xi32>
          %bitcast3A_2697 = vector.bitcast %and3A_2696 : vector<16xi32> to vector<16xf32>
          %add3A_2698 = arith.constant 96 : i32
          %add3A_2699 = arith.addi %add3A_2698, %scan3A_2305 : i32
          %get3A_2700 = arith.constant 0 : i32
          %get3A_2701 = arith.index_cast %get3A_2700 : i32 to index
          %get3A_2702 = arith.index_cast %add3A_2699 : i32 to index
          %get3A_2703 = arith.constant 64 : index
          %get3A_2704 = tpu.vector_load %arg16[%get3A_2701, %get3A_2702, %get3A_2703] {strides = array<i32>} : memref<2x128x128xi32, #tpu.memory_space<vmem>>, vector<16xi32>,
          %shift_left3A_2705 = arith.constant 16 : i32
          %shift_left3A_2706 = vector.broadcast %shift_left3A_2705 : i32 to vector<16xi32>
          %shift_left3A_2707 = arith.shli %get3A_2704, %shift_left3A_2706 : vector<16xi32>
          %bitcast3A_2708 = vector.bitcast %shift_left3A_2707 : vector<16xi32> to vector<16xf32>
          %and3A_2709 = arith.constant -65536 : i32
          %and3A_2710 = vector.broadcast %and3A_2709 : i32 to vector<16xi32>
          %and3A_2711 = arith.andi %get3A_2704, %and3A_2710 : vector<16xi32>
          %bitcast3A_2712 = vector.bitcast %and3A_2711 : vector<16xi32> to vector<16xf32>
          %mul3A_2713 = arith.mulf %gather3A_2307, %bitcast3A_2663 : vector<16xf32>
          %mul3A_2714 = arith.mulf %gather3A_2311, %bitcast3A_2678 : vector<16xf32>
          %add3A_2715 = arith.addf %mul3A_2713, %mul3A_2714 : vector<16xf32>
          %mul3A_2716 = arith.mulf %gather3A_2315, %bitcast3A_2693 : vector<16xf32>
          %add3A_2717 = arith.addf %add3A_2715, %mul3A_2716 : vector<16xf32>
          %mul3A_2718 = arith.mulf %gather3A_2319, %bitcast3A_2708 : vector<16xf32>
          %add3A_2719 = arith.addf %add3A_2717, %mul3A_2718 : vector<16xf32>
          %mul3A_2720 = arith.mulf %gather3A_2307, %bitcast3A_2667 : vector<16xf32>
          %mul3A_2721 = arith.mulf %gather3A_2311, %bitcast3A_2682 : vector<16xf32>
          %add3A_2722 = arith.addf %mul3A_2720, %mul3A_2721 : vector<16xf32>
          %mul3A_2723 = arith.mulf %gather3A_2315, %bitcast3A_2697 : vector<16xf32>
          %add3A_2724 = arith.addf %add3A_2722, %mul3A_2723 : vector<16xf32>
          %mul3A_2725 = arith.mulf %gather3A_2319, %bitcast3A_2712 : vector<16xf32>
          %add3A_2726 = arith.addf %add3A_2724, %mul3A_2725 : vector<16xf32>
          %mul3A_2727 = arith.constant 259 : i32
          %mul3A_2728 = arith.muli %scan3A_2305, %mul3A_2727 : i32
          %add3A_2729 = arith.constant 0 : i32
          %add3A_2730 = arith.addi %add3A_2729, %mul3A_2728 : i32
          %add3A_2731 = arith.constant 128 : i32
          %add3A_2732 = arith.addi %add3A_2730, %add3A_2731 : i32
          %swap3A_2733 = arith.index_cast %add3A_2732 : i32 to index
          %swap3A_2734 = tpu.vector_load %arg17[%swap3A_2733] {strides = array<i32>} : memref<16576xf32, #tpu.memory_space<vmem>>, vector<16xf32>,
          tpu.vector_store %arg17[%swap3A_2733], %add3A_2719 {strides = array<i32>} : memref<16576xf32, #tpu.memory_space<vmem>>, vector<16xf32>,
          %add3A_2735 = arith.constant 16 : i32
          %add3A_2736 = arith.addi %add3A_2732, %add3A_2735 : i32
          %swap3A_2737 = arith.index_cast %add3A_2736 : i32 to index
          %swap3A_2738 = tpu.vector_load %arg17[%swap3A_2737] {strides = array<i32>} : memref<16576xf32, #tpu.memory_space<vmem>>, vector<16xf32>,
          tpu.vector_store %arg17[%swap3A_2737], %add3A_2726 {strides = array<i32>} : memref<16576xf32, #tpu.memory_space<vmem>>, vector<16xf32>,
          %get3A_2739 = arith.constant 0 : i32
          %get3A_2740 = arith.index_cast %get3A_2739 : i32 to index
          %get3A_2741 = arith.index_cast %scan3A_2305 : i32 to index
          %get3A_2742 = arith.constant 80 : index
          %get3A_2743 = tpu.vector_load %arg16[%get3A_2740, %get3A_2741, %get3A_2742] {strides = array<i32>} : memref<2x128x128xi32, #tpu.memory_space<vmem>>, vector<16xi32>,
          %shift_left3A_2744 = arith.constant 16 : i32
          %shift_left3A_2745 = vector.broadcast %shift_left3A_2744 : i32 to vector<16xi32>
          %shift_left3A_2746 = arith.shli %get3A_2743, %shift_left3A_2745 : vector<16xi32>
          %bitcast3A_2747 = vector.bitcast %shift_left3A_2746 : vector<16xi32> to vector<16xf32>
          %and3A_2748 = arith.constant -65536 : i32
          %and3A_2749 = vector.broadcast %and3A_2748 : i32 to vector<16xi32>
          %and3A_2750 = arith.andi %get3A_2743, %and3A_2749 : vector<16xi32>
          %bitcast3A_2751 = vector.bitcast %and3A_2750 : vector<16xi32> to vector<16xf32>
          %add3A_2752 = arith.constant 32 : i32
          %add3A_2753 = arith.addi %add3A_2752, %scan3A_2305 : i32
          %get3A_2754 = arith.constant 0 : i32
          %get3A_2755 = arith.index_cast %get3A_2754 : i32 to index
          %get3A_2756 = arith.index_cast %add3A_2753 : i32 to index
          %get3A_2757 = arith.constant 80 : index
          %get3A_2758 = tpu.vector_load %arg16[%get3A_2755, %get3A_2756, %get3A_2757] {strides = array<i32>} : memref<2x128x128xi32, #tpu.memory_space<vmem>>, vector<16xi32>,
          %shift_left3A_2759 = arith.constant 16 : i32
          %shift_left3A_2760 = vector.broadcast %shift_left3A_2759 : i32 to vector<16xi32>
          %shift_left3A_2761 = arith.shli %get3A_2758, %shift_left3A_2760 : vector<16xi32>
          %bitcast3A_2762 = vector.bitcast %shift_left3A_2761 : vector<16xi32> to vector<16xf32>
          %and3A_2763 = arith.constant -65536 : i32
          %and3A_2764 = vector.broadcast %and3A_2763 : i32 to vector<16xi32>
          %and3A_2765 = arith.andi %get3A_2758, %and3A_2764 : vector<16xi32>
          %bitcast3A_2766 = vector.bitcast %and3A_2765 : vector<16xi32> to vector<16xf32>
          %add3A_2767 = arith.constant 64 : i32
          %add3A_2768 = arith.addi %add3A_2767, %scan3A_2305 : i32
          %get3A_2769 = arith.constant 0 : i32
          %get3A_2770 = arith.index_cast %get3A_2769 : i32 to index
          %get3A_2771 = arith.index_cast %add3A_2768 : i32 to index
          %get3A_2772 = arith.constant 80 : index
          %get3A_2773 = tpu.vector_load %arg16[%get3A_2770, %get3A_2771, %get3A_2772] {strides = array<i32>} : memref<2x128x128xi32, #tpu.memory_space<vmem>>, vector<16xi32>,
          %shift_left3A_2774 = arith.constant 16 : i32
          %shift_left3A_2775 = vector.broadcast %shift_left3A_2774 : i32 to vector<16xi32>
          %shift_left3A_2776 = arith.shli %get3A_2773, %shift_left3A_2775 : vector<16xi32>
          %bitcast3A_2777 = vector.bitcast %shift_left3A_2776 : vector<16xi32> to vector<16xf32>
          %and3A_2778 = arith.constant -65536 : i32
          %and3A_2779 = vector.broadcast %and3A_2778 : i32 to vector<16xi32>
          %and3A_2780 = arith.andi %get3A_2773, %and3A_2779 : vector<16xi32>
          %bitcast3A_2781 = vector.bitcast %and3A_2780 : vector<16xi32> to vector<16xf32>
          %add3A_2782 = arith.constant 96 : i32
          %add3A_2783 = arith.addi %add3A_2782, %scan3A_2305 : i32
          %get3A_2784 = arith.constant 0 : i32
          %get3A_2785 = arith.index_cast %get3A_2784 : i32 to index
          %get3A_2786 = arith.index_cast %add3A_2783 : i32 to index
          %get3A_2787 = arith.constant 80 : index
          %get3A_2788 = tpu.vector_load %arg16[%get3A_2785, %get3A_2786, %get3A_2787] {strides = array<i32>} : memref<2x128x128xi32, #tpu.memory_space<vmem>>, vector<16xi32>,
          %shift_left3A_2789 = arith.constant 16 : i32
          %shift_left3A_2790 = vector.broadcast %shift_left3A_2789 : i32 to vector<16xi32>
          %shift_left3A_2791 = arith.shli %get3A_2788, %shift_left3A_2790 : vector<16xi32>
          %bitcast3A_2792 = vector.bitcast %shift_left3A_2791 : vector<16xi32> to vector<16xf32>
          %and3A_2793 = arith.constant -65536 : i32
          %and3A_2794 = vector.broadcast %and3A_2793 : i32 to vector<16xi32>
          %and3A_2795 = arith.andi %get3A_2788, %and3A_2794 : vector<16xi32>
          %bitcast3A_2796 = vector.bitcast %and3A_2795 : vector<16xi32> to vector<16xf32>
          %mul3A_2797 = arith.mulf %gather3A_2307, %bitcast3A_2747 : vector<16xf32>
          %mul3A_2798 = arith.mulf %gather3A_2311, %bitcast3A_2762 : vector<16xf32>
          %add3A_2799 = arith.addf %mul3A_2797, %mul3A_2798 : vector<16xf32>
          %mul3A_2800 = arith.mulf %gather3A_2315, %bitcast3A_2777 : vector<16xf32>
          %add3A_2801 = arith.addf %add3A_2799, %mul3A_2800 : vector<16xf32>
          %mul3A_2802 = arith.mulf %gather3A_2319, %bitcast3A_2792 : vector<16xf32>
          %add3A_2803 = arith.addf %add3A_2801, %mul3A_2802 : vector<16xf32>
          %mul3A_2804 = arith.mulf %gather3A_2307, %bitcast3A_2751 : vector<16xf32>
          %mul3A_2805 = arith.mulf %gather3A_2311, %bitcast3A_2766 : vector<16xf32>
          %add3A_2806 = arith.addf %mul3A_2804, %mul3A_2805 : vector<16xf32>
          %mul3A_2807 = arith.mulf %gather3A_2315, %bitcast3A_2781 : vector<16xf32>
          %add3A_2808 = arith.addf %add3A_2806, %mul3A_2807 : vector<16xf32>
          %mul3A_2809 = arith.mulf %gather3A_2319, %bitcast3A_2796 : vector<16xf32>
          %add3A_2810 = arith.addf %add3A_2808, %mul3A_2809 : vector<16xf32>
          %mul3A_2811 = arith.constant 259 : i32
          %mul3A_2812 = arith.muli %scan3A_2305, %mul3A_2811 : i32
          %add3A_2813 = arith.constant 0 : i32
          %add3A_2814 = arith.addi %add3A_2813, %mul3A_2812 : i32
          %add3A_2815 = arith.constant 160 : i32
          %add3A_2816 = arith.addi %add3A_2814, %add3A_2815 : i32
          %swap3A_2817 = arith.index_cast %add3A_2816 : i32 to index
          %swap3A_2818 = tpu.vector_load %arg17[%swap3A_2817] {strides = array<i32>} : memref<16576xf32, #tpu.memory_space<vmem>>, vector<16xf32>,
          tpu.vector_store %arg17[%swap3A_2817], %add3A_2803 {strides = array<i32>} : memref<16576xf32, #tpu.memory_space<vmem>>, vector<16xf32>,
          %add3A_2819 = arith.constant 16 : i32
          %add3A_2820 = arith.addi %add3A_2816, %add3A_2819 : i32
          %swap3A_2821 = arith.index_cast %add3A_2820 : i32 to index
          %swap3A_2822 = tpu.vector_load %arg17[%swap3A_2821] {strides = array<i32>} : memref<16576xf32, #tpu.memory_space<vmem>>, vector<16xf32>,
          tpu.vector_store %arg17[%swap3A_2821], %add3A_2810 {strides = array<i32>} : memref<16576xf32, #tpu.memory_space<vmem>>, vector<16xf32>,
          %get3A_2823 = arith.constant 0 : i32
          %get3A_2824 = arith.index_cast %get3A_2823 : i32 to index
          %get3A_2825 = arith.index_cast %scan3A_2305 : i32 to index
          %get3A_2826 = arith.constant 96 : index
          %get3A_2827 = tpu.vector_load %arg16[%get3A_2824, %get3A_2825, %get3A_2826] {strides = array<i32>} : memref<2x128x128xi32, #tpu.memory_space<vmem>>, vector<16xi32>,
          %shift_left3A_2828 = arith.constant 16 : i32
          %shift_left3A_2829 = vector.broadcast %shift_left3A_2828 : i32 to vector<16xi32>
          %shift_left3A_2830 = arith.shli %get3A_2827, %shift_left3A_2829 : vector<16xi32>
          %bitcast3A_2831 = vector.bitcast %shift_left3A_2830 : vector<16xi32> to vector<16xf32>
          %and3A_2832 = arith.constant -65536 : i32
          %and3A_2833 = vector.broadcast %and3A_2832 : i32 to vector<16xi32>
          %and3A_2834 = arith.andi %get3A_2827, %and3A_2833 : vector<16xi32>
          %bitcast3A_2835 = vector.bitcast %and3A_2834 : vector<16xi32> to vector<16xf32>
          %add3A_2836 = arith.constant 32 : i32
          %add3A_2837 = arith.addi %add3A_2836, %scan3A_2305 : i32
          %get3A_2838 = arith.constant 0 : i32
          %get3A_2839 = arith.index_cast %get3A_2838 : i32 to index
          %get3A_2840 = arith.index_cast %add3A_2837 : i32 to index
          %get3A_2841 = arith.constant 96 : index
          %get3A_2842 = tpu.vector_load %arg16[%get3A_2839, %get3A_2840, %get3A_2841] {strides = array<i32>} : memref<2x128x128xi32, #tpu.memory_space<vmem>>, vector<16xi32>,
          %shift_left3A_2843 = arith.constant 16 : i32
          %shift_left3A_2844 = vector.broadcast %shift_left3A_2843 : i32 to vector<16xi32>
          %shift_left3A_2845 = arith.shli %get3A_2842, %shift_left3A_2844 : vector<16xi32>
          %bitcast3A_2846 = vector.bitcast %shift_left3A_2845 : vector<16xi32> to vector<16xf32>
          %and3A_2847 = arith.constant -65536 : i32
          %and3A_2848 = vector.broadcast %and3A_2847 : i32 to vector<16xi32>
          %and3A_2849 = arith.andi %get3A_2842, %and3A_2848 : vector<16xi32>
          %bitcast3A_2850 = vector.bitcast %and3A_2849 : vector<16xi32> to vector<16xf32>
          %add3A_2851 = arith.constant 64 : i32
          %add3A_2852 = arith.addi %add3A_2851, %scan3A_2305 : i32
          %get3A_2853 = arith.constant 0 : i32
          %get3A_2854 = arith.index_cast %get3A_2853 : i32 to index
          %get3A_2855 = arith.index_cast %add3A_2852 : i32 to index
          %get3A_2856 = arith.constant 96 : index
          %get3A_2857 = tpu.vector_load %arg16[%get3A_2854, %get3A_2855, %get3A_2856] {strides = array<i32>} : memref<2x128x128xi32, #tpu.memory_space<vmem>>, vector<16xi32>,
          %shift_left3A_2858 = arith.constant 16 : i32
          %shift_left3A_2859 = vector.broadcast %shift_left3A_2858 : i32 to vector<16xi32>
          %shift_left3A_2860 = arith.shli %get3A_2857, %shift_left3A_2859 : vector<16xi32>
          %bitcast3A_2861 = vector.bitcast %shift_left3A_2860 : vector<16xi32> to vector<16xf32>
          %and3A_2862 = arith.constant -65536 : i32
          %and3A_2863 = vector.broadcast %and3A_2862 : i32 to vector<16xi32>
          %and3A_2864 = arith.andi %get3A_2857, %and3A_2863 : vector<16xi32>
          %bitcast3A_2865 = vector.bitcast %and3A_2864 : vector<16xi32> to vector<16xf32>
          %add3A_2866 = arith.constant 96 : i32
          %add3A_2867 = arith.addi %add3A_2866, %scan3A_2305 : i32
          %get3A_2868 = arith.constant 0 : i32
          %get3A_2869 = arith.index_cast %get3A_2868 : i32 to index
          %get3A_2870 = arith.index_cast %add3A_2867 : i32 to index
          %get3A_2871 = arith.constant 96 : index
          %get3A_2872 = tpu.vector_load %arg16[%get3A_2869, %get3A_2870, %get3A_2871] {strides = array<i32>} : memref<2x128x128xi32, #tpu.memory_space<vmem>>, vector<16xi32>,
          %shift_left3A_2873 = arith.constant 16 : i32
          %shift_left3A_2874 = vector.broadcast %shift_left3A_2873 : i32 to vector<16xi32>
          %shift_left3A_2875 = arith.shli %get3A_2872, %shift_left3A_2874 : vector<16xi32>
          %bitcast3A_2876 = vector.bitcast %shift_left3A_2875 : vector<16xi32> to vector<16xf32>
          %and3A_2877 = arith.constant -65536 : i32
          %and3A_2878 = vector.broadcast %and3A_2877 : i32 to vector<16xi32>
          %and3A_2879 = arith.andi %get3A_2872, %and3A_2878 : vector<16xi32>
          %bitcast3A_2880 = vector.bitcast %and3A_2879 : vector<16xi32> to vector<16xf32>
          %mul3A_2881 = arith.mulf %gather3A_2307, %bitcast3A_2831 : vector<16xf32>
          %mul3A_2882 = arith.mulf %gather3A_2311, %bitcast3A_2846 : vector<16xf32>
          %add3A_2883 = arith.addf %mul3A_2881, %mul3A_2882 : vector<16xf32>
          %mul3A_2884 = arith.mulf %gather3A_2315, %bitcast3A_2861 : vector<16xf32>
          %add3A_2885 = arith.addf %add3A_2883, %mul3A_2884 : vector<16xf32>
          %mul3A_2886 = arith.mulf %gather3A_2319, %bitcast3A_2876 : vector<16xf32>
          %add3A_2887 = arith.addf %add3A_2885, %mul3A_2886 : vector<16xf32>
          %mul3A_2888 = arith.mulf %gather3A_2307, %bitcast3A_2835 : vector<16xf32>
          %mul3A_2889 = arith.mulf %gather3A_2311, %bitcast3A_2850 : vector<16xf32>
          %add3A_2890 = arith.addf %mul3A_2888, %mul3A_2889 : vector<16xf32>
          %mul3A_2891 = arith.mulf %gather3A_2315, %bitcast3A_2865 : vector<16xf32>
          %add3A_2892 = arith.addf %add3A_2890, %mul3A_2891 : vector<16xf32>
          %mul3A_2893 = arith.mulf %gather3A_2319, %bitcast3A_2880 : vector<16xf32>
          %add3A_2894 = arith.addf %add3A_2892, %mul3A_2893 : vector<16xf32>
          %mul3A_2895 = arith.constant 259 : i32
          %mul3A_2896 = arith.muli %scan3A_2305, %mul3A_2895 : i32
          %add3A_2897 = arith.constant 0 : i32
          %add3A_2898 = arith.addi %add3A_2897, %mul3A_2896 : i32
          %add3A_2899 = arith.constant 192 : i32
          %add3A_2900 = arith.addi %add3A_2898, %add3A_2899 : i32
          %swap3A_2901 = arith.index_cast %add3A_2900 : i32 to index
          %swap3A_2902 = tpu.vector_load %arg17[%swap3A_2901] {strides = array<i32>} : memref<16576xf32, #tpu.memory_space<vmem>>, vector<16xf32>,
          tpu.vector_store %arg17[%swap3A_2901], %add3A_2887 {strides = array<i32>} : memref<16576xf32, #tpu.memory_space<vmem>>, vector<16xf32>,
          %add3A_2903 = arith.constant 16 : i32
          %add3A_2904 = arith.addi %add3A_2900, %add3A_2903 : i32
          %swap3A_2905 = arith.index_cast %add3A_2904 : i32 to index
          %swap3A_2906 = tpu.vector_load %arg17[%swap3A_2905] {strides = array<i32>} : memref<16576xf32, #tpu.memory_space<vmem>>, vector<16xf32>,
          tpu.vector_store %arg17[%swap3A_2905], %add3A_2894 {strides = array<i32>} : memref<16576xf32, #tpu.memory_space<vmem>>, vector<16xf32>,
          %get3A_2907 = arith.constant 0 : i32
          %get3A_2908 = arith.index_cast %get3A_2907 : i32 to index
          %get3A_2909 = arith.index_cast %scan3A_2305 : i32 to index
          %get3A_2910 = arith.constant 112 : index
          %get3A_2911 = tpu.vector_load %arg16[%get3A_2908, %get3A_2909, %get3A_2910] {strides = array<i32>} : memref<2x128x128xi32, #tpu.memory_space<vmem>>, vector<16xi32>,
          %shift_left3A_2912 = arith.constant 16 : i32
          %shift_left3A_2913 = vector.broadcast %shift_left3A_2912 : i32 to vector<16xi32>
          %shift_left3A_2914 = arith.shli %get3A_2911, %shift_left3A_2913 : vector<16xi32>
          %bitcast3A_2915 = vector.bitcast %shift_left3A_2914 : vector<16xi32> to vector<16xf32>
          %and3A_2916 = arith.constant -65536 : i32
          %and3A_2917 = vector.broadcast %and3A_2916 : i32 to vector<16xi32>
          %and3A_2918 = arith.andi %get3A_2911, %and3A_2917 : vector<16xi32>
          %bitcast3A_2919 = vector.bitcast %and3A_2918 : vector<16xi32> to vector<16xf32>
          %add3A_2920 = arith.constant 32 : i32
          %add3A_2921 = arith.addi %add3A_2920, %scan3A_2305 : i32
          %get3A_2922 = arith.constant 0 : i32
          %get3A_2923 = arith.index_cast %get3A_2922 : i32 to index
          %get3A_2924 = arith.index_cast %add3A_2921 : i32 to index
          %get3A_2925 = arith.constant 112 : index
          %get3A_2926 = tpu.vector_load %arg16[%get3A_2923, %get3A_2924, %get3A_2925] {strides = array<i32>} : memref<2x128x128xi32, #tpu.memory_space<vmem>>, vector<16xi32>,
          %shift_left3A_2927 = arith.constant 16 : i32
          %shift_left3A_2928 = vector.broadcast %shift_left3A_2927 : i32 to vector<16xi32>
          %shift_left3A_2929 = arith.shli %get3A_2926, %shift_left3A_2928 : vector<16xi32>
          %bitcast3A_2930 = vector.bitcast %shift_left3A_2929 : vector<16xi32> to vector<16xf32>
          %and3A_2931 = arith.constant -65536 : i32
          %and3A_2932 = vector.broadcast %and3A_2931 : i32 to vector<16xi32>
          %and3A_2933 = arith.andi %get3A_2926, %and3A_2932 : vector<16xi32>
          %bitcast3A_2934 = vector.bitcast %and3A_2933 : vector<16xi32> to vector<16xf32>
          %add3A_2935 = arith.constant 64 : i32
          %add3A_2936 = arith.addi %add3A_2935, %scan3A_2305 : i32
          %get3A_2937 = arith.constant 0 : i32
          %get3A_2938 = arith.index_cast %get3A_2937 : i32 to index
          %get3A_2939 = arith.index_cast %add3A_2936 : i32 to index
          %get3A_2940 = arith.constant 112 : index
          %get3A_2941 = tpu.vector_load %arg16[%get3A_2938, %get3A_2939, %get3A_2940] {strides = array<i32>} : memref<2x128x128xi32, #tpu.memory_space<vmem>>, vector<16xi32>,
          %shift_left3A_2942 = arith.constant 16 : i32
          %shift_left3A_2943 = vector.broadcast %shift_left3A_2942 : i32 to vector<16xi32>
          %shift_left3A_2944 = arith.shli %get3A_2941, %shift_left3A_2943 : vector<16xi32>
          %bitcast3A_2945 = vector.bitcast %shift_left3A_2944 : vector<16xi32> to vector<16xf32>
          %and3A_2946 = arith.constant -65536 : i32
          %and3A_2947 = vector.broadcast %and3A_2946 : i32 to vector<16xi32>
          %and3A_2948 = arith.andi %get3A_2941, %and3A_2947 : vector<16xi32>
          %bitcast3A_2949 = vector.bitcast %and3A_2948 : vector<16xi32> to vector<16xf32>
          %add3A_2950 = arith.constant 96 : i32
          %add3A_2951 = arith.addi %add3A_2950, %scan3A_2305 : i32
          %get3A_2952 = arith.constant 0 : i32
          %get3A_2953 = arith.index_cast %get3A_2952 : i32 to index
          %get3A_2954 = arith.index_cast %add3A_2951 : i32 to index
          %get3A_2955 = arith.constant 112 : index
          %get3A_2956 = tpu.vector_load %arg16[%get3A_2953, %get3A_2954, %get3A_2955] {strides = array<i32>} : memref<2x128x128xi32, #tpu.memory_space<vmem>>, vector<16xi32>,
          %shift_left3A_2957 = arith.constant 16 : i32
          %shift_left3A_2958 = vector.broadcast %shift_left3A_2957 : i32 to vector<16xi32>
          %shift_left3A_2959 = arith.shli %get3A_2956, %shift_left3A_2958 : vector<16xi32>
          %bitcast3A_2960 = vector.bitcast %shift_left3A_2959 : vector<16xi32> to vector<16xf32>
          %and3A_2961 = arith.constant -65536 : i32
          %and3A_2962 = vector.broadcast %and3A_2961 : i32 to vector<16xi32>
          %and3A_2963 = arith.andi %get3A_2956, %and3A_2962 : vector<16xi32>
          %bitcast3A_2964 = vector.bitcast %and3A_2963 : vector<16xi32> to vector<16xf32>
          %mul3A_2965 = arith.mulf %gather3A_2307, %bitcast3A_2915 : vector<16xf32>
          %mul3A_2966 = arith.mulf %gather3A_2311, %bitcast3A_2930 : vector<16xf32>
          %add3A_2967 = arith.addf %mul3A_2965, %mul3A_2966 : vector<16xf32>
          %mul3A_2968 = arith.mulf %gather3A_2315, %bitcast3A_2945 : vector<16xf32>
          %add3A_2969 = arith.addf %add3A_2967, %mul3A_2968 : vector<16xf32>
          %mul3A_2970 = arith.mulf %gather3A_2319, %bitcast3A_2960 : vector<16xf32>
          %add3A_2971 = arith.addf %add3A_2969, %mul3A_2970 : vector<16xf32>
          %mul3A_2972 = arith.mulf %gather3A_2307, %bitcast3A_2919 : vector<16xf32>
          %mul3A_2973 = arith.mulf %gather3A_2311, %bitcast3A_2934 : vector<16xf32>
          %add3A_2974 = arith.addf %mul3A_2972, %mul3A_2973 : vector<16xf32>
          %mul3A_2975 = arith.mulf %gather3A_2315, %bitcast3A_2949 : vector<16xf32>
          %add3A_2976 = arith.addf %add3A_2974, %mul3A_2975 : vector<16xf32>
          %mul3A_2977 = arith.mulf %gather3A_2319, %bitcast3A_2964 : vector<16xf32>
          %add3A_2978 = arith.addf %add3A_2976, %mul3A_2977 : vector<16xf32>
          %mul3A_2979 = arith.constant 259 : i32
          %mul3A_2980 = arith.muli %scan3A_2305, %mul3A_2979 : i32
          %add3A_2981 = arith.constant 0 : i32
          %add3A_2982 = arith.addi %add3A_2981, %mul3A_2980 : i32
          %add3A_2983 = arith.constant 224 : i32
          %add3A_2984 = arith.addi %add3A_2982, %add3A_2983 : i32
          %swap3A_2985 = arith.index_cast %add3A_2984 : i32 to index
          %swap3A_2986 = tpu.vector_load %arg17[%swap3A_2985] {strides = array<i32>} : memref<16576xf32, #tpu.memory_space<vmem>>, vector<16xf32>,
          tpu.vector_store %arg17[%swap3A_2985], %add3A_2971 {strides = array<i32>} : memref<16576xf32, #tpu.memory_space<vmem>>, vector<16xf32>,
          %add3A_2987 = arith.constant 16 : i32
          %add3A_2988 = arith.addi %add3A_2984, %add3A_2987 : i32
          %swap3A_2989 = arith.index_cast %add3A_2988 : i32 to index
          %swap3A_2990 = tpu.vector_load %arg17[%swap3A_2989] {strides = array<i32>} : memref<16576xf32, #tpu.memory_space<vmem>>, vector<16xf32>,
          tpu.vector_store %arg17[%swap3A_2989], %add3A_2978 {strides = array<i32>} : memref<16576xf32, #tpu.memory_space<vmem>>, vector<16xf32>,
          %add3A_2991 = arith.constant 1 : i32
          %add3A_2992 = vector.broadcast %add3A_2991 : i32 to vector<16xi32>
          %add3A_2993 = arith.addi %scan3A_2306, %add3A_2992 : vector<16xi32>
          scf.yield %add3A_2993 : vector<16xi32>
        }
        %scan3A_2264 = arith.constant 32 : i32
        %mul3A_2265 = arith.constant 65536 : i32
        %mul3A_2266 = arith.muli %scan3A_16, %mul3A_2265 : i32
        %add3A_2267 = arith.addi %mul3A_2266, %add3A_2247 : i32
        %mul3A_2268 = arith.constant 259 : i32
        %mul3A_2269 = arith.muli %add3A_2267, %mul3A_2268 : i32
        "tpu.region"() ({
          %run_scoped3A = tpu.sem_alloc : memref<!tpu.dma_semaphore, #tpu.memory_space<semaphore_mem>>
          %dma_start3A_2305 = arith.constant 0 : i32
          %dma_start3A_2306 = tpu.memref_slice %arg17[%dma_start3A_2305] : memref<16576xf32, #tpu.memory_space<vmem>> -> memref<8288xf32, #tpu.memory_space<vmem>>
          %dma_start3A_2307 = tpu.memref_slice %arg7[%mul3A_2269] : memref<67895296xf32, #tpu.memory_space<hbm>> -> memref<8288xf32, #tpu.memory_space<hbm>>
          %dma_start3A_2308 = tpu.memref_slice %arg7[%mul3A_2269] : memref<67895296xf32, #tpu.memory_space<hbm>> -> memref<8288xf32, #tpu.memory_space<hbm>>
          %dma_start3A_2309 = arith.constant 0 : i32
          %dma_start3A_2310 = tpu.memref_slice %arg17[%dma_start3A_2309] : memref<16576xf32, #tpu.memory_space<vmem>> -> memref<8288xf32, #tpu.memory_space<vmem>>
          tpu.enqueue_dma source(%dma_start3A_2310 : memref<8288xf32, #tpu.memory_space<vmem>>) target(%dma_start3A_2308 : memref<8288xf32, #tpu.memory_space<hbm>>) target_semaphore(%run_scoped3A : memref<!tpu.dma_semaphore, #tpu.memory_space<semaphore_mem>>)
          %dma_wait3A_2311 = arith.constant 0 : i32
          %dma_wait3A_2312 = tpu.memref_slice %arg17[%dma_wait3A_2311] : memref<16576xf32, #tpu.memory_space<vmem>> -> memref<8288xf32, #tpu.memory_space<vmem>>
          %dma_wait3A_2313 = tpu.memref_slice %arg7[%mul3A_2269] : memref<67895296xf32, #tpu.memory_space<hbm>> -> memref<8288xf32, #tpu.memory_space<hbm>>
          %dma_wait3A_2314 = tpu.memref_slice %arg7[%mul3A_2269] : memref<67895296xf32, #tpu.memory_space<hbm>> -> memref<8288xf32, #tpu.memory_space<hbm>>
          %dma_wait3A_2315 = arith.constant 0 : i32
          %dma_wait3A_2316 = tpu.memref_slice %arg17[%dma_wait3A_2315] : memref<16576xf32, #tpu.memory_space<vmem>> -> memref<8288xf32, #tpu.memory_space<vmem>>
          tpu.wait_dma2 semaphore(%run_scoped3A : memref<!tpu.dma_semaphore, #tpu.memory_space<semaphore_mem>>) src(%dma_wait3A_2316 : memref<8288xf32, #tpu.memory_space<vmem>>) dst(%dma_wait3A_2314 : memref<8288xf32, #tpu.memory_space<hbm>>)
          tpu.yield
        }) : () -> ()
        %lt3A_2270 = arith.constant 31 : i32
        %lt3A_2271 = arith.cmpi slt, %scan3A_1175, %lt3A_2270 : i32
        %convert_element_type3A_2272 = arith.extui %lt3A_2271 : i1 to i32
        %cond3A = arith.constant 0 : i32
        %cond3A_2273 = arith.cmpi ne, %convert_element_type3A_2272, %cond3A : i32
        scf.if %cond3A_2273 {
          %add3A_2305 = arith.constant 2 : i32
          %add3A_2306 = arith.addi %mul3A_1178, %add3A_2305 : i32
          %mul3A_2307 = arith.constant 32 : i32
          %mul3A_2308 = arith.muli %add3A_2306, %mul3A_2307 : i32
          %add3A_2309 = arith.constant 0 : i32
          %add3A_2310 = arith.addi %mul3A_2308, %add3A_2309 : i32
          %add3A_2311 = vector.broadcast %add3A_2310 : i32 to vector<16xi32>
          %add3A_2312 = arith.addi %add3A_2311, %iota3A : vector<16xi32>
          %mul3A_2313 = arith.constant 3 : i32
          %mul3A_2314 = vector.broadcast %mul3A_2313 : i32 to vector<16xi32>
          %mul3A_2315 = arith.muli %mul3A_2314, %add3A_2312 : vector<16xi32>
          %gather3A_2316 = tpu.vector_load_idx %arg12[%mul3A_2315] : memref<6144xf32, #tpu.memory_space<vmem>>[vector<16xi32>], vector<16xf32>,
          %mul3A_2317 = arith.constant 3 : i32
          %mul3A_2318 = vector.broadcast %mul3A_2317 : i32 to vector<16xi32>
          %mul3A_2319 = arith.muli %mul3A_2318, %add3A_2312 : vector<16xi32>
          %add3A_2320 = arith.constant 1 : i32
          %add3A_2321 = vector.broadcast %add3A_2320 : i32 to vector<16xi32>
          %add3A_2322 = arith.addi %mul3A_2319, %add3A_2321 : vector<16xi32>
          %gather3A_2323 = tpu.vector_load_idx %arg12[%add3A_2322] : memref<6144xf32, #tpu.memory_space<vmem>>[vector<16xi32>], vector<16xf32>,
          %mul3A_2324 = arith.constant 3 : i32
          %mul3A_2325 = vector.broadcast %mul3A_2324 : i32 to vector<16xi32>
          %mul3A_2326 = arith.muli %mul3A_2325, %add3A_2312 : vector<16xi32>
          %add3A_2327 = arith.constant 2 : i32
          %add3A_2328 = vector.broadcast %add3A_2327 : i32 to vector<16xi32>
          %add3A_2329 = arith.addi %mul3A_2326, %add3A_2328 : vector<16xi32>
          %gather3A_2330 = tpu.vector_load_idx %arg12[%add3A_2329] : memref<6144xf32, #tpu.memory_space<vmem>>[vector<16xi32>], vector<16xf32>,
          %bitcast3A_2331 = vector.bitcast %gather3A_2316 : vector<16xf32> to vector<16xi32>
          %add3A_2332 = arith.constant 32767 : i32
          %add3A_2333 = vector.broadcast %add3A_2332 : i32 to vector<16xi32>
          %add3A_2334 = arith.addi %bitcast3A_2331, %add3A_2333 : vector<16xi32>
          %shift_right_logical3A_2335 = arith.constant 16 : i32
          %shift_right_logical3A_2336 = vector.broadcast %shift_right_logical3A_2335 : i32 to vector<16xi32>
          %shift_right_logical3A_2337 = arith.shrui %bitcast3A_2331, %shift_right_logical3A_2336 : vector<16xi32>
          %and3A_2338 = arith.constant 1 : i32
          %and3A_2339 = vector.broadcast %and3A_2338 : i32 to vector<16xi32>
          %and3A_2340 = arith.andi %shift_right_logical3A_2337, %and3A_2339 : vector<16xi32>
          %add3A_2341 = arith.addi %add3A_2334, %and3A_2340 : vector<16xi32>
          %and3A_2342 = arith.constant -65536 : i32
          %and3A_2343 = vector.broadcast %and3A_2342 : i32 to vector<16xi32>
          %and3A_2344 = arith.andi %add3A_2341, %and3A_2343 : vector<16xi32>
          %bitcast3A_2345 = vector.bitcast %and3A_2344 : vector<16xi32> to vector<16xf32>
          %bitcast3A_2346 = vector.bitcast %gather3A_2323 : vector<16xf32> to vector<16xi32>
          %add3A_2347 = arith.constant 32767 : i32
          %add3A_2348 = vector.broadcast %add3A_2347 : i32 to vector<16xi32>
          %add3A_2349 = arith.addi %bitcast3A_2346, %add3A_2348 : vector<16xi32>
          %shift_right_logical3A_2350 = arith.constant 16 : i32
          %shift_right_logical3A_2351 = vector.broadcast %shift_right_logical3A_2350 : i32 to vector<16xi32>
          %shift_right_logical3A_2352 = arith.shrui %bitcast3A_2346, %shift_right_logical3A_2351 : vector<16xi32>
          %and3A_2353 = arith.constant 1 : i32
          %and3A_2354 = vector.broadcast %and3A_2353 : i32 to vector<16xi32>
          %and3A_2355 = arith.andi %shift_right_logical3A_2352, %and3A_2354 : vector<16xi32>
          %add3A_2356 = arith.addi %add3A_2349, %and3A_2355 : vector<16xi32>
          %and3A_2357 = arith.constant -65536 : i32
          %and3A_2358 = vector.broadcast %and3A_2357 : i32 to vector<16xi32>
          %and3A_2359 = arith.andi %add3A_2356, %and3A_2358 : vector<16xi32>
          %bitcast3A_2360 = vector.bitcast %and3A_2359 : vector<16xi32> to vector<16xf32>
          %bitcast3A_2361 = vector.bitcast %gather3A_2330 : vector<16xf32> to vector<16xi32>
          %add3A_2362 = arith.constant 32767 : i32
          %add3A_2363 = vector.broadcast %add3A_2362 : i32 to vector<16xi32>
          %add3A_2364 = arith.addi %bitcast3A_2361, %add3A_2363 : vector<16xi32>
          %shift_right_logical3A_2365 = arith.constant 16 : i32
          %shift_right_logical3A_2366 = vector.broadcast %shift_right_logical3A_2365 : i32 to vector<16xi32>
          %shift_right_logical3A_2367 = arith.shrui %bitcast3A_2361, %shift_right_logical3A_2366 : vector<16xi32>
          %and3A_2368 = arith.constant 1 : i32
          %and3A_2369 = vector.broadcast %and3A_2368 : i32 to vector<16xi32>
          %and3A_2370 = arith.andi %shift_right_logical3A_2367, %and3A_2369 : vector<16xi32>
          %add3A_2371 = arith.addi %add3A_2364, %and3A_2370 : vector<16xi32>
          %and3A_2372 = arith.constant -65536 : i32
          %and3A_2373 = vector.broadcast %and3A_2372 : i32 to vector<16xi32>
          %and3A_2374 = arith.andi %add3A_2371, %and3A_2373 : vector<16xi32>
          %bitcast3A_2375 = vector.bitcast %and3A_2374 : vector<16xi32> to vector<16xf32>
          %mul3A_2376 = vector.broadcast %squeeze3A_61 : f32 to vector<16xf32>
          %mul3A_2377 = arith.mulf %mul3A_2376, %bitcast3A_2345 : vector<16xf32>
          %mul3A_2378 = vector.broadcast %squeeze3A_63 : f32 to vector<16xf32>
          %mul3A_2379 = arith.mulf %mul3A_2378, %bitcast3A_2360 : vector<16xf32>
          %add3A_2380 = arith.addf %mul3A_2377, %mul3A_2379 : vector<16xf32>
          %mul3A_2381 = vector.broadcast %squeeze3A_65 : f32 to vector<16xf32>
          %mul3A_2382 = arith.mulf %mul3A_2381, %bitcast3A_2375 : vector<16xf32>
          %add3A_2383 = arith.addf %add3A_2380, %mul3A_2382 : vector<16xf32>
          %add3A_2384 = vector.broadcast %squeeze3A_67 : f32 to vector<16xf32>
          %add3A_2385 = arith.addf %add3A_2383, %add3A_2384 : vector<16xf32>
          %mul3A_2386 = vector.broadcast %squeeze3A_69 : f32 to vector<16xf32>
          %mul3A_2387 = arith.mulf %mul3A_2386, %bitcast3A_2345 : vector<16xf32>
          %mul3A_2388 = vector.broadcast %squeeze3A_71 : f32 to vector<16xf32>
          %mul3A_2389 = arith.mulf %mul3A_2388, %bitcast3A_2360 : vector<16xf32>
          %add3A_2390 = arith.addf %mul3A_2387, %mul3A_2389 : vector<16xf32>
          %mul3A_2391 = vector.broadcast %squeeze3A_73 : f32 to vector<16xf32>
          %mul3A_2392 = arith.mulf %mul3A_2391, %bitcast3A_2375 : vector<16xf32>
          %add3A_2393 = arith.addf %add3A_2390, %mul3A_2392 : vector<16xf32>
          %add3A_2394 = vector.broadcast %squeeze3A_75 : f32 to vector<16xf32>
          %add3A_2395 = arith.addf %add3A_2393, %add3A_2394 : vector<16xf32>
          %mul3A_2396 = vector.broadcast %squeeze3A_77 : f32 to vector<16xf32>
          %mul3A_2397 = arith.mulf %mul3A_2396, %bitcast3A_2345 : vector<16xf32>
          %mul3A_2398 = vector.broadcast %squeeze3A_79 : f32 to vector<16xf32>
          %mul3A_2399 = arith.mulf %mul3A_2398, %bitcast3A_2360 : vector<16xf32>
          %add3A_2400 = arith.addf %mul3A_2397, %mul3A_2399 : vector<16xf32>
          %mul3A_2401 = vector.broadcast %squeeze3A_81 : f32 to vector<16xf32>
          %mul3A_2402 = arith.mulf %mul3A_2401, %bitcast3A_2375 : vector<16xf32>
          %add3A_2403 = arith.addf %add3A_2400, %mul3A_2402 : vector<16xf32>
          %add3A_2404 = vector.broadcast %squeeze3A_83 : f32 to vector<16xf32>
          %add3A_2405 = arith.addf %add3A_2403, %add3A_2404 : vector<16xf32>
          %mul3A_2406 = vector.broadcast %squeeze3A_85 : f32 to vector<16xf32>
          %mul3A_2407 = arith.mulf %mul3A_2406, %bitcast3A_2345 : vector<16xf32>
          %mul3A_2408 = vector.broadcast %squeeze3A_87 : f32 to vector<16xf32>
          %mul3A_2409 = arith.mulf %mul3A_2408, %bitcast3A_2360 : vector<16xf32>
          %add3A_2410 = arith.addf %mul3A_2407, %mul3A_2409 : vector<16xf32>
          %mul3A_2411 = vector.broadcast %squeeze3A_89 : f32 to vector<16xf32>
          %mul3A_2412 = arith.mulf %mul3A_2411, %bitcast3A_2375 : vector<16xf32>
          %add3A_2413 = arith.addf %add3A_2410, %mul3A_2412 : vector<16xf32>
          %add3A_2414 = vector.broadcast %squeeze3A_91 : f32 to vector<16xf32>
          %add3A_2415 = arith.addf %add3A_2413, %add3A_2414 : vector<16xf32>
          %max3A_2416 = arith.constant 9.99999997E-7 : f32
          %max3A_2417 = vector.broadcast %max3A_2416 : f32 to vector<16xf32>
          %max3A_2418 = arith.maximumf %add3A_2415, %max3A_2417 : vector<16xf32>
          %div3A_2419 = arith.divf %add3A_2385, %max3A_2418 : vector<16xf32>
          %div3A_2420 = arith.divf %add3A_2395, %max3A_2418 : vector<16xf32>
          %div3A_2421 = arith.divf %add3A_2405, %max3A_2418 : vector<16xf32>
          %bitcast3A_2422 = vector.bitcast %div3A_2419 : vector<16xf32> to vector<16xi32>
          %add3A_2423 = arith.constant 32767 : i32
          %add3A_2424 = vector.broadcast %add3A_2423 : i32 to vector<16xi32>
          %add3A_2425 = arith.addi %bitcast3A_2422, %add3A_2424 : vector<16xi32>
          %shift_right_logical3A_2426 = arith.constant 16 : i32
          %shift_right_logical3A_2427 = vector.broadcast %shift_right_logical3A_2426 : i32 to vector<16xi32>
          %shift_right_logical3A_2428 = arith.shrui %bitcast3A_2422, %shift_right_logical3A_2427 : vector<16xi32>
          %and3A_2429 = arith.constant 1 : i32
          %and3A_2430 = vector.broadcast %and3A_2429 : i32 to vector<16xi32>
          %and3A_2431 = arith.andi %shift_right_logical3A_2428, %and3A_2430 : vector<16xi32>
          %add3A_2432 = arith.addi %add3A_2425, %and3A_2431 : vector<16xi32>
          %and3A_2433 = arith.constant -65536 : i32
          %and3A_2434 = vector.broadcast %and3A_2433 : i32 to vector<16xi32>
          %and3A_2435 = arith.andi %add3A_2432, %and3A_2434 : vector<16xi32>
          %bitcast3A_2436 = vector.bitcast %and3A_2435 : vector<16xi32> to vector<16xf32>
          %bitcast3A_2437 = vector.bitcast %div3A_2420 : vector<16xf32> to vector<16xi32>
          %add3A_2438 = arith.constant 32767 : i32
          %add3A_2439 = vector.broadcast %add3A_2438 : i32 to vector<16xi32>
          %add3A_2440 = arith.addi %bitcast3A_2437, %add3A_2439 : vector<16xi32>
          %shift_right_logical3A_2441 = arith.constant 16 : i32
          %shift_right_logical3A_2442 = vector.broadcast %shift_right_logical3A_2441 : i32 to vector<16xi32>
          %shift_right_logical3A_2443 = arith.shrui %bitcast3A_2437, %shift_right_logical3A_2442 : vector<16xi32>
          %and3A_2444 = arith.constant 1 : i32
          %and3A_2445 = vector.broadcast %and3A_2444 : i32 to vector<16xi32>
          %and3A_2446 = arith.andi %shift_right_logical3A_2443, %and3A_2445 : vector<16xi32>
          %add3A_2447 = arith.addi %add3A_2440, %and3A_2446 : vector<16xi32>
          %and3A_2448 = arith.constant -65536 : i32
          %and3A_2449 = vector.broadcast %and3A_2448 : i32 to vector<16xi32>
          %and3A_2450 = arith.andi %add3A_2447, %and3A_2449 : vector<16xi32>
          %bitcast3A_2451 = vector.bitcast %and3A_2450 : vector<16xi32> to vector<16xf32>
          %bitcast3A_2452 = vector.bitcast %div3A_2421 : vector<16xf32> to vector<16xi32>
          %add3A_2453 = arith.constant 32767 : i32
          %add3A_2454 = vector.broadcast %add3A_2453 : i32 to vector<16xi32>
          %add3A_2455 = arith.addi %bitcast3A_2452, %add3A_2454 : vector<16xi32>
          %shift_right_logical3A_2456 = arith.constant 16 : i32
          %shift_right_logical3A_2457 = vector.broadcast %shift_right_logical3A_2456 : i32 to vector<16xi32>
          %shift_right_logical3A_2458 = arith.shrui %bitcast3A_2452, %shift_right_logical3A_2457 : vector<16xi32>
          %and3A_2459 = arith.constant 1 : i32
          %and3A_2460 = vector.broadcast %and3A_2459 : i32 to vector<16xi32>
          %and3A_2461 = arith.andi %shift_right_logical3A_2458, %and3A_2460 : vector<16xi32>
          %add3A_2462 = arith.addi %add3A_2455, %and3A_2461 : vector<16xi32>
          %and3A_2463 = arith.constant -65536 : i32
          %and3A_2464 = vector.broadcast %and3A_2463 : i32 to vector<16xi32>
          %and3A_2465 = arith.andi %add3A_2462, %and3A_2464 : vector<16xi32>
          %bitcast3A_2466 = vector.bitcast %and3A_2465 : vector<16xi32> to vector<16xf32>
          %mul3A_2467 = vector.broadcast %squeeze3A_93 : f32 to vector<16xf32>
          %mul3A_2468 = arith.mulf %mul3A_2467, %bitcast3A_2436 : vector<16xf32>
          %mul3A_2469 = vector.broadcast %squeeze3A_95 : f32 to vector<16xf32>
          %mul3A_2470 = arith.mulf %mul3A_2469, %bitcast3A_2451 : vector<16xf32>
          %add3A_2471 = arith.addf %mul3A_2468, %mul3A_2470 : vector<16xf32>
          %mul3A_2472 = vector.broadcast %squeeze3A_97 : f32 to vector<16xf32>
          %mul3A_2473 = arith.mulf %mul3A_2472, %bitcast3A_2466 : vector<16xf32>
          %add3A_2474 = arith.addf %add3A_2471, %mul3A_2473 : vector<16xf32>
          %mul3A_2475 = vector.broadcast %squeeze3A_99 : f32 to vector<16xf32>
          %mul3A_2476 = arith.mulf %mul3A_2475, %bitcast3A_2436 : vector<16xf32>
          %mul3A_2477 = vector.broadcast %squeeze3A_101 : f32 to vector<16xf32>
          %mul3A_2478 = arith.mulf %mul3A_2477, %bitcast3A_2451 : vector<16xf32>
          %add3A_2479 = arith.addf %mul3A_2476, %mul3A_2478 : vector<16xf32>
          %mul3A_2480 = vector.broadcast %squeeze3A_103 : f32 to vector<16xf32>
          %mul3A_2481 = arith.mulf %mul3A_2480, %bitcast3A_2466 : vector<16xf32>
          %add3A_2482 = arith.addf %add3A_2479, %mul3A_2481 : vector<16xf32>
          %mul3A_2483 = vector.broadcast %squeeze3A_105 : f32 to vector<16xf32>
          %mul3A_2484 = arith.mulf %mul3A_2483, %bitcast3A_2436 : vector<16xf32>
          %mul3A_2485 = vector.broadcast %squeeze3A_107 : f32 to vector<16xf32>
          %mul3A_2486 = arith.mulf %mul3A_2485, %bitcast3A_2451 : vector<16xf32>
          %add3A_2487 = arith.addf %mul3A_2484, %mul3A_2486 : vector<16xf32>
          %mul3A_2488 = vector.broadcast %squeeze3A_109 : f32 to vector<16xf32>
          %mul3A_2489 = arith.mulf %mul3A_2488, %bitcast3A_2466 : vector<16xf32>
          %add3A_2490 = arith.addf %add3A_2487, %mul3A_2489 : vector<16xf32>
          %max3A_2491 = arith.constant 9.99999997E-7 : f32
          %max3A_2492 = vector.broadcast %max3A_2491 : f32 to vector<16xf32>
          %max3A_2493 = arith.maximumf %add3A_2490, %max3A_2492 : vector<16xf32>
          %div3A_2494 = arith.divf %add3A_2474, %max3A_2493 : vector<16xf32>
          %div3A_2495 = arith.divf %add3A_2482, %max3A_2493 : vector<16xf32>
          %gt3A_2496 = arith.constant 1.000000e-01 : f32
          %gt3A_2497 = vector.broadcast %gt3A_2496 : f32 to vector<16xf32>
          %gt3A_2498 = arith.cmpf ogt, %div3A_2421, %gt3A_2497 : vector<16xf32>
          %ge3A_2499 = arith.constant 0.000000e+00 : f32
          %ge3A_2500 = vector.broadcast %ge3A_2499 : f32 to vector<16xf32>
          %ge3A_2501 = arith.cmpf oge, %div3A_2494, %ge3A_2500 : vector<16xf32>
          %and3A_2502 = arith.andi %gt3A_2498, %ge3A_2501 : vector<16xi1>
          %lt3A_2503 = vector.broadcast %squeeze3A : f32 to vector<16xf32>
          %lt3A_2504 = arith.cmpf olt, %div3A_2494, %lt3A_2503 : vector<16xf32>
          %and3A_2505 = arith.andi %and3A_2502, %lt3A_2504 : vector<16xi1>
          %ge3A_2506 = arith.constant 0.000000e+00 : f32
          %ge3A_2507 = vector.broadcast %ge3A_2506 : f32 to vector<16xf32>
          %ge3A_2508 = arith.cmpf oge, %div3A_2495, %ge3A_2507 : vector<16xf32>
          %and3A_2509 = arith.andi %and3A_2505, %ge3A_2508 : vector<16xi1>
          %lt3A_2510 = vector.broadcast %squeeze3A_3 : f32 to vector<16xf32>
          %lt3A_2511 = arith.cmpf olt, %div3A_2495, %lt3A_2510 : vector<16xf32>
          %and3A_2512 = arith.andi %and3A_2509, %lt3A_2511 : vector<16xi1>
          %mul3A_2513 = vector.broadcast %squeeze3A_7 : f32 to vector<16xf32>
          %mul3A_2514 = arith.mulf %div3A_2494, %mul3A_2513 : vector<16xf32>
          %mul3A_2515 = arith.constant 2.000000e+00 : f32
          %mul3A_2516 = vector.broadcast %mul3A_2515 : f32 to vector<16xf32>
          %mul3A_2517 = arith.mulf %mul3A_2514, %mul3A_2516 : vector<16xf32>
          %sub3A_2518 = arith.constant 1.000000e+00 : f32
          %sub3A_2519 = vector.broadcast %sub3A_2518 : f32 to vector<16xf32>
          %sub3A_2520 = arith.subf %mul3A_2517, %sub3A_2519 : vector<16xf32>
          %add3A_2521 = arith.constant 1.000000e+00 : f32
          %add3A_2522 = vector.broadcast %add3A_2521 : f32 to vector<16xf32>
          %add3A_2523 = arith.addf %sub3A_2520, %add3A_2522 : vector<16xf32>
          %mul3A_2524 = arith.constant 5.000000e-01 : f32
          %mul3A_2525 = vector.broadcast %mul3A_2524 : f32 to vector<16xf32>
          %mul3A_2526 = arith.mulf %add3A_2523, %mul3A_2525 : vector<16xf32>
          %mul3A_2527 = arith.constant 6.300000e+01 : f32
          %mul3A_2528 = vector.broadcast %mul3A_2527 : f32 to vector<16xf32>
          %mul3A_2529 = arith.mulf %mul3A_2526, %mul3A_2528 : vector<16xf32>
          %mul3A_2530 = vector.broadcast %squeeze3A_9 : f32 to vector<16xf32>
          %mul3A_2531 = arith.mulf %div3A_2495, %mul3A_2530 : vector<16xf32>
          %mul3A_2532 = arith.constant 2.000000e+00 : f32
          %mul3A_2533 = vector.broadcast %mul3A_2532 : f32 to vector<16xf32>
          %mul3A_2534 = arith.mulf %mul3A_2531, %mul3A_2533 : vector<16xf32>
          %sub3A_2535 = arith.constant 1.000000e+00 : f32
          %sub3A_2536 = vector.broadcast %sub3A_2535 : f32 to vector<16xf32>
          %sub3A_2537 = arith.subf %mul3A_2534, %sub3A_2536 : vector<16xf32>
          %add3A_2538 = arith.constant 1.000000e+00 : f32
          %add3A_2539 = vector.broadcast %add3A_2538 : f32 to vector<16xf32>
          %add3A_2540 = arith.addf %sub3A_2537, %add3A_2539 : vector<16xf32>
          %mul3A_2541 = arith.constant 5.000000e-01 : f32
          %mul3A_2542 = vector.broadcast %mul3A_2541 : f32 to vector<16xf32>
          %mul3A_2543 = arith.mulf %add3A_2540, %mul3A_2542 : vector<16xf32>
          %mul3A_2544 = arith.constant 6.300000e+01 : f32
          %mul3A_2545 = vector.broadcast %mul3A_2544 : f32 to vector<16xf32>
          %mul3A_2546 = arith.mulf %mul3A_2543, %mul3A_2545 : vector<16xf32>
          %jit3A_2547 = arith.constant -4.000000e+00 : f32
          %jit3A_2548 = arith.constant 6.800000e+01 : f32
          %max3A_2549 = vector.broadcast %jit3A_2547 : f32 to vector<16xf32>
          %max3A_2550 = arith.maximumf %max3A_2549, %mul3A_2529 : vector<16xf32>
          %min3A_2551 = vector.broadcast %jit3A_2548 : f32 to vector<16xf32>
          %min3A_2552 = arith.minimumf %min3A_2551, %max3A_2550 : vector<16xf32>
          %jit3A_2553 = arith.constant -4.000000e+00 : f32
          %jit3A_2554 = arith.constant 6.800000e+01 : f32
          %max3A_2555 = vector.broadcast %jit3A_2553 : f32 to vector<16xf32>
          %max3A_2556 = arith.maximumf %max3A_2555, %mul3A_2546 : vector<16xf32>
          %min3A_2557 = vector.broadcast %jit3A_2554 : f32 to vector<16xf32>
          %min3A_2558 = arith.minimumf %min3A_2557, %max3A_2556 : vector<16xf32>
          %convert_element_type3A_2559 = arith.fptosi %min3A_2552 : vector<16xf32> to vector<16xi32>
          %convert_element_type3A_2560 = arith.sitofp %convert_element_type3A_2559 : vector<16xi32> to vector<16xf32>
          %convert_element_type3A_2561 = arith.fptosi %min3A_2558 : vector<16xf32> to vector<16xi32>
          %convert_element_type3A_2562 = arith.sitofp %convert_element_type3A_2561 : vector<16xi32> to vector<16xf32>
          %gt3A_2563 = arith.cmpf ogt, %convert_element_type3A_2560, %min3A_2552 : vector<16xf32>
          %jit3A_2564 = arith.constant 1.000000e+00 : f32
          %jit3A_2565 = arith.constant 0.000000e+00 : f32
          %broadcast_in_dim3A_2566 = vector.broadcast %jit3A_2564 : f32 to vector<16xf32>
          %broadcast_in_dim3A_2567 = vector.broadcast %jit3A_2565 : f32 to vector<16xf32>
          %select_n3A_2568 = arith.select %gt3A_2563, %broadcast_in_dim3A_2566, %broadcast_in_dim3A_2567 : vector<16xi1>, vector<16xf32>
          %sub3A_2569 = arith.subf %convert_element_type3A_2560, %select_n3A_2568 : vector<16xf32>
          %gt3A_2570 = arith.cmpf ogt, %convert_element_type3A_2562, %min3A_2558 : vector<16xf32>
          %jit3A_2571 = arith.constant 1.000000e+00 : f32
          %jit3A_2572 = arith.constant 0.000000e+00 : f32
          %broadcast_in_dim3A_2573 = vector.broadcast %jit3A_2571 : f32 to vector<16xf32>
          %broadcast_in_dim3A_2574 = vector.broadcast %jit3A_2572 : f32 to vector<16xf32>
          %select_n3A_2575 = arith.select %gt3A_2570, %broadcast_in_dim3A_2573, %broadcast_in_dim3A_2574 : vector<16xi1>, vector<16xf32>
          %sub3A_2576 = arith.subf %convert_element_type3A_2562, %select_n3A_2575 : vector<16xf32>
          %sub3A_2577 = arith.subf %min3A_2552, %sub3A_2569 : vector<16xf32>
          %sub3A_2578 = arith.constant 1.000000e+00 : f32
          %sub3A_2579 = vector.broadcast %sub3A_2578 : f32 to vector<16xf32>
          %sub3A_2580 = arith.subf %sub3A_2579, %sub3A_2577 : vector<16xf32>
          %sub3A_2581 = arith.subf %min3A_2558, %sub3A_2576 : vector<16xf32>
          %sub3A_2582 = arith.constant 1.000000e+00 : f32
          %sub3A_2583 = vector.broadcast %sub3A_2582 : f32 to vector<16xf32>
          %sub3A_2584 = arith.subf %sub3A_2583, %sub3A_2581 : vector<16xf32>
          %mul3A_2585 = arith.mulf %sub3A_2580, %sub3A_2584 : vector<16xf32>
          %add3A_2586 = arith.constant 1.000000e+00 : f32
          %add3A_2587 = vector.broadcast %add3A_2586 : f32 to vector<16xf32>
          %add3A_2588 = arith.addf %sub3A_2569, %add3A_2587 : vector<16xf32>
          %mul3A_2589 = arith.mulf %sub3A_2577, %sub3A_2584 : vector<16xf32>
          %add3A_2590 = arith.constant 1.000000e+00 : f32
          %add3A_2591 = vector.broadcast %add3A_2590 : f32 to vector<16xf32>
          %add3A_2592 = arith.addf %sub3A_2576, %add3A_2591 : vector<16xf32>
          %mul3A_2593 = arith.mulf %sub3A_2580, %sub3A_2581 : vector<16xf32>
          %add3A_2594 = arith.constant 1.000000e+00 : f32
          %add3A_2595 = vector.broadcast %add3A_2594 : f32 to vector<16xf32>
          %add3A_2596 = arith.addf %sub3A_2569, %add3A_2595 : vector<16xf32>
          %add3A_2597 = arith.constant 1.000000e+00 : f32
          %add3A_2598 = vector.broadcast %add3A_2597 : f32 to vector<16xf32>
          %add3A_2599 = arith.addf %sub3A_2576, %add3A_2598 : vector<16xf32>
          %mul3A_2600 = arith.mulf %sub3A_2577, %sub3A_2581 : vector<16xf32>
          %add3A_2601 = arith.constant 0 : i32
          %add3A_2602 = vector.broadcast %add3A_2601 : i32 to vector<16xi32>
          %add3A_2603 = arith.addi %add3A_2602, %iota3A : vector<16xi32>
          %ge3A_2604 = arith.constant 0.000000e+00 : f32
          %ge3A_2605 = vector.broadcast %ge3A_2604 : f32 to vector<16xf32>
          %ge3A_2606 = arith.cmpf oge, %sub3A_2569, %ge3A_2605 : vector<16xf32>
          %and3A_2607 = arith.andi %and3A_2512, %ge3A_2606 : vector<16xi1>
          %le3A_2608 = arith.constant 6.300000e+01 : f32
          %le3A_2609 = vector.broadcast %le3A_2608 : f32 to vector<16xf32>
          %le3A_2610 = arith.cmpf ole, %sub3A_2569, %le3A_2609 : vector<16xf32>
          %and3A_2611 = arith.andi %and3A_2607, %le3A_2610 : vector<16xi1>
          %ge3A_2612 = arith.constant 0.000000e+00 : f32
          %ge3A_2613 = vector.broadcast %ge3A_2612 : f32 to vector<16xf32>
          %ge3A_2614 = arith.cmpf oge, %sub3A_2576, %ge3A_2613 : vector<16xf32>
          %and3A_2615 = arith.andi %and3A_2611, %ge3A_2614 : vector<16xi1>
          %le3A_2616 = arith.constant 6.300000e+01 : f32
          %le3A_2617 = vector.broadcast %le3A_2616 : f32 to vector<16xf32>
          %le3A_2618 = arith.cmpf ole, %sub3A_2576, %le3A_2617 : vector<16xf32>
          %and3A_2619 = arith.andi %and3A_2615, %le3A_2618 : vector<16xi1>
          %jit3A_2620 = arith.constant 0.000000e+00 : f32
          %broadcast_in_dim3A_2621 = vector.broadcast %jit3A_2620 : f32 to vector<16xf32>
          %select_n3A_2622 = arith.select %and3A_2619, %mul3A_2585, %broadcast_in_dim3A_2621 : vector<16xi1>, vector<16xf32>
          %jit3A_2623 = arith.constant 0.000000e+00 : f32
          %jit3A_2624 = arith.constant 63 : i32
          %max3A_2625 = vector.broadcast %jit3A_2623 : f32 to vector<16xf32>
          %max3A_2626 = arith.maximumf %max3A_2625, %sub3A_2569 : vector<16xf32>
          %convert_element_type3A_2627 = arith.sitofp %jit3A_2624 : i32 to f32
          %min3A_2628 = vector.broadcast %convert_element_type3A_2627 : f32 to vector<16xf32>
          %min3A_2629 = arith.minimumf %min3A_2628, %max3A_2626 : vector<16xf32>
          %convert_element_type3A_2630 = arith.fptosi %min3A_2629 : vector<16xf32> to vector<16xi32>
          %jit3A_2631 = arith.constant 0.000000e+00 : f32
          %jit3A_2632 = arith.constant 63 : i32
          %max3A_2633 = vector.broadcast %jit3A_2631 : f32 to vector<16xf32>
          %max3A_2634 = arith.maximumf %max3A_2633, %sub3A_2576 : vector<16xf32>
          %convert_element_type3A_2635 = arith.sitofp %jit3A_2632 : i32 to f32
          %min3A_2636 = vector.broadcast %convert_element_type3A_2635 : f32 to vector<16xf32>
          %min3A_2637 = arith.minimumf %min3A_2636, %max3A_2634 : vector<16xf32>
          %convert_element_type3A_2638 = arith.fptosi %min3A_2637 : vector<16xf32> to vector<16xi32>
          %mul3A_2639 = arith.constant 64 : i32
          %mul3A_2640 = vector.broadcast %mul3A_2639 : i32 to vector<16xi32>
          %mul3A_2641 = arith.muli %convert_element_type3A_2638, %mul3A_2640 : vector<16xi32>
          %add3A_2642 = arith.addi %mul3A_2641, %convert_element_type3A_2630 : vector<16xi32>
          %mul3A_2643 = arith.constant 64 : i32
          %mul3A_2644 = arith.muli %scan3A_16, %mul3A_2643 : i32
          %mul3A_2645 = arith.constant 64 : i32
          %mul3A_2646 = arith.muli %mul3A_2644, %mul3A_2645 : i32
          %add3A_2647 = vector.broadcast %mul3A_2646 : i32 to vector<16xi32>
          %add3A_2648 = arith.addi %add3A_2642, %add3A_2647 : vector<16xi32>
          %swap3A_2649 = arith.constant 0 : index
          %swap3A_2650 = tpu.vector_load %arg13[%swap3A_2649] {strides = array<i32>} : memref<128xi32, #tpu.memory_space<vmem>>, vector<16xi32>,
          tpu.vector_store %arg13[%swap3A_2649], %add3A_2648 {strides = array<i32>} : memref<128xi32, #tpu.memory_space<vmem>>, vector<16xi32>,
          %swap3A_2651 = arith.constant 0 : i32
          %swap3A_2652 = arith.index_cast %swap3A_2651 : i32 to index
          %swap3A_2653 = arith.constant 0 : index
          %swap3A_2654 = tpu.vector_load %arg15[%swap3A_2652, %swap3A_2653] {strides = array<i32>} : memref<2x128xf32, #tpu.memory_space<vmem>>, vector<16xf32>,
          tpu.vector_store %arg15[%swap3A_2652, %swap3A_2653], %select_n3A_2622 {strides = array<i32>} : memref<2x128xf32, #tpu.memory_space<vmem>>, vector<16xf32>,
          %ge3A_2655 = arith.constant 0.000000e+00 : f32
          %ge3A_2656 = vector.broadcast %ge3A_2655 : f32 to vector<16xf32>
          %ge3A_2657 = arith.cmpf oge, %add3A_2588, %ge3A_2656 : vector<16xf32>
          %and3A_2658 = arith.andi %and3A_2512, %ge3A_2657 : vector<16xi1>
          %le3A_2659 = arith.constant 6.300000e+01 : f32
          %le3A_2660 = vector.broadcast %le3A_2659 : f32 to vector<16xf32>
          %le3A_2661 = arith.cmpf ole, %add3A_2588, %le3A_2660 : vector<16xf32>
          %and3A_2662 = arith.andi %and3A_2658, %le3A_2661 : vector<16xi1>
          %ge3A_2663 = arith.constant 0.000000e+00 : f32
          %ge3A_2664 = vector.broadcast %ge3A_2663 : f32 to vector<16xf32>
          %ge3A_2665 = arith.cmpf oge, %sub3A_2576, %ge3A_2664 : vector<16xf32>
          %and3A_2666 = arith.andi %and3A_2662, %ge3A_2665 : vector<16xi1>
          %le3A_2667 = arith.constant 6.300000e+01 : f32
          %le3A_2668 = vector.broadcast %le3A_2667 : f32 to vector<16xf32>
          %le3A_2669 = arith.cmpf ole, %sub3A_2576, %le3A_2668 : vector<16xf32>
          %and3A_2670 = arith.andi %and3A_2666, %le3A_2669 : vector<16xi1>
          %jit3A_2671 = arith.constant 0.000000e+00 : f32
          %broadcast_in_dim3A_2672 = vector.broadcast %jit3A_2671 : f32 to vector<16xf32>
          %select_n3A_2673 = arith.select %and3A_2670, %mul3A_2589, %broadcast_in_dim3A_2672 : vector<16xi1>, vector<16xf32>
          %jit3A_2674 = arith.constant 0.000000e+00 : f32
          %jit3A_2675 = arith.constant 63 : i32
          %max3A_2676 = vector.broadcast %jit3A_2674 : f32 to vector<16xf32>
          %max3A_2677 = arith.maximumf %max3A_2676, %add3A_2588 : vector<16xf32>
          %convert_element_type3A_2678 = arith.sitofp %jit3A_2675 : i32 to f32
          %min3A_2679 = vector.broadcast %convert_element_type3A_2678 : f32 to vector<16xf32>
          %min3A_2680 = arith.minimumf %min3A_2679, %max3A_2677 : vector<16xf32>
          %convert_element_type3A_2681 = arith.fptosi %min3A_2680 : vector<16xf32> to vector<16xi32>
          %jit3A_2682 = arith.constant 0.000000e+00 : f32
          %jit3A_2683 = arith.constant 63 : i32
          %max3A_2684 = vector.broadcast %jit3A_2682 : f32 to vector<16xf32>
          %max3A_2685 = arith.maximumf %max3A_2684, %sub3A_2576 : vector<16xf32>
          %convert_element_type3A_2686 = arith.sitofp %jit3A_2683 : i32 to f32
          %min3A_2687 = vector.broadcast %convert_element_type3A_2686 : f32 to vector<16xf32>
          %min3A_2688 = arith.minimumf %min3A_2687, %max3A_2685 : vector<16xf32>
          %convert_element_type3A_2689 = arith.fptosi %min3A_2688 : vector<16xf32> to vector<16xi32>
          %mul3A_2690 = arith.constant 64 : i32
          %mul3A_2691 = vector.broadcast %mul3A_2690 : i32 to vector<16xi32>
          %mul3A_2692 = arith.muli %convert_element_type3A_2689, %mul3A_2691 : vector<16xi32>
          %add3A_2693 = arith.addi %mul3A_2692, %convert_element_type3A_2681 : vector<16xi32>
          %mul3A_2694 = arith.constant 64 : i32
          %mul3A_2695 = arith.muli %scan3A_16, %mul3A_2694 : i32
          %mul3A_2696 = arith.constant 64 : i32
          %mul3A_2697 = arith.muli %mul3A_2695, %mul3A_2696 : i32
          %add3A_2698 = vector.broadcast %mul3A_2697 : i32 to vector<16xi32>
          %add3A_2699 = arith.addi %add3A_2693, %add3A_2698 : vector<16xi32>
          %swap3A_2700 = arith.constant 32 : index
          %swap3A_2701 = tpu.vector_load %arg13[%swap3A_2700] {strides = array<i32>} : memref<128xi32, #tpu.memory_space<vmem>>, vector<16xi32>,
          tpu.vector_store %arg13[%swap3A_2700], %add3A_2699 {strides = array<i32>} : memref<128xi32, #tpu.memory_space<vmem>>, vector<16xi32>,
          %swap3A_2702 = arith.constant 0 : i32
          %swap3A_2703 = arith.index_cast %swap3A_2702 : i32 to index
          %swap3A_2704 = arith.constant 32 : index
          %swap3A_2705 = tpu.vector_load %arg15[%swap3A_2703, %swap3A_2704] {strides = array<i32>} : memref<2x128xf32, #tpu.memory_space<vmem>>, vector<16xf32>,
          tpu.vector_store %arg15[%swap3A_2703, %swap3A_2704], %select_n3A_2673 {strides = array<i32>} : memref<2x128xf32, #tpu.memory_space<vmem>>, vector<16xf32>,
          %ge3A_2706 = arith.constant 0.000000e+00 : f32
          %ge3A_2707 = vector.broadcast %ge3A_2706 : f32 to vector<16xf32>
          %ge3A_2708 = arith.cmpf oge, %sub3A_2569, %ge3A_2707 : vector<16xf32>
          %and3A_2709 = arith.andi %and3A_2512, %ge3A_2708 : vector<16xi1>
          %le3A_2710 = arith.constant 6.300000e+01 : f32
          %le3A_2711 = vector.broadcast %le3A_2710 : f32 to vector<16xf32>
          %le3A_2712 = arith.cmpf ole, %sub3A_2569, %le3A_2711 : vector<16xf32>
          %and3A_2713 = arith.andi %and3A_2709, %le3A_2712 : vector<16xi1>
          %ge3A_2714 = arith.constant 0.000000e+00 : f32
          %ge3A_2715 = vector.broadcast %ge3A_2714 : f32 to vector<16xf32>
          %ge3A_2716 = arith.cmpf oge, %add3A_2592, %ge3A_2715 : vector<16xf32>
          %and3A_2717 = arith.andi %and3A_2713, %ge3A_2716 : vector<16xi1>
          %le3A_2718 = arith.constant 6.300000e+01 : f32
          %le3A_2719 = vector.broadcast %le3A_2718 : f32 to vector<16xf32>
          %le3A_2720 = arith.cmpf ole, %add3A_2592, %le3A_2719 : vector<16xf32>
          %and3A_2721 = arith.andi %and3A_2717, %le3A_2720 : vector<16xi1>
          %jit3A_2722 = arith.constant 0.000000e+00 : f32
          %broadcast_in_dim3A_2723 = vector.broadcast %jit3A_2722 : f32 to vector<16xf32>
          %select_n3A_2724 = arith.select %and3A_2721, %mul3A_2593, %broadcast_in_dim3A_2723 : vector<16xi1>, vector<16xf32>
          %jit3A_2725 = arith.constant 0.000000e+00 : f32
          %jit3A_2726 = arith.constant 63 : i32
          %max3A_2727 = vector.broadcast %jit3A_2725 : f32 to vector<16xf32>
          %max3A_2728 = arith.maximumf %max3A_2727, %sub3A_2569 : vector<16xf32>
          %convert_element_type3A_2729 = arith.sitofp %jit3A_2726 : i32 to f32
          %min3A_2730 = vector.broadcast %convert_element_type3A_2729 : f32 to vector<16xf32>
          %min3A_2731 = arith.minimumf %min3A_2730, %max3A_2728 : vector<16xf32>
          %convert_element_type3A_2732 = arith.fptosi %min3A_2731 : vector<16xf32> to vector<16xi32>
          %jit3A_2733 = arith.constant 0.000000e+00 : f32
          %jit3A_2734 = arith.constant 63 : i32
          %max3A_2735 = vector.broadcast %jit3A_2733 : f32 to vector<16xf32>
          %max3A_2736 = arith.maximumf %max3A_2735, %add3A_2592 : vector<16xf32>
          %convert_element_type3A_2737 = arith.sitofp %jit3A_2734 : i32 to f32
          %min3A_2738 = vector.broadcast %convert_element_type3A_2737 : f32 to vector<16xf32>
          %min3A_2739 = arith.minimumf %min3A_2738, %max3A_2736 : vector<16xf32>
          %convert_element_type3A_2740 = arith.fptosi %min3A_2739 : vector<16xf32> to vector<16xi32>
          %mul3A_2741 = arith.constant 64 : i32
          %mul3A_2742 = vector.broadcast %mul3A_2741 : i32 to vector<16xi32>
          %mul3A_2743 = arith.muli %convert_element_type3A_2740, %mul3A_2742 : vector<16xi32>
          %add3A_2744 = arith.addi %mul3A_2743, %convert_element_type3A_2732 : vector<16xi32>
          %mul3A_2745 = arith.constant 64 : i32
          %mul3A_2746 = arith.muli %scan3A_16, %mul3A_2745 : i32
          %mul3A_2747 = arith.constant 64 : i32
          %mul3A_2748 = arith.muli %mul3A_2746, %mul3A_2747 : i32
          %add3A_2749 = vector.broadcast %mul3A_2748 : i32 to vector<16xi32>
          %add3A_2750 = arith.addi %add3A_2744, %add3A_2749 : vector<16xi32>
          %swap3A_2751 = arith.constant 64 : index
          %swap3A_2752 = tpu.vector_load %arg13[%swap3A_2751] {strides = array<i32>} : memref<128xi32, #tpu.memory_space<vmem>>, vector<16xi32>,
          tpu.vector_store %arg13[%swap3A_2751], %add3A_2750 {strides = array<i32>} : memref<128xi32, #tpu.memory_space<vmem>>, vector<16xi32>,
          %swap3A_2753 = arith.constant 0 : i32
          %swap3A_2754 = arith.index_cast %swap3A_2753 : i32 to index
          %swap3A_2755 = arith.constant 64 : index
          %swap3A_2756 = tpu.vector_load %arg15[%swap3A_2754, %swap3A_2755] {strides = array<i32>} : memref<2x128xf32, #tpu.memory_space<vmem>>, vector<16xf32>,
          tpu.vector_store %arg15[%swap3A_2754, %swap3A_2755], %select_n3A_2724 {strides = array<i32>} : memref<2x128xf32, #tpu.memory_space<vmem>>, vector<16xf32>,
          %ge3A_2757 = arith.constant 0.000000e+00 : f32
          %ge3A_2758 = vector.broadcast %ge3A_2757 : f32 to vector<16xf32>
          %ge3A_2759 = arith.cmpf oge, %add3A_2596, %ge3A_2758 : vector<16xf32>
          %and3A_2760 = arith.andi %and3A_2512, %ge3A_2759 : vector<16xi1>
          %le3A_2761 = arith.constant 6.300000e+01 : f32
          %le3A_2762 = vector.broadcast %le3A_2761 : f32 to vector<16xf32>
          %le3A_2763 = arith.cmpf ole, %add3A_2596, %le3A_2762 : vector<16xf32>
          %and3A_2764 = arith.andi %and3A_2760, %le3A_2763 : vector<16xi1>
          %ge3A_2765 = arith.constant 0.000000e+00 : f32
          %ge3A_2766 = vector.broadcast %ge3A_2765 : f32 to vector<16xf32>
          %ge3A_2767 = arith.cmpf oge, %add3A_2599, %ge3A_2766 : vector<16xf32>
          %and3A_2768 = arith.andi %and3A_2764, %ge3A_2767 : vector<16xi1>
          %le3A_2769 = arith.constant 6.300000e+01 : f32
          %le3A_2770 = vector.broadcast %le3A_2769 : f32 to vector<16xf32>
          %le3A_2771 = arith.cmpf ole, %add3A_2599, %le3A_2770 : vector<16xf32>
          %and3A_2772 = arith.andi %and3A_2768, %le3A_2771 : vector<16xi1>
          %jit3A_2773 = arith.constant 0.000000e+00 : f32
          %broadcast_in_dim3A_2774 = vector.broadcast %jit3A_2773 : f32 to vector<16xf32>
          %select_n3A_2775 = arith.select %and3A_2772, %mul3A_2600, %broadcast_in_dim3A_2774 : vector<16xi1>, vector<16xf32>
          %jit3A_2776 = arith.constant 0.000000e+00 : f32
          %jit3A_2777 = arith.constant 63 : i32
          %max3A_2778 = vector.broadcast %jit3A_2776 : f32 to vector<16xf32>
          %max3A_2779 = arith.maximumf %max3A_2778, %add3A_2596 : vector<16xf32>
          %convert_element_type3A_2780 = arith.sitofp %jit3A_2777 : i32 to f32
          %min3A_2781 = vector.broadcast %convert_element_type3A_2780 : f32 to vector<16xf32>
          %min3A_2782 = arith.minimumf %min3A_2781, %max3A_2779 : vector<16xf32>
          %convert_element_type3A_2783 = arith.fptosi %min3A_2782 : vector<16xf32> to vector<16xi32>
          %jit3A_2784 = arith.constant 0.000000e+00 : f32
          %jit3A_2785 = arith.constant 63 : i32
          %max3A_2786 = vector.broadcast %jit3A_2784 : f32 to vector<16xf32>
          %max3A_2787 = arith.maximumf %max3A_2786, %add3A_2599 : vector<16xf32>
          %convert_element_type3A_2788 = arith.sitofp %jit3A_2785 : i32 to f32
          %min3A_2789 = vector.broadcast %convert_element_type3A_2788 : f32 to vector<16xf32>
          %min3A_2790 = arith.minimumf %min3A_2789, %max3A_2787 : vector<16xf32>
          %convert_element_type3A_2791 = arith.fptosi %min3A_2790 : vector<16xf32> to vector<16xi32>
          %mul3A_2792 = arith.constant 64 : i32
          %mul3A_2793 = vector.broadcast %mul3A_2792 : i32 to vector<16xi32>
          %mul3A_2794 = arith.muli %convert_element_type3A_2791, %mul3A_2793 : vector<16xi32>
          %add3A_2795 = arith.addi %mul3A_2794, %convert_element_type3A_2783 : vector<16xi32>
          %mul3A_2796 = arith.constant 64 : i32
          %mul3A_2797 = arith.muli %scan3A_16, %mul3A_2796 : i32
          %mul3A_2798 = arith.constant 64 : i32
          %mul3A_2799 = arith.muli %mul3A_2797, %mul3A_2798 : i32
          %add3A_2800 = vector.broadcast %mul3A_2799 : i32 to vector<16xi32>
          %add3A_2801 = arith.addi %add3A_2795, %add3A_2800 : vector<16xi32>
          %swap3A_2802 = arith.constant 96 : index
          %swap3A_2803 = tpu.vector_load %arg13[%swap3A_2802] {strides = array<i32>} : memref<128xi32, #tpu.memory_space<vmem>>, vector<16xi32>,
          tpu.vector_store %arg13[%swap3A_2802], %add3A_2801 {strides = array<i32>} : memref<128xi32, #tpu.memory_space<vmem>>, vector<16xi32>,
          %swap3A_2804 = arith.constant 0 : i32
          %swap3A_2805 = arith.index_cast %swap3A_2804 : i32 to index
          %swap3A_2806 = arith.constant 96 : index
          %swap3A_2807 = tpu.vector_load %arg15[%swap3A_2805, %swap3A_2806] {strides = array<i32>} : memref<2x128xf32, #tpu.memory_space<vmem>>, vector<16xf32>,
          tpu.vector_store %arg15[%swap3A_2805, %swap3A_2806], %select_n3A_2775 {strides = array<i32>} : memref<2x128xf32, #tpu.memory_space<vmem>>, vector<16xf32>,
          %jit3A_2808 = arith.constant 1 : i32
          %jit3A_2809 = arith.constant 0 : i32
          %broadcast_in_dim3A_2810 = vector.broadcast %jit3A_2808 : i32 to vector<16xi32>
          %broadcast_in_dim3A_2811 = vector.broadcast %jit3A_2809 : i32 to vector<16xi32>
          %select_n3A_2812 = arith.select %and3A_2512, %broadcast_in_dim3A_2810, %broadcast_in_dim3A_2811 : vector<16xi1>, vector<16xi32>
          %mul3A_2813 = arith.constant 32 : i32
          %mul3A_2814 = arith.muli %add3A_2306, %mul3A_2813 : i32
          %add3A_2815 = arith.constant 0 : i32
          %add3A_2816 = arith.addi %mul3A_2814, %add3A_2815 : i32
          %swap3A_2817 = arith.index_cast %add3A_2816 : i32 to index
          %swap3A_2818 = tpu.vector_load %arg18[%swap3A_2817] {strides = array<i32>} : memref<2048xi32, #tpu.memory_space<vmem>>, vector<16xi32>,
          tpu.vector_store %arg18[%swap3A_2817], %select_n3A_2812 {strides = array<i32>} : memref<2048xi32, #tpu.memory_space<vmem>>, vector<16xi32>,
          %mul3A_2819 = arith.constant 259 : i32
          %mul3A_2820 = vector.broadcast %mul3A_2819 : i32 to vector<16xi32>
          %mul3A_2821 = arith.muli %add3A_2603, %mul3A_2820 : vector<16xi32>
          %add3A_2822 = arith.constant 0 : i32
          %add3A_2823 = vector.broadcast %add3A_2822 : i32 to vector<16xi32>
          %add3A_2824 = arith.addi %add3A_2823, %mul3A_2821 : vector<16xi32>
          %add3A_2825 = arith.constant 256 : i32
          %add3A_2826 = vector.broadcast %add3A_2825 : i32 to vector<16xi32>
          %add3A_2827 = arith.addi %add3A_2824, %add3A_2826 : vector<16xi32>
          tpu.vector_store_idx %arg17[%add3A_2827], %gather3A_2316 : memref<16576xf32, #tpu.memory_space<vmem>>[vector<16xi32>], vector<16xf32>,
          %add3A_2828 = arith.constant 1 : i32
          %add3A_2829 = vector.broadcast %add3A_2828 : i32 to vector<16xi32>
          %add3A_2830 = arith.addi %add3A_2827, %add3A_2829 : vector<16xi32>
          tpu.vector_store_idx %arg17[%add3A_2830], %gather3A_2323 : memref<16576xf32, #tpu.memory_space<vmem>>[vector<16xi32>], vector<16xf32>,
          %add3A_2831 = arith.constant 2 : i32
          %add3A_2832 = vector.broadcast %add3A_2831 : i32 to vector<16xi32>
          %add3A_2833 = arith.addi %add3A_2827, %add3A_2832 : vector<16xi32>
          tpu.vector_store_idx %arg17[%add3A_2833], %gather3A_2330 : memref<16576xf32, #tpu.memory_space<vmem>>[vector<16xi32>], vector<16xf32>,
          %mul3A_2834 = arith.constant 32 : i32
          %mul3A_2835 = arith.muli %add3A_2306, %mul3A_2834 : i32
          %add3A_2836 = arith.constant 16 : i32
          %add3A_2837 = arith.addi %mul3A_2835, %add3A_2836 : i32
          %add3A_2838 = vector.broadcast %add3A_2837 : i32 to vector<16xi32>
          %add3A_2839 = arith.addi %add3A_2838, %iota3A : vector<16xi32>
          %mul3A_2840 = arith.constant 3 : i32
          %mul3A_2841 = vector.broadcast %mul3A_2840 : i32 to vector<16xi32>
          %mul3A_2842 = arith.muli %mul3A_2841, %add3A_2839 : vector<16xi32>
          %gather3A_2843 = tpu.vector_load_idx %arg12[%mul3A_2842] : memref<6144xf32, #tpu.memory_space<vmem>>[vector<16xi32>], vector<16xf32>,
          %mul3A_2844 = arith.constant 3 : i32
          %mul3A_2845 = vector.broadcast %mul3A_2844 : i32 to vector<16xi32>
          %mul3A_2846 = arith.muli %mul3A_2845, %add3A_2839 : vector<16xi32>
          %add3A_2847 = arith.constant 1 : i32
          %add3A_2848 = vector.broadcast %add3A_2847 : i32 to vector<16xi32>
          %add3A_2849 = arith.addi %mul3A_2846, %add3A_2848 : vector<16xi32>
          %gather3A_2850 = tpu.vector_load_idx %arg12[%add3A_2849] : memref<6144xf32, #tpu.memory_space<vmem>>[vector<16xi32>], vector<16xf32>,
          %mul3A_2851 = arith.constant 3 : i32
          %mul3A_2852 = vector.broadcast %mul3A_2851 : i32 to vector<16xi32>
          %mul3A_2853 = arith.muli %mul3A_2852, %add3A_2839 : vector<16xi32>
          %add3A_2854 = arith.constant 2 : i32
          %add3A_2855 = vector.broadcast %add3A_2854 : i32 to vector<16xi32>
          %add3A_2856 = arith.addi %mul3A_2853, %add3A_2855 : vector<16xi32>
          %gather3A_2857 = tpu.vector_load_idx %arg12[%add3A_2856] : memref<6144xf32, #tpu.memory_space<vmem>>[vector<16xi32>], vector<16xf32>,
          %bitcast3A_2858 = vector.bitcast %gather3A_2843 : vector<16xf32> to vector<16xi32>
          %add3A_2859 = arith.constant 32767 : i32
          %add3A_2860 = vector.broadcast %add3A_2859 : i32 to vector<16xi32>
          %add3A_2861 = arith.addi %bitcast3A_2858, %add3A_2860 : vector<16xi32>
          %shift_right_logical3A_2862 = arith.constant 16 : i32
          %shift_right_logical3A_2863 = vector.broadcast %shift_right_logical3A_2862 : i32 to vector<16xi32>
          %shift_right_logical3A_2864 = arith.shrui %bitcast3A_2858, %shift_right_logical3A_2863 : vector<16xi32>
          %and3A_2865 = arith.constant 1 : i32
          %and3A_2866 = vector.broadcast %and3A_2865 : i32 to vector<16xi32>
          %and3A_2867 = arith.andi %shift_right_logical3A_2864, %and3A_2866 : vector<16xi32>
          %add3A_2868 = arith.addi %add3A_2861, %and3A_2867 : vector<16xi32>
          %and3A_2869 = arith.constant -65536 : i32
          %and3A_2870 = vector.broadcast %and3A_2869 : i32 to vector<16xi32>
          %and3A_2871 = arith.andi %add3A_2868, %and3A_2870 : vector<16xi32>
          %bitcast3A_2872 = vector.bitcast %and3A_2871 : vector<16xi32> to vector<16xf32>
          %bitcast3A_2873 = vector.bitcast %gather3A_2850 : vector<16xf32> to vector<16xi32>
          %add3A_2874 = arith.constant 32767 : i32
          %add3A_2875 = vector.broadcast %add3A_2874 : i32 to vector<16xi32>
          %add3A_2876 = arith.addi %bitcast3A_2873, %add3A_2875 : vector<16xi32>
          %shift_right_logical3A_2877 = arith.constant 16 : i32
          %shift_right_logical3A_2878 = vector.broadcast %shift_right_logical3A_2877 : i32 to vector<16xi32>
          %shift_right_logical3A_2879 = arith.shrui %bitcast3A_2873, %shift_right_logical3A_2878 : vector<16xi32>
          %and3A_2880 = arith.constant 1 : i32
          %and3A_2881 = vector.broadcast %and3A_2880 : i32 to vector<16xi32>
          %and3A_2882 = arith.andi %shift_right_logical3A_2879, %and3A_2881 : vector<16xi32>
          %add3A_2883 = arith.addi %add3A_2876, %and3A_2882 : vector<16xi32>
          %and3A_2884 = arith.constant -65536 : i32
          %and3A_2885 = vector.broadcast %and3A_2884 : i32 to vector<16xi32>
          %and3A_2886 = arith.andi %add3A_2883, %and3A_2885 : vector<16xi32>
          %bitcast3A_2887 = vector.bitcast %and3A_2886 : vector<16xi32> to vector<16xf32>
          %bitcast3A_2888 = vector.bitcast %gather3A_2857 : vector<16xf32> to vector<16xi32>
          %add3A_2889 = arith.constant 32767 : i32
          %add3A_2890 = vector.broadcast %add3A_2889 : i32 to vector<16xi32>
          %add3A_2891 = arith.addi %bitcast3A_2888, %add3A_2890 : vector<16xi32>
          %shift_right_logical3A_2892 = arith.constant 16 : i32
          %shift_right_logical3A_2893 = vector.broadcast %shift_right_logical3A_2892 : i32 to vector<16xi32>
          %shift_right_logical3A_2894 = arith.shrui %bitcast3A_2888, %shift_right_logical3A_2893 : vector<16xi32>
          %and3A_2895 = arith.constant 1 : i32
          %and3A_2896 = vector.broadcast %and3A_2895 : i32 to vector<16xi32>
          %and3A_2897 = arith.andi %shift_right_logical3A_2894, %and3A_2896 : vector<16xi32>
          %add3A_2898 = arith.addi %add3A_2891, %and3A_2897 : vector<16xi32>
          %and3A_2899 = arith.constant -65536 : i32
          %and3A_2900 = vector.broadcast %and3A_2899 : i32 to vector<16xi32>
          %and3A_2901 = arith.andi %add3A_2898, %and3A_2900 : vector<16xi32>
          %bitcast3A_2902 = vector.bitcast %and3A_2901 : vector<16xi32> to vector<16xf32>
          %mul3A_2903 = vector.broadcast %squeeze3A_61 : f32 to vector<16xf32>
          %mul3A_2904 = arith.mulf %mul3A_2903, %bitcast3A_2872 : vector<16xf32>
          %mul3A_2905 = vector.broadcast %squeeze3A_63 : f32 to vector<16xf32>
          %mul3A_2906 = arith.mulf %mul3A_2905, %bitcast3A_2887 : vector<16xf32>
          %add3A_2907 = arith.addf %mul3A_2904, %mul3A_2906 : vector<16xf32>
          %mul3A_2908 = vector.broadcast %squeeze3A_65 : f32 to vector<16xf32>
          %mul3A_2909 = arith.mulf %mul3A_2908, %bitcast3A_2902 : vector<16xf32>
          %add3A_2910 = arith.addf %add3A_2907, %mul3A_2909 : vector<16xf32>
          %add3A_2911 = vector.broadcast %squeeze3A_67 : f32 to vector<16xf32>
          %add3A_2912 = arith.addf %add3A_2910, %add3A_2911 : vector<16xf32>
          %mul3A_2913 = vector.broadcast %squeeze3A_69 : f32 to vector<16xf32>
          %mul3A_2914 = arith.mulf %mul3A_2913, %bitcast3A_2872 : vector<16xf32>
          %mul3A_2915 = vector.broadcast %squeeze3A_71 : f32 to vector<16xf32>
          %mul3A_2916 = arith.mulf %mul3A_2915, %bitcast3A_2887 : vector<16xf32>
          %add3A_2917 = arith.addf %mul3A_2914, %mul3A_2916 : vector<16xf32>
          %mul3A_2918 = vector.broadcast %squeeze3A_73 : f32 to vector<16xf32>
          %mul3A_2919 = arith.mulf %mul3A_2918, %bitcast3A_2902 : vector<16xf32>
          %add3A_2920 = arith.addf %add3A_2917, %mul3A_2919 : vector<16xf32>
          %add3A_2921 = vector.broadcast %squeeze3A_75 : f32 to vector<16xf32>
          %add3A_2922 = arith.addf %add3A_2920, %add3A_2921 : vector<16xf32>
          %mul3A_2923 = vector.broadcast %squeeze3A_77 : f32 to vector<16xf32>
          %mul3A_2924 = arith.mulf %mul3A_2923, %bitcast3A_2872 : vector<16xf32>
          %mul3A_2925 = vector.broadcast %squeeze3A_79 : f32 to vector<16xf32>
          %mul3A_2926 = arith.mulf %mul3A_2925, %bitcast3A_2887 : vector<16xf32>
          %add3A_2927 = arith.addf %mul3A_2924, %mul3A_2926 : vector<16xf32>
          %mul3A_2928 = vector.broadcast %squeeze3A_81 : f32 to vector<16xf32>
          %mul3A_2929 = arith.mulf %mul3A_2928, %bitcast3A_2902 : vector<16xf32>
          %add3A_2930 = arith.addf %add3A_2927, %mul3A_2929 : vector<16xf32>
          %add3A_2931 = vector.broadcast %squeeze3A_83 : f32 to vector<16xf32>
          %add3A_2932 = arith.addf %add3A_2930, %add3A_2931 : vector<16xf32>
          %mul3A_2933 = vector.broadcast %squeeze3A_85 : f32 to vector<16xf32>
          %mul3A_2934 = arith.mulf %mul3A_2933, %bitcast3A_2872 : vector<16xf32>
          %mul3A_2935 = vector.broadcast %squeeze3A_87 : f32 to vector<16xf32>
          %mul3A_2936 = arith.mulf %mul3A_2935, %bitcast3A_2887 : vector<16xf32>
          %add3A_2937 = arith.addf %mul3A_2934, %mul3A_2936 : vector<16xf32>
          %mul3A_2938 = vector.broadcast %squeeze3A_89 : f32 to vector<16xf32>
          %mul3A_2939 = arith.mulf %mul3A_2938, %bitcast3A_2902 : vector<16xf32>
          %add3A_2940 = arith.addf %add3A_2937, %mul3A_2939 : vector<16xf32>
          %add3A_2941 = vector.broadcast %squeeze3A_91 : f32 to vector<16xf32>
          %add3A_2942 = arith.addf %add3A_2940, %add3A_2941 : vector<16xf32>
          %max3A_2943 = arith.constant 9.99999997E-7 : f32
          %max3A_2944 = vector.broadcast %max3A_2943 : f32 to vector<16xf32>
          %max3A_2945 = arith.maximumf %add3A_2942, %max3A_2944 : vector<16xf32>
          %div3A_2946 = arith.divf %add3A_2912, %max3A_2945 : vector<16xf32>
          %div3A_2947 = arith.divf %add3A_2922, %max3A_2945 : vector<16xf32>
          %div3A_2948 = arith.divf %add3A_2932, %max3A_2945 : vector<16xf32>
          %bitcast3A_2949 = vector.bitcast %div3A_2946 : vector<16xf32> to vector<16xi32>
          %add3A_2950 = arith.constant 32767 : i32
          %add3A_2951 = vector.broadcast %add3A_2950 : i32 to vector<16xi32>
          %add3A_2952 = arith.addi %bitcast3A_2949, %add3A_2951 : vector<16xi32>
          %shift_right_logical3A_2953 = arith.constant 16 : i32
          %shift_right_logical3A_2954 = vector.broadcast %shift_right_logical3A_2953 : i32 to vector<16xi32>
          %shift_right_logical3A_2955 = arith.shrui %bitcast3A_2949, %shift_right_logical3A_2954 : vector<16xi32>
          %and3A_2956 = arith.constant 1 : i32
          %and3A_2957 = vector.broadcast %and3A_2956 : i32 to vector<16xi32>
          %and3A_2958 = arith.andi %shift_right_logical3A_2955, %and3A_2957 : vector<16xi32>
          %add3A_2959 = arith.addi %add3A_2952, %and3A_2958 : vector<16xi32>
          %and3A_2960 = arith.constant -65536 : i32
          %and3A_2961 = vector.broadcast %and3A_2960 : i32 to vector<16xi32>
          %and3A_2962 = arith.andi %add3A_2959, %and3A_2961 : vector<16xi32>
          %bitcast3A_2963 = vector.bitcast %and3A_2962 : vector<16xi32> to vector<16xf32>
          %bitcast3A_2964 = vector.bitcast %div3A_2947 : vector<16xf32> to vector<16xi32>
          %add3A_2965 = arith.constant 32767 : i32
          %add3A_2966 = vector.broadcast %add3A_2965 : i32 to vector<16xi32>
          %add3A_2967 = arith.addi %bitcast3A_2964, %add3A_2966 : vector<16xi32>
          %shift_right_logical3A_2968 = arith.constant 16 : i32
          %shift_right_logical3A_2969 = vector.broadcast %shift_right_logical3A_2968 : i32 to vector<16xi32>
          %shift_right_logical3A_2970 = arith.shrui %bitcast3A_2964, %shift_right_logical3A_2969 : vector<16xi32>
          %and3A_2971 = arith.constant 1 : i32
          %and3A_2972 = vector.broadcast %and3A_2971 : i32 to vector<16xi32>
          %and3A_2973 = arith.andi %shift_right_logical3A_2970, %and3A_2972 : vector<16xi32>
          %add3A_2974 = arith.addi %add3A_2967, %and3A_2973 : vector<16xi32>
          %and3A_2975 = arith.constant -65536 : i32
          %and3A_2976 = vector.broadcast %and3A_2975 : i32 to vector<16xi32>
          %and3A_2977 = arith.andi %add3A_2974, %and3A_2976 : vector<16xi32>
          %bitcast3A_2978 = vector.bitcast %and3A_2977 : vector<16xi32> to vector<16xf32>
          %bitcast3A_2979 = vector.bitcast %div3A_2948 : vector<16xf32> to vector<16xi32>
          %add3A_2980 = arith.constant 32767 : i32
          %add3A_2981 = vector.broadcast %add3A_2980 : i32 to vector<16xi32>
          %add3A_2982 = arith.addi %bitcast3A_2979, %add3A_2981 : vector<16xi32>
          %shift_right_logical3A_2983 = arith.constant 16 : i32
          %shift_right_logical3A_2984 = vector.broadcast %shift_right_logical3A_2983 : i32 to vector<16xi32>
          %shift_right_logical3A_2985 = arith.shrui %bitcast3A_2979, %shift_right_logical3A_2984 : vector<16xi32>
          %and3A_2986 = arith.constant 1 : i32
          %and3A_2987 = vector.broadcast %and3A_2986 : i32 to vector<16xi32>
          %and3A_2988 = arith.andi %shift_right_logical3A_2985, %and3A_2987 : vector<16xi32>
          %add3A_2989 = arith.addi %add3A_2982, %and3A_2988 : vector<16xi32>
          %and3A_2990 = arith.constant -65536 : i32
          %and3A_2991 = vector.broadcast %and3A_2990 : i32 to vector<16xi32>
          %and3A_2992 = arith.andi %add3A_2989, %and3A_2991 : vector<16xi32>
          %bitcast3A_2993 = vector.bitcast %and3A_2992 : vector<16xi32> to vector<16xf32>
          %mul3A_2994 = vector.broadcast %squeeze3A_93 : f32 to vector<16xf32>
          %mul3A_2995 = arith.mulf %mul3A_2994, %bitcast3A_2963 : vector<16xf32>
          %mul3A_2996 = vector.broadcast %squeeze3A_95 : f32 to vector<16xf32>
          %mul3A_2997 = arith.mulf %mul3A_2996, %bitcast3A_2978 : vector<16xf32>
          %add3A_2998 = arith.addf %mul3A_2995, %mul3A_2997 : vector<16xf32>
          %mul3A_2999 = vector.broadcast %squeeze3A_97 : f32 to vector<16xf32>
          %mul3A_3000 = arith.mulf %mul3A_2999, %bitcast3A_2993 : vector<16xf32>
          %add3A_3001 = arith.addf %add3A_2998, %mul3A_3000 : vector<16xf32>
          %mul3A_3002 = vector.broadcast %squeeze3A_99 : f32 to vector<16xf32>
          %mul3A_3003 = arith.mulf %mul3A_3002, %bitcast3A_2963 : vector<16xf32>
          %mul3A_3004 = vector.broadcast %squeeze3A_101 : f32 to vector<16xf32>
          %mul3A_3005 = arith.mulf %mul3A_3004, %bitcast3A_2978 : vector<16xf32>
          %add3A_3006 = arith.addf %mul3A_3003, %mul3A_3005 : vector<16xf32>
          %mul3A_3007 = vector.broadcast %squeeze3A_103 : f32 to vector<16xf32>
          %mul3A_3008 = arith.mulf %mul3A_3007, %bitcast3A_2993 : vector<16xf32>
          %add3A_3009 = arith.addf %add3A_3006, %mul3A_3008 : vector<16xf32>
          %mul3A_3010 = vector.broadcast %squeeze3A_105 : f32 to vector<16xf32>
          %mul3A_3011 = arith.mulf %mul3A_3010, %bitcast3A_2963 : vector<16xf32>
          %mul3A_3012 = vector.broadcast %squeeze3A_107 : f32 to vector<16xf32>
          %mul3A_3013 = arith.mulf %mul3A_3012, %bitcast3A_2978 : vector<16xf32>
          %add3A_3014 = arith.addf %mul3A_3011, %mul3A_3013 : vector<16xf32>
          %mul3A_3015 = vector.broadcast %squeeze3A_109 : f32 to vector<16xf32>
          %mul3A_3016 = arith.mulf %mul3A_3015, %bitcast3A_2993 : vector<16xf32>
          %add3A_3017 = arith.addf %add3A_3014, %mul3A_3016 : vector<16xf32>
          %max3A_3018 = arith.constant 9.99999997E-7 : f32
          %max3A_3019 = vector.broadcast %max3A_3018 : f32 to vector<16xf32>
          %max3A_3020 = arith.maximumf %add3A_3017, %max3A_3019 : vector<16xf32>
          %div3A_3021 = arith.divf %add3A_3001, %max3A_3020 : vector<16xf32>
          %div3A_3022 = arith.divf %add3A_3009, %max3A_3020 : vector<16xf32>
          %gt3A_3023 = arith.constant 1.000000e-01 : f32
          %gt3A_3024 = vector.broadcast %gt3A_3023 : f32 to vector<16xf32>
          %gt3A_3025 = arith.cmpf ogt, %div3A_2948, %gt3A_3024 : vector<16xf32>
          %ge3A_3026 = arith.constant 0.000000e+00 : f32
          %ge3A_3027 = vector.broadcast %ge3A_3026 : f32 to vector<16xf32>
          %ge3A_3028 = arith.cmpf oge, %div3A_3021, %ge3A_3027 : vector<16xf32>
          %and3A_3029 = arith.andi %gt3A_3025, %ge3A_3028 : vector<16xi1>
          %lt3A_3030 = vector.broadcast %squeeze3A : f32 to vector<16xf32>
          %lt3A_3031 = arith.cmpf olt, %div3A_3021, %lt3A_3030 : vector<16xf32>
          %and3A_3032 = arith.andi %and3A_3029, %lt3A_3031 : vector<16xi1>
          %ge3A_3033 = arith.constant 0.000000e+00 : f32
          %ge3A_3034 = vector.broadcast %ge3A_3033 : f32 to vector<16xf32>
          %ge3A_3035 = arith.cmpf oge, %div3A_3022, %ge3A_3034 : vector<16xf32>
          %and3A_3036 = arith.andi %and3A_3032, %ge3A_3035 : vector<16xi1>
          %lt3A_3037 = vector.broadcast %squeeze3A_3 : f32 to vector<16xf32>
          %lt3A_3038 = arith.cmpf olt, %div3A_3022, %lt3A_3037 : vector<16xf32>
          %and3A_3039 = arith.andi %and3A_3036, %lt3A_3038 : vector<16xi1>
          %mul3A_3040 = vector.broadcast %squeeze3A_7 : f32 to vector<16xf32>
          %mul3A_3041 = arith.mulf %div3A_3021, %mul3A_3040 : vector<16xf32>
          %mul3A_3042 = arith.constant 2.000000e+00 : f32
          %mul3A_3043 = vector.broadcast %mul3A_3042 : f32 to vector<16xf32>
          %mul3A_3044 = arith.mulf %mul3A_3041, %mul3A_3043 : vector<16xf32>
          %sub3A_3045 = arith.constant 1.000000e+00 : f32
          %sub3A_3046 = vector.broadcast %sub3A_3045 : f32 to vector<16xf32>
          %sub3A_3047 = arith.subf %mul3A_3044, %sub3A_3046 : vector<16xf32>
          %add3A_3048 = arith.constant 1.000000e+00 : f32
          %add3A_3049 = vector.broadcast %add3A_3048 : f32 to vector<16xf32>
          %add3A_3050 = arith.addf %sub3A_3047, %add3A_3049 : vector<16xf32>
          %mul3A_3051 = arith.constant 5.000000e-01 : f32
          %mul3A_3052 = vector.broadcast %mul3A_3051 : f32 to vector<16xf32>
          %mul3A_3053 = arith.mulf %add3A_3050, %mul3A_3052 : vector<16xf32>
          %mul3A_3054 = arith.constant 6.300000e+01 : f32
          %mul3A_3055 = vector.broadcast %mul3A_3054 : f32 to vector<16xf32>
          %mul3A_3056 = arith.mulf %mul3A_3053, %mul3A_3055 : vector<16xf32>
          %mul3A_3057 = vector.broadcast %squeeze3A_9 : f32 to vector<16xf32>
          %mul3A_3058 = arith.mulf %div3A_3022, %mul3A_3057 : vector<16xf32>
          %mul3A_3059 = arith.constant 2.000000e+00 : f32
          %mul3A_3060 = vector.broadcast %mul3A_3059 : f32 to vector<16xf32>
          %mul3A_3061 = arith.mulf %mul3A_3058, %mul3A_3060 : vector<16xf32>
          %sub3A_3062 = arith.constant 1.000000e+00 : f32
          %sub3A_3063 = vector.broadcast %sub3A_3062 : f32 to vector<16xf32>
          %sub3A_3064 = arith.subf %mul3A_3061, %sub3A_3063 : vector<16xf32>
          %add3A_3065 = arith.constant 1.000000e+00 : f32
          %add3A_3066 = vector.broadcast %add3A_3065 : f32 to vector<16xf32>
          %add3A_3067 = arith.addf %sub3A_3064, %add3A_3066 : vector<16xf32>
          %mul3A_3068 = arith.constant 5.000000e-01 : f32
          %mul3A_3069 = vector.broadcast %mul3A_3068 : f32 to vector<16xf32>
          %mul3A_3070 = arith.mulf %add3A_3067, %mul3A_3069 : vector<16xf32>
          %mul3A_3071 = arith.constant 6.300000e+01 : f32
          %mul3A_3072 = vector.broadcast %mul3A_3071 : f32 to vector<16xf32>
          %mul3A_3073 = arith.mulf %mul3A_3070, %mul3A_3072 : vector<16xf32>
          %jit3A_3074 = arith.constant -4.000000e+00 : f32
          %jit3A_3075 = arith.constant 6.800000e+01 : f32
          %max3A_3076 = vector.broadcast %jit3A_3074 : f32 to vector<16xf32>
          %max3A_3077 = arith.maximumf %max3A_3076, %mul3A_3056 : vector<16xf32>
          %min3A_3078 = vector.broadcast %jit3A_3075 : f32 to vector<16xf32>
          %min3A_3079 = arith.minimumf %min3A_3078, %max3A_3077 : vector<16xf32>
          %jit3A_3080 = arith.constant -4.000000e+00 : f32
          %jit3A_3081 = arith.constant 6.800000e+01 : f32
          %max3A_3082 = vector.broadcast %jit3A_3080 : f32 to vector<16xf32>
          %max3A_3083 = arith.maximumf %max3A_3082, %mul3A_3073 : vector<16xf32>
          %min3A_3084 = vector.broadcast %jit3A_3081 : f32 to vector<16xf32>
          %min3A_3085 = arith.minimumf %min3A_3084, %max3A_3083 : vector<16xf32>
          %convert_element_type3A_3086 = arith.fptosi %min3A_3079 : vector<16xf32> to vector<16xi32>
          %convert_element_type3A_3087 = arith.sitofp %convert_element_type3A_3086 : vector<16xi32> to vector<16xf32>
          %convert_element_type3A_3088 = arith.fptosi %min3A_3085 : vector<16xf32> to vector<16xi32>
          %convert_element_type3A_3089 = arith.sitofp %convert_element_type3A_3088 : vector<16xi32> to vector<16xf32>
          %gt3A_3090 = arith.cmpf ogt, %convert_element_type3A_3087, %min3A_3079 : vector<16xf32>
          %jit3A_3091 = arith.constant 1.000000e+00 : f32
          %jit3A_3092 = arith.constant 0.000000e+00 : f32
          %broadcast_in_dim3A_3093 = vector.broadcast %jit3A_3091 : f32 to vector<16xf32>
          %broadcast_in_dim3A_3094 = vector.broadcast %jit3A_3092 : f32 to vector<16xf32>
          %select_n3A_3095 = arith.select %gt3A_3090, %broadcast_in_dim3A_3093, %broadcast_in_dim3A_3094 : vector<16xi1>, vector<16xf32>
          %sub3A_3096 = arith.subf %convert_element_type3A_3087, %select_n3A_3095 : vector<16xf32>
          %gt3A_3097 = arith.cmpf ogt, %convert_element_type3A_3089, %min3A_3085 : vector<16xf32>
          %jit3A_3098 = arith.constant 1.000000e+00 : f32
          %jit3A_3099 = arith.constant 0.000000e+00 : f32
          %broadcast_in_dim3A_3100 = vector.broadcast %jit3A_3098 : f32 to vector<16xf32>
          %broadcast_in_dim3A_3101 = vector.broadcast %jit3A_3099 : f32 to vector<16xf32>
          %select_n3A_3102 = arith.select %gt3A_3097, %broadcast_in_dim3A_3100, %broadcast_in_dim3A_3101 : vector<16xi1>, vector<16xf32>
          %sub3A_3103 = arith.subf %convert_element_type3A_3089, %select_n3A_3102 : vector<16xf32>
          %sub3A_3104 = arith.subf %min3A_3079, %sub3A_3096 : vector<16xf32>
          %sub3A_3105 = arith.constant 1.000000e+00 : f32
          %sub3A_3106 = vector.broadcast %sub3A_3105 : f32 to vector<16xf32>
          %sub3A_3107 = arith.subf %sub3A_3106, %sub3A_3104 : vector<16xf32>
          %sub3A_3108 = arith.subf %min3A_3085, %sub3A_3103 : vector<16xf32>
          %sub3A_3109 = arith.constant 1.000000e+00 : f32
          %sub3A_3110 = vector.broadcast %sub3A_3109 : f32 to vector<16xf32>
          %sub3A_3111 = arith.subf %sub3A_3110, %sub3A_3108 : vector<16xf32>
          %mul3A_3112 = arith.mulf %sub3A_3107, %sub3A_3111 : vector<16xf32>
          %add3A_3113 = arith.constant 1.000000e+00 : f32
          %add3A_3114 = vector.broadcast %add3A_3113 : f32 to vector<16xf32>
          %add3A_3115 = arith.addf %sub3A_3096, %add3A_3114 : vector<16xf32>
          %mul3A_3116 = arith.mulf %sub3A_3104, %sub3A_3111 : vector<16xf32>
          %add3A_3117 = arith.constant 1.000000e+00 : f32
          %add3A_3118 = vector.broadcast %add3A_3117 : f32 to vector<16xf32>
          %add3A_3119 = arith.addf %sub3A_3103, %add3A_3118 : vector<16xf32>
          %mul3A_3120 = arith.mulf %sub3A_3107, %sub3A_3108 : vector<16xf32>
          %add3A_3121 = arith.constant 1.000000e+00 : f32
          %add3A_3122 = vector.broadcast %add3A_3121 : f32 to vector<16xf32>
          %add3A_3123 = arith.addf %sub3A_3096, %add3A_3122 : vector<16xf32>
          %add3A_3124 = arith.constant 1.000000e+00 : f32
          %add3A_3125 = vector.broadcast %add3A_3124 : f32 to vector<16xf32>
          %add3A_3126 = arith.addf %sub3A_3103, %add3A_3125 : vector<16xf32>
          %mul3A_3127 = arith.mulf %sub3A_3104, %sub3A_3108 : vector<16xf32>
          %add3A_3128 = arith.constant 16 : i32
          %add3A_3129 = vector.broadcast %add3A_3128 : i32 to vector<16xi32>
          %add3A_3130 = arith.addi %add3A_3129, %iota3A : vector<16xi32>
          %ge3A_3131 = arith.constant 0.000000e+00 : f32
          %ge3A_3132 = vector.broadcast %ge3A_3131 : f32 to vector<16xf32>
          %ge3A_3133 = arith.cmpf oge, %sub3A_3096, %ge3A_3132 : vector<16xf32>
          %and3A_3134 = arith.andi %and3A_3039, %ge3A_3133 : vector<16xi1>
          %le3A_3135 = arith.constant 6.300000e+01 : f32
          %le3A_3136 = vector.broadcast %le3A_3135 : f32 to vector<16xf32>
          %le3A_3137 = arith.cmpf ole, %sub3A_3096, %le3A_3136 : vector<16xf32>
          %and3A_3138 = arith.andi %and3A_3134, %le3A_3137 : vector<16xi1>
          %ge3A_3139 = arith.constant 0.000000e+00 : f32
          %ge3A_3140 = vector.broadcast %ge3A_3139 : f32 to vector<16xf32>
          %ge3A_3141 = arith.cmpf oge, %sub3A_3103, %ge3A_3140 : vector<16xf32>
          %and3A_3142 = arith.andi %and3A_3138, %ge3A_3141 : vector<16xi1>
          %le3A_3143 = arith.constant 6.300000e+01 : f32
          %le3A_3144 = vector.broadcast %le3A_3143 : f32 to vector<16xf32>
          %le3A_3145 = arith.cmpf ole, %sub3A_3103, %le3A_3144 : vector<16xf32>
          %and3A_3146 = arith.andi %and3A_3142, %le3A_3145 : vector<16xi1>
          %jit3A_3147 = arith.constant 0.000000e+00 : f32
          %broadcast_in_dim3A_3148 = vector.broadcast %jit3A_3147 : f32 to vector<16xf32>
          %select_n3A_3149 = arith.select %and3A_3146, %mul3A_3112, %broadcast_in_dim3A_3148 : vector<16xi1>, vector<16xf32>
          %jit3A_3150 = arith.constant 0.000000e+00 : f32
          %jit3A_3151 = arith.constant 63 : i32
          %max3A_3152 = vector.broadcast %jit3A_3150 : f32 to vector<16xf32>
          %max3A_3153 = arith.maximumf %max3A_3152, %sub3A_3096 : vector<16xf32>
          %convert_element_type3A_3154 = arith.sitofp %jit3A_3151 : i32 to f32
          %min3A_3155 = vector.broadcast %convert_element_type3A_3154 : f32 to vector<16xf32>
          %min3A_3156 = arith.minimumf %min3A_3155, %max3A_3153 : vector<16xf32>
          %convert_element_type3A_3157 = arith.fptosi %min3A_3156 : vector<16xf32> to vector<16xi32>
          %jit3A_3158 = arith.constant 0.000000e+00 : f32
          %jit3A_3159 = arith.constant 63 : i32
          %max3A_3160 = vector.broadcast %jit3A_3158 : f32 to vector<16xf32>
          %max3A_3161 = arith.maximumf %max3A_3160, %sub3A_3103 : vector<16xf32>
          %convert_element_type3A_3162 = arith.sitofp %jit3A_3159 : i32 to f32
          %min3A_3163 = vector.broadcast %convert_element_type3A_3162 : f32 to vector<16xf32>
          %min3A_3164 = arith.minimumf %min3A_3163, %max3A_3161 : vector<16xf32>
          %convert_element_type3A_3165 = arith.fptosi %min3A_3164 : vector<16xf32> to vector<16xi32>
          %mul3A_3166 = arith.constant 64 : i32
          %mul3A_3167 = vector.broadcast %mul3A_3166 : i32 to vector<16xi32>
          %mul3A_3168 = arith.muli %convert_element_type3A_3165, %mul3A_3167 : vector<16xi32>
          %add3A_3169 = arith.addi %mul3A_3168, %convert_element_type3A_3157 : vector<16xi32>
          %mul3A_3170 = arith.constant 64 : i32
          %mul3A_3171 = arith.muli %scan3A_16, %mul3A_3170 : i32
          %mul3A_3172 = arith.constant 64 : i32
          %mul3A_3173 = arith.muli %mul3A_3171, %mul3A_3172 : i32
          %add3A_3174 = vector.broadcast %mul3A_3173 : i32 to vector<16xi32>
          %add3A_3175 = arith.addi %add3A_3169, %add3A_3174 : vector<16xi32>
          %swap3A_3176 = arith.constant 16 : index
          %swap3A_3177 = tpu.vector_load %arg13[%swap3A_3176] {strides = array<i32>} : memref<128xi32, #tpu.memory_space<vmem>>, vector<16xi32>,
          tpu.vector_store %arg13[%swap3A_3176], %add3A_3175 {strides = array<i32>} : memref<128xi32, #tpu.memory_space<vmem>>, vector<16xi32>,
          %swap3A_3178 = arith.constant 0 : i32
          %swap3A_3179 = arith.index_cast %swap3A_3178 : i32 to index
          %swap3A_3180 = arith.constant 16 : index
          %swap3A_3181 = tpu.vector_load %arg15[%swap3A_3179, %swap3A_3180] {strides = array<i32>} : memref<2x128xf32, #tpu.memory_space<vmem>>, vector<16xf32>,
          tpu.vector_store %arg15[%swap3A_3179, %swap3A_3180], %select_n3A_3149 {strides = array<i32>} : memref<2x128xf32, #tpu.memory_space<vmem>>, vector<16xf32>,
          %ge3A_3182 = arith.constant 0.000000e+00 : f32
          %ge3A_3183 = vector.broadcast %ge3A_3182 : f32 to vector<16xf32>
          %ge3A_3184 = arith.cmpf oge, %add3A_3115, %ge3A_3183 : vector<16xf32>
          %and3A_3185 = arith.andi %and3A_3039, %ge3A_3184 : vector<16xi1>
          %le3A_3186 = arith.constant 6.300000e+01 : f32
          %le3A_3187 = vector.broadcast %le3A_3186 : f32 to vector<16xf32>
          %le3A_3188 = arith.cmpf ole, %add3A_3115, %le3A_3187 : vector<16xf32>
          %and3A_3189 = arith.andi %and3A_3185, %le3A_3188 : vector<16xi1>
          %ge3A_3190 = arith.constant 0.000000e+00 : f32
          %ge3A_3191 = vector.broadcast %ge3A_3190 : f32 to vector<16xf32>
          %ge3A_3192 = arith.cmpf oge, %sub3A_3103, %ge3A_3191 : vector<16xf32>
          %and3A_3193 = arith.andi %and3A_3189, %ge3A_3192 : vector<16xi1>
          %le3A_3194 = arith.constant 6.300000e+01 : f32
          %le3A_3195 = vector.broadcast %le3A_3194 : f32 to vector<16xf32>
          %le3A_3196 = arith.cmpf ole, %sub3A_3103, %le3A_3195 : vector<16xf32>
          %and3A_3197 = arith.andi %and3A_3193, %le3A_3196 : vector<16xi1>
          %jit3A_3198 = arith.constant 0.000000e+00 : f32
          %broadcast_in_dim3A_3199 = vector.broadcast %jit3A_3198 : f32 to vector<16xf32>
          %select_n3A_3200 = arith.select %and3A_3197, %mul3A_3116, %broadcast_in_dim3A_3199 : vector<16xi1>, vector<16xf32>
          %jit3A_3201 = arith.constant 0.000000e+00 : f32
          %jit3A_3202 = arith.constant 63 : i32
          %max3A_3203 = vector.broadcast %jit3A_3201 : f32 to vector<16xf32>
          %max3A_3204 = arith.maximumf %max3A_3203, %add3A_3115 : vector<16xf32>
          %convert_element_type3A_3205 = arith.sitofp %jit3A_3202 : i32 to f32
          %min3A_3206 = vector.broadcast %convert_element_type3A_3205 : f32 to vector<16xf32>
          %min3A_3207 = arith.minimumf %min3A_3206, %max3A_3204 : vector<16xf32>
          %convert_element_type3A_3208 = arith.fptosi %min3A_3207 : vector<16xf32> to vector<16xi32>
          %jit3A_3209 = arith.constant 0.000000e+00 : f32
          %jit3A_3210 = arith.constant 63 : i32
          %max3A_3211 = vector.broadcast %jit3A_3209 : f32 to vector<16xf32>
          %max3A_3212 = arith.maximumf %max3A_3211, %sub3A_3103 : vector<16xf32>
          %convert_element_type3A_3213 = arith.sitofp %jit3A_3210 : i32 to f32
          %min3A_3214 = vector.broadcast %convert_element_type3A_3213 : f32 to vector<16xf32>
          %min3A_3215 = arith.minimumf %min3A_3214, %max3A_3212 : vector<16xf32>
          %convert_element_type3A_3216 = arith.fptosi %min3A_3215 : vector<16xf32> to vector<16xi32>
          %mul3A_3217 = arith.constant 64 : i32
          %mul3A_3218 = vector.broadcast %mul3A_3217 : i32 to vector<16xi32>
          %mul3A_3219 = arith.muli %convert_element_type3A_3216, %mul3A_3218 : vector<16xi32>
          %add3A_3220 = arith.addi %mul3A_3219, %convert_element_type3A_3208 : vector<16xi32>
          %mul3A_3221 = arith.constant 64 : i32
          %mul3A_3222 = arith.muli %scan3A_16, %mul3A_3221 : i32
          %mul3A_3223 = arith.constant 64 : i32
          %mul3A_3224 = arith.muli %mul3A_3222, %mul3A_3223 : i32
          %add3A_3225 = vector.broadcast %mul3A_3224 : i32 to vector<16xi32>
          %add3A_3226 = arith.addi %add3A_3220, %add3A_3225 : vector<16xi32>
          %swap3A_3227 = arith.constant 48 : index
          %swap3A_3228 = tpu.vector_load %arg13[%swap3A_3227] {strides = array<i32>} : memref<128xi32, #tpu.memory_space<vmem>>, vector<16xi32>,
          tpu.vector_store %arg13[%swap3A_3227], %add3A_3226 {strides = array<i32>} : memref<128xi32, #tpu.memory_space<vmem>>, vector<16xi32>,
          %swap3A_3229 = arith.constant 0 : i32
          %swap3A_3230 = arith.index_cast %swap3A_3229 : i32 to index
          %swap3A_3231 = arith.constant 48 : index
          %swap3A_3232 = tpu.vector_load %arg15[%swap3A_3230, %swap3A_3231] {strides = array<i32>} : memref<2x128xf32, #tpu.memory_space<vmem>>, vector<16xf32>,
          tpu.vector_store %arg15[%swap3A_3230, %swap3A_3231], %select_n3A_3200 {strides = array<i32>} : memref<2x128xf32, #tpu.memory_space<vmem>>, vector<16xf32>,
          %ge3A_3233 = arith.constant 0.000000e+00 : f32
          %ge3A_3234 = vector.broadcast %ge3A_3233 : f32 to vector<16xf32>
          %ge3A_3235 = arith.cmpf oge, %sub3A_3096, %ge3A_3234 : vector<16xf32>
          %and3A_3236 = arith.andi %and3A_3039, %ge3A_3235 : vector<16xi1>
          %le3A_3237 = arith.constant 6.300000e+01 : f32
          %le3A_3238 = vector.broadcast %le3A_3237 : f32 to vector<16xf32>
          %le3A_3239 = arith.cmpf ole, %sub3A_3096, %le3A_3238 : vector<16xf32>
          %and3A_3240 = arith.andi %and3A_3236, %le3A_3239 : vector<16xi1>
          %ge3A_3241 = arith.constant 0.000000e+00 : f32
          %ge3A_3242 = vector.broadcast %ge3A_3241 : f32 to vector<16xf32>
          %ge3A_3243 = arith.cmpf oge, %add3A_3119, %ge3A_3242 : vector<16xf32>
          %and3A_3244 = arith.andi %and3A_3240, %ge3A_3243 : vector<16xi1>
          %le3A_3245 = arith.constant 6.300000e+01 : f32
          %le3A_3246 = vector.broadcast %le3A_3245 : f32 to vector<16xf32>
          %le3A_3247 = arith.cmpf ole, %add3A_3119, %le3A_3246 : vector<16xf32>
          %and3A_3248 = arith.andi %and3A_3244, %le3A_3247 : vector<16xi1>
          %jit3A_3249 = arith.constant 0.000000e+00 : f32
          %broadcast_in_dim3A_3250 = vector.broadcast %jit3A_3249 : f32 to vector<16xf32>
          %select_n3A_3251 = arith.select %and3A_3248, %mul3A_3120, %broadcast_in_dim3A_3250 : vector<16xi1>, vector<16xf32>
          %jit3A_3252 = arith.constant 0.000000e+00 : f32
          %jit3A_3253 = arith.constant 63 : i32
          %max3A_3254 = vector.broadcast %jit3A_3252 : f32 to vector<16xf32>
          %max3A_3255 = arith.maximumf %max3A_3254, %sub3A_3096 : vector<16xf32>
          %convert_element_type3A_3256 = arith.sitofp %jit3A_3253 : i32 to f32
          %min3A_3257 = vector.broadcast %convert_element_type3A_3256 : f32 to vector<16xf32>
          %min3A_3258 = arith.minimumf %min3A_3257, %max3A_3255 : vector<16xf32>
          %convert_element_type3A_3259 = arith.fptosi %min3A_3258 : vector<16xf32> to vector<16xi32>
          %jit3A_3260 = arith.constant 0.000000e+00 : f32
          %jit3A_3261 = arith.constant 63 : i32
          %max3A_3262 = vector.broadcast %jit3A_3260 : f32 to vector<16xf32>
          %max3A_3263 = arith.maximumf %max3A_3262, %add3A_3119 : vector<16xf32>
          %convert_element_type3A_3264 = arith.sitofp %jit3A_3261 : i32 to f32
          %min3A_3265 = vector.broadcast %convert_element_type3A_3264 : f32 to vector<16xf32>
          %min3A_3266 = arith.minimumf %min3A_3265, %max3A_3263 : vector<16xf32>
          %convert_element_type3A_3267 = arith.fptosi %min3A_3266 : vector<16xf32> to vector<16xi32>
          %mul3A_3268 = arith.constant 64 : i32
          %mul3A_3269 = vector.broadcast %mul3A_3268 : i32 to vector<16xi32>
          %mul3A_3270 = arith.muli %convert_element_type3A_3267, %mul3A_3269 : vector<16xi32>
          %add3A_3271 = arith.addi %mul3A_3270, %convert_element_type3A_3259 : vector<16xi32>
          %mul3A_3272 = arith.constant 64 : i32
          %mul3A_3273 = arith.muli %scan3A_16, %mul3A_3272 : i32
          %mul3A_3274 = arith.constant 64 : i32
          %mul3A_3275 = arith.muli %mul3A_3273, %mul3A_3274 : i32
          %add3A_3276 = vector.broadcast %mul3A_3275 : i32 to vector<16xi32>
          %add3A_3277 = arith.addi %add3A_3271, %add3A_3276 : vector<16xi32>
          %swap3A_3278 = arith.constant 80 : index
          %swap3A_3279 = tpu.vector_load %arg13[%swap3A_3278] {strides = array<i32>} : memref<128xi32, #tpu.memory_space<vmem>>, vector<16xi32>,
          tpu.vector_store %arg13[%swap3A_3278], %add3A_3277 {strides = array<i32>} : memref<128xi32, #tpu.memory_space<vmem>>, vector<16xi32>,
          %swap3A_3280 = arith.constant 0 : i32
          %swap3A_3281 = arith.index_cast %swap3A_3280 : i32 to index
          %swap3A_3282 = arith.constant 80 : index
          %swap3A_3283 = tpu.vector_load %arg15[%swap3A_3281, %swap3A_3282] {strides = array<i32>} : memref<2x128xf32, #tpu.memory_space<vmem>>, vector<16xf32>,
          tpu.vector_store %arg15[%swap3A_3281, %swap3A_3282], %select_n3A_3251 {strides = array<i32>} : memref<2x128xf32, #tpu.memory_space<vmem>>, vector<16xf32>,
          %ge3A_3284 = arith.constant 0.000000e+00 : f32
          %ge3A_3285 = vector.broadcast %ge3A_3284 : f32 to vector<16xf32>
          %ge3A_3286 = arith.cmpf oge, %add3A_3123, %ge3A_3285 : vector<16xf32>
          %and3A_3287 = arith.andi %and3A_3039, %ge3A_3286 : vector<16xi1>
          %le3A_3288 = arith.constant 6.300000e+01 : f32
          %le3A_3289 = vector.broadcast %le3A_3288 : f32 to vector<16xf32>
          %le3A_3290 = arith.cmpf ole, %add3A_3123, %le3A_3289 : vector<16xf32>
          %and3A_3291 = arith.andi %and3A_3287, %le3A_3290 : vector<16xi1>
          %ge3A_3292 = arith.constant 0.000000e+00 : f32
          %ge3A_3293 = vector.broadcast %ge3A_3292 : f32 to vector<16xf32>
          %ge3A_3294 = arith.cmpf oge, %add3A_3126, %ge3A_3293 : vector<16xf32>
          %and3A_3295 = arith.andi %and3A_3291, %ge3A_3294 : vector<16xi1>
          %le3A_3296 = arith.constant 6.300000e+01 : f32
          %le3A_3297 = vector.broadcast %le3A_3296 : f32 to vector<16xf32>
          %le3A_3298 = arith.cmpf ole, %add3A_3126, %le3A_3297 : vector<16xf32>
          %and3A_3299 = arith.andi %and3A_3295, %le3A_3298 : vector<16xi1>
          %jit3A_3300 = arith.constant 0.000000e+00 : f32
          %broadcast_in_dim3A_3301 = vector.broadcast %jit3A_3300 : f32 to vector<16xf32>
          %select_n3A_3302 = arith.select %and3A_3299, %mul3A_3127, %broadcast_in_dim3A_3301 : vector<16xi1>, vector<16xf32>
          %jit3A_3303 = arith.constant 0.000000e+00 : f32
          %jit3A_3304 = arith.constant 63 : i32
          %max3A_3305 = vector.broadcast %jit3A_3303 : f32 to vector<16xf32>
          %max3A_3306 = arith.maximumf %max3A_3305, %add3A_3123 : vector<16xf32>
          %convert_element_type3A_3307 = arith.sitofp %jit3A_3304 : i32 to f32
          %min3A_3308 = vector.broadcast %convert_element_type3A_3307 : f32 to vector<16xf32>
          %min3A_3309 = arith.minimumf %min3A_3308, %max3A_3306 : vector<16xf32>
          %convert_element_type3A_3310 = arith.fptosi %min3A_3309 : vector<16xf32> to vector<16xi32>
          %jit3A_3311 = arith.constant 0.000000e+00 : f32
          %jit3A_3312 = arith.constant 63 : i32
          %max3A_3313 = vector.broadcast %jit3A_3311 : f32 to vector<16xf32>
          %max3A_3314 = arith.maximumf %max3A_3313, %add3A_3126 : vector<16xf32>
          %convert_element_type3A_3315 = arith.sitofp %jit3A_3312 : i32 to f32
          %min3A_3316 = vector.broadcast %convert_element_type3A_3315 : f32 to vector<16xf32>
          %min3A_3317 = arith.minimumf %min3A_3316, %max3A_3314 : vector<16xf32>
          %convert_element_type3A_3318 = arith.fptosi %min3A_3317 : vector<16xf32> to vector<16xi32>
          %mul3A_3319 = arith.constant 64 : i32
          %mul3A_3320 = vector.broadcast %mul3A_3319 : i32 to vector<16xi32>
          %mul3A_3321 = arith.muli %convert_element_type3A_3318, %mul3A_3320 : vector<16xi32>
          %add3A_3322 = arith.addi %mul3A_3321, %convert_element_type3A_3310 : vector<16xi32>
          %mul3A_3323 = arith.constant 64 : i32
          %mul3A_3324 = arith.muli %scan3A_16, %mul3A_3323 : i32
          %mul3A_3325 = arith.constant 64 : i32
          %mul3A_3326 = arith.muli %mul3A_3324, %mul3A_3325 : i32
          %add3A_3327 = vector.broadcast %mul3A_3326 : i32 to vector<16xi32>
          %add3A_3328 = arith.addi %add3A_3322, %add3A_3327 : vector<16xi32>
          %swap3A_3329 = arith.constant 112 : index
          %swap3A_3330 = tpu.vector_load %arg13[%swap3A_3329] {strides = array<i32>} : memref<128xi32, #tpu.memory_space<vmem>>, vector<16xi32>,
          tpu.vector_store %arg13[%swap3A_3329], %add3A_3328 {strides = array<i32>} : memref<128xi32, #tpu.memory_space<vmem>>, vector<16xi32>,
          %swap3A_3331 = arith.constant 0 : i32
          %swap3A_3332 = arith.index_cast %swap3A_3331 : i32 to index
          %swap3A_3333 = arith.constant 112 : index
          %swap3A_3334 = tpu.vector_load %arg15[%swap3A_3332, %swap3A_3333] {strides = array<i32>} : memref<2x128xf32, #tpu.memory_space<vmem>>, vector<16xf32>,
          tpu.vector_store %arg15[%swap3A_3332, %swap3A_3333], %select_n3A_3302 {strides = array<i32>} : memref<2x128xf32, #tpu.memory_space<vmem>>, vector<16xf32>,
          %jit3A_3335 = arith.constant 1 : i32
          %jit3A_3336 = arith.constant 0 : i32
          %broadcast_in_dim3A_3337 = vector.broadcast %jit3A_3335 : i32 to vector<16xi32>
          %broadcast_in_dim3A_3338 = vector.broadcast %jit3A_3336 : i32 to vector<16xi32>
          %select_n3A_3339 = arith.select %and3A_3039, %broadcast_in_dim3A_3337, %broadcast_in_dim3A_3338 : vector<16xi1>, vector<16xi32>
          %mul3A_3340 = arith.constant 32 : i32
          %mul3A_3341 = arith.muli %add3A_2306, %mul3A_3340 : i32
          %add3A_3342 = arith.constant 16 : i32
          %add3A_3343 = arith.addi %mul3A_3341, %add3A_3342 : i32
          %swap3A_3344 = arith.index_cast %add3A_3343 : i32 to index
          %swap3A_3345 = tpu.vector_load %arg18[%swap3A_3344] {strides = array<i32>} : memref<2048xi32, #tpu.memory_space<vmem>>, vector<16xi32>,
          tpu.vector_store %arg18[%swap3A_3344], %select_n3A_3339 {strides = array<i32>} : memref<2048xi32, #tpu.memory_space<vmem>>, vector<16xi32>,
          %mul3A_3346 = arith.constant 259 : i32
          %mul3A_3347 = vector.broadcast %mul3A_3346 : i32 to vector<16xi32>
          %mul3A_3348 = arith.muli %add3A_3130, %mul3A_3347 : vector<16xi32>
          %add3A_3349 = arith.constant 0 : i32
          %add3A_3350 = vector.broadcast %add3A_3349 : i32 to vector<16xi32>
          %add3A_3351 = arith.addi %add3A_3350, %mul3A_3348 : vector<16xi32>
          %add3A_3352 = arith.constant 256 : i32
          %add3A_3353 = vector.broadcast %add3A_3352 : i32 to vector<16xi32>
          %add3A_3354 = arith.addi %add3A_3351, %add3A_3353 : vector<16xi32>
          tpu.vector_store_idx %arg17[%add3A_3354], %gather3A_2843 : memref<16576xf32, #tpu.memory_space<vmem>>[vector<16xi32>], vector<16xf32>,
          %add3A_3355 = arith.constant 1 : i32
          %add3A_3356 = vector.broadcast %add3A_3355 : i32 to vector<16xi32>
          %add3A_3357 = arith.addi %add3A_3354, %add3A_3356 : vector<16xi32>
          tpu.vector_store_idx %arg17[%add3A_3357], %gather3A_2850 : memref<16576xf32, #tpu.memory_space<vmem>>[vector<16xi32>], vector<16xf32>,
          %add3A_3358 = arith.constant 2 : i32
          %add3A_3359 = vector.broadcast %add3A_3358 : i32 to vector<16xi32>
          %add3A_3360 = arith.addi %add3A_3354, %add3A_3359 : vector<16xi32>
          tpu.vector_store_idx %arg17[%add3A_3360], %gather3A_2857 : memref<16576xf32, #tpu.memory_space<vmem>>[vector<16xi32>], vector<16xf32>,
          %dma_start3A_3361 = arith.constant 0 : i32
          %dma_start3A_3362 = arith.constant 0 : i32
          %dma_start3A_3363 = arith.constant 0 : i32
          %dma_start3A_3364 = tpu.memref_slice %arg16[%dma_start3A_3361, %dma_start3A_3362, %dma_start3A_3363] : memref<2x128x128xi32, #tpu.memory_space<vmem>> -> memref<1x128x128xi32, #tpu.memory_space<vmem>>
          %dma_start3A_3365 = tpu.memref_squeeze %dma_start3A_3364 : memref<1x128x128xi32, #tpu.memory_space<vmem>> -> memref<128x128xi32, #tpu.memory_space<vmem>>
          %dma_start3A_3366 = arith.constant 0 : i32
          %dma_start3A_3367 = arith.constant 0 : i32
          %dma_start3A_3368 = tpu.memref_slice %arg2[%dma_start3A_3366, %dma_start3A_3367] : memref<16384x128xi32, #tpu.memory_space<hbm>> -> memref<16384x128xi32, #tpu.memory_space<hbm>>
          tpu.enqueue_indirect_dma source(%dma_start3A_3368 : memref<16384x128xi32, #tpu.memory_space<hbm>>) target(%dma_start3A_3365 : memref<128x128xi32, #tpu.memory_space<vmem>>) offsets(%arg13 : memref<128xi32, #tpu.memory_space<vmem>>) semaphore(%arg19 : memref<!tpu.dma_semaphore, #tpu.memory_space<semaphore_mem>>)
        } else {
        }
        %add3A_2274 = arith.constant 1 : i32
        %add3A_2275 = arith.addi %mul3A_1178, %add3A_2274 : i32
        %mul3A_2276 = arith.constant 2048 : i32
        %mul3A_2277 = arith.muli %add3A, %mul3A_2276 : i32
        %mul3A_2278 = arith.constant 32 : i32
        %mul3A_2279 = arith.muli %add3A_2275, %mul3A_2278 : i32
        %add3A_2280 = arith.addi %mul3A_2277, %mul3A_2279 : i32
        %dma_wait3A_2281 = arith.constant 1 : i32
        %dma_wait3A_2282 = arith.constant 0 : i32
        %dma_wait3A_2283 = arith.constant 0 : i32
        %dma_wait3A_2284 = tpu.memref_slice %arg16[%dma_wait3A_2281, %dma_wait3A_2282, %dma_wait3A_2283] : memref<2x128x128xi32, #tpu.memory_space<vmem>> -> memref<1x128x128xi32, #tpu.memory_space<vmem>>
        %dma_wait3A_2285 = tpu.memref_squeeze %dma_wait3A_2284 : memref<1x128x128xi32, #tpu.memory_space<vmem>> -> memref<128x128xi32, #tpu.memory_space<vmem>>
        %dma_wait3A_2286 = arith.constant 0 : i32
        %dma_wait3A_2287 = arith.constant 0 : i32
        %dma_wait3A_2288 = tpu.memref_slice %arg2[%dma_wait3A_2286, %dma_wait3A_2287] : memref<16384x128xi32, #tpu.memory_space<hbm>> -> memref<16384x128xi32, #tpu.memory_space<hbm>>
        tpu.wait_indirect_dma semaphore(%arg20 : memref<!tpu.dma_semaphore, #tpu.memory_space<semaphore_mem>>) src(%dma_wait3A_2288 : memref<16384x128xi32, #tpu.memory_space<hbm>>) dst(%dma_wait3A_2285 : memref<128x128xi32, #tpu.memory_space<vmem>>)
        %broadcast_in_dim3A_2289 = arith.constant 1 : i32
        %broadcast_in_dim3A_2290 = vector.broadcast %broadcast_in_dim3A_2289 : i32 to vector<16xi32>
        %broadcast_in_dim3A_2291 = arith.constant 0 : i32
        %broadcast_in_dim3A_2292 = vector.broadcast %broadcast_in_dim3A_2291 : i32 to vector<16xi32>
        %scan3A_2293 = arith.constant 0 : i32
        %scan3A_2294 = arith.constant 32 : i32
        %scan3A_2295 = arith.addi %scan3A_2293, %scan3A_2294 : i32
        %scan3A_2296 = arith.constant 1 : i32
        %scan3A_2297 = scf.for %scan3A_2305 = %scan3A_2293 to %scan3A_2295 step %scan3A_2296 iter_args(%scan3A_2306 = %broadcast_in_dim3A_2292) -> (vector<16xi32>)  : i32 {
          %gather3A_2307 = tpu.vector_load_idx %arg15[%broadcast_in_dim3A_2290, %scan3A_2306] : memref<2x128xf32, #tpu.memory_space<vmem>>[vector<16xi32>, vector<16xi32>], vector<16xf32>,
          %add3A_2308 = arith.constant 32 : i32
          %add3A_2309 = vector.broadcast %add3A_2308 : i32 to vector<16xi32>
          %add3A_2310 = arith.addi %scan3A_2306, %add3A_2309 : vector<16xi32>
          %gather3A_2311 = tpu.vector_load_idx %arg15[%broadcast_in_dim3A_2290, %add3A_2310] : memref<2x128xf32, #tpu.memory_space<vmem>>[vector<16xi32>, vector<16xi32>], vector<16xf32>,
          %add3A_2312 = arith.constant 64 : i32
          %add3A_2313 = vector.broadcast %add3A_2312 : i32 to vector<16xi32>
          %add3A_2314 = arith.addi %scan3A_2306, %add3A_2313 : vector<16xi32>
          %gather3A_2315 = tpu.vector_load_idx %arg15[%broadcast_in_dim3A_2290, %add3A_2314] : memref<2x128xf32, #tpu.memory_space<vmem>>[vector<16xi32>, vector<16xi32>], vector<16xf32>,
          %add3A_2316 = arith.constant 96 : i32
          %add3A_2317 = vector.broadcast %add3A_2316 : i32 to vector<16xi32>
          %add3A_2318 = arith.addi %scan3A_2306, %add3A_2317 : vector<16xi32>
          %gather3A_2319 = tpu.vector_load_idx %arg15[%broadcast_in_dim3A_2290, %add3A_2318] : memref<2x128xf32, #tpu.memory_space<vmem>>[vector<16xi32>, vector<16xi32>], vector<16xf32>,
          %get3A_2320 = arith.constant 1 : i32
          %get3A_2321 = arith.index_cast %get3A_2320 : i32 to index
          %get3A_2322 = arith.index_cast %scan3A_2305 : i32 to index
          %get3A_2323 = arith.constant 0 : index
          %get3A_2324 = tpu.vector_load %arg16[%get3A_2321, %get3A_2322, %get3A_2323] {strides = array<i32>} : memref<2x128x128xi32, #tpu.memory_space<vmem>>, vector<16xi32>,
          %shift_left3A = arith.constant 16 : i32
          %shift_left3A_2325 = vector.broadcast %shift_left3A : i32 to vector<16xi32>
          %shift_left3A_2326 = arith.shli %get3A_2324, %shift_left3A_2325 : vector<16xi32>
          %bitcast3A_2327 = vector.bitcast %shift_left3A_2326 : vector<16xi32> to vector<16xf32>
          %and3A_2328 = arith.constant -65536 : i32
          %and3A_2329 = vector.broadcast %and3A_2328 : i32 to vector<16xi32>
          %and3A_2330 = arith.andi %get3A_2324, %and3A_2329 : vector<16xi32>
          %bitcast3A_2331 = vector.bitcast %and3A_2330 : vector<16xi32> to vector<16xf32>
          %add3A_2332 = arith.constant 32 : i32
          %add3A_2333 = arith.addi %add3A_2332, %scan3A_2305 : i32
          %get3A_2334 = arith.constant 1 : i32
          %get3A_2335 = arith.index_cast %get3A_2334 : i32 to index
          %get3A_2336 = arith.index_cast %add3A_2333 : i32 to index
          %get3A_2337 = arith.constant 0 : index
          %get3A_2338 = tpu.vector_load %arg16[%get3A_2335, %get3A_2336, %get3A_2337] {strides = array<i32>} : memref<2x128x128xi32, #tpu.memory_space<vmem>>, vector<16xi32>,
          %shift_left3A_2339 = arith.constant 16 : i32
          %shift_left3A_2340 = vector.broadcast %shift_left3A_2339 : i32 to vector<16xi32>
          %shift_left3A_2341 = arith.shli %get3A_2338, %shift_left3A_2340 : vector<16xi32>
          %bitcast3A_2342 = vector.bitcast %shift_left3A_2341 : vector<16xi32> to vector<16xf32>
          %and3A_2343 = arith.constant -65536 : i32
          %and3A_2344 = vector.broadcast %and3A_2343 : i32 to vector<16xi32>
          %and3A_2345 = arith.andi %get3A_2338, %and3A_2344 : vector<16xi32>
          %bitcast3A_2346 = vector.bitcast %and3A_2345 : vector<16xi32> to vector<16xf32>
          %add3A_2347 = arith.constant 64 : i32
          %add3A_2348 = arith.addi %add3A_2347, %scan3A_2305 : i32
          %get3A_2349 = arith.constant 1 : i32
          %get3A_2350 = arith.index_cast %get3A_2349 : i32 to index
          %get3A_2351 = arith.index_cast %add3A_2348 : i32 to index
          %get3A_2352 = arith.constant 0 : index
          %get3A_2353 = tpu.vector_load %arg16[%get3A_2350, %get3A_2351, %get3A_2352] {strides = array<i32>} : memref<2x128x128xi32, #tpu.memory_space<vmem>>, vector<16xi32>,
          %shift_left3A_2354 = arith.constant 16 : i32
          %shift_left3A_2355 = vector.broadcast %shift_left3A_2354 : i32 to vector<16xi32>
          %shift_left3A_2356 = arith.shli %get3A_2353, %shift_left3A_2355 : vector<16xi32>
          %bitcast3A_2357 = vector.bitcast %shift_left3A_2356 : vector<16xi32> to vector<16xf32>
          %and3A_2358 = arith.constant -65536 : i32
          %and3A_2359 = vector.broadcast %and3A_2358 : i32 to vector<16xi32>
          %and3A_2360 = arith.andi %get3A_2353, %and3A_2359 : vector<16xi32>
          %bitcast3A_2361 = vector.bitcast %and3A_2360 : vector<16xi32> to vector<16xf32>
          %add3A_2362 = arith.constant 96 : i32
          %add3A_2363 = arith.addi %add3A_2362, %scan3A_2305 : i32
          %get3A_2364 = arith.constant 1 : i32
          %get3A_2365 = arith.index_cast %get3A_2364 : i32 to index
          %get3A_2366 = arith.index_cast %add3A_2363 : i32 to index
          %get3A_2367 = arith.constant 0 : index
          %get3A_2368 = tpu.vector_load %arg16[%get3A_2365, %get3A_2366, %get3A_2367] {strides = array<i32>} : memref<2x128x128xi32, #tpu.memory_space<vmem>>, vector<16xi32>,
          %shift_left3A_2369 = arith.constant 16 : i32
          %shift_left3A_2370 = vector.broadcast %shift_left3A_2369 : i32 to vector<16xi32>
          %shift_left3A_2371 = arith.shli %get3A_2368, %shift_left3A_2370 : vector<16xi32>
          %bitcast3A_2372 = vector.bitcast %shift_left3A_2371 : vector<16xi32> to vector<16xf32>
          %and3A_2373 = arith.constant -65536 : i32
          %and3A_2374 = vector.broadcast %and3A_2373 : i32 to vector<16xi32>
          %and3A_2375 = arith.andi %get3A_2368, %and3A_2374 : vector<16xi32>
          %bitcast3A_2376 = vector.bitcast %and3A_2375 : vector<16xi32> to vector<16xf32>
          %mul3A_2377 = arith.mulf %gather3A_2307, %bitcast3A_2327 : vector<16xf32>
          %mul3A_2378 = arith.mulf %gather3A_2311, %bitcast3A_2342 : vector<16xf32>
          %add3A_2379 = arith.addf %mul3A_2377, %mul3A_2378 : vector<16xf32>
          %mul3A_2380 = arith.mulf %gather3A_2315, %bitcast3A_2357 : vector<16xf32>
          %add3A_2381 = arith.addf %add3A_2379, %mul3A_2380 : vector<16xf32>
          %mul3A_2382 = arith.mulf %gather3A_2319, %bitcast3A_2372 : vector<16xf32>
          %add3A_2383 = arith.addf %add3A_2381, %mul3A_2382 : vector<16xf32>
          %mul3A_2384 = arith.mulf %gather3A_2307, %bitcast3A_2331 : vector<16xf32>
          %mul3A_2385 = arith.mulf %gather3A_2311, %bitcast3A_2346 : vector<16xf32>
          %add3A_2386 = arith.addf %mul3A_2384, %mul3A_2385 : vector<16xf32>
          %mul3A_2387 = arith.mulf %gather3A_2315, %bitcast3A_2361 : vector<16xf32>
          %add3A_2388 = arith.addf %add3A_2386, %mul3A_2387 : vector<16xf32>
          %mul3A_2389 = arith.mulf %gather3A_2319, %bitcast3A_2376 : vector<16xf32>
          %add3A_2390 = arith.addf %add3A_2388, %mul3A_2389 : vector<16xf32>
          %mul3A_2391 = arith.constant 259 : i32
          %mul3A_2392 = arith.muli %scan3A_2305, %mul3A_2391 : i32
          %add3A_2393 = arith.constant 8288 : i32
          %add3A_2394 = arith.addi %add3A_2393, %mul3A_2392 : i32
          %add3A_2395 = arith.constant 0 : i32
          %add3A_2396 = arith.addi %add3A_2394, %add3A_2395 : i32
          %swap3A_2397 = arith.index_cast %add3A_2396 : i32 to index
          %swap3A_2398 = tpu.vector_load %arg17[%swap3A_2397] {strides = array<i32>} : memref<16576xf32, #tpu.memory_space<vmem>>, vector<16xf32>,
          tpu.vector_store %arg17[%swap3A_2397], %add3A_2383 {strides = array<i32>} : memref<16576xf32, #tpu.memory_space<vmem>>, vector<16xf32>,
          %add3A_2399 = arith.constant 16 : i32
          %add3A_2400 = arith.addi %add3A_2396, %add3A_2399 : i32
          %swap3A_2401 = arith.index_cast %add3A_2400 : i32 to index
          %swap3A_2402 = tpu.vector_load %arg17[%swap3A_2401] {strides = array<i32>} : memref<16576xf32, #tpu.memory_space<vmem>>, vector<16xf32>,
          tpu.vector_store %arg17[%swap3A_2401], %add3A_2390 {strides = array<i32>} : memref<16576xf32, #tpu.memory_space<vmem>>, vector<16xf32>,
          %get3A_2403 = arith.constant 1 : i32
          %get3A_2404 = arith.index_cast %get3A_2403 : i32 to index
          %get3A_2405 = arith.index_cast %scan3A_2305 : i32 to index
          %get3A_2406 = arith.constant 16 : index
          %get3A_2407 = tpu.vector_load %arg16[%get3A_2404, %get3A_2405, %get3A_2406] {strides = array<i32>} : memref<2x128x128xi32, #tpu.memory_space<vmem>>, vector<16xi32>,
          %shift_left3A_2408 = arith.constant 16 : i32
          %shift_left3A_2409 = vector.broadcast %shift_left3A_2408 : i32 to vector<16xi32>
          %shift_left3A_2410 = arith.shli %get3A_2407, %shift_left3A_2409 : vector<16xi32>
          %bitcast3A_2411 = vector.bitcast %shift_left3A_2410 : vector<16xi32> to vector<16xf32>
          %and3A_2412 = arith.constant -65536 : i32
          %and3A_2413 = vector.broadcast %and3A_2412 : i32 to vector<16xi32>
          %and3A_2414 = arith.andi %get3A_2407, %and3A_2413 : vector<16xi32>
          %bitcast3A_2415 = vector.bitcast %and3A_2414 : vector<16xi32> to vector<16xf32>
          %add3A_2416 = arith.constant 32 : i32
          %add3A_2417 = arith.addi %add3A_2416, %scan3A_2305 : i32
          %get3A_2418 = arith.constant 1 : i32
          %get3A_2419 = arith.index_cast %get3A_2418 : i32 to index
          %get3A_2420 = arith.index_cast %add3A_2417 : i32 to index
          %get3A_2421 = arith.constant 16 : index
          %get3A_2422 = tpu.vector_load %arg16[%get3A_2419, %get3A_2420, %get3A_2421] {strides = array<i32>} : memref<2x128x128xi32, #tpu.memory_space<vmem>>, vector<16xi32>,
          %shift_left3A_2423 = arith.constant 16 : i32
          %shift_left3A_2424 = vector.broadcast %shift_left3A_2423 : i32 to vector<16xi32>
          %shift_left3A_2425 = arith.shli %get3A_2422, %shift_left3A_2424 : vector<16xi32>
          %bitcast3A_2426 = vector.bitcast %shift_left3A_2425 : vector<16xi32> to vector<16xf32>
          %and3A_2427 = arith.constant -65536 : i32
          %and3A_2428 = vector.broadcast %and3A_2427 : i32 to vector<16xi32>
          %and3A_2429 = arith.andi %get3A_2422, %and3A_2428 : vector<16xi32>
          %bitcast3A_2430 = vector.bitcast %and3A_2429 : vector<16xi32> to vector<16xf32>
          %add3A_2431 = arith.constant 64 : i32
          %add3A_2432 = arith.addi %add3A_2431, %scan3A_2305 : i32
          %get3A_2433 = arith.constant 1 : i32
          %get3A_2434 = arith.index_cast %get3A_2433 : i32 to index
          %get3A_2435 = arith.index_cast %add3A_2432 : i32 to index
          %get3A_2436 = arith.constant 16 : index
          %get3A_2437 = tpu.vector_load %arg16[%get3A_2434, %get3A_2435, %get3A_2436] {strides = array<i32>} : memref<2x128x128xi32, #tpu.memory_space<vmem>>, vector<16xi32>,
          %shift_left3A_2438 = arith.constant 16 : i32
          %shift_left3A_2439 = vector.broadcast %shift_left3A_2438 : i32 to vector<16xi32>
          %shift_left3A_2440 = arith.shli %get3A_2437, %shift_left3A_2439 : vector<16xi32>
          %bitcast3A_2441 = vector.bitcast %shift_left3A_2440 : vector<16xi32> to vector<16xf32>
          %and3A_2442 = arith.constant -65536 : i32
          %and3A_2443 = vector.broadcast %and3A_2442 : i32 to vector<16xi32>
          %and3A_2444 = arith.andi %get3A_2437, %and3A_2443 : vector<16xi32>
          %bitcast3A_2445 = vector.bitcast %and3A_2444 : vector<16xi32> to vector<16xf32>
          %add3A_2446 = arith.constant 96 : i32
          %add3A_2447 = arith.addi %add3A_2446, %scan3A_2305 : i32
          %get3A_2448 = arith.constant 1 : i32
          %get3A_2449 = arith.index_cast %get3A_2448 : i32 to index
          %get3A_2450 = arith.index_cast %add3A_2447 : i32 to index
          %get3A_2451 = arith.constant 16 : index
          %get3A_2452 = tpu.vector_load %arg16[%get3A_2449, %get3A_2450, %get3A_2451] {strides = array<i32>} : memref<2x128x128xi32, #tpu.memory_space<vmem>>, vector<16xi32>,
          %shift_left3A_2453 = arith.constant 16 : i32
          %shift_left3A_2454 = vector.broadcast %shift_left3A_2453 : i32 to vector<16xi32>
          %shift_left3A_2455 = arith.shli %get3A_2452, %shift_left3A_2454 : vector<16xi32>
          %bitcast3A_2456 = vector.bitcast %shift_left3A_2455 : vector<16xi32> to vector<16xf32>
          %and3A_2457 = arith.constant -65536 : i32
          %and3A_2458 = vector.broadcast %and3A_2457 : i32 to vector<16xi32>
          %and3A_2459 = arith.andi %get3A_2452, %and3A_2458 : vector<16xi32>
          %bitcast3A_2460 = vector.bitcast %and3A_2459 : vector<16xi32> to vector<16xf32>
          %mul3A_2461 = arith.mulf %gather3A_2307, %bitcast3A_2411 : vector<16xf32>
          %mul3A_2462 = arith.mulf %gather3A_2311, %bitcast3A_2426 : vector<16xf32>
          %add3A_2463 = arith.addf %mul3A_2461, %mul3A_2462 : vector<16xf32>
          %mul3A_2464 = arith.mulf %gather3A_2315, %bitcast3A_2441 : vector<16xf32>
          %add3A_2465 = arith.addf %add3A_2463, %mul3A_2464 : vector<16xf32>
          %mul3A_2466 = arith.mulf %gather3A_2319, %bitcast3A_2456 : vector<16xf32>
          %add3A_2467 = arith.addf %add3A_2465, %mul3A_2466 : vector<16xf32>
          %mul3A_2468 = arith.mulf %gather3A_2307, %bitcast3A_2415 : vector<16xf32>
          %mul3A_2469 = arith.mulf %gather3A_2311, %bitcast3A_2430 : vector<16xf32>
          %add3A_2470 = arith.addf %mul3A_2468, %mul3A_2469 : vector<16xf32>
          %mul3A_2471 = arith.mulf %gather3A_2315, %bitcast3A_2445 : vector<16xf32>
          %add3A_2472 = arith.addf %add3A_2470, %mul3A_2471 : vector<16xf32>
          %mul3A_2473 = arith.mulf %gather3A_2319, %bitcast3A_2460 : vector<16xf32>
          %add3A_2474 = arith.addf %add3A_2472, %mul3A_2473 : vector<16xf32>
          %mul3A_2475 = arith.constant 259 : i32
          %mul3A_2476 = arith.muli %scan3A_2305, %mul3A_2475 : i32
          %add3A_2477 = arith.constant 8288 : i32
          %add3A_2478 = arith.addi %add3A_2477, %mul3A_2476 : i32
          %add3A_2479 = arith.constant 32 : i32
          %add3A_2480 = arith.addi %add3A_2478, %add3A_2479 : i32
          %swap3A_2481 = arith.index_cast %add3A_2480 : i32 to index
          %swap3A_2482 = tpu.vector_load %arg17[%swap3A_2481] {strides = array<i32>} : memref<16576xf32, #tpu.memory_space<vmem>>, vector<16xf32>,
          tpu.vector_store %arg17[%swap3A_2481], %add3A_2467 {strides = array<i32>} : memref<16576xf32, #tpu.memory_space<vmem>>, vector<16xf32>,
          %add3A_2483 = arith.constant 16 : i32
          %add3A_2484 = arith.addi %add3A_2480, %add3A_2483 : i32
          %swap3A_2485 = arith.index_cast %add3A_2484 : i32 to index
          %swap3A_2486 = tpu.vector_load %arg17[%swap3A_2485] {strides = array<i32>} : memref<16576xf32, #tpu.memory_space<vmem>>, vector<16xf32>,
          tpu.vector_store %arg17[%swap3A_2485], %add3A_2474 {strides = array<i32>} : memref<16576xf32, #tpu.memory_space<vmem>>, vector<16xf32>,
          %get3A_2487 = arith.constant 1 : i32
          %get3A_2488 = arith.index_cast %get3A_2487 : i32 to index
          %get3A_2489 = arith.index_cast %scan3A_2305 : i32 to index
          %get3A_2490 = arith.constant 32 : index
          %get3A_2491 = tpu.vector_load %arg16[%get3A_2488, %get3A_2489, %get3A_2490] {strides = array<i32>} : memref<2x128x128xi32, #tpu.memory_space<vmem>>, vector<16xi32>,
          %shift_left3A_2492 = arith.constant 16 : i32
          %shift_left3A_2493 = vector.broadcast %shift_left3A_2492 : i32 to vector<16xi32>
          %shift_left3A_2494 = arith.shli %get3A_2491, %shift_left3A_2493 : vector<16xi32>
          %bitcast3A_2495 = vector.bitcast %shift_left3A_2494 : vector<16xi32> to vector<16xf32>
          %and3A_2496 = arith.constant -65536 : i32
          %and3A_2497 = vector.broadcast %and3A_2496 : i32 to vector<16xi32>
          %and3A_2498 = arith.andi %get3A_2491, %and3A_2497 : vector<16xi32>
          %bitcast3A_2499 = vector.bitcast %and3A_2498 : vector<16xi32> to vector<16xf32>
          %add3A_2500 = arith.constant 32 : i32
          %add3A_2501 = arith.addi %add3A_2500, %scan3A_2305 : i32
          %get3A_2502 = arith.constant 1 : i32
          %get3A_2503 = arith.index_cast %get3A_2502 : i32 to index
          %get3A_2504 = arith.index_cast %add3A_2501 : i32 to index
          %get3A_2505 = arith.constant 32 : index
          %get3A_2506 = tpu.vector_load %arg16[%get3A_2503, %get3A_2504, %get3A_2505] {strides = array<i32>} : memref<2x128x128xi32, #tpu.memory_space<vmem>>, vector<16xi32>,
          %shift_left3A_2507 = arith.constant 16 : i32
          %shift_left3A_2508 = vector.broadcast %shift_left3A_2507 : i32 to vector<16xi32>
          %shift_left3A_2509 = arith.shli %get3A_2506, %shift_left3A_2508 : vector<16xi32>
          %bitcast3A_2510 = vector.bitcast %shift_left3A_2509 : vector<16xi32> to vector<16xf32>
          %and3A_2511 = arith.constant -65536 : i32
          %and3A_2512 = vector.broadcast %and3A_2511 : i32 to vector<16xi32>
          %and3A_2513 = arith.andi %get3A_2506, %and3A_2512 : vector<16xi32>
          %bitcast3A_2514 = vector.bitcast %and3A_2513 : vector<16xi32> to vector<16xf32>
          %add3A_2515 = arith.constant 64 : i32
          %add3A_2516 = arith.addi %add3A_2515, %scan3A_2305 : i32
          %get3A_2517 = arith.constant 1 : i32
          %get3A_2518 = arith.index_cast %get3A_2517 : i32 to index
          %get3A_2519 = arith.index_cast %add3A_2516 : i32 to index
          %get3A_2520 = arith.constant 32 : index
          %get3A_2521 = tpu.vector_load %arg16[%get3A_2518, %get3A_2519, %get3A_2520] {strides = array<i32>} : memref<2x128x128xi32, #tpu.memory_space<vmem>>, vector<16xi32>,
          %shift_left3A_2522 = arith.constant 16 : i32
          %shift_left3A_2523 = vector.broadcast %shift_left3A_2522 : i32 to vector<16xi32>
          %shift_left3A_2524 = arith.shli %get3A_2521, %shift_left3A_2523 : vector<16xi32>
          %bitcast3A_2525 = vector.bitcast %shift_left3A_2524 : vector<16xi32> to vector<16xf32>
          %and3A_2526 = arith.constant -65536 : i32
          %and3A_2527 = vector.broadcast %and3A_2526 : i32 to vector<16xi32>
          %and3A_2528 = arith.andi %get3A_2521, %and3A_2527 : vector<16xi32>
          %bitcast3A_2529 = vector.bitcast %and3A_2528 : vector<16xi32> to vector<16xf32>
          %add3A_2530 = arith.constant 96 : i32
          %add3A_2531 = arith.addi %add3A_2530, %scan3A_2305 : i32
          %get3A_2532 = arith.constant 1 : i32
          %get3A_2533 = arith.index_cast %get3A_2532 : i32 to index
          %get3A_2534 = arith.index_cast %add3A_2531 : i32 to index
          %get3A_2535 = arith.constant 32 : index
          %get3A_2536 = tpu.vector_load %arg16[%get3A_2533, %get3A_2534, %get3A_2535] {strides = array<i32>} : memref<2x128x128xi32, #tpu.memory_space<vmem>>, vector<16xi32>,
          %shift_left3A_2537 = arith.constant 16 : i32
          %shift_left3A_2538 = vector.broadcast %shift_left3A_2537 : i32 to vector<16xi32>
          %shift_left3A_2539 = arith.shli %get3A_2536, %shift_left3A_2538 : vector<16xi32>
          %bitcast3A_2540 = vector.bitcast %shift_left3A_2539 : vector<16xi32> to vector<16xf32>
          %and3A_2541 = arith.constant -65536 : i32
          %and3A_2542 = vector.broadcast %and3A_2541 : i32 to vector<16xi32>
          %and3A_2543 = arith.andi %get3A_2536, %and3A_2542 : vector<16xi32>
          %bitcast3A_2544 = vector.bitcast %and3A_2543 : vector<16xi32> to vector<16xf32>
          %mul3A_2545 = arith.mulf %gather3A_2307, %bitcast3A_2495 : vector<16xf32>
          %mul3A_2546 = arith.mulf %gather3A_2311, %bitcast3A_2510 : vector<16xf32>
          %add3A_2547 = arith.addf %mul3A_2545, %mul3A_2546 : vector<16xf32>
          %mul3A_2548 = arith.mulf %gather3A_2315, %bitcast3A_2525 : vector<16xf32>
          %add3A_2549 = arith.addf %add3A_2547, %mul3A_2548 : vector<16xf32>
          %mul3A_2550 = arith.mulf %gather3A_2319, %bitcast3A_2540 : vector<16xf32>
          %add3A_2551 = arith.addf %add3A_2549, %mul3A_2550 : vector<16xf32>
          %mul3A_2552 = arith.mulf %gather3A_2307, %bitcast3A_2499 : vector<16xf32>
          %mul3A_2553 = arith.mulf %gather3A_2311, %bitcast3A_2514 : vector<16xf32>
          %add3A_2554 = arith.addf %mul3A_2552, %mul3A_2553 : vector<16xf32>
          %mul3A_2555 = arith.mulf %gather3A_2315, %bitcast3A_2529 : vector<16xf32>
          %add3A_2556 = arith.addf %add3A_2554, %mul3A_2555 : vector<16xf32>
          %mul3A_2557 = arith.mulf %gather3A_2319, %bitcast3A_2544 : vector<16xf32>
          %add3A_2558 = arith.addf %add3A_2556, %mul3A_2557 : vector<16xf32>
          %mul3A_2559 = arith.constant 259 : i32
          %mul3A_2560 = arith.muli %scan3A_2305, %mul3A_2559 : i32
          %add3A_2561 = arith.constant 8288 : i32
          %add3A_2562 = arith.addi %add3A_2561, %mul3A_2560 : i32
          %add3A_2563 = arith.constant 64 : i32
          %add3A_2564 = arith.addi %add3A_2562, %add3A_2563 : i32
          %swap3A_2565 = arith.index_cast %add3A_2564 : i32 to index
          %swap3A_2566 = tpu.vector_load %arg17[%swap3A_2565] {strides = array<i32>} : memref<16576xf32, #tpu.memory_space<vmem>>, vector<16xf32>,
          tpu.vector_store %arg17[%swap3A_2565], %add3A_2551 {strides = array<i32>} : memref<16576xf32, #tpu.memory_space<vmem>>, vector<16xf32>,
          %add3A_2567 = arith.constant 16 : i32
          %add3A_2568 = arith.addi %add3A_2564, %add3A_2567 : i32
          %swap3A_2569 = arith.index_cast %add3A_2568 : i32 to index
          %swap3A_2570 = tpu.vector_load %arg17[%swap3A_2569] {strides = array<i32>} : memref<16576xf32, #tpu.memory_space<vmem>>, vector<16xf32>,
          tpu.vector_store %arg17[%swap3A_2569], %add3A_2558 {strides = array<i32>} : memref<16576xf32, #tpu.memory_space<vmem>>, vector<16xf32>,
          %get3A_2571 = arith.constant 1 : i32
          %get3A_2572 = arith.index_cast %get3A_2571 : i32 to index
          %get3A_2573 = arith.index_cast %scan3A_2305 : i32 to index
          %get3A_2574 = arith.constant 48 : index
          %get3A_2575 = tpu.vector_load %arg16[%get3A_2572, %get3A_2573, %get3A_2574] {strides = array<i32>} : memref<2x128x128xi32, #tpu.memory_space<vmem>>, vector<16xi32>,
          %shift_left3A_2576 = arith.constant 16 : i32
          %shift_left3A_2577 = vector.broadcast %shift_left3A_2576 : i32 to vector<16xi32>
          %shift_left3A_2578 = arith.shli %get3A_2575, %shift_left3A_2577 : vector<16xi32>
          %bitcast3A_2579 = vector.bitcast %shift_left3A_2578 : vector<16xi32> to vector<16xf32>
          %and3A_2580 = arith.constant -65536 : i32
          %and3A_2581 = vector.broadcast %and3A_2580 : i32 to vector<16xi32>
          %and3A_2582 = arith.andi %get3A_2575, %and3A_2581 : vector<16xi32>
          %bitcast3A_2583 = vector.bitcast %and3A_2582 : vector<16xi32> to vector<16xf32>
          %add3A_2584 = arith.constant 32 : i32
          %add3A_2585 = arith.addi %add3A_2584, %scan3A_2305 : i32
          %get3A_2586 = arith.constant 1 : i32
          %get3A_2587 = arith.index_cast %get3A_2586 : i32 to index
          %get3A_2588 = arith.index_cast %add3A_2585 : i32 to index
          %get3A_2589 = arith.constant 48 : index
          %get3A_2590 = tpu.vector_load %arg16[%get3A_2587, %get3A_2588, %get3A_2589] {strides = array<i32>} : memref<2x128x128xi32, #tpu.memory_space<vmem>>, vector<16xi32>,
          %shift_left3A_2591 = arith.constant 16 : i32
          %shift_left3A_2592 = vector.broadcast %shift_left3A_2591 : i32 to vector<16xi32>
          %shift_left3A_2593 = arith.shli %get3A_2590, %shift_left3A_2592 : vector<16xi32>
          %bitcast3A_2594 = vector.bitcast %shift_left3A_2593 : vector<16xi32> to vector<16xf32>
          %and3A_2595 = arith.constant -65536 : i32
          %and3A_2596 = vector.broadcast %and3A_2595 : i32 to vector<16xi32>
          %and3A_2597 = arith.andi %get3A_2590, %and3A_2596 : vector<16xi32>
          %bitcast3A_2598 = vector.bitcast %and3A_2597 : vector<16xi32> to vector<16xf32>
          %add3A_2599 = arith.constant 64 : i32
          %add3A_2600 = arith.addi %add3A_2599, %scan3A_2305 : i32
          %get3A_2601 = arith.constant 1 : i32
          %get3A_2602 = arith.index_cast %get3A_2601 : i32 to index
          %get3A_2603 = arith.index_cast %add3A_2600 : i32 to index
          %get3A_2604 = arith.constant 48 : index
          %get3A_2605 = tpu.vector_load %arg16[%get3A_2602, %get3A_2603, %get3A_2604] {strides = array<i32>} : memref<2x128x128xi32, #tpu.memory_space<vmem>>, vector<16xi32>,
          %shift_left3A_2606 = arith.constant 16 : i32
          %shift_left3A_2607 = vector.broadcast %shift_left3A_2606 : i32 to vector<16xi32>
          %shift_left3A_2608 = arith.shli %get3A_2605, %shift_left3A_2607 : vector<16xi32>
          %bitcast3A_2609 = vector.bitcast %shift_left3A_2608 : vector<16xi32> to vector<16xf32>
          %and3A_2610 = arith.constant -65536 : i32
          %and3A_2611 = vector.broadcast %and3A_2610 : i32 to vector<16xi32>
          %and3A_2612 = arith.andi %get3A_2605, %and3A_2611 : vector<16xi32>
          %bitcast3A_2613 = vector.bitcast %and3A_2612 : vector<16xi32> to vector<16xf32>
          %add3A_2614 = arith.constant 96 : i32
          %add3A_2615 = arith.addi %add3A_2614, %scan3A_2305 : i32
          %get3A_2616 = arith.constant 1 : i32
          %get3A_2617 = arith.index_cast %get3A_2616 : i32 to index
          %get3A_2618 = arith.index_cast %add3A_2615 : i32 to index
          %get3A_2619 = arith.constant 48 : index
          %get3A_2620 = tpu.vector_load %arg16[%get3A_2617, %get3A_2618, %get3A_2619] {strides = array<i32>} : memref<2x128x128xi32, #tpu.memory_space<vmem>>, vector<16xi32>,
          %shift_left3A_2621 = arith.constant 16 : i32
          %shift_left3A_2622 = vector.broadcast %shift_left3A_2621 : i32 to vector<16xi32>
          %shift_left3A_2623 = arith.shli %get3A_2620, %shift_left3A_2622 : vector<16xi32>
          %bitcast3A_2624 = vector.bitcast %shift_left3A_2623 : vector<16xi32> to vector<16xf32>
          %and3A_2625 = arith.constant -65536 : i32
          %and3A_2626 = vector.broadcast %and3A_2625 : i32 to vector<16xi32>
          %and3A_2627 = arith.andi %get3A_2620, %and3A_2626 : vector<16xi32>
          %bitcast3A_2628 = vector.bitcast %and3A_2627 : vector<16xi32> to vector<16xf32>
          %mul3A_2629 = arith.mulf %gather3A_2307, %bitcast3A_2579 : vector<16xf32>
          %mul3A_2630 = arith.mulf %gather3A_2311, %bitcast3A_2594 : vector<16xf32>
          %add3A_2631 = arith.addf %mul3A_2629, %mul3A_2630 : vector<16xf32>
          %mul3A_2632 = arith.mulf %gather3A_2315, %bitcast3A_2609 : vector<16xf32>
          %add3A_2633 = arith.addf %add3A_2631, %mul3A_2632 : vector<16xf32>
          %mul3A_2634 = arith.mulf %gather3A_2319, %bitcast3A_2624 : vector<16xf32>
          %add3A_2635 = arith.addf %add3A_2633, %mul3A_2634 : vector<16xf32>
          %mul3A_2636 = arith.mulf %gather3A_2307, %bitcast3A_2583 : vector<16xf32>
          %mul3A_2637 = arith.mulf %gather3A_2311, %bitcast3A_2598 : vector<16xf32>
          %add3A_2638 = arith.addf %mul3A_2636, %mul3A_2637 : vector<16xf32>
          %mul3A_2639 = arith.mulf %gather3A_2315, %bitcast3A_2613 : vector<16xf32>
          %add3A_2640 = arith.addf %add3A_2638, %mul3A_2639 : vector<16xf32>
          %mul3A_2641 = arith.mulf %gather3A_2319, %bitcast3A_2628 : vector<16xf32>
          %add3A_2642 = arith.addf %add3A_2640, %mul3A_2641 : vector<16xf32>
          %mul3A_2643 = arith.constant 259 : i32
          %mul3A_2644 = arith.muli %scan3A_2305, %mul3A_2643 : i32
          %add3A_2645 = arith.constant 8288 : i32
          %add3A_2646 = arith.addi %add3A_2645, %mul3A_2644 : i32
          %add3A_2647 = arith.constant 96 : i32
          %add3A_2648 = arith.addi %add3A_2646, %add3A_2647 : i32
          %swap3A_2649 = arith.index_cast %add3A_2648 : i32 to index
          %swap3A_2650 = tpu.vector_load %arg17[%swap3A_2649] {strides = array<i32>} : memref<16576xf32, #tpu.memory_space<vmem>>, vector<16xf32>,
          tpu.vector_store %arg17[%swap3A_2649], %add3A_2635 {strides = array<i32>} : memref<16576xf32, #tpu.memory_space<vmem>>, vector<16xf32>,
          %add3A_2651 = arith.constant 16 : i32
          %add3A_2652 = arith.addi %add3A_2648, %add3A_2651 : i32
          %swap3A_2653 = arith.index_cast %add3A_2652 : i32 to index
          %swap3A_2654 = tpu.vector_load %arg17[%swap3A_2653] {strides = array<i32>} : memref<16576xf32, #tpu.memory_space<vmem>>, vector<16xf32>,
          tpu.vector_store %arg17[%swap3A_2653], %add3A_2642 {strides = array<i32>} : memref<16576xf32, #tpu.memory_space<vmem>>, vector<16xf32>,
          %get3A_2655 = arith.constant 1 : i32
          %get3A_2656 = arith.index_cast %get3A_2655 : i32 to index
          %get3A_2657 = arith.index_cast %scan3A_2305 : i32 to index
          %get3A_2658 = arith.constant 64 : index
          %get3A_2659 = tpu.vector_load %arg16[%get3A_2656, %get3A_2657, %get3A_2658] {strides = array<i32>} : memref<2x128x128xi32, #tpu.memory_space<vmem>>, vector<16xi32>,
          %shift_left3A_2660 = arith.constant 16 : i32
          %shift_left3A_2661 = vector.broadcast %shift_left3A_2660 : i32 to vector<16xi32>
          %shift_left3A_2662 = arith.shli %get3A_2659, %shift_left3A_2661 : vector<16xi32>
          %bitcast3A_2663 = vector.bitcast %shift_left3A_2662 : vector<16xi32> to vector<16xf32>
          %and3A_2664 = arith.constant -65536 : i32
          %and3A_2665 = vector.broadcast %and3A_2664 : i32 to vector<16xi32>
          %and3A_2666 = arith.andi %get3A_2659, %and3A_2665 : vector<16xi32>
          %bitcast3A_2667 = vector.bitcast %and3A_2666 : vector<16xi32> to vector<16xf32>
          %add3A_2668 = arith.constant 32 : i32
          %add3A_2669 = arith.addi %add3A_2668, %scan3A_2305 : i32
          %get3A_2670 = arith.constant 1 : i32
          %get3A_2671 = arith.index_cast %get3A_2670 : i32 to index
          %get3A_2672 = arith.index_cast %add3A_2669 : i32 to index
          %get3A_2673 = arith.constant 64 : index
          %get3A_2674 = tpu.vector_load %arg16[%get3A_2671, %get3A_2672, %get3A_2673] {strides = array<i32>} : memref<2x128x128xi32, #tpu.memory_space<vmem>>, vector<16xi32>,
          %shift_left3A_2675 = arith.constant 16 : i32
          %shift_left3A_2676 = vector.broadcast %shift_left3A_2675 : i32 to vector<16xi32>
          %shift_left3A_2677 = arith.shli %get3A_2674, %shift_left3A_2676 : vector<16xi32>
          %bitcast3A_2678 = vector.bitcast %shift_left3A_2677 : vector<16xi32> to vector<16xf32>
          %and3A_2679 = arith.constant -65536 : i32
          %and3A_2680 = vector.broadcast %and3A_2679 : i32 to vector<16xi32>
          %and3A_2681 = arith.andi %get3A_2674, %and3A_2680 : vector<16xi32>
          %bitcast3A_2682 = vector.bitcast %and3A_2681 : vector<16xi32> to vector<16xf32>
          %add3A_2683 = arith.constant 64 : i32
          %add3A_2684 = arith.addi %add3A_2683, %scan3A_2305 : i32
          %get3A_2685 = arith.constant 1 : i32
          %get3A_2686 = arith.index_cast %get3A_2685 : i32 to index
          %get3A_2687 = arith.index_cast %add3A_2684 : i32 to index
          %get3A_2688 = arith.constant 64 : index
          %get3A_2689 = tpu.vector_load %arg16[%get3A_2686, %get3A_2687, %get3A_2688] {strides = array<i32>} : memref<2x128x128xi32, #tpu.memory_space<vmem>>, vector<16xi32>,
          %shift_left3A_2690 = arith.constant 16 : i32
          %shift_left3A_2691 = vector.broadcast %shift_left3A_2690 : i32 to vector<16xi32>
          %shift_left3A_2692 = arith.shli %get3A_2689, %shift_left3A_2691 : vector<16xi32>
          %bitcast3A_2693 = vector.bitcast %shift_left3A_2692 : vector<16xi32> to vector<16xf32>
          %and3A_2694 = arith.constant -65536 : i32
          %and3A_2695 = vector.broadcast %and3A_2694 : i32 to vector<16xi32>
          %and3A_2696 = arith.andi %get3A_2689, %and3A_2695 : vector<16xi32>
          %bitcast3A_2697 = vector.bitcast %and3A_2696 : vector<16xi32> to vector<16xf32>
          %add3A_2698 = arith.constant 96 : i32
          %add3A_2699 = arith.addi %add3A_2698, %scan3A_2305 : i32
          %get3A_2700 = arith.constant 1 : i32
          %get3A_2701 = arith.index_cast %get3A_2700 : i32 to index
          %get3A_2702 = arith.index_cast %add3A_2699 : i32 to index
          %get3A_2703 = arith.constant 64 : index
          %get3A_2704 = tpu.vector_load %arg16[%get3A_2701, %get3A_2702, %get3A_2703] {strides = array<i32>} : memref<2x128x128xi32, #tpu.memory_space<vmem>>, vector<16xi32>,
          %shift_left3A_2705 = arith.constant 16 : i32
          %shift_left3A_2706 = vector.broadcast %shift_left3A_2705 : i32 to vector<16xi32>
          %shift_left3A_2707 = arith.shli %get3A_2704, %shift_left3A_2706 : vector<16xi32>
          %bitcast3A_2708 = vector.bitcast %shift_left3A_2707 : vector<16xi32> to vector<16xf32>
          %and3A_2709 = arith.constant -65536 : i32
          %and3A_2710 = vector.broadcast %and3A_2709 : i32 to vector<16xi32>
          %and3A_2711 = arith.andi %get3A_2704, %and3A_2710 : vector<16xi32>
          %bitcast3A_2712 = vector.bitcast %and3A_2711 : vector<16xi32> to vector<16xf32>
          %mul3A_2713 = arith.mulf %gather3A_2307, %bitcast3A_2663 : vector<16xf32>
          %mul3A_2714 = arith.mulf %gather3A_2311, %bitcast3A_2678 : vector<16xf32>
          %add3A_2715 = arith.addf %mul3A_2713, %mul3A_2714 : vector<16xf32>
          %mul3A_2716 = arith.mulf %gather3A_2315, %bitcast3A_2693 : vector<16xf32>
          %add3A_2717 = arith.addf %add3A_2715, %mul3A_2716 : vector<16xf32>
          %mul3A_2718 = arith.mulf %gather3A_2319, %bitcast3A_2708 : vector<16xf32>
          %add3A_2719 = arith.addf %add3A_2717, %mul3A_2718 : vector<16xf32>
          %mul3A_2720 = arith.mulf %gather3A_2307, %bitcast3A_2667 : vector<16xf32>
          %mul3A_2721 = arith.mulf %gather3A_2311, %bitcast3A_2682 : vector<16xf32>
          %add3A_2722 = arith.addf %mul3A_2720, %mul3A_2721 : vector<16xf32>
          %mul3A_2723 = arith.mulf %gather3A_2315, %bitcast3A_2697 : vector<16xf32>
          %add3A_2724 = arith.addf %add3A_2722, %mul3A_2723 : vector<16xf32>
          %mul3A_2725 = arith.mulf %gather3A_2319, %bitcast3A_2712 : vector<16xf32>
          %add3A_2726 = arith.addf %add3A_2724, %mul3A_2725 : vector<16xf32>
          %mul3A_2727 = arith.constant 259 : i32
          %mul3A_2728 = arith.muli %scan3A_2305, %mul3A_2727 : i32
          %add3A_2729 = arith.constant 8288 : i32
          %add3A_2730 = arith.addi %add3A_2729, %mul3A_2728 : i32
          %add3A_2731 = arith.constant 128 : i32
          %add3A_2732 = arith.addi %add3A_2730, %add3A_2731 : i32
          %swap3A_2733 = arith.index_cast %add3A_2732 : i32 to index
          %swap3A_2734 = tpu.vector_load %arg17[%swap3A_2733] {strides = array<i32>} : memref<16576xf32, #tpu.memory_space<vmem>>, vector<16xf32>,
          tpu.vector_store %arg17[%swap3A_2733], %add3A_2719 {strides = array<i32>} : memref<16576xf32, #tpu.memory_space<vmem>>, vector<16xf32>,
          %add3A_2735 = arith.constant 16 : i32
          %add3A_2736 = arith.addi %add3A_2732, %add3A_2735 : i32
          %swap3A_2737 = arith.index_cast %add3A_2736 : i32 to index
          %swap3A_2738 = tpu.vector_load %arg17[%swap3A_2737] {strides = array<i32>} : memref<16576xf32, #tpu.memory_space<vmem>>, vector<16xf32>,
          tpu.vector_store %arg17[%swap3A_2737], %add3A_2726 {strides = array<i32>} : memref<16576xf32, #tpu.memory_space<vmem>>, vector<16xf32>,
          %get3A_2739 = arith.constant 1 : i32
          %get3A_2740 = arith.index_cast %get3A_2739 : i32 to index
          %get3A_2741 = arith.index_cast %scan3A_2305 : i32 to index
          %get3A_2742 = arith.constant 80 : index
          %get3A_2743 = tpu.vector_load %arg16[%get3A_2740, %get3A_2741, %get3A_2742] {strides = array<i32>} : memref<2x128x128xi32, #tpu.memory_space<vmem>>, vector<16xi32>,
          %shift_left3A_2744 = arith.constant 16 : i32
          %shift_left3A_2745 = vector.broadcast %shift_left3A_2744 : i32 to vector<16xi32>
          %shift_left3A_2746 = arith.shli %get3A_2743, %shift_left3A_2745 : vector<16xi32>
          %bitcast3A_2747 = vector.bitcast %shift_left3A_2746 : vector<16xi32> to vector<16xf32>
          %and3A_2748 = arith.constant -65536 : i32
          %and3A_2749 = vector.broadcast %and3A_2748 : i32 to vector<16xi32>
          %and3A_2750 = arith.andi %get3A_2743, %and3A_2749 : vector<16xi32>
          %bitcast3A_2751 = vector.bitcast %and3A_2750 : vector<16xi32> to vector<16xf32>
          %add3A_2752 = arith.constant 32 : i32
          %add3A_2753 = arith.addi %add3A_2752, %scan3A_2305 : i32
          %get3A_2754 = arith.constant 1 : i32
          %get3A_2755 = arith.index_cast %get3A_2754 : i32 to index
          %get3A_2756 = arith.index_cast %add3A_2753 : i32 to index
          %get3A_2757 = arith.constant 80 : index
          %get3A_2758 = tpu.vector_load %arg16[%get3A_2755, %get3A_2756, %get3A_2757] {strides = array<i32>} : memref<2x128x128xi32, #tpu.memory_space<vmem>>, vector<16xi32>,
          %shift_left3A_2759 = arith.constant 16 : i32
          %shift_left3A_2760 = vector.broadcast %shift_left3A_2759 : i32 to vector<16xi32>
          %shift_left3A_2761 = arith.shli %get3A_2758, %shift_left3A_2760 : vector<16xi32>
          %bitcast3A_2762 = vector.bitcast %shift_left3A_2761 : vector<16xi32> to vector<16xf32>
          %and3A_2763 = arith.constant -65536 : i32
          %and3A_2764 = vector.broadcast %and3A_2763 : i32 to vector<16xi32>
          %and3A_2765 = arith.andi %get3A_2758, %and3A_2764 : vector<16xi32>
          %bitcast3A_2766 = vector.bitcast %and3A_2765 : vector<16xi32> to vector<16xf32>
          %add3A_2767 = arith.constant 64 : i32
          %add3A_2768 = arith.addi %add3A_2767, %scan3A_2305 : i32
          %get3A_2769 = arith.constant 1 : i32
          %get3A_2770 = arith.index_cast %get3A_2769 : i32 to index
          %get3A_2771 = arith.index_cast %add3A_2768 : i32 to index
          %get3A_2772 = arith.constant 80 : index
          %get3A_2773 = tpu.vector_load %arg16[%get3A_2770, %get3A_2771, %get3A_2772] {strides = array<i32>} : memref<2x128x128xi32, #tpu.memory_space<vmem>>, vector<16xi32>,
          %shift_left3A_2774 = arith.constant 16 : i32
          %shift_left3A_2775 = vector.broadcast %shift_left3A_2774 : i32 to vector<16xi32>
          %shift_left3A_2776 = arith.shli %get3A_2773, %shift_left3A_2775 : vector<16xi32>
          %bitcast3A_2777 = vector.bitcast %shift_left3A_2776 : vector<16xi32> to vector<16xf32>
          %and3A_2778 = arith.constant -65536 : i32
          %and3A_2779 = vector.broadcast %and3A_2778 : i32 to vector<16xi32>
          %and3A_2780 = arith.andi %get3A_2773, %and3A_2779 : vector<16xi32>
          %bitcast3A_2781 = vector.bitcast %and3A_2780 : vector<16xi32> to vector<16xf32>
          %add3A_2782 = arith.constant 96 : i32
          %add3A_2783 = arith.addi %add3A_2782, %scan3A_2305 : i32
          %get3A_2784 = arith.constant 1 : i32
          %get3A_2785 = arith.index_cast %get3A_2784 : i32 to index
          %get3A_2786 = arith.index_cast %add3A_2783 : i32 to index
          %get3A_2787 = arith.constant 80 : index
          %get3A_2788 = tpu.vector_load %arg16[%get3A_2785, %get3A_2786, %get3A_2787] {strides = array<i32>} : memref<2x128x128xi32, #tpu.memory_space<vmem>>, vector<16xi32>,
          %shift_left3A_2789 = arith.constant 16 : i32
          %shift_left3A_2790 = vector.broadcast %shift_left3A_2789 : i32 to vector<16xi32>
          %shift_left3A_2791 = arith.shli %get3A_2788, %shift_left3A_2790 : vector<16xi32>
          %bitcast3A_2792 = vector.bitcast %shift_left3A_2791 : vector<16xi32> to vector<16xf32>
          %and3A_2793 = arith.constant -65536 : i32
          %and3A_2794 = vector.broadcast %and3A_2793 : i32 to vector<16xi32>
          %and3A_2795 = arith.andi %get3A_2788, %and3A_2794 : vector<16xi32>
          %bitcast3A_2796 = vector.bitcast %and3A_2795 : vector<16xi32> to vector<16xf32>
          %mul3A_2797 = arith.mulf %gather3A_2307, %bitcast3A_2747 : vector<16xf32>
          %mul3A_2798 = arith.mulf %gather3A_2311, %bitcast3A_2762 : vector<16xf32>
          %add3A_2799 = arith.addf %mul3A_2797, %mul3A_2798 : vector<16xf32>
          %mul3A_2800 = arith.mulf %gather3A_2315, %bitcast3A_2777 : vector<16xf32>
          %add3A_2801 = arith.addf %add3A_2799, %mul3A_2800 : vector<16xf32>
          %mul3A_2802 = arith.mulf %gather3A_2319, %bitcast3A_2792 : vector<16xf32>
          %add3A_2803 = arith.addf %add3A_2801, %mul3A_2802 : vector<16xf32>
          %mul3A_2804 = arith.mulf %gather3A_2307, %bitcast3A_2751 : vector<16xf32>
          %mul3A_2805 = arith.mulf %gather3A_2311, %bitcast3A_2766 : vector<16xf32>
          %add3A_2806 = arith.addf %mul3A_2804, %mul3A_2805 : vector<16xf32>
          %mul3A_2807 = arith.mulf %gather3A_2315, %bitcast3A_2781 : vector<16xf32>
          %add3A_2808 = arith.addf %add3A_2806, %mul3A_2807 : vector<16xf32>
          %mul3A_2809 = arith.mulf %gather3A_2319, %bitcast3A_2796 : vector<16xf32>
          %add3A_2810 = arith.addf %add3A_2808, %mul3A_2809 : vector<16xf32>
          %mul3A_2811 = arith.constant 259 : i32
          %mul3A_2812 = arith.muli %scan3A_2305, %mul3A_2811 : i32
          %add3A_2813 = arith.constant 8288 : i32
          %add3A_2814 = arith.addi %add3A_2813, %mul3A_2812 : i32
          %add3A_2815 = arith.constant 160 : i32
          %add3A_2816 = arith.addi %add3A_2814, %add3A_2815 : i32
          %swap3A_2817 = arith.index_cast %add3A_2816 : i32 to index
          %swap3A_2818 = tpu.vector_load %arg17[%swap3A_2817] {strides = array<i32>} : memref<16576xf32, #tpu.memory_space<vmem>>, vector<16xf32>,
          tpu.vector_store %arg17[%swap3A_2817], %add3A_2803 {strides = array<i32>} : memref<16576xf32, #tpu.memory_space<vmem>>, vector<16xf32>,
          %add3A_2819 = arith.constant 16 : i32
          %add3A_2820 = arith.addi %add3A_2816, %add3A_2819 : i32
          %swap3A_2821 = arith.index_cast %add3A_2820 : i32 to index
          %swap3A_2822 = tpu.vector_load %arg17[%swap3A_2821] {strides = array<i32>} : memref<16576xf32, #tpu.memory_space<vmem>>, vector<16xf32>,
          tpu.vector_store %arg17[%swap3A_2821], %add3A_2810 {strides = array<i32>} : memref<16576xf32, #tpu.memory_space<vmem>>, vector<16xf32>,
          %get3A_2823 = arith.constant 1 : i32
          %get3A_2824 = arith.index_cast %get3A_2823 : i32 to index
          %get3A_2825 = arith.index_cast %scan3A_2305 : i32 to index
          %get3A_2826 = arith.constant 96 : index
          %get3A_2827 = tpu.vector_load %arg16[%get3A_2824, %get3A_2825, %get3A_2826] {strides = array<i32>} : memref<2x128x128xi32, #tpu.memory_space<vmem>>, vector<16xi32>,
          %shift_left3A_2828 = arith.constant 16 : i32
          %shift_left3A_2829 = vector.broadcast %shift_left3A_2828 : i32 to vector<16xi32>
          %shift_left3A_2830 = arith.shli %get3A_2827, %shift_left3A_2829 : vector<16xi32>
          %bitcast3A_2831 = vector.bitcast %shift_left3A_2830 : vector<16xi32> to vector<16xf32>
          %and3A_2832 = arith.constant -65536 : i32
          %and3A_2833 = vector.broadcast %and3A_2832 : i32 to vector<16xi32>
          %and3A_2834 = arith.andi %get3A_2827, %and3A_2833 : vector<16xi32>
          %bitcast3A_2835 = vector.bitcast %and3A_2834 : vector<16xi32> to vector<16xf32>
          %add3A_2836 = arith.constant 32 : i32
          %add3A_2837 = arith.addi %add3A_2836, %scan3A_2305 : i32
          %get3A_2838 = arith.constant 1 : i32
          %get3A_2839 = arith.index_cast %get3A_2838 : i32 to index
          %get3A_2840 = arith.index_cast %add3A_2837 : i32 to index
          %get3A_2841 = arith.constant 96 : index
          %get3A_2842 = tpu.vector_load %arg16[%get3A_2839, %get3A_2840, %get3A_2841] {strides = array<i32>} : memref<2x128x128xi32, #tpu.memory_space<vmem>>, vector<16xi32>,
          %shift_left3A_2843 = arith.constant 16 : i32
          %shift_left3A_2844 = vector.broadcast %shift_left3A_2843 : i32 to vector<16xi32>
          %shift_left3A_2845 = arith.shli %get3A_2842, %shift_left3A_2844 : vector<16xi32>
          %bitcast3A_2846 = vector.bitcast %shift_left3A_2845 : vector<16xi32> to vector<16xf32>
          %and3A_2847 = arith.constant -65536 : i32
          %and3A_2848 = vector.broadcast %and3A_2847 : i32 to vector<16xi32>
          %and3A_2849 = arith.andi %get3A_2842, %and3A_2848 : vector<16xi32>
          %bitcast3A_2850 = vector.bitcast %and3A_2849 : vector<16xi32> to vector<16xf32>
          %add3A_2851 = arith.constant 64 : i32
          %add3A_2852 = arith.addi %add3A_2851, %scan3A_2305 : i32
          %get3A_2853 = arith.constant 1 : i32
          %get3A_2854 = arith.index_cast %get3A_2853 : i32 to index
          %get3A_2855 = arith.index_cast %add3A_2852 : i32 to index
          %get3A_2856 = arith.constant 96 : index
          %get3A_2857 = tpu.vector_load %arg16[%get3A_2854, %get3A_2855, %get3A_2856] {strides = array<i32>} : memref<2x128x128xi32, #tpu.memory_space<vmem>>, vector<16xi32>,
          %shift_left3A_2858 = arith.constant 16 : i32
          %shift_left3A_2859 = vector.broadcast %shift_left3A_2858 : i32 to vector<16xi32>
          %shift_left3A_2860 = arith.shli %get3A_2857, %shift_left3A_2859 : vector<16xi32>
          %bitcast3A_2861 = vector.bitcast %shift_left3A_2860 : vector<16xi32> to vector<16xf32>
          %and3A_2862 = arith.constant -65536 : i32
          %and3A_2863 = vector.broadcast %and3A_2862 : i32 to vector<16xi32>
          %and3A_2864 = arith.andi %get3A_2857, %and3A_2863 : vector<16xi32>
          %bitcast3A_2865 = vector.bitcast %and3A_2864 : vector<16xi32> to vector<16xf32>
          %add3A_2866 = arith.constant 96 : i32
          %add3A_2867 = arith.addi %add3A_2866, %scan3A_2305 : i32
          %get3A_2868 = arith.constant 1 : i32
          %get3A_2869 = arith.index_cast %get3A_2868 : i32 to index
          %get3A_2870 = arith.index_cast %add3A_2867 : i32 to index
          %get3A_2871 = arith.constant 96 : index
          %get3A_2872 = tpu.vector_load %arg16[%get3A_2869, %get3A_2870, %get3A_2871] {strides = array<i32>} : memref<2x128x128xi32, #tpu.memory_space<vmem>>, vector<16xi32>,
          %shift_left3A_2873 = arith.constant 16 : i32
          %shift_left3A_2874 = vector.broadcast %shift_left3A_2873 : i32 to vector<16xi32>
          %shift_left3A_2875 = arith.shli %get3A_2872, %shift_left3A_2874 : vector<16xi32>
          %bitcast3A_2876 = vector.bitcast %shift_left3A_2875 : vector<16xi32> to vector<16xf32>
          %and3A_2877 = arith.constant -65536 : i32
          %and3A_2878 = vector.broadcast %and3A_2877 : i32 to vector<16xi32>
          %and3A_2879 = arith.andi %get3A_2872, %and3A_2878 : vector<16xi32>
          %bitcast3A_2880 = vector.bitcast %and3A_2879 : vector<16xi32> to vector<16xf32>
          %mul3A_2881 = arith.mulf %gather3A_2307, %bitcast3A_2831 : vector<16xf32>
          %mul3A_2882 = arith.mulf %gather3A_2311, %bitcast3A_2846 : vector<16xf32>
          %add3A_2883 = arith.addf %mul3A_2881, %mul3A_2882 : vector<16xf32>
          %mul3A_2884 = arith.mulf %gather3A_2315, %bitcast3A_2861 : vector<16xf32>
          %add3A_2885 = arith.addf %add3A_2883, %mul3A_2884 : vector<16xf32>
          %mul3A_2886 = arith.mulf %gather3A_2319, %bitcast3A_2876 : vector<16xf32>
          %add3A_2887 = arith.addf %add3A_2885, %mul3A_2886 : vector<16xf32>
          %mul3A_2888 = arith.mulf %gather3A_2307, %bitcast3A_2835 : vector<16xf32>
          %mul3A_2889 = arith.mulf %gather3A_2311, %bitcast3A_2850 : vector<16xf32>
          %add3A_2890 = arith.addf %mul3A_2888, %mul3A_2889 : vector<16xf32>
          %mul3A_2891 = arith.mulf %gather3A_2315, %bitcast3A_2865 : vector<16xf32>
          %add3A_2892 = arith.addf %add3A_2890, %mul3A_2891 : vector<16xf32>
          %mul3A_2893 = arith.mulf %gather3A_2319, %bitcast3A_2880 : vector<16xf32>
          %add3A_2894 = arith.addf %add3A_2892, %mul3A_2893 : vector<16xf32>
          %mul3A_2895 = arith.constant 259 : i32
          %mul3A_2896 = arith.muli %scan3A_2305, %mul3A_2895 : i32
          %add3A_2897 = arith.constant 8288 : i32
          %add3A_2898 = arith.addi %add3A_2897, %mul3A_2896 : i32
          %add3A_2899 = arith.constant 192 : i32
          %add3A_2900 = arith.addi %add3A_2898, %add3A_2899 : i32
          %swap3A_2901 = arith.index_cast %add3A_2900 : i32 to index
          %swap3A_2902 = tpu.vector_load %arg17[%swap3A_2901] {strides = array<i32>} : memref<16576xf32, #tpu.memory_space<vmem>>, vector<16xf32>,
          tpu.vector_store %arg17[%swap3A_2901], %add3A_2887 {strides = array<i32>} : memref<16576xf32, #tpu.memory_space<vmem>>, vector<16xf32>,
          %add3A_2903 = arith.constant 16 : i32
          %add3A_2904 = arith.addi %add3A_2900, %add3A_2903 : i32
          %swap3A_2905 = arith.index_cast %add3A_2904 : i32 to index
          %swap3A_2906 = tpu.vector_load %arg17[%swap3A_2905] {strides = array<i32>} : memref<16576xf32, #tpu.memory_space<vmem>>, vector<16xf32>,
          tpu.vector_store %arg17[%swap3A_2905], %add3A_2894 {strides = array<i32>} : memref<16576xf32, #tpu.memory_space<vmem>>, vector<16xf32>,
          %get3A_2907 = arith.constant 1 : i32
          %get3A_2908 = arith.index_cast %get3A_2907 : i32 to index
          %get3A_2909 = arith.index_cast %scan3A_2305 : i32 to index
          %get3A_2910 = arith.constant 112 : index
          %get3A_2911 = tpu.vector_load %arg16[%get3A_2908, %get3A_2909, %get3A_2910] {strides = array<i32>} : memref<2x128x128xi32, #tpu.memory_space<vmem>>, vector<16xi32>,
          %shift_left3A_2912 = arith.constant 16 : i32
          %shift_left3A_2913 = vector.broadcast %shift_left3A_2912 : i32 to vector<16xi32>
          %shift_left3A_2914 = arith.shli %get3A_2911, %shift_left3A_2913 : vector<16xi32>
          %bitcast3A_2915 = vector.bitcast %shift_left3A_2914 : vector<16xi32> to vector<16xf32>
          %and3A_2916 = arith.constant -65536 : i32
          %and3A_2917 = vector.broadcast %and3A_2916 : i32 to vector<16xi32>
          %and3A_2918 = arith.andi %get3A_2911, %and3A_2917 : vector<16xi32>
          %bitcast3A_2919 = vector.bitcast %and3A_2918 : vector<16xi32> to vector<16xf32>
          %add3A_2920 = arith.constant 32 : i32
          %add3A_2921 = arith.addi %add3A_2920, %scan3A_2305 : i32
          %get3A_2922 = arith.constant 1 : i32
          %get3A_2923 = arith.index_cast %get3A_2922 : i32 to index
          %get3A_2924 = arith.index_cast %add3A_2921 : i32 to index
          %get3A_2925 = arith.constant 112 : index
          %get3A_2926 = tpu.vector_load %arg16[%get3A_2923, %get3A_2924, %get3A_2925] {strides = array<i32>} : memref<2x128x128xi32, #tpu.memory_space<vmem>>, vector<16xi32>,
          %shift_left3A_2927 = arith.constant 16 : i32
          %shift_left3A_2928 = vector.broadcast %shift_left3A_2927 : i32 to vector<16xi32>
          %shift_left3A_2929 = arith.shli %get3A_2926, %shift_left3A_2928 : vector<16xi32>
          %bitcast3A_2930 = vector.bitcast %shift_left3A_2929 : vector<16xi32> to vector<16xf32>
          %and3A_2931 = arith.constant -65536 : i32
          %and3A_2932 = vector.broadcast %and3A_2931 : i32 to vector<16xi32>
          %and3A_2933 = arith.andi %get3A_2926, %and3A_2932 : vector<16xi32>
          %bitcast3A_2934 = vector.bitcast %and3A_2933 : vector<16xi32> to vector<16xf32>
          %add3A_2935 = arith.constant 64 : i32
          %add3A_2936 = arith.addi %add3A_2935, %scan3A_2305 : i32
          %get3A_2937 = arith.constant 1 : i32
          %get3A_2938 = arith.index_cast %get3A_2937 : i32 to index
          %get3A_2939 = arith.index_cast %add3A_2936 : i32 to index
          %get3A_2940 = arith.constant 112 : index
          %get3A_2941 = tpu.vector_load %arg16[%get3A_2938, %get3A_2939, %get3A_2940] {strides = array<i32>} : memref<2x128x128xi32, #tpu.memory_space<vmem>>, vector<16xi32>,
          %shift_left3A_2942 = arith.constant 16 : i32
          %shift_left3A_2943 = vector.broadcast %shift_left3A_2942 : i32 to vector<16xi32>
          %shift_left3A_2944 = arith.shli %get3A_2941, %shift_left3A_2943 : vector<16xi32>
          %bitcast3A_2945 = vector.bitcast %shift_left3A_2944 : vector<16xi32> to vector<16xf32>
          %and3A_2946 = arith.constant -65536 : i32
          %and3A_2947 = vector.broadcast %and3A_2946 : i32 to vector<16xi32>
          %and3A_2948 = arith.andi %get3A_2941, %and3A_2947 : vector<16xi32>
          %bitcast3A_2949 = vector.bitcast %and3A_2948 : vector<16xi32> to vector<16xf32>
          %add3A_2950 = arith.constant 96 : i32
          %add3A_2951 = arith.addi %add3A_2950, %scan3A_2305 : i32
          %get3A_2952 = arith.constant 1 : i32
          %get3A_2953 = arith.index_cast %get3A_2952 : i32 to index
          %get3A_2954 = arith.index_cast %add3A_2951 : i32 to index
          %get3A_2955 = arith.constant 112 : index
          %get3A_2956 = tpu.vector_load %arg16[%get3A_2953, %get3A_2954, %get3A_2955] {strides = array<i32>} : memref<2x128x128xi32, #tpu.memory_space<vmem>>, vector<16xi32>,
          %shift_left3A_2957 = arith.constant 16 : i32
          %shift_left3A_2958 = vector.broadcast %shift_left3A_2957 : i32 to vector<16xi32>
          %shift_left3A_2959 = arith.shli %get3A_2956, %shift_left3A_2958 : vector<16xi32>
          %bitcast3A_2960 = vector.bitcast %shift_left3A_2959 : vector<16xi32> to vector<16xf32>
          %and3A_2961 = arith.constant -65536 : i32
          %and3A_2962 = vector.broadcast %and3A_2961 : i32 to vector<16xi32>
          %and3A_2963 = arith.andi %get3A_2956, %and3A_2962 : vector<16xi32>
          %bitcast3A_2964 = vector.bitcast %and3A_2963 : vector<16xi32> to vector<16xf32>
          %mul3A_2965 = arith.mulf %gather3A_2307, %bitcast3A_2915 : vector<16xf32>
          %mul3A_2966 = arith.mulf %gather3A_2311, %bitcast3A_2930 : vector<16xf32>
          %add3A_2967 = arith.addf %mul3A_2965, %mul3A_2966 : vector<16xf32>
          %mul3A_2968 = arith.mulf %gather3A_2315, %bitcast3A_2945 : vector<16xf32>
          %add3A_2969 = arith.addf %add3A_2967, %mul3A_2968 : vector<16xf32>
          %mul3A_2970 = arith.mulf %gather3A_2319, %bitcast3A_2960 : vector<16xf32>
          %add3A_2971 = arith.addf %add3A_2969, %mul3A_2970 : vector<16xf32>
          %mul3A_2972 = arith.mulf %gather3A_2307, %bitcast3A_2919 : vector<16xf32>
          %mul3A_2973 = arith.mulf %gather3A_2311, %bitcast3A_2934 : vector<16xf32>
          %add3A_2974 = arith.addf %mul3A_2972, %mul3A_2973 : vector<16xf32>
          %mul3A_2975 = arith.mulf %gather3A_2315, %bitcast3A_2949 : vector<16xf32>
          %add3A_2976 = arith.addf %add3A_2974, %mul3A_2975 : vector<16xf32>
          %mul3A_2977 = arith.mulf %gather3A_2319, %bitcast3A_2964 : vector<16xf32>
          %add3A_2978 = arith.addf %add3A_2976, %mul3A_2977 : vector<16xf32>
          %mul3A_2979 = arith.constant 259 : i32
          %mul3A_2980 = arith.muli %scan3A_2305, %mul3A_2979 : i32
          %add3A_2981 = arith.constant 8288 : i32
          %add3A_2982 = arith.addi %add3A_2981, %mul3A_2980 : i32
          %add3A_2983 = arith.constant 224 : i32
          %add3A_2984 = arith.addi %add3A_2982, %add3A_2983 : i32
          %swap3A_2985 = arith.index_cast %add3A_2984 : i32 to index
          %swap3A_2986 = tpu.vector_load %arg17[%swap3A_2985] {strides = array<i32>} : memref<16576xf32, #tpu.memory_space<vmem>>, vector<16xf32>,
          tpu.vector_store %arg17[%swap3A_2985], %add3A_2971 {strides = array<i32>} : memref<16576xf32, #tpu.memory_space<vmem>>, vector<16xf32>,
          %add3A_2987 = arith.constant 16 : i32
          %add3A_2988 = arith.addi %add3A_2984, %add3A_2987 : i32
          %swap3A_2989 = arith.index_cast %add3A_2988 : i32 to index
          %swap3A_2990 = tpu.vector_load %arg17[%swap3A_2989] {strides = array<i32>} : memref<16576xf32, #tpu.memory_space<vmem>>, vector<16xf32>,
          tpu.vector_store %arg17[%swap3A_2989], %add3A_2978 {strides = array<i32>} : memref<16576xf32, #tpu.memory_space<vmem>>, vector<16xf32>,
          %add3A_2991 = arith.constant 1 : i32
          %add3A_2992 = vector.broadcast %add3A_2991 : i32 to vector<16xi32>
          %add3A_2993 = arith.addi %scan3A_2306, %add3A_2992 : vector<16xi32>
          scf.yield %add3A_2993 : vector<16xi32>
        }
        %scan3A_2298 = arith.constant 32 : i32
        %mul3A_2299 = arith.constant 65536 : i32
        %mul3A_2300 = arith.muli %scan3A_16, %mul3A_2299 : i32
        %add3A_2301 = arith.addi %mul3A_2300, %add3A_2280 : i32
        %mul3A_2302 = arith.constant 259 : i32
        %mul3A_2303 = arith.muli %add3A_2301, %mul3A_2302 : i32
        "tpu.region"() ({
          %run_scoped3A = tpu.sem_alloc : memref<!tpu.dma_semaphore, #tpu.memory_space<semaphore_mem>>
          %dma_start3A_2305 = arith.constant 8288 : i32
          %dma_start3A_2306 = tpu.memref_slice %arg17[%dma_start3A_2305] : memref<16576xf32, #tpu.memory_space<vmem>> -> memref<8288xf32, #tpu.memory_space<vmem>>
          %dma_start3A_2307 = tpu.memref_slice %arg7[%mul3A_2303] : memref<67895296xf32, #tpu.memory_space<hbm>> -> memref<8288xf32, #tpu.memory_space<hbm>>
          %dma_start3A_2308 = tpu.memref_slice %arg7[%mul3A_2303] : memref<67895296xf32, #tpu.memory_space<hbm>> -> memref<8288xf32, #tpu.memory_space<hbm>>
          %dma_start3A_2309 = arith.constant 8288 : i32
          %dma_start3A_2310 = tpu.memref_slice %arg17[%dma_start3A_2309] : memref<16576xf32, #tpu.memory_space<vmem>> -> memref<8288xf32, #tpu.memory_space<vmem>>
          tpu.enqueue_dma source(%dma_start3A_2310 : memref<8288xf32, #tpu.memory_space<vmem>>) target(%dma_start3A_2308 : memref<8288xf32, #tpu.memory_space<hbm>>) target_semaphore(%run_scoped3A : memref<!tpu.dma_semaphore, #tpu.memory_space<semaphore_mem>>)
          %dma_wait3A_2311 = arith.constant 8288 : i32
          %dma_wait3A_2312 = tpu.memref_slice %arg17[%dma_wait3A_2311] : memref<16576xf32, #tpu.memory_space<vmem>> -> memref<8288xf32, #tpu.memory_space<vmem>>
          %dma_wait3A_2313 = tpu.memref_slice %arg7[%mul3A_2303] : memref<67895296xf32, #tpu.memory_space<hbm>> -> memref<8288xf32, #tpu.memory_space<hbm>>
          %dma_wait3A_2314 = tpu.memref_slice %arg7[%mul3A_2303] : memref<67895296xf32, #tpu.memory_space<hbm>> -> memref<8288xf32, #tpu.memory_space<hbm>>
          %dma_wait3A_2315 = arith.constant 8288 : i32
          %dma_wait3A_2316 = tpu.memref_slice %arg17[%dma_wait3A_2315] : memref<16576xf32, #tpu.memory_space<vmem>> -> memref<8288xf32, #tpu.memory_space<vmem>>
          tpu.wait_dma2 semaphore(%run_scoped3A : memref<!tpu.dma_semaphore, #tpu.memory_space<semaphore_mem>>) src(%dma_wait3A_2316 : memref<8288xf32, #tpu.memory_space<vmem>>) dst(%dma_wait3A_2314 : memref<8288xf32, #tpu.memory_space<hbm>>)
          tpu.yield
        }) : () -> ()
        %scan3A_2304 = arith.constant 0 : i32
        scf.yield %scan3A_2304 : i32
      }
      %scan3A_1168 = arith.constant 32 : i32
      %mul3A_1169 = arith.constant 65536 : i32
      %mul3A_1170 = arith.muli %scan3A_16, %mul3A_1169 : i32
      %mul3A_1171 = arith.constant 2048 : i32
      %mul3A_1172 = arith.muli %add3A, %mul3A_1171 : i32
      %add3A_1173 = arith.addi %mul3A_1170, %mul3A_1172 : i32
      "tpu.region"() ({
        %run_scoped3A = tpu.sem_alloc : memref<!tpu.dma_semaphore, #tpu.memory_space<semaphore_mem>>
        %dma_start3A_1175 = tpu.memref_slice %arg8[%add3A_1173] : memref<262144xi32, #tpu.memory_space<hbm>> -> memref<2048xi32, #tpu.memory_space<hbm>>
        %dma_start3A_1176 = tpu.memref_slice %arg8[%add3A_1173] : memref<262144xi32, #tpu.memory_space<hbm>> -> memref<2048xi32, #tpu.memory_space<hbm>>
        tpu.enqueue_dma source(%arg18 : memref<2048xi32, #tpu.memory_space<vmem>>) target(%dma_start3A_1176 : memref<2048xi32, #tpu.memory_space<hbm>>) target_semaphore(%run_scoped3A : memref<!tpu.dma_semaphore, #tpu.memory_space<semaphore_mem>>)
        %dma_wait3A = tpu.memref_slice %arg8[%add3A_1173] : memref<262144xi32, #tpu.memory_space<hbm>> -> memref<2048xi32, #tpu.memory_space<hbm>>
        %dma_wait3A_1177 = tpu.memref_slice %arg8[%add3A_1173] : memref<262144xi32, #tpu.memory_space<hbm>> -> memref<2048xi32, #tpu.memory_space<hbm>>
        tpu.wait_dma2 semaphore(%run_scoped3A : memref<!tpu.dma_semaphore, #tpu.memory_space<semaphore_mem>>) src(%arg18 : memref<2048xi32, #tpu.memory_space<vmem>>) dst(%dma_wait3A_1177 : memref<2048xi32, #tpu.memory_space<hbm>>)
        tpu.yield
      }) : () -> ()
      %scan3A_1174 = arith.constant 0 : i32
      scf.yield %scan3A_1174 : i32
    }
    %scan3A_15 = arith.constant 4 : i32
    return
  }
}

</mosaic_0001>

<sc_bundles>
// kernel: kernel.3.cloned.1.call-start
scs
__scs_entry_jumppad:
0x0: {  	(pc) =	sbr.rel $0x88, $3  }
0x1: {  	(tag) =	ssettag $0x0;
	lr =	simm.s32 $0x1  }
0x2: {  	[smem:$0x3F9B] =	sst lr;
	_ =	strace $0xD0000000  }
0x3: {  	_ = 	snop  }
0x4: {  	_ = 	snop  }
0x5: {  	_ = 	snop  }
0x6: {  	_ = 	snop  }
0x7: {  	_ = 	snop  }
__scs_overlays_trampoline_lowered:
0x8: {  	[smem:$0x3FAA] =	sst s0  }
0x9: {  	[smem:$0x3FAB] =	sst s1  }
0xa: {  	[smem:$0x3FAC] =	sst s2  }
0xb: {  	[smem:$0x3FAD] =	sst s3  }
0xc: {  	[smem:$0x3FAE] =	sst s4  }
0xd: {  	[smem:$0x3FAF] =	sst s5  }
0xe: {  	[smem:$0x3FB0] =	sst s6  }
0xf: {  	[smem:$0x3FB1] =	sst s7  }
0x10: {  	[smem:$0x3FB2] =	sst s8  }
0x11: {  	[smem:$0x3FB3] =	sst s9;
	s0 =	simm.s32 @!p0 $0x0  }
0x12: {  	s1 =	sld [smem:$0x3F99];
	s0 =	simm.s32 @p0 $0x1  }
0x13: {  	[smem:$0x3FB4] =	sst s0;
	s0 =	simm.s32 @!p1 $0x0  }
0x14: {  	s2 =	sld [smem:$0x3F98];
	s0 =	simm.s32 @p1 $0x1  }
0x15: {  	[smem:$0x3FB5] =	sst s0;
	s0 =	simm.s32 @!p2 $0x0  }
0x16: {  	s3 =	sld [smem:$0x3FDB];
	s0 =	simm.s32 @p2 $0x1  }
0x17: {  	s4 =	simm.s32 $0x1BF5;
	[smem:$0x3FB7] =	sst s0  }
0x18: {  	s0 =	sld [smem:$0x3F9A];
	_ =	swait.ge [sflag:s4], $0x0  }
0x19: {  	s7 =	sld [smem:$0x3F9B]  }
0x1a: {  	s8 =	sadd.s32 $0xFFFFE003, lr  }
0x1b: {  	s9 =	sadd.s32 $0xFFFFFEF7, lr;
	s5 =	simm.s32 $0xFFFFFFFF;
	p2 =	slt.u32 s8, $0xFFFFF086  }
0x1c: {  	p1 =	slt.u32 s9, $0xF7A;
	s5 =	simm.s32 @!p2 $0x0  }
0x1d: {  	s5 =	simm.s32 @p1 $0x1;
	p0 =	seq.s32 s7, s2  }
0x1e: {  	s7 =	smul.u32 @!p0 $0xF7A, s2;
	p2 =	seq.s32 @!p0 s5, $0x0  }
0x1f: {  	s9 =	smul.u32 $0xF7A, s1;
	s8 =	simm.s32 @!p0 $0x1BF5;
	p2 =	por !p2, p0  }
0x20: {  	[sflag:s8] =	ssyncset.s32 @!p0 $0xFFFFF086;
	s6 =	sadd.s32 @!p0 s3, s7;
	s7 =	simm.s32 @!p0 $0x108  }
0x21: {  	s3 =	sadd.s32 s3, s9;
	s6 =	sadd.s32 @!p0 $0x88, s6;
	s7 =	simm.s32 @p2 $0x1082  }
0x22: {  	[simem:s7], [sflag:s8] =	dma.local @!p0 [hbm:s6], $0xF7A  }
0x23: {  	s9 =	sor.u32 $0xD0000000, s2;
	s6 =	simm.s32 $0x108;
	_ =	swait.ge @!p0 [sflag:s8], $0x0  }
0x24: {  	s3 =	sadd.s32 $0x88, s3;
	s6 =	simm.s32 @!p1 $0x1082;
	[sflag:s4] =	ssyncset.s32 $0xFFFFF086  }
0x25: {  	[simem:s6], [sflag:s4] =	dma.local [hbm:s3], $0xF7A  }
0x26: {  	[smem:$0x3F9B] =	sst s1;
	(tag) =	ssettag s2;
	_ =	strace s9  }
0x27: {  	s1 =	sld [smem:$0x3FAB]  }
0x28: {  	s2 =	sld [smem:$0x3FAC]  }
0x29: {  	s4 =	sld [smem:$0x3FAE]  }
0x2a: {  	p0 =	seq.s32 s5, $0x0;
	s5 =	sld [smem:$0x3FAF]  }
0x2b: {  	s6 =	sld [smem:$0x3FB0]  }
0x2c: {  	s7 =	sld [smem:$0x3FB1]  }
0x2d: {  	s3 =	simm.s32 $0x108;
	s8 =	sld [smem:$0x3FB2]  }
0x2e: {  	s3 =	simm.s32 @!p0 $0x1082;
	s9 =	sld [smem:$0x3FB3]  }
0x2f: {  	lr =	sadd.s32 s0, s3;
	s0 =	sld [smem:$0x3FAA]  }
0x30: {  	s3 =	sld [smem:$0x3FAD]  }
0x31: {  	[smem:$0x3FB6] =	sst s10  }
0x32: {  	s10 =	sld [smem:$0x3FB4];
	_ =	sdelay $0x3  }
0x33: {  	p0 =	seq.s32 s10, $0x1;
	s10 =	sld [smem:$0x3FB6];
	_ =	sdelay $0x3  }
0x34: {  	[smem:$0x3FB6] =	sst s10  }
0x35: {  	s10 =	sld [smem:$0x3FB5];
	_ =	sdelay $0x3  }
0x36: {  	p1 =	seq.s32 s10, $0x1;
	s10 =	sld [smem:$0x3FB6];
	_ =	sdelay $0x3  }
0x37: {  	[smem:$0x3FB6] =	sst s10  }
0x38: {  	s10 =	sld [smem:$0x3FB7]  }
0x39: {  	_ = 	snop;
	(pc) =	sbr.ind lr, $3  }
0x3a: {  	_ = 	snop  }
0x3b: {  	_ = 	snop  }
0x3c: {  	p2 =	seq.s32 s10, $0x1;
	s10 =	sld [smem:$0x3FB6]  }
0x3d: {  	_ =	shalt  }
0x3e: {  	_ =	shalt  }
0x3f: {  	_ =	shalt  }
0x40: {  	_ =	shalt  }
0x41: {  	_ =	shalt  }
0x42: {  	_ =	shalt  }
0x43: {  	_ =	shalt  }
0x44: {  	_ =	shalt  }
0x45: {  	_ =	shalt  }
0x46: {  	_ =	shalt  }
0x47: {  	_ =	shalt  }
0x48: {  	_ =	shalt  }
0x49: {  	_ =	shalt  }
0x4a: {  	_ =	shalt  }
0x4b: {  	_ =	shalt  }
0x4c: {  	_ =	shalt  }
0x4d: {  	_ =	shalt  }
0x4e: {  	_ =	shalt  }
0x4f: {  	_ =	shalt  }
0x50: {  	_ =	shalt  }
0x51: {  	_ =	shalt  }
0x52: {  	_ =	shalt  }
0x53: {  	_ =	shalt  }
0x54: {  	_ =	shalt  }
0x55: {  	_ =	shalt  }
0x56: {  	_ =	shalt  }
0x57: {  	_ =	shalt  }
0x58: {  	_ =	shalt  }
0x59: {  	_ =	shalt  }
0x5a: {  	_ =	shalt  }
0x5b: {  	_ =	shalt  }
0x5c: {  	_ =	shalt  }
0x5d: {  	_ =	shalt  }
0x5e: {  	_ =	shalt  }
0x5f: {  	_ =	shalt  }
0x60: {  	_ =	shalt  }
0x61: {  	_ =	shalt  }
0x62: {  	_ =	shalt  }
0x63: {  	_ =	shalt  }
0x64: {  	_ =	shalt  }
0x65: {  	_ =	shalt  }
0x66: {  	_ =	shalt  }
0x67: {  	_ =	shalt  }
0x68: {  	_ =	shalt  }
0x69: {  	_ =	shalt  }
0x6a: {  	_ =	shalt  }
0x6b: {  	_ =	shalt  }
0x6c: {  	_ =	shalt  }
0x6d: {  	_ =	shalt  }
0x6e: {  	_ =	shalt  }
0x6f: {  	_ =	shalt  }
0x70: {  	_ =	shalt  }
0x71: {  	_ =	shalt  }
0x72: {  	_ =	shalt  }
0x73: {  	_ =	shalt  }
0x74: {  	_ =	shalt  }
0x75: {  	_ =	shalt  }
0x76: {  	_ =	shalt  }
0x77: {  	_ =	shalt  }
0x78: {  	_ =	shalt  }
0x79: {  	_ =	shalt  }
0x7a: {  	_ =	shalt  }
0x7b: {  	_ =	shalt  }
0x7c: {  	_ =	shalt  }
0x7d: {  	_ =	shalt  }
0x7e: {  	_ =	shalt  }
0x7f: {  	_ =	shalt  }
0x80: {  	_ =	shalt  }
0x81: {  	_ =	shalt  }
0x82: {  	_ =	shalt  }
0x83: {  	_ =	shalt  }
0x84: {  	_ =	shalt  }
0x85: {  	_ =	shalt  }
0x86: {  	_ =	shalt  }
0x87: {  	_ =	shalt  }
.Lfunc_end0:
.L_simem_size_0:
called_computation.1_lowered:
.L_overlay_start_0:
0x88: {  	s2 =	sld [smem:$0x3FD9]  }
0x89: {  	s3 =	sld [smem:$0x3FFE];
	_ =	sdelay $0x1  }
0x8a: {  	s1 =	srdreg.scid  }
0x8b: {  	s0 =	sand.u32 $0x1, s1  }
0x8c: {  	s14 =	sshll.u32 s0, $0xA;
	s2 =	sadd.s32 s3, s2  }
0x8d: {  	s2 =	sadd.s32 s2, s14  }
0x8e: {  	[smem:$0x3FC2] =	sst s2  }
0x8f: {  	_ = 	snop  }
0x90: {  	s2 =	sld [smem:$0x3FD0];
	_ =	sdelay $0x2  }
0x91: {  	s15 =	simm.s32 $0xA;
	s4 =	simm.s32 $0x10  }
0x92: {  	[smem:s4], [sflag:s15] =	dma.local [hbm:s2], $0x1  }
0x93: {  	_ =	swait.eq [sflag:s15], $0x1  }
0x94: {  	[sflag:s15] =	ssyncset.done $0x0  }
0x95: {  	s16 =	sld [smem:$0x10];
	[sflag:s15] =	ssyncadd.s32 $0xFFFFFFFF  }
0x96: {  	s17 =	sld [smem:$0x11];
	(tm) =	ssettm $0x1  }
0x97: {  	s18 =	sld [smem:$0x3FFB];
	_ =	sdelay $0x3  }
0x98: {  	_ =	strace s18  }
0x99: {  	s4 =	sld [smem:$0x3FFC];
	_ =	sdelay $0x3  }
0x9a: {  	_ =	strace s4  }
0x9b: {  	s4 =	sld [smem:$0x3FFD];
	_ =	sdelay $0x3  }
0x9c: {  	_ =	strace s4  }
0x9d: {  	_ =	strace $0x8FFFFFFF  }
0x9e: {  	s19 =	sld [smem:$0x3FDB];
	_ =	sdelay $0x1  }
0x9f: {  	s5 =	simm.s32 $_scs_section_size  }
0xa0: {  	s6 =	simm.s32 $_size__tile_overlayer_lowered;
	s7 =	simm.s32 $_tile_overlayer_lowered  }
0xa1: {  	s22 =	simm.s32 $0x1BFF;
	s21 =	sshll.u32 s7, $0x1;
	s4 =	sadd.s32 s5, s19  }
0xa2: {  	s8 =	simm.s32 $0x0;
	s20 =	sshll.u32 s6, $0x1;
	s6 =	sadd.s32 s21, s4  }
0xa3: {  	[timem:s8], [sflag:s22] =	dma.local [hbm:s6], s20  }
0xa4: {  	_ =	swait.ge [sflag:s22], s20  }
0xa5: {  	s5 =	ssub.s32 $0x0, s20;
	[sflag:s22] =	ssyncset.done $0x0  }
0xa6: {  	[sflag:s22] =	ssyncadd.s32 s5;
	_ =	sdelay $0x1  }
0xa7: {  	s23 =	simm.s32 $0x1B8B  }
0xa8: {  	_ =	swait.ge [sflag:s23], $0x1  }
0xa9: {  	[sflag:s23] =	ssyncset.done $0x0  }
0xaa: {  	s25 =	simm.s32 $0x1B8E;
	s24 =	sld [smem:$0x3FFE];
	[sflag:s23] =	ssyncadd.s32 $0xFFFFFFFF  }
0xab: {  	s26 =	simm.s32 $execute0_lowered;
	[smem:$0x3FD2] =	sst s25  }
0xac: {  	s6 =	sshll.u32 s26, $0x1;
	_ =	strace $0x80000046;
	[dreg:$0x1] =	wrdreg $0xFFFFFFFF  }
0xad: {  	s28 =	simm.s32 $_size_execute0_lowered;
	s4 =	sadd.s32 s4, s6;
	[dreg:$0x0] =	wrdreg $0x0  }
0xae: {  	s6 =	sshll.u32 s28, $0x1;
	[dreg:$0x2] =	wrdreg s4  }
0xaf: {  	[dreg:$0x3] =	wrdreg s6  }
0xb0: {  	[dreg:$0x4] =	wrdreg $0xC0  }
0xb1: {  	_ =	task [dreg:s8], $0x5FFFF  }
0xb2: {  	[dreg:$0x1] =	wrdreg $0xFFFFFFFF  }
0xb3: {  	[dreg:$0x0] =	wrdreg $0x60  }
0xb4: {  	[dreg:$0x2] =	wrdreg s24  }
0xb5: {  	[dreg:$0x3] =	wrdreg s17  }
0xb6: {  	[dreg:$0x4] =	wrdreg s16  }
0xb7: {  	[dreg:$0x5] =	wrdreg $0x9  }
0xb8: {  	_ =	task.clear_ibuf [dreg:s8], $0x6FFFF;
	_ =	strace $0x90000046  }
0xb9: {  	s29 =	simm.s32 $0x9;
	_ =	strace $0x80000048  }
0xba: {  	_ =	swait.ge [sflag:s29], $0x1  }
0xbb: {  	[sflag:s29] =	ssyncadd.s32 $0xFFFFFFFF  }
0xbc: {  	_ =	strace $0x90000048  }
0xbd: {  	_ =	sfence  }
0xbe: {  	s30 =	sld [smem:$0x0];
	_ =	sdelay $0x2  }
0xbf: {  	s31 =	sshll.u32 s1, $0xD;
	s1 =	sshrl.u32 s1, $0x2  }
0xc0: {  	s3 =	sand.u32 $0x4000, s31;
	s1 =	sadd.s32 s1, s30  }
0xc1: {  	s0 =	sor.u32 s3, s0;
	s1 =	sshll.u32 s1, $0x11  }
0xc2: {  	s0 =	sor.u32 s1, s0  }
0xc3: {  	s0 =	sadd.s32 $0x8F2B, s0  }
0xc4: {  	[sflag:s0] =	ssyncadd.remote.s32 $0x1  }
0xc5: {  	_ =	sfence.sel $0xFFFF  }
0xc6: {  	[dreg:$0x0] =	wrdreg $0xFFFFFFFF;
	(pc) =	sbr.abs _section_cstart, $3  }
0xc7: {  	[dreg:$0x1] =	wrdreg $0xFFFFFFFF  }
0xc8: {  	_ =	task.clear_ibuf [dreg:s8], $0x2FFFF;
	_ =	strace $0x9FFFFFFF  }
0xc9: {  	(tm) =	ssettm $0x7FFFFFFF  }
tec
execute0_lowered:
.L_overlay_start_1:
0x0: {  	(tag) =	ssettag $0x1  }
0x1: {  	s0 =	rddreg [dreg:$0x0]  }
0x2: {  	s2 =	rddreg [dreg:$0x2];
	s3 =	simm.s32 $0x0  }
0x3: {  	s1 =	srdreg.scid;
	s7 =	stileid.u32;
	s13 =	simm.s32 $0x3  }
0x4: {  	s14 =	simm.s32 $0x80;
	s15 =	simm.s32 $0x180;
	s16 =	simm.s32 $0x9B80  }
0x5: {  	s17 =	simm.s32 $0x1980;
	s18 =	simm.s32 $0x1B80;
	s19 =	simm.s32 $0x1A00  }
0x6: {  	s20 =	simm.s32 $0x5B80;
	s21 =	simm.s32 $0x1;
	s22 =	simm.s32 $0x1A80  }
0x7: {  	s23 =	simm.s32 $0x2;
	s24 =	simm.s32 $0xBBE0;
	s29 =	simm.s32 $0x0  }
0x8: {  	v2 =	vlaneseq.u32;
	[smem:$0x7FF] =	sst s3;
	s4 =	sadd.s32 $0x1A00, s0;
	s1 =	sand.u32 $0x1, s1  }
0x9: {  	s5 =	sadd.s32 $0x41A00, s0;
	s25 =	sadd.s32 $0x1800, s0;
	s6 =	sadd.s32 $0x1200, s0;
	v0 =	vmul.u32 $0x3, v2  }
0xa: {  	v4 =	vimm.f32 $0.0e+00;
	v2 =	vmul.u32 $0x103, v2;
	_ =	strace $0x80000047;
	[dreg:$0x4] =	wrdreg s5;
	s26 =	ssub.s32 $0x2, s1  }
0xb: {  	v5 =	vimm.s32 $0x0;
	s30 =	sshll.u32 s7, $0xC;
	[dreg:$0x5] =	wrdreg s25;
	s28 =	sshrl.u32 s26, $0x1;
	v1 =	vadd.s32 $0x1, v0;
	v3 =	vadd.s32 $0x2, v0  }
0xc: {  	s0 =	sadd.s32 $0x59A00, s0;
	[dreg:$0x6] =	wrdreg s6;
	v6 =	vadd.s32 $0x100, v2;
	v7 =	vadd.s32 $0x101, v2;
	v8 =	vadd.s32 $0x102, v2;
	s5 =	ssub.s32 s26, s28  }
0xd: {  	s1 =	sshll.u32 s1, $0xB;
	[dreg:$0x7] =	wrdreg s0;
	v9 =	vadd.s32 $0x30, v0;
	v10 =	vadd.s32 $0x31, v0;
	v11 =	vadd.s32 $0x32, v0;
	s31 =	smax.u32 s5, $0x1  }
0xe: {  	s10 =	sor.u32 s1, s30;
	v12 =	vadd.s32 $0x1130, v2;
	v13 =	vadd.s32 $0x1131, v2;
	v14 =	vadd.s32 $0x1132, v2;
	s1 =	simm.s32 $0x0;
	[dreg:$0x8] =	wrdreg s31  }
.LBB2_1:
0xf: {  	[dreg:$0x9] =	wrdreg s1  }
0x10: {  	s0 =	rddreg [dreg:$0x6];
	s31 =	simm.s32 $0x100  }
0x11: {  	[tilespmem:s31], [sflag:$0x3] =	stream.linear.gather [hbm4b:s0+s3], $0x80, $0x38;
	[tilespmem:$0xE480] =	vst v63  }
0x12: {  	_ =	swait.ge [sflag:s13], $0x80  }
0x13: {  	[sflag:s13] =	ssyncset.done $0x0  }
0x14: {  	[sflag:s13] =	ssyncadd.s32 $0xFFFFFF80  }
0x15: {  	v16 =	vld [tilespmem:$0x100];
	_ =	sdelay $0x4  }
0x16: {  	(erf) = vrcp.f32 v16;
	_ =	sdelay $0x8  }
0x17: {  	v15 =	vbroadcast v16, $0x2;
	v16 =	vbroadcast v16, $0x3;
	v18 =	vpop (erf)  }
0x18: {  	s28 =	simm.s32 $0x0;
	v17 =	vbroadcast v18, $0x0;
	v18 =	vbroadcast v18, $0x1  }
.LBB2_2:
0x19: {  	s0 =	sshll.u32 s28, $0x1;
	s1 =	rddreg [dreg:$0x1]  }
0x1a: {  	s1 =	sadd.s32 s1, s0  }
0x1b: {  	[tilespmem:s29], [sflag:$0x3] =	stream.linear.gather [hbm4b:s1+s29], $0x10, $0x38;
	[tilespmem:$0xE480] =	vst v63  }
0x1c: {  	_ =	swait.ge [sflag:s13], $0x10  }
0x1d: {  	s31 =	sshll.u32 s28, $0x10;
	[sflag:s13] =	ssyncset.done $0x0;
	s12 =	rddreg [dreg:$0x5]  }
0x1e: {  	s25 =	sor.u32 s10, s31;
	[sflag:s13] =	ssyncadd.s32 $0xFFFFFFF0;
	s0 =	sadd.s32 s12, s0  }
0x1f: {  	[tilespmem:s14], [sflag:$0x3] =	stream.linear.gather [hbm4b:s0+s29], $0x10, $0x38;
	[tilespmem:$0xE480] =	vst v63  }
0x20: {  	[dreg:$0xa] =	wrdreg s25;
	s0 =	smul.u32 $0x3, s25  }
0x21: {  	_ =	swait.ge [sflag:s13], $0x10  }
0x22: {  	[sflag:s13] =	ssyncset.done $0x0;
	s0 =	sshrl.u32 s0, $0x3;
	s26 =	rddreg [dreg:$0x4]  }
0x23: {  	[sflag:s13] =	ssyncadd.s32 $0xFFFFFFF0;
	s0 =	sadd.s32 s26, s0  }
0x24: {  	[tilespmem:s15], [sflag:$0x3] =	stream.linear.gather [hbm4b:s0+s29], $0x1800, $0x38;
	[tilespmem:$0xE480] =	vst v63  }
0x25: {  	_ =	swait.ge [sflag:s13], $0x1800  }
0x26: {  	[sflag:s13] =	ssyncset.done $0x0  }
0x27: {  	[sflag:s13] =	ssyncadd.s32 $0xFFFFE800  }
0x28: {  	v19 =	vld [tilespmem:$0x0]  }
0x29: {  	v44 =	vld.idx.msk [tilespmem:v0+s15+$0x0], $0xffff;
	_ =	sdelay $0x2  }
0x2a: {  	v45 =	vld.idx.msk [tilespmem:v1+s15+$0x0], $0xffff;
	_ =	sdelay $0x1  }
0x2b: {  	v46 =	vld.idx.msk [tilespmem:v3+s15+$0x0], $0xffff;
	v20 =	vshrl.u32 v19, $0x10;
	v21 =	vshrl.u32 v44, $0x10  }
0x2c: {  	v20 =	vand.u32 $0x1, v20;
	v21 =	vand.u32 $0x1, v21  }
0x2d: {  	v19 =	vadd.s32 v20, v19;
	v20 =	vadd.s32 v21, v44  }
0x2e: {  	v21 =	vshrl.u32 v45, $0x10;
	v19 =	vadd.s32 $0x7FFF, v19;
	v20 =	vadd.s32 $0x7FFF, v20  }
0x2f: {  	v34 =	vand.u32 $0xFFFF0000, v19;
	v32 =	vand.u32 $0xFFFF0000, v20;
	v19 =	vand.u32 $0x1, v21  }
0x30: {  	v21 =	vshrl.u32 v46, $0x10;
	v20 =	vadd.s32 v19, v45;
	v19 =	vbroadcast v34, $0xC  }
0x31: {  	v21 =	vand.u32 $0x1, v21;
	v22 =	vadd.s32 $0x7FFF, v20;
	v20 =	vbroadcast v34, $0xD  }
0x32: {  	v21 =	vadd.s32 v21, v46;
	v33 =	vand.u32 $0xFFFF0000, v22;
	v22 =	vmul.f32 v32, v19  }
0x33: {  	v23 =	vadd.s32 $0x7FFF, v21;
	v21 =	vbroadcast v34, $0xE;
	v24 =	vmul.f32 v33, v20  }
0x34: {  	v35 =	vand.u32 $0xFFFF0000, v23  }
0x35: {  	v23 =	vmul.f32 v35, v21;
	v22 =	vadd.f32 v24, v22;
	_ =	sdelay $0x1  }
0x36: {  	v25 =	vadd.f32 v23, v22;
	v22 =	vbroadcast v34, $0xF  }
0x37: {  	v24 =	vbroadcast v34, $0x1  }
0x38: {  	v23 =	vbroadcast v34, $0x0;
	v25 =	vadd.f32 v25, v22  }
0x39: {  	v27 =	vbroadcast v34, $0x5;
	v29 =	vmul.f32 v33, v24  }
0x3a: {  	v36 =	vld [tilespmem:$0x80];
	v28 =	vmul.f32 v32, v23;
	v26 =	vmax.f32 v25, $9.999999970e-07;
	v25 =	vbroadcast v34, $0x2  }
0x3b: {  	v38 =	vmul.f32 v33, v27;
	(erf) = vrcp.f32 v26  }
0x3c: {  	v31 =	vadd.f32 v29, v28;
	v26 =	vbroadcast v34, $0x4;
	v30 =	vmul.f32 v35, v25  }
0x3d: {  	v28 =	vbroadcast v34, $0x6;
	v29 =	vbroadcast v34, $0x8  }
0x3e: {  	v37 =	vmul.f32 v32, v26;
	v39 =	vadd.f32 v30, v31;
	v31 =	vbroadcast v34, $0x9  }
0x3f: {  	v42 =	vshrl.u32 v36, $0x10;
	v40 =	vmul.f32 v32, v29;
	v32 =	vbroadcast v34, $0xA  }
0x40: {  	v57 =	vmul.f32 v35, v28;
	v37 =	vadd.f32 v38, v37;
	v41 =	vmul.f32 v33, v31  }
0x41: {  	v60 =	vand.u32 $0x1, v42;
	v30 =	vbroadcast v34, $0x3;
	v35 =	vmul.f32 v35, v32  }
0x42: {  	v33 =	vbroadcast v34, $0x7;
	v37 =	vadd.f32 v57, v37;
	v58 =	vadd.f32 v41, v40  }
0x43: {  	v36 =	vadd.s32 v60, v36;
	v39 =	vadd.f32 v39, v30  }
0x44: {  	v34 =	vbroadcast v34, $0xB;
	v37 =	vadd.f32 v37, v33;
	v59 =	vpop (erf);
	v35 =	vadd.f32 v35, v58  }
0x45: {  	v36 =	vadd.s32 $0x7FFF, v36;
	v39 =	vmul.f32 v59, v39  }
0x46: {  	v43 =	vand.u32 $0xFFFF0000, v36;
	v37 =	vmul.f32 v59, v37;
	v35 =	vadd.f32 v35, v34  }
0x47: {  	v36 =	vbroadcast v43, $0x7;
	v61 =	vshrl.u32 v39, $0x10  }
0x48: {  	v63 =	vshrl.u32 v37, $0x10;
	v38 =	vand.u32 $0x1, v61;
	v47 =	vmul.f32 v59, v35  }
0x49: {  	v42 =	vand.u32 $0x1, v63;
	v35 =	vbroadcast v43, $0x6;
	v38 =	vadd.s32 v38, v39  }
0x4a: {  	v49 =	vadd.s32 v42, v37;
	v62 =	vadd.s32 $0x7FFF, v38;
	v50 =	vshrl.u32 v47, $0x10  }
0x4b: {  	v51 =	vadd.s32 $0x7FFF, v49;
	v48 =	vand.u32 $0xFFFF0000, v62;
	v37 =	vand.u32 $0x1, v50  }
0x4c: {  	v49 =	vand.u32 $0xFFFF0000, v51;
	v37 =	vadd.s32 v37, v47;
	v52 =	vmul.f32 v48, v35  }
0x4d: {  	v54 =	vmul.f32 v49, v36;
	v53 =	vadd.s32 $0x7FFF, v37;
	v37 =	vbroadcast v43, $0x8  }
0x4e: {  	v50 =	vand.u32 $0xFFFF0000, v53  }
0x4f: {  	v38 =	vadd.f32 v54, v52;
	v39 =	vmul.f32 v50, v37;
	_ =	sdelay $0x1  }
0x50: {  	v39 =	vadd.f32 v38, v39;
	_ =	sdelay $0x1  }
0x51: {  	v40 =	vbroadcast v43, $0x3;
	v55 =	vmax.f32 v39, $9.999999970e-07  }
0x52: {  	v38 =	vbroadcast v43, $0x0;
	(erf) = vrcp.f32 v55  }
0x53: {  	v41 =	vbroadcast v43, $0x4;
	v42 =	vbroadcast v43, $0x2  }
0x54: {  	v39 =	vbroadcast v43, $0x1;
	v51 =	vmul.f32 v48, v38  }
0x55: {  	v48 =	vmul.f32 v48, v40;
	v43 =	vbroadcast v43, $0x5  }
0x56: {  	v52 =	vmul.f32 v49, v39;
	v49 =	vmul.f32 v49, v41  }
0x57: {  	v56 =	vmul.f32 v50, v42  }
0x58: {  	v57 =	vmul.f32 v50, v43;
	v51 =	vadd.f32 v52, v51;
	v48 =	vadd.f32 v49, v48;
	_ =	sdelay $0x1  }
0x59: {  	v58 =	vadd.f32 v51, v56;
	v48 =	vadd.f32 v48, v57  }
0x5a: {  	v59 =	vpop (erf)  }
0x5b: {  	v50 =	vmul.f32 v59, v58;
	v48 =	vmul.f32 v59, v48;
	_ =	sdelay $0x1  }
0x5c: {  	v60 =	vmul.f32 v50, v17;
	v61 =	vmul.f32 v48, v18;
	_ =	sdelay $0x1  }
0x5d: {  	v49 =	vadd.f32 v60, v60;
	v51 =	vadd.f32 v61, v61;
	_ =	sdelay $0x1  }
0x5e: {  	v49 =	vadd.f32 $-1.000000000e+00, v49;
	v51 =	vadd.f32 $-1.000000000e+00, v51;
	_ =	sdelay $0x1  }
0x5f: {  	v49 =	vadd.f32 $1.000000000e+00, v49;
	v51 =	vadd.f32 $1.000000000e+00, v51;
	_ =	sdelay $0x1  }
0x60: {  	v49 =	vmul.f32 $5.000000000e-01, v49;
	v51 =	vmul.f32 $5.000000000e-01, v51;
	_ =	sdelay $0x1  }
0x61: {  	v49 =	vmul.f32 $6.300000000e+01, v49;
	v51 =	vmul.f32 $6.300000000e+01, v51;
	_ =	sdelay $0x1  }
0x62: {  	v49 =	vmax.f32 v49, $-4.000000000e+00;
	v51 =	vmax.f32 v51, $-4.000000000e+00  }
0x63: {  	v49 =	vmin.f32 v49, $6.800000000e+01;
	v51 =	vmin.f32 v51, $6.800000000e+01  }
0x64: {  	v62 =	vtrunc.f32 v49;
	v53 =	vtrunc.f32 v51  }
0x65: {  	v52 =	vcvt.f32.s32 v62;
	v53 =	vcvt.f32.s32 v53;
	_ =	sdelay $0x1  }
0x66: {  	v52 =	vcvt.s32.f32 v52;
	v53 =	vcvt.s32.f32 v53  }
0x67: {  	vm2 =	vgt.f32 v47, $1.000000010e-01;
	vm7 =	vge.f32 v50, $0.0e+00;
	vm8 =	vlt.f32 v50, v15  }
0x68: {  	vm9 =	vge.f32 v48, $0.0e+00;
	vm0 =	vlt.f32 v49, v52;
	vm1 =	vlt.f32 v51, v53  }
0x69: {  	v63 =	vsel vm0, $0x3F800000, v4;
	v54 =	vsel vm1, $0x3F800000, v4;
	vm0 =	vmand vm2, vm7  }
0x6a: {  	v47 =	vsub.f32 v52, v63;
	v57 =	vsub.f32 v53, v54;
	vm0 =	vmand vm8, vm0  }
0x6b: {  	vm10 =	vlt.f32 v48, v16;
	vm0 =	vmand vm9, vm0  }
0x6c: {  	v49 =	vsub.f32 v49, v47;
	v50 =	vsub.f32 v51, v57;
	vm11 =	vge.f32 v47, $0.0e+00  }
0x6d: {  	vm3 =	vle.f32 v47, $6.300000000e+01;
	vm0 =	vmand vm10, vm0;
	v61 =	vadd.f32 $1.000000000e+00, v47  }
0x6e: {  	vm13 =	vge.f32 v57, $0.0e+00;
	v47 =	vmax.f32 v47, $0.0e+00;
	v55 =	vmax.f32 v57, $0.0e+00  }
0x6f: {  	vm4 =	vle.f32 v57, $6.300000000e+01;
	v52 =	vadd.f32 $1.000000000e+00, v57;
	vm12 =	vmand vm11, vm3  }
0x70: {  	v47 =	vmin.f32 v47, $6.300000000e+01;
	v55 =	vmin.f32 v55, $6.300000000e+01;
	v58 =	vsub.f32 $1.000000000e+00, v49  }
0x71: {  	v59 =	vsub.f32 $1.000000000e+00, v50;
	vm1 =	vmand vm0, vm12;
	v47 =	vtrunc.f32 v47  }
0x72: {  	v55 =	vtrunc.f32 v55;
	v56 =	vmax.f32 v61, $0.0e+00;
	vm15 =	vge.f32 v61, $0.0e+00  }
0x73: {  	vm5 =	vle.f32 v61, $6.300000000e+01;
	v63 =	vmax.f32 v52, $0.0e+00;
	vm8 =	vge.f32 v52, $0.0e+00  }
0x74: {  	vm9 =	vle.f32 v52, $6.300000000e+01;
	vm14 =	vmand vm13, vm1;
	v47 =	vcvt.f32.s32 v47  }
0x75: {  	v55 =	vcvt.f32.s32 v55;
	v62 =	vmin.f32 v56, $6.300000000e+01;
	v56 =	vmin.f32 v63, $6.300000000e+01  }
0x76: {  	s30 =	sshll.u32 s28, $0xC;
	v60 =	vmul.f32 v59, v58;
	vm3 =	vmand vm4, vm14;
	v54 =	vtrunc.f32 v62  }
0x77: {  	v56 =	vtrunc.f32 v56;
	v55 =	vshll.u32 v55, $0x6;
	v47 =	vadd.s32 s30, v47  }
0x78: {  	v54 =	vcvt.f32.s32 v54;
	v56 =	vcvt.f32.s32 v56;
	v57 =	vadd.s32 v55, v47  }
0x79: {  	vm1 =	vmand vm8, vm1;
	v48 =	vnsel vm3, $0x0, v60;
	vm3 =	vmand vm15, vm5;
	[tilespmem:$0x1980] =	vst v57  }
0x7a: {  	v54 =	vadd.s32 s30, v54;
	[tilespmem:$0x1A80] =	vst v48;
	v62 =	vshll.u32 v56, $0x6;
	v56 =	vsel vm0, $0x1, v5  }
0x7b: {  	v63 =	vmul.f32 v50, v49;
	vm3 =	vmand vm0, vm3;
	v61 =	vadd.s32 v55, v54;
	[tilespmem:$0xDC80] =	vst v56  }
0x7c: {  	v53 =	vmul.f32 v59, v49;
	vm2 =	vmand vm13, vm3;
	v47 =	vadd.s32 v62, v47;
	[tilespmem:$0x19A0] =	vst v61  }
0x7d: {  	v51 =	vmul.f32 v58, v50;
	v55 =	vadd.s32 v62, v54;
	vm2 =	vmand vm4, vm2;
	[tilespmem:$0x19C0] =	vst v47  }
0x7e: {  	vm1 =	vmand vm9, vm1;
	vm10 =	vmand vm8, vm3;
	[tilespmem:$0x19E0] =	vst v55;
	v60 =	vnsel vm2, $0x0, v53  }
0x7f: {  	v53 =	vnsel vm1, $0x0, v51;
	vm1 =	vmand vm9, vm10;
	[tilespmem:$0x1AA0] =	vst v60  }
0x80: {  	[tilespmem:$0x1AC0] =	vst v53;
	v48 =	vnsel vm1, $0x0, v63  }
0x81: {  	[tilespmem:$0x1AE0] =	vst v48  }
0x82: {  	[tilespmem:v6+s16+$0x0] =	vst.idx.msk $0xffff, v44  }
0x83: {  	[tilespmem:v7+s16+$0x0] =	vst.idx.msk $0xffff, v45  }
0x84: {  	[tilespmem:v8+s16+$0x0] =	vst.idx.msk $0xffff, v46  }
0x85: {  	v44 =	vld.idx.msk [tilespmem:v9+s15+$0x0], $0xffff  }
0x86: {  	v45 =	vld.idx.msk [tilespmem:v10+s15+$0x0], $0xffff;
	_ =	sdelay $0x1  }
0x87: {  	v46 =	vld.idx.msk [tilespmem:v11+s15+$0x0], $0xffff;
	_ =	sdelay $0x2  }
0x88: {  	v57 =	vshrl.u32 v44, $0x10;
	v58 =	vshrl.u32 v45, $0x10  }
0x89: {  	v47 =	vand.u32 $0x1, v57;
	v48 =	vand.u32 $0x1, v58  }
0x8a: {  	v59 =	vshrl.u32 v46, $0x10;
	v47 =	vadd.s32 v47, v44;
	v48 =	vadd.s32 v48, v45  }
0x8b: {  	v49 =	vand.u32 $0x1, v59;
	v47 =	vadd.s32 $0x7FFF, v47;
	v48 =	vadd.s32 $0x7FFF, v48  }
0x8c: {  	v49 =	vadd.s32 v49, v46;
	v47 =	vand.u32 $0xFFFF0000, v47;
	v48 =	vand.u32 $0xFFFF0000, v48  }
0x8d: {  	v49 =	vadd.s32 $0x7FFF, v49;
	v60 =	vmul.f32 v47, v19;
	v61 =	vmul.f32 v48, v20  }
0x8e: {  	v49 =	vand.u32 $0xFFFF0000, v49  }
0x8f: {  	v62 =	vmul.f32 v49, v21;
	v50 =	vadd.f32 v61, v60;
	_ =	sdelay $0x1  }
0x90: {  	v50 =	vadd.f32 v62, v50;
	_ =	sdelay $0x1  }
0x91: {  	v50 =	vadd.f32 v50, v22;
	_ =	sdelay $0x1  }
0x92: {  	v50 =	vmax.f32 v50, $9.999999970e-07  }
0x93: {  	(erf) = vrcp.f32 v50  }
0x94: {  	v57 =	vmul.f32 v47, v26;
	v58 =	vmul.f32 v48, v27  }
0x95: {  	v63 =	vmul.f32 v47, v23;
	v56 =	vmul.f32 v48, v24  }
0x96: {  	v59 =	vmul.f32 v49, v25;
	v60 =	vmul.f32 v49, v28;
	v52 =	vadd.f32 v58, v57  }
0x97: {  	v47 =	vmul.f32 v47, v29;
	v48 =	vmul.f32 v48, v31;
	v50 =	vadd.f32 v56, v63  }
0x98: {  	v61 =	vadd.f32 v60, v52  }
0x99: {  	v47 =	vadd.f32 v48, v47;
	v62 =	vmul.f32 v49, v32;
	v50 =	vadd.f32 v59, v50  }
0x9a: {  	v52 =	vadd.f32 v61, v33  }
0x9b: {  	v47 =	vadd.f32 v62, v47;
	v63 =	vadd.f32 v50, v30  }
0x9c: {  	v53 =	vpop (erf)  }
0x9d: {  	v47 =	vadd.f32 v47, v34;
	v49 =	vmul.f32 v53, v63;
	v50 =	vmul.f32 v53, v52;
	_ =	sdelay $0x1  }
0x9e: {  	v47 =	vmul.f32 v53, v47;
	v54 =	vshrl.u32 v49, $0x10;
	v55 =	vshrl.u32 v50, $0x10  }
0x9f: {  	v48 =	vand.u32 $0x1, v54;
	v51 =	vand.u32 $0x1, v55  }
0xa0: {  	v57 =	vshrl.u32 v47, $0x10;
	v48 =	vadd.s32 v48, v49;
	v56 =	vadd.s32 v51, v50  }
0xa1: {  	v50 =	vand.u32 $0x1, v57;
	v48 =	vadd.s32 $0x7FFF, v48;
	v49 =	vadd.s32 $0x7FFF, v56  }
0xa2: {  	v50 =	vadd.s32 v50, v47;
	v48 =	vand.u32 $0xFFFF0000, v48;
	v49 =	vand.u32 $0xFFFF0000, v49  }
0xa3: {  	v50 =	vadd.s32 $0x7FFF, v50;
	v58 =	vmul.f32 v48, v35;
	v59 =	vmul.f32 v49, v36  }
0xa4: {  	v50 =	vand.u32 $0xFFFF0000, v50  }
0xa5: {  	v60 =	vmul.f32 v50, v37;
	v51 =	vadd.f32 v59, v58;
	_ =	sdelay $0x1  }
0xa6: {  	v51 =	vadd.f32 v51, v60;
	_ =	sdelay $0x1  }
0xa7: {  	v51 =	vmax.f32 v51, $9.999999970e-07  }
0xa8: {  	(erf) = vrcp.f32 v51;
	_ =	sdelay $0x2  }
0xa9: {  	v61 =	vmul.f32 v48, v38;
	v62 =	vmul.f32 v49, v39  }
0xaa: {  	v48 =	vmul.f32 v48, v40;
	v49 =	vmul.f32 v49, v41  }
0xab: {  	v63 =	vmul.f32 v50, v42  }
0xac: {  	v55 =	vmul.f32 v50, v43;
	v48 =	vadd.f32 v49, v48;
	v51 =	vadd.f32 v62, v61;
	_ =	sdelay $0x1  }
0xad: {  	v48 =	vadd.f32 v48, v55;
	v56 =	vadd.f32 v51, v63  }
0xae: {  	v57 =	vpop (erf)  }
0xaf: {  	v50 =	vmul.f32 v57, v56;
	v48 =	vmul.f32 v57, v48;
	_ =	sdelay $0x1  }
0xb0: {  	v58 =	vmul.f32 v50, v17;
	v59 =	vmul.f32 v48, v18;
	_ =	sdelay $0x1  }
0xb1: {  	v49 =	vadd.f32 v58, v58;
	v51 =	vadd.f32 v59, v59;
	_ =	sdelay $0x1  }
0xb2: {  	v49 =	vadd.f32 $-1.000000000e+00, v49;
	v51 =	vadd.f32 $-1.000000000e+00, v51;
	_ =	sdelay $0x1  }
0xb3: {  	v49 =	vadd.f32 $1.000000000e+00, v49;
	v51 =	vadd.f32 $1.000000000e+00, v51;
	_ =	sdelay $0x1  }
0xb4: {  	v49 =	vmul.f32 $5.000000000e-01, v49;
	v51 =	vmul.f32 $5.000000000e-01, v51;
	_ =	sdelay $0x1  }
0xb5: {  	v49 =	vmul.f32 $6.300000000e+01, v49;
	v51 =	vmul.f32 $6.300000000e+01, v51;
	_ =	sdelay $0x1  }
0xb6: {  	v49 =	vmax.f32 v49, $-4.000000000e+00;
	v51 =	vmax.f32 v51, $-4.000000000e+00  }
0xb7: {  	v49 =	vmin.f32 v49, $6.800000000e+01;
	v51 =	vmin.f32 v51, $6.800000000e+01  }
0xb8: {  	v60 =	vtrunc.f32 v49;
	v61 =	vtrunc.f32 v51  }
0xb9: {  	v52 =	vcvt.f32.s32 v60;
	v53 =	vcvt.f32.s32 v61;
	_ =	sdelay $0x1  }
0xba: {  	v52 =	vcvt.s32.f32 v52;
	v53 =	vcvt.s32.f32 v53  }
0xbb: {  	vm13 =	vgt.f32 v47, $1.000000010e-01;
	vm14 =	vge.f32 v50, $0.0e+00;
	vm15 =	vlt.f32 v50, v15  }
0xbc: {  	vm4 =	vge.f32 v48, $0.0e+00;
	vm11 =	vlt.f32 v49, v52;
	vm12 =	vlt.f32 v51, v53  }
0xbd: {  	vm0 =	vmand vm13, vm14;
	v62 =	vsel vm11, $0x3F800000, v4;
	v63 =	vsel vm12, $0x3F800000, v4  }
0xbe: {  	vm0 =	vmand vm15, vm0;
	v47 =	vsub.f32 v52, v62;
	v57 =	vsub.f32 v53, v63  }
0xbf: {  	vm5 =	vlt.f32 v48, v16;
	vm0 =	vmand vm4, vm0  }
0xc0: {  	vm0 =	vmand vm5, vm0;
	v49 =	vsub.f32 v49, v47;
	v50 =	vsub.f32 v51, v57  }
0xc1: {  	v60 =	vadd.f32 $1.000000000e+00, v47;
	vm6 =	vge.f32 v47, $0.0e+00;
	vm7 =	vle.f32 v47, $6.300000000e+01  }
0xc2: {  	v61 =	vmax.f32 v57, $0.0e+00;
	vm8 =	vge.f32 v57, $0.0e+00;
	v47 =	vmax.f32 v47, $0.0e+00  }
0xc3: {  	vm10 =	vle.f32 v57, $6.300000000e+01;
	v52 =	vadd.f32 $1.000000000e+00, v57;
	vm1 =	vmand vm6, vm7  }
0xc4: {  	v55 =	vmin.f32 v61, $6.300000000e+01;
	v47 =	vmin.f32 v47, $6.300000000e+01;
	v51 =	vsub.f32 $1.000000000e+00, v49  }
0xc5: {  	v58 =	vsub.f32 $1.000000000e+00, v50;
	vm1 =	vmand vm0, vm1;
	v55 =	vtrunc.f32 v55  }
0xc6: {  	v47 =	vtrunc.f32 v47;
	vm11 =	vge.f32 v60, $0.0e+00;
	vm12 =	vle.f32 v60, $6.300000000e+01  }
0xc7: {  	v54 =	vmax.f32 v60, $0.0e+00;
	v62 =	vmax.f32 v52, $0.0e+00;
	vm13 =	vge.f32 v52, $0.0e+00  }
0xc8: {  	vm14 =	vle.f32 v52, $6.300000000e+01;
	vm9 =	vmand vm8, vm1;
	v55 =	vcvt.f32.s32 v55  }
0xc9: {  	v47 =	vcvt.f32.s32 v47;
	v54 =	vmin.f32 v54, $6.300000000e+01;
	v56 =	vmin.f32 v62, $6.300000000e+01  }
0xca: {  	vm1 =	vmand vm13, vm1;
	v59 =	vmul.f32 v58, v51;
	vm3 =	vmand vm10, vm9  }
0xcb: {  	v54 =	vtrunc.f32 v54;
	v55 =	vshll.u32 v55, $0x6;
	v47 =	vadd.s32 s30, v47  }
0xcc: {  	v56 =	vtrunc.f32 v56;
	v51 =	vmul.f32 v51, v50;
	v63 =	vadd.s32 v55, v47  }
0xcd: {  	vm1 =	vmand vm14, vm1;
	v54 =	vcvt.f32.s32 v54;
	v48 =	vnsel vm3, $0x0, v59;
	[tilespmem:$0x1990] =	vst v63  }
0xce: {  	v53 =	vmul.f32 v58, v49;
	v56 =	vcvt.f32.s32 v56;
	v61 =	vnsel vm1, $0x0, v51;
	[tilespmem:$0x1A90] =	vst v48  }
0xcf: {  	vm3 =	vmand vm11, vm12;
	v54 =	vadd.s32 s30, v54;
	[tilespmem:$0x1AD0] =	vst v61;
	v63 =	vsel vm0, $0x1, v5  }
0xd0: {  	vm3 =	vmand vm0, vm3;
	v59 =	vshll.u32 v56, $0x6;
	v58 =	vadd.s32 v55, v54;
	[tilespmem:$0xDC90] =	vst v63  }
0xd1: {  	v60 =	vmul.f32 v50, v49;
	vm2 =	vmand vm8, vm3;
	v47 =	vadd.s32 v59, v47;
	[tilespmem:$0x19B0] =	vst v58  }
0xd2: {  	vm15 =	vmand vm13, vm3;
	v62 =	vadd.s32 v59, v54;
	vm2 =	vmand vm10, vm2;
	[tilespmem:$0x19D0] =	vst v47  }
0xd3: {  	vm1 =	vmand vm14, vm15;
	[tilespmem:$0x19F0] =	vst v62;
	v57 =	vnsel vm2, $0x0, v53  }
0xd4: {  	v48 =	vnsel vm1, $0x0, v60;
	[tilespmem:$0x1AB0] =	vst v57  }
0xd5: {  	[tilespmem:$0x1AF0] =	vst v48  }
0xd6: {  	[tilespmem:v12+s16+$0x0] =	vst.idx.msk $0xffff, v44  }
0xd7: {  	[tilespmem:v13+s16+$0x0] =	vst.idx.msk $0xffff, v45  }
0xd8: {  	s0 =	simm.s32 $0x0;
	[tilespmem:v14+s16+$0x0] =	vst.idx.msk $0xffff, v46  }
0xd9: {  	v44 =	vmov s30;
	[tilespmem:s18], [sflag:$0x1] =	stream.indirect.gather [hbm4b:s4+s14], $0x80, s17, s14, $0xb8;
	[tilespmem:$0xE480] =	vst v63  }
.LBB2_3:
0xda: {  	s12 =	sshll.u32 s0, $0x6  }
0xdb: {  	s5 =	sor.u32 $0x20, s12  }
0xdc: {  	v45 =	vmov s5  }
0xdd: {  	v45 =	vmul.u32 $0x3, v45;
	_ =	sdelay $0x1  }
0xde: {  	v45 =	vbroadcast v45, $0x0;
	_ =	sdelay $0x1  }
0xdf: {  	v46 =	vadd.s32 v0, v45  }
0xe0: {  	v47 =	vadd.s32 v1, v45;
	_ =	sdelay $0x1  }
0xe1: {  	v45 =	vadd.s32 v3, v45;
	_ =	sdelay $0x1  }
0xe2: {  	v46 =	vld.idx.msk [tilespmem:v46+s15+$0x0], $0xffff  }
0xe3: {  	v47 =	vld.idx.msk [tilespmem:v47+s15+$0x0], $0xffff;
	_ =	sdelay $0x1  }
0xe4: {  	v45 =	vld.idx.msk [tilespmem:v45+s15+$0x0], $0xffff;
	_ =	sdelay $0x2  }
0xe5: {  	v48 =	vshrl.u32 v46, $0x10;
	v49 =	vshrl.u32 v47, $0x10  }
0xe6: {  	v48 =	vand.u32 $0x1, v48;
	v49 =	vand.u32 $0x1, v49  }
0xe7: {  	v50 =	vshrl.u32 v45, $0x10;
	v48 =	vadd.s32 v48, v46;
	v49 =	vadd.s32 v49, v47  }
0xe8: {  	v50 =	vand.u32 $0x1, v50;
	v48 =	vadd.s32 $0x7FFF, v48;
	v49 =	vadd.s32 $0x7FFF, v49  }
0xe9: {  	v50 =	vadd.s32 v50, v45;
	v48 =	vand.u32 $0xFFFF0000, v48;
	v49 =	vand.u32 $0xFFFF0000, v49  }
0xea: {  	v50 =	vadd.s32 $0x7FFF, v50;
	v51 =	vmul.f32 v48, v19;
	v52 =	vmul.f32 v49, v20  }
0xeb: {  	v50 =	vand.u32 $0xFFFF0000, v50  }
0xec: {  	v60 =	vmul.f32 v50, v21;
	v51 =	vadd.f32 v52, v51;
	_ =	sdelay $0x1  }
0xed: {  	v51 =	vadd.f32 v60, v51;
	_ =	sdelay $0x1  }
0xee: {  	v51 =	vadd.f32 v51, v22;
	_ =	sdelay $0x1  }
0xef: {  	v51 =	vmax.f32 v51, $9.999999970e-07  }
0xf0: {  	v61 =	vmul.f32 v48, v23;
	(erf) = vrcp.f32 v51  }
0xf1: {  	v62 =	vmul.f32 v49, v24;
	v53 =	vmul.f32 v48, v26  }
0xf2: {  	v54 =	vmul.f32 v49, v27;
	v63 =	vmul.f32 v50, v25  }
0xf3: {  	v48 =	vmul.f32 v48, v29;
	v49 =	vmul.f32 v49, v31  }
0xf4: {  	v55 =	vmul.f32 v50, v28;
	v53 =	vadd.f32 v54, v53;
	v51 =	vadd.f32 v62, v61  }
0xf5: {  	v58 =	vmul.f32 v50, v32;
	v48 =	vadd.f32 v49, v48  }
0xf6: {  	v57 =	vadd.f32 v55, v53;
	v51 =	vadd.f32 v63, v51  }
0xf7: {  	v48 =	vadd.f32 v58, v48  }
0xf8: {  	v60 =	vadd.f32 v57, v33;
	v59 =	vadd.f32 v51, v30  }
0xf9: {  	v61 =	vpop (erf)  }
0xfa: {  	v48 =	vadd.f32 v48, v34;
	v50 =	vmul.f32 v61, v59;
	v51 =	vmul.f32 v61, v60;
	_ =	sdelay $0x1  }
0xfb: {  	v48 =	vmul.f32 v61, v48;
	v62 =	vshrl.u32 v50, $0x10;
	v63 =	vshrl.u32 v51, $0x10  }
0xfc: {  	v49 =	vand.u32 $0x1, v62;
	v52 =	vand.u32 $0x1, v63  }
0xfd: {  	v56 =	vshrl.u32 v48, $0x10;
	v49 =	vadd.s32 v49, v50;
	v55 =	vadd.s32 v52, v51  }
0xfe: {  	v51 =	vand.u32 $0x1, v56;
	v49 =	vadd.s32 $0x7FFF, v49;
	v50 =	vadd.s32 $0x7FFF, v55  }
0xff: {  	v51 =	vadd.s32 v51, v48;
	v49 =	vand.u32 $0xFFFF0000, v49;
	v50 =	vand.u32 $0xFFFF0000, v50  }
0x100: {  	v51 =	vadd.s32 $0x7FFF, v51;
	v57 =	vmul.f32 v49, v35;
	v58 =	vmul.f32 v50, v36  }
0x101: {  	v51 =	vand.u32 $0xFFFF0000, v51  }
0x102: {  	v59 =	vmul.f32 v51, v37;
	v52 =	vadd.f32 v58, v57;
	_ =	sdelay $0x1  }
0x103: {  	v52 =	vadd.f32 v52, v59;
	_ =	sdelay $0x1  }
0x104: {  	v52 =	vmax.f32 v52, $9.999999970e-07  }
0x105: {  	(erf) = vrcp.f32 v52;
	_ =	sdelay $0x2  }
0x106: {  	v60 =	vmul.f32 v49, v38;
	v61 =	vmul.f32 v50, v39  }
0x107: {  	v49 =	vmul.f32 v49, v40;
	v50 =	vmul.f32 v50, v41  }
0x108: {  	v62 =	vmul.f32 v51, v42  }
0x109: {  	v63 =	vmul.f32 v51, v43;
	v49 =	vadd.f32 v50, v49;
	v52 =	vadd.f32 v61, v60;
	_ =	sdelay $0x1  }
0x10a: {  	v49 =	vadd.f32 v49, v63;
	v54 =	vadd.f32 v52, v62  }
0x10b: {  	v55 =	vpop (erf)  }
0x10c: {  	v51 =	vmul.f32 v55, v54;
	v49 =	vmul.f32 v55, v49;
	_ =	sdelay $0x1  }
0x10d: {  	v56 =	vmul.f32 v51, v17;
	v57 =	vmul.f32 v49, v18;
	_ =	sdelay $0x1  }
0x10e: {  	v50 =	vadd.f32 v56, v56;
	v52 =	vadd.f32 v57, v57;
	_ =	sdelay $0x1  }
0x10f: {  	v50 =	vadd.f32 $-1.000000000e+00, v50;
	v52 =	vadd.f32 $-1.000000000e+00, v52;
	_ =	sdelay $0x1  }
0x110: {  	v50 =	vadd.f32 $1.000000000e+00, v50;
	v52 =	vadd.f32 $1.000000000e+00, v52;
	_ =	sdelay $0x1  }
0x111: {  	v50 =	vmul.f32 $5.000000000e-01, v50;
	v52 =	vmul.f32 $5.000000000e-01, v52;
	_ =	sdelay $0x1  }
0x112: {  	v50 =	vmul.f32 $6.300000000e+01, v50;
	v52 =	vmul.f32 $6.300000000e+01, v52;
	_ =	sdelay $0x1  }
0x113: {  	v50 =	vmax.f32 v50, $-4.000000000e+00;
	v52 =	vmax.f32 v52, $-4.000000000e+00  }
0x114: {  	v50 =	vmin.f32 v50, $6.800000000e+01;
	v52 =	vmin.f32 v52, $6.800000000e+01  }
0x115: {  	v58 =	vtrunc.f32 v50;
	v59 =	vtrunc.f32 v52  }
0x116: {  	v53 =	vcvt.f32.s32 v58;
	v54 =	vcvt.f32.s32 v59;
	_ =	sdelay $0x1  }
0x117: {  	v53 =	vcvt.s32.f32 v53;
	v54 =	vcvt.s32.f32 v54  }
0x118: {  	vm2 =	vgt.f32 v48, $1.000000010e-01;
	vm8 =	vge.f32 v51, $0.0e+00;
	vm9 =	vlt.f32 v51, v15  }
0x119: {  	vm10 =	vge.f32 v49, $0.0e+00;
	vm0 =	vlt.f32 v50, v53;
	vm1 =	vlt.f32 v52, v54  }
0x11a: {  	v60 =	vsel vm0, $0x3F800000, v4;
	v61 =	vsel vm1, $0x3F800000, v4;
	vm0 =	vmand vm2, vm8  }
0x11b: {  	v48 =	vsub.f32 v53, v60;
	v53 =	vsub.f32 v54, v61;
	vm0 =	vmand vm9, vm0  }
0x11c: {  	vm11 =	vlt.f32 v49, v16;
	vm0 =	vmand vm10, vm0  }
0x11d: {  	v50 =	vsub.f32 v50, v48;
	v62 =	vsub.f32 v52, v53;
	vm0 =	vmand vm11, vm0  }
0x11e: {  	v61 =	vadd.f32 $1.000000000e+00, v48;
	vm12 =	vge.f32 v48, $0.0e+00;
	vm13 =	vle.f32 v48, $6.300000000e+01  }
0x11f: {  	v56 =	vadd.f32 $1.000000000e+00, v53;
	vm14 =	vge.f32 v53, $0.0e+00;
	v48 =	vmax.f32 v48, $0.0e+00  }
0x120: {  	vm4 =	vle.f32 v53, $6.300000000e+01;
	vm1 =	vmand vm12, vm13;
	v48 =	vmin.f32 v48, $6.300000000e+01  }
0x121: {  	v63 =	vsub.f32 $1.000000000e+00, v50;
	v59 =	vsub.f32 $1.000000000e+00, v62;
	vm1 =	vmand vm0, vm1  }
0x122: {  	v48 =	vtrunc.f32 v48;
	vm15 =	vge.f32 v61, $0.0e+00;
	vm5 =	vle.f32 v61, $6.300000000e+01  }
0x123: {  	v57 =	vmax.f32 v56, $0.0e+00;
	vm8 =	vge.f32 v56, $0.0e+00;
	vm9 =	vle.f32 v56, $6.300000000e+01  }
0x124: {  	vm3 =	vmand vm14, vm1;
	v48 =	vcvt.f32.s32 v48;
	v55 =	vmin.f32 v57, $6.300000000e+01  }
0x125: {  	vm1 =	vmand vm8, vm1;
	v60 =	vmul.f32 v59, v63;
	v54 =	vmul.f32 v59, v50  }
0x126: {  	v52 =	vmul.f32 v63, v62;
	v50 =	vmul.f32 v62, v50;
	v62 =	vmax.f32 v53, $0.0e+00  }
0x127: {  	vm3 =	vmand vm4, vm3;
	v63 =	vmax.f32 v61, $0.0e+00;
	v55 =	vtrunc.f32 v55  }
0x128: {  	vm1 =	vmand vm9, vm1;
	v61 =	vadd.s32 $0x2160, v2;
	v51 =	vmin.f32 v62, $6.300000000e+01  }
0x129: {  	v53 =	vmin.f32 v63, $6.300000000e+01;
	v55 =	vcvt.f32.s32 v55;
	v51 =	vtrunc.f32 v51  }
0x12a: {  	v48 =	vadd.s32 v48, v44;
	v53 =	vtrunc.f32 v53;
	v51 =	vcvt.f32.s32 v51  }
0x12b: {  	v49 =	vnsel vm3, $0x0, v60;
	vm3 =	vmand vm15, vm5;
	v53 =	vcvt.f32.s32 v53  }
0x12c: {  	v52 =	vnsel vm1, $0x0, v52;
	vm3 =	vmand vm0, vm3;
	[tilespmem:$0x1B00] =	vst v49;
	v51 =	vshll.u32 v51, $0x6  }
0x12d: {  	s1 =	sor.u32 $0x30, s12;
	[tilespmem:$0x1B40] =	vst v52;
	vm2 =	vmand vm14, vm3;
	v53 =	vadd.s32 v53, v44;
	v57 =	vadd.s32 v51, v48  }
0x12e: {  	v60 =	vmov s1;
	vm2 =	vmand vm4, vm2;
	v58 =	vadd.s32 v51, v53;
	[tilespmem:$0x1A00] =	vst v57  }
0x12f: {  	v59 =	vshll.u32 v55, $0x6;
	v54 =	vnsel vm2, $0x0, v54;
	v51 =	vmul.u32 $0x3, v60;
	[tilespmem:$0x1A20] =	vst v58  }
0x130: {  	v62 =	vadd.s32 $0x2161, v2;
	v48 =	vadd.s32 v59, v48;
	vm2 =	vmand vm8, vm3;
	[tilespmem:$0x1B20] =	vst v54  }
0x131: {  	v49 =	vadd.s32 v59, v53;
	[tilespmem:$0x1A40] =	vst v48;
	vm10 =	vmand vm9, vm2;
	v51 =	vbroadcast v51, $0x0  }
0x132: {  	v63 =	vadd.s32 $0x2162, v2;
	[tilespmem:$0x1A60] =	vst v49;
	v50 =	vnsel vm10, $0x0, v50  }
0x133: {  	v56 =	vsel vm0, $0x1, v5;
	[tilespmem:$0x1B60] =	vst v50;
	v57 =	vadd.s32 v0, v51  }
0x134: {  	[tilespmem:s12+$0xDCA0] =	vst v56;
	v58 =	vadd.s32 v1, v51  }
0x135: {  	[tilespmem:v61+s16+$0x0] =	vst.idx.msk $0xffff, v46  }
0x136: {  	v59 =	vadd.s32 v3, v51;
	[tilespmem:v62+s16+$0x0] =	vst.idx.msk $0xffff, v47  }
0x137: {  	[tilespmem:v63+s16+$0x0] =	vst.idx.msk $0xffff, v45  }
0x138: {  	v45 =	vld.idx.msk [tilespmem:v57+s15+$0x0], $0xffff  }
0x139: {  	v46 =	vld.idx.msk [tilespmem:v58+s15+$0x0], $0xffff;
	_ =	sdelay $0x1  }
0x13a: {  	v47 =	vld.idx.msk [tilespmem:v59+s15+$0x0], $0xffff;
	_ =	sdelay $0x2  }
0x13b: {  	v60 =	vshrl.u32 v45, $0x10;
	v61 =	vshrl.u32 v46, $0x10  }
0x13c: {  	v48 =	vand.u32 $0x1, v60;
	v49 =	vand.u32 $0x1, v61  }
0x13d: {  	v62 =	vshrl.u32 v47, $0x10;
	v48 =	vadd.s32 v48, v45;
	v49 =	vadd.s32 v49, v46  }
0x13e: {  	v50 =	vand.u32 $0x1, v62;
	v48 =	vadd.s32 $0x7FFF, v48;
	v49 =	vadd.s32 $0x7FFF, v49  }
0x13f: {  	v50 =	vadd.s32 v50, v47;
	v48 =	vand.u32 $0xFFFF0000, v48;
	v49 =	vand.u32 $0xFFFF0000, v49  }
0x140: {  	v50 =	vadd.s32 $0x7FFF, v50;
	v63 =	vmul.f32 v48, v19;
	v56 =	vmul.f32 v49, v20  }
0x141: {  	v50 =	vand.u32 $0xFFFF0000, v50  }
0x142: {  	v57 =	vmul.f32 v50, v21;
	v51 =	vadd.f32 v56, v63;
	_ =	sdelay $0x1  }
0x143: {  	v51 =	vadd.f32 v57, v51;
	_ =	sdelay $0x1  }
0x144: {  	v51 =	vadd.f32 v51, v22;
	_ =	sdelay $0x1  }
0x145: {  	v51 =	vmax.f32 v51, $9.999999970e-07  }
0x146: {  	(erf) = vrcp.f32 v51  }
0x147: {  	v60 =	vmul.f32 v48, v26;
	v61 =	vmul.f32 v49, v27  }
0x148: {  	v58 =	vmul.f32 v48, v23;
	v59 =	vmul.f32 v49, v24  }
0x149: {  	v62 =	vmul.f32 v50, v25;
	v63 =	vmul.f32 v50, v28;
	v53 =	vadd.f32 v61, v60  }
0x14a: {  	v48 =	vmul.f32 v48, v29;
	v49 =	vmul.f32 v49, v31;
	v51 =	vadd.f32 v59, v58  }
0x14b: {  	v57 =	vadd.f32 v63, v53  }
0x14c: {  	v48 =	vadd.f32 v49, v48;
	v58 =	vmul.f32 v50, v32;
	v51 =	vadd.f32 v62, v51  }
0x14d: {  	v60 =	vadd.f32 v57, v33  }
0x14e: {  	v48 =	vadd.f32 v58, v48;
	v59 =	vadd.f32 v51, v30  }
0x14f: {  	v61 =	vpop (erf)  }
0x150: {  	v48 =	vadd.f32 v48, v34;
	v50 =	vmul.f32 v61, v59;
	v51 =	vmul.f32 v61, v60;
	_ =	sdelay $0x1  }
0x151: {  	v48 =	vmul.f32 v61, v48;
	v62 =	vshrl.u32 v50, $0x10;
	v63 =	vshrl.u32 v51, $0x10  }
0x152: {  	v49 =	vand.u32 $0x1, v62;
	v52 =	vand.u32 $0x1, v63  }
0x153: {  	v57 =	vshrl.u32 v48, $0x10;
	v49 =	vadd.s32 v49, v50;
	v56 =	vadd.s32 v52, v51  }
0x154: {  	v51 =	vand.u32 $0x1, v57;
	v49 =	vadd.s32 $0x7FFF, v49;
	v50 =	vadd.s32 $0x7FFF, v56  }
0x155: {  	v51 =	vadd.s32 v51, v48;
	v49 =	vand.u32 $0xFFFF0000, v49;
	v50 =	vand.u32 $0xFFFF0000, v50  }
0x156: {  	v51 =	vadd.s32 $0x7FFF, v51;
	v58 =	vmul.f32 v49, v35;
	v59 =	vmul.f32 v50, v36  }
0x157: {  	v51 =	vand.u32 $0xFFFF0000, v51  }
0x158: {  	v60 =	vmul.f32 v51, v37;
	v52 =	vadd.f32 v59, v58;
	_ =	sdelay $0x1  }
0x159: {  	v52 =	vadd.f32 v52, v60;
	_ =	sdelay $0x1  }
0x15a: {  	v52 =	vmax.f32 v52, $9.999999970e-07  }
0x15b: {  	(erf) = vrcp.f32 v52;
	_ =	sdelay $0x2  }
0x15c: {  	v61 =	vmul.f32 v49, v38;
	v62 =	vmul.f32 v50, v39  }
0x15d: {  	v49 =	vmul.f32 v49, v40;
	v50 =	vmul.f32 v50, v41  }
0x15e: {  	v63 =	vmul.f32 v51, v42  }
0x15f: {  	v54 =	vmul.f32 v51, v43;
	v49 =	vadd.f32 v50, v49;
	v52 =	vadd.f32 v62, v61;
	_ =	sdelay $0x1  }
0x160: {  	v49 =	vadd.f32 v49, v54;
	v55 =	vadd.f32 v52, v63  }
0x161: {  	v56 =	vpop (erf)  }
0x162: {  	v51 =	vmul.f32 v56, v55;
	v49 =	vmul.f32 v56, v49;
	_ =	sdelay $0x1  }
0x163: {  	v57 =	vmul.f32 v51, v17;
	v58 =	vmul.f32 v49, v18;
	_ =	sdelay $0x1  }
0x164: {  	v50 =	vadd.f32 v57, v57;
	v52 =	vadd.f32 v58, v58;
	_ =	sdelay $0x1  }
0x165: {  	v50 =	vadd.f32 $-1.000000000e+00, v50;
	v52 =	vadd.f32 $-1.000000000e+00, v52;
	_ =	sdelay $0x1  }
0x166: {  	v50 =	vadd.f32 $1.000000000e+00, v50;
	v52 =	vadd.f32 $1.000000000e+00, v52;
	_ =	sdelay $0x1  }
0x167: {  	v50 =	vmul.f32 $5.000000000e-01, v50;
	v52 =	vmul.f32 $5.000000000e-01, v52;
	_ =	sdelay $0x1  }
0x168: {  	v50 =	vmul.f32 $6.300000000e+01, v50;
	v52 =	vmul.f32 $6.300000000e+01, v52;
	_ =	sdelay $0x1  }
0x169: {  	v50 =	vmax.f32 v50, $-4.000000000e+00;
	v52 =	vmax.f32 v52, $-4.000000000e+00  }
0x16a: {  	v50 =	vmin.f32 v50, $6.800000000e+01;
	v52 =	vmin.f32 v52, $6.800000000e+01  }
0x16b: {  	v59 =	vtrunc.f32 v50;
	v60 =	vtrunc.f32 v52  }
0x16c: {  	v53 =	vcvt.f32.s32 v59;
	v54 =	vcvt.f32.s32 v60;
	_ =	sdelay $0x1  }
0x16d: {  	v53 =	vcvt.s32.f32 v53;
	v54 =	vcvt.s32.f32 v54  }
0x16e: {  	vm13 =	vgt.f32 v48, $1.000000010e-01;
	vm14 =	vge.f32 v51, $0.0e+00;
	vm15 =	vlt.f32 v51, v15  }
0x16f: {  	vm4 =	vge.f32 v49, $0.0e+00;
	vm11 =	vlt.f32 v50, v53;
	vm12 =	vlt.f32 v52, v54  }
0x170: {  	vm0 =	vmand vm13, vm14;
	v61 =	vsel vm11, $0x3F800000, v4;
	v62 =	vsel vm12, $0x3F800000, v4  }
0x171: {  	vm0 =	vmand vm15, vm0;
	v48 =	vsub.f32 v53, v61;
	v63 =	vsub.f32 v54, v62  }
0x172: {  	vm5 =	vlt.f32 v49, v16;
	vm0 =	vmand vm4, vm0  }
0x173: {  	vm0 =	vmand vm5, vm0;
	v50 =	vsub.f32 v50, v48;
	v51 =	vsub.f32 v52, v63  }
0x174: {  	v61 =	vadd.f32 $1.000000000e+00, v48;
	vm6 =	vge.f32 v48, $0.0e+00;
	vm7 =	vle.f32 v48, $6.300000000e+01  }
0x175: {  	v62 =	vmax.f32 v63, $0.0e+00;
	vm8 =	vge.f32 v63, $0.0e+00;
	v48 =	vmax.f32 v48, $0.0e+00  }
0x176: {  	vm10 =	vle.f32 v63, $6.300000000e+01;
	v53 =	vadd.f32 $1.000000000e+00, v63;
	vm1 =	vmand vm6, vm7  }
0x177: {  	v56 =	vmin.f32 v62, $6.300000000e+01;
	v48 =	vmin.f32 v48, $6.300000000e+01;
	v52 =	vsub.f32 $1.000000000e+00, v50  }
0x178: {  	v59 =	vsub.f32 $1.000000000e+00, v51;
	vm1 =	vmand vm0, vm1;
	v56 =	vtrunc.f32 v56  }
0x179: {  	v48 =	vtrunc.f32 v48;
	vm11 =	vge.f32 v61, $0.0e+00;
	vm12 =	vle.f32 v61, $6.300000000e+01  }
0x17a: {  	v55 =	vmax.f32 v61, $0.0e+00;
	v63 =	vmax.f32 v53, $0.0e+00;
	vm13 =	vge.f32 v53, $0.0e+00  }
0x17b: {  	vm14 =	vle.f32 v53, $6.300000000e+01;
	vm9 =	vmand vm8, vm1;
	v56 =	vcvt.f32.s32 v56  }
0x17c: {  	v48 =	vcvt.f32.s32 v48;
	v55 =	vmin.f32 v55, $6.300000000e+01;
	v57 =	vmin.f32 v63, $6.300000000e+01  }
0x17d: {  	vm1 =	vmand vm13, vm1;
	v60 =	vmul.f32 v59, v52;
	v54 =	vmul.f32 v59, v50  }
0x17e: {  	vm3 =	vmand vm10, vm9;
	v55 =	vtrunc.f32 v55;
	v57 =	vtrunc.f32 v57  }
0x17f: {  	v52 =	vmul.f32 v52, v51;
	v56 =	vshll.u32 v56, $0x6;
	v48 =	vadd.s32 v48, v44  }
0x180: {  	vm1 =	vmand vm14, vm1;
	v55 =	vcvt.f32.s32 v55;
	v58 =	vadd.s32 v56, v48  }
0x181: {  	v57 =	vcvt.f32.s32 v57;
	v49 =	vnsel vm3, $0x0, v60;
	vm3 =	vmand vm11, vm12;
	[tilespmem:$0x1A10] =	vst v58  }
0x182: {  	v62 =	vnsel vm1, $0x0, v52;
	vm3 =	vmand vm0, vm3;
	v55 =	vadd.s32 v55, v44;
	[tilespmem:$0x1B10] =	vst v49  }
0x183: {  	v61 =	vshll.u32 v57, $0x6;
	[tilespmem:$0x1B50] =	vst v62;
	vm2 =	vmand vm8, vm3;
	v60 =	vadd.s32 v56, v55  }
0x184: {  	v63 =	vadd.s32 $0x3190, v2;
	v48 =	vadd.s32 v61, v48;
	vm2 =	vmand vm10, vm2;
	[tilespmem:$0x1A30] =	vst v60  }
0x185: {  	v50 =	vmul.f32 v51, v50;
	vm15 =	vmand vm13, vm3;
	[tilespmem:$0x1A50] =	vst v48;
	v59 =	vnsel vm2, $0x0, v54  }
0x186: {  	vm1 =	vmand vm14, vm15;
	v54 =	vadd.s32 v61, v55;
	v55 =	vadd.s32 $0x3191, v2;
	[tilespmem:$0x1B30] =	vst v59  }
0x187: {  	v56 =	vadd.s32 $0x3192, v2;
	v50 =	vnsel vm1, $0x0, v50;
	[tilespmem:$0x1A70] =	vst v54  }
0x188: {  	v57 =	vsel vm0, $0x1, v5;
	[tilespmem:$0x1B70] =	vst v50  }
0x189: {  	[tilespmem:s12+$0xDCB0] =	vst v57  }
0x18a: {  	[tilespmem:v63+s16+$0x0] =	vst.idx.msk $0xffff, v45  }
0x18b: {  	[tilespmem:v55+s16+$0x0] =	vst.idx.msk $0xffff, v46  }
0x18c: {  	[tilespmem:v56+s16+$0x0] =	vst.idx.msk $0xffff, v47  }
0x18d: {  	v45 =	vimm.s32 $0x0;
	[tilespmem:s20], [sflag:$0x2] =	stream.indirect.gather [hbm4b:s4+s14], $0x80, s19, s14, $0xb8;
	[tilespmem:$0xE480] =	vst v63  }
0x18e: {  	_ =	swait.ge [sflag:s21], $0x4000  }
0x18f: {  	v58 =	vadd.s32 $0x20, v45;
	[sflag:s21] =	ssyncset.done $0x0  }
0x190: {  	s8 =	simm.s32 $0x3B80;
	[sflag:s21] =	ssyncadd.s32 $0xFFFFC000  }
0x191: {  	v59 =	vadd.s32 $0x40, v45;
	v60 =	vld [tilespmem:s8+$0xFFFFE000]  }
0x192: {  	v47 =	vld.idx.msk [tilespmem:v45+s22+$0x0], $0xffff  }
0x193: {  	v61 =	vadd.s32 $0x60, v45;
	v62 =	vld [tilespmem:s8+$0xFFFFF000]  }
0x194: {  	v49 =	vld.idx.msk [tilespmem:v58+s22+$0x0], $0xffff  }
0x195: {  	v63 =	vld [tilespmem:s8+$0x0]  }
0x196: {  	v48 =	vld.idx.msk [tilespmem:v59+s22+$0x0], $0xffff  }
0x197: {  	v54 =	vld [tilespmem:s8+$0x1000]  }
0x198: {  	v46 =	vld.idx.msk [tilespmem:v61+s22+$0x0], $0xffff;
	v58 =	vand.u32 $0xFFFF0000, v60;
	v59 =	vand.u32 $0xFFFF0000, v62;
	v50 =	vshll.u32 v60, $0x10  }
0x199: {  	v52 =	vshll.u32 v62, $0x10;
	v51 =	vmul.f32 v58, v47;
	v55 =	vmul.f32 v59, v49  }
0x19a: {  	v60 =	vand.u32 $0xFFFF0000, v63;
	v52 =	vmul.f32 v52, v49;
	v50 =	vmul.f32 v50, v47  }
0x19b: {  	v53 =	vshll.u32 v63, $0x10;
	v61 =	vmul.f32 v60, v48;
	v51 =	vadd.f32 v55, v51  }
0x19c: {  	v62 =	vand.u32 $0xFFFF0000, v54;
	v63 =	vmul.f32 v53, v48;
	v50 =	vadd.f32 v52, v50  }
0x19d: {  	v57 =	vshll.u32 v54, $0x10;
	v58 =	vmul.f32 v62, v46;
	v51 =	vadd.f32 v61, v51  }
0x19e: {  	v59 =	vmul.f32 v57, v46;
	v50 =	vadd.f32 v63, v50  }
0x19f: {  	v51 =	vadd.f32 v58, v51  }
0x1a0: {  	s11 =	simm.s32 $0x9C10;
	v50 =	vadd.f32 v59, v50  }
0x1a1: {  	[tilespmem:s11+$0xFFFFFF80] =	vst v51  }
0x1a2: {  	[tilespmem:s11+$0xFFFFFF70] =	vst v50  }
0x1a3: {  	v50 =	vld [tilespmem:s8+$0xFFFFE010]  }
0x1a4: {  	v51 =	vld [tilespmem:s8+$0xFFFFF010];
	_ =	sdelay $0x1  }
0x1a5: {  	v52 =	vld [tilespmem:s8+$0x10];
	_ =	sdelay $0x1  }
0x1a6: {  	v60 =	vld [tilespmem:s8+$0x1010]  }
0x1a7: {  	v61 =	vshll.u32 v50, $0x10;
	v50 =	vand.u32 $0xFFFF0000, v50;
	v62 =	vshll.u32 v51, $0x10  }
0x1a8: {  	v51 =	vand.u32 $0xFFFF0000, v51;
	v54 =	vmul.f32 v61, v47;
	v55 =	vmul.f32 v62, v49  }
0x1a9: {  	v63 =	vshll.u32 v52, $0x10;
	v51 =	vmul.f32 v51, v49;
	v50 =	vmul.f32 v50, v47  }
0x1aa: {  	v52 =	vand.u32 $0xFFFF0000, v52;
	v56 =	vmul.f32 v63, v48;
	v54 =	vadd.f32 v55, v54  }
0x1ab: {  	v58 =	vshll.u32 v60, $0x10;
	v52 =	vmul.f32 v52, v48;
	v50 =	vadd.f32 v51, v50  }
0x1ac: {  	v53 =	vand.u32 $0xFFFF0000, v60;
	v59 =	vmul.f32 v58, v46;
	v54 =	vadd.f32 v56, v54  }
0x1ad: {  	v53 =	vmul.f32 v53, v46;
	v50 =	vadd.f32 v52, v50  }
0x1ae: {  	v51 =	vadd.f32 v59, v54  }
0x1af: {  	v50 =	vadd.f32 v53, v50  }
0x1b0: {  	[tilespmem:s11+$0xFFFFFF90] =	vst v51  }
0x1b1: {  	[tilespmem:s11+$0xFFFFFFA0] =	vst v50  }
0x1b2: {  	v50 =	vld [tilespmem:s8+$0xFFFFE020]  }
0x1b3: {  	v51 =	vld [tilespmem:s8+$0xFFFFF020];
	_ =	sdelay $0x1  }
0x1b4: {  	v60 =	vld [tilespmem:s8+$0x20];
	_ =	sdelay $0x1  }
0x1b5: {  	v53 =	vld [tilespmem:s8+$0x1020]  }
0x1b6: {  	v61 =	vshll.u32 v50, $0x10;
	v50 =	vand.u32 $0xFFFF0000, v50;
	v62 =	vshll.u32 v51, $0x10  }
0x1b7: {  	v51 =	vand.u32 $0xFFFF0000, v51;
	v54 =	vmul.f32 v61, v47;
	v55 =	vmul.f32 v62, v49  }
0x1b8: {  	v63 =	vshll.u32 v60, $0x10;
	v51 =	vmul.f32 v51, v49;
	v50 =	vmul.f32 v50, v47  }
0x1b9: {  	v52 =	vand.u32 $0xFFFF0000, v60;
	v56 =	vmul.f32 v63, v48;
	v54 =	vadd.f32 v55, v54  }
0x1ba: {  	v59 =	vshll.u32 v53, $0x10;
	v60 =	vmul.f32 v52, v48;
	v50 =	vadd.f32 v51, v50  }
0x1bb: {  	v53 =	vand.u32 $0xFFFF0000, v53;
	v61 =	vmul.f32 v59, v46;
	v54 =	vadd.f32 v56, v54  }
0x1bc: {  	v53 =	vmul.f32 v53, v46;
	v50 =	vadd.f32 v60, v50  }
0x1bd: {  	v62 =	vadd.f32 v61, v54  }
0x1be: {  	v50 =	vadd.f32 v53, v50  }
0x1bf: {  	[tilespmem:s11+$0xFFFFFFB0] =	vst v62  }
0x1c0: {  	[tilespmem:s11+$0xFFFFFFC0] =	vst v50  }
0x1c1: {  	v50 =	vld [tilespmem:s8+$0xFFFFE030]  }
0x1c2: {  	v51 =	vld [tilespmem:s8+$0xFFFFF030];
	_ =	sdelay $0x1  }
0x1c3: {  	v63 =	vld [tilespmem:s8+$0x30];
	_ =	sdelay $0x1  }
0x1c4: {  	v53 =	vld [tilespmem:s8+$0x1030]  }
0x1c5: {  	v60 =	vshll.u32 v50, $0x10;
	v50 =	vand.u32 $0xFFFF0000, v50;
	v61 =	vshll.u32 v51, $0x10  }
0x1c6: {  	v51 =	vand.u32 $0xFFFF0000, v51;
	v54 =	vmul.f32 v60, v47;
	v55 =	vmul.f32 v61, v49  }
0x1c7: {  	v62 =	vshll.u32 v63, $0x10;
	v51 =	vmul.f32 v51, v49;
	v50 =	vmul.f32 v50, v47  }
0x1c8: {  	v52 =	vand.u32 $0xFFFF0000, v63;
	v56 =	vmul.f32 v62, v48;
	v54 =	vadd.f32 v55, v54  }
0x1c9: {  	v63 =	vshll.u32 v53, $0x10;
	v57 =	vmul.f32 v52, v48;
	v50 =	vadd.f32 v51, v50  }
0x1ca: {  	v58 =	vand.u32 $0xFFFF0000, v53;
	v60 =	vmul.f32 v63, v46;
	v59 =	vadd.f32 v56, v54  }
0x1cb: {  	v52 =	vmul.f32 v58, v46;
	v50 =	vadd.f32 v57, v50  }
0x1cc: {  	v61 =	vadd.f32 v60, v59  }
0x1cd: {  	v50 =	vadd.f32 v52, v50  }
0x1ce: {  	[tilespmem:s11+$0xFFFFFFD0] =	vst v61  }
0x1cf: {  	[tilespmem:s11+$0xFFFFFFE0] =	vst v50  }
0x1d0: {  	v50 =	vld [tilespmem:s8+$0xFFFFE040]  }
0x1d1: {  	v51 =	vld [tilespmem:s8+$0xFFFFF040];
	_ =	sdelay $0x1  }
0x1d2: {  	v62 =	vld [tilespmem:s8+$0x40];
	_ =	sdelay $0x1  }
0x1d3: {  	v63 =	vld [tilespmem:s8+$0x1040]  }
0x1d4: {  	v58 =	vshll.u32 v50, $0x10;
	v50 =	vand.u32 $0xFFFF0000, v50;
	v59 =	vshll.u32 v51, $0x10  }
0x1d5: {  	v51 =	vand.u32 $0xFFFF0000, v51;
	v54 =	vmul.f32 v58, v47;
	v55 =	vmul.f32 v59, v49  }
0x1d6: {  	v60 =	vshll.u32 v62, $0x10;
	v50 =	vmul.f32 v50, v47;
	v51 =	vmul.f32 v51, v49  }
0x1d7: {  	v52 =	vand.u32 $0xFFFF0000, v62;
	v61 =	vmul.f32 v60, v48;
	v54 =	vadd.f32 v55, v54  }
0x1d8: {  	v62 =	vshll.u32 v63, $0x10;
	v52 =	vmul.f32 v52, v48;
	v50 =	vadd.f32 v51, v50  }
0x1d9: {  	v63 =	vand.u32 $0xFFFF0000, v63;
	v58 =	vmul.f32 v62, v46;
	v57 =	vadd.f32 v61, v54  }
0x1da: {  	v51 =	vmul.f32 v63, v46;
	v50 =	vadd.f32 v52, v50  }
0x1db: {  	s30 =	sand.u32 $0x3FFFFF80, s29;
	v59 =	vadd.f32 v58, v57  }
0x1dc: {  	s1 =	sadd.s32 $0x9C00, s30;
	v50 =	vadd.f32 v51, v50  }
0x1dd: {  	[tilespmem:s1+$0x0] =	vst v59  }
0x1de: {  	[tilespmem:s11+$0x0] =	vst v50  }
0x1df: {  	v50 =	vld [tilespmem:s8+$0xFFFFE050]  }
0x1e0: {  	v60 =	vld [tilespmem:s8+$0xFFFFF050];
	_ =	sdelay $0x1  }
0x1e1: {  	v52 =	vld [tilespmem:s8+$0x50];
	_ =	sdelay $0x1  }
0x1e2: {  	v53 =	vld [tilespmem:s8+$0x1050]  }
0x1e3: {  	v61 =	vshll.u32 v50, $0x10;
	v50 =	vand.u32 $0xFFFF0000, v50;
	v62 =	vand.u32 $0xFFFF0000, v60  }
0x1e4: {  	v51 =	vshll.u32 v60, $0x10;
	v50 =	vmul.f32 v50, v47;
	v55 =	vmul.f32 v62, v49  }
0x1e5: {  	v63 =	vand.u32 $0xFFFF0000, v52;
	v54 =	vmul.f32 v61, v47;
	v51 =	vmul.f32 v51, v49  }
0x1e6: {  	v52 =	vshll.u32 v52, $0x10;
	v56 =	vmul.f32 v63, v48;
	v50 =	vadd.f32 v55, v50  }
0x1e7: {  	v59 =	vand.u32 $0xFFFF0000, v53;
	v52 =	vmul.f32 v52, v48;
	v51 =	vadd.f32 v51, v54  }
0x1e8: {  	v53 =	vshll.u32 v53, $0x10;
	v60 =	vmul.f32 v59, v46;
	v50 =	vadd.f32 v56, v50  }
0x1e9: {  	v61 =	vmul.f32 v53, v46;
	v51 =	vadd.f32 v52, v51  }
0x1ea: {  	v50 =	vadd.f32 v60, v50  }
0x1eb: {  	v51 =	vadd.f32 v61, v51  }
0x1ec: {  	[tilespmem:s11+$0x20] =	vst v50  }
0x1ed: {  	[tilespmem:s11+$0x10] =	vst v51  }
0x1ee: {  	v50 =	vld [tilespmem:s8+$0xFFFFE060]  }
0x1ef: {  	v51 =	vld [tilespmem:s8+$0xFFFFF060];
	_ =	sdelay $0x1  }
0x1f0: {  	v62 =	vld [tilespmem:s8+$0x60];
	_ =	sdelay $0x1  }
0x1f1: {  	v63 =	vld [tilespmem:s8+$0x1060]  }
0x1f2: {  	v58 =	vshll.u32 v50, $0x10;
	v50 =	vand.u32 $0xFFFF0000, v50;
	v59 =	vshll.u32 v51, $0x10  }
0x1f3: {  	v51 =	vand.u32 $0xFFFF0000, v51;
	v54 =	vmul.f32 v58, v47;
	v55 =	vmul.f32 v59, v49  }
0x1f4: {  	v60 =	vshll.u32 v62, $0x10;
	v52 =	vand.u32 $0xFFFF0000, v62;
	v51 =	vmul.f32 v51, v49  }
0x1f5: {  	v56 =	vmul.f32 v60, v48;
	v50 =	vmul.f32 v50, v47;
	v54 =	vadd.f32 v55, v54  }
0x1f6: {  	v61 =	vshll.u32 v63, $0x10;
	v52 =	vmul.f32 v52, v48  }
0x1f7: {  	v55 =	vmul.f32 v61, v46;
	v50 =	vadd.f32 v51, v50;
	v54 =	vadd.f32 v56, v54  }
0x1f8: {  	v62 =	vand.u32 $0xFFFF0000, v63  }
0x1f9: {  	v51 =	vmul.f32 v62, v46;
	v50 =	vadd.f32 v52, v50;
	v63 =	vadd.f32 v55, v54  }
0x1fa: {  	s25 =	simm.s32 $0x103  }
0x1fb: {  	s26 =	simm.s32 $0x9C10;
	s6 =	simm.s32 $0x3B80;
	s1 =	simm.s32 $0x9C00;
	v50 =	vadd.f32 v51, v50;
	[tilespmem:s11+$0x30] =	vst v63  }
.LBB2_4:
0x1fc: {  	v45 =	vadd.s32 $0x1, v45;
	s1 =	sadd.s32 $0x3, s1;
	s8 =	sadd.s32 $0x80, s8;
	s11 =	sadd.s32 $0x103, s11  }
0x1fd: {  	p0 =	sne.s32 s25, $0x1F5D;
	s7 =	smov.u32 s25;
	s25 =	sadd.s32 $0x103, s25;
	[tilespmem:s26+$0x40] =	vst v50  }
0x1fe: {  	v50 =	vld [tilespmem:s6+$0xFFFFE070]  }
0x1ff: {  	v51 =	vld [tilespmem:s6+$0xFFFFF070]  }
0x200: {  	v52 =	vld [tilespmem:s6+$0x70]  }
0x201: {  	v53 =	vld [tilespmem:s6+$0x1070];
	s6 =	smov.u32 s8;
	_ =	sdelay $0x1  }
0x202: {  	v54 =	vshll.u32 v50, $0x10;
	v50 =	vand.u32 $0xFFFF0000, v50  }
0x203: {  	v55 =	vshll.u32 v51, $0x10;
	v51 =	vand.u32 $0xFFFF0000, v51;
	v50 =	vmul.f32 v50, v47  }
0x204: {  	v56 =	vand.u32 $0xFFFF0000, v52;
	v55 =	vmul.f32 v55, v49;
	v49 =	vmul.f32 v51, v49  }
0x205: {  	v47 =	vmul.f32 v54, v47;
	v51 =	vshll.u32 v52, $0x10;
	v52 =	vmul.f32 v56, v48  }
0x206: {  	v54 =	vand.u32 $0xFFFF0000, v53;
	v48 =	vmul.f32 v51, v48;
	v49 =	vadd.f32 v49, v50  }
0x207: {  	v50 =	vshll.u32 v53, $0x10;
	v47 =	vadd.f32 v55, v47;
	v51 =	vmul.f32 v54, v46  }
0x208: {  	v46 =	vmul.f32 v50, v46;
	v49 =	vadd.f32 v52, v49  }
0x209: {  	v47 =	vadd.f32 v48, v47  }
0x20a: {  	v48 =	vadd.f32 v51, v49  }
0x20b: {  	v46 =	vadd.f32 v46, v47  }
0x20c: {  	v49 =	vadd.s32 $0x20, v45;
	[tilespmem:s26+$0x60] =	vst v48  }
0x20d: {  	[tilespmem:s26+$0x50] =	vst v46;
	s26 =	smov.u32 s11  }
0x20e: {  	v46 =	vadd.s32 $0x40, v45;
	v50 =	vld [tilespmem:s8+$0xFFFFE000]  }
0x20f: {  	v47 =	vld.idx.msk [tilespmem:v45+s22+$0x0], $0xffff  }
0x210: {  	v51 =	vadd.s32 $0x60, v45;
	v52 =	vld [tilespmem:s8+$0xFFFFF000]  }
0x211: {  	v49 =	vld.idx.msk [tilespmem:v49+s22+$0x0], $0xffff  }
0x212: {  	v53 =	vld [tilespmem:s8+$0x0]  }
0x213: {  	v48 =	vld.idx.msk [tilespmem:v46+s22+$0x0], $0xffff  }
0x214: {  	v54 =	vld [tilespmem:s8+$0x1000]  }
0x215: {  	v46 =	vld.idx.msk [tilespmem:v51+s22+$0x0], $0xffff;
	v51 =	vand.u32 $0xFFFF0000, v50;
	v55 =	vand.u32 $0xFFFF0000, v52  }
0x216: {  	v50 =	vshll.u32 v50, $0x10;
	v52 =	vshll.u32 v52, $0x10;
	v51 =	vmul.f32 v51, v47  }
0x217: {  	v52 =	vmul.f32 v52, v49;
	v55 =	vmul.f32 v55, v49;
	v56 =	vshll.u32 v53, $0x10  }
0x218: {  	v50 =	vmul.f32 v50, v47;
	v53 =	vand.u32 $0xFFFF0000, v53  }
0x219: {  	v51 =	vadd.f32 v55, v51;
	v53 =	vmul.f32 v53, v48  }
0x21a: {  	v50 =	vadd.f32 v52, v50;
	v52 =	vmul.f32 v56, v48;
	v55 =	vand.u32 $0xFFFF0000, v54  }
0x21b: {  	v54 =	vshll.u32 v54, $0x10;
	v51 =	vadd.f32 v53, v51;
	v53 =	vmul.f32 v55, v46  }
0x21c: {  	v50 =	vadd.f32 v52, v50;
	v52 =	vmul.f32 v54, v46  }
0x21d: {  	v51 =	vadd.f32 v53, v51  }
0x21e: {  	v50 =	vadd.f32 v52, v50  }
0x21f: {  	[tilespmem:s11+$0xFFFFFF80] =	vst v51  }
0x220: {  	[tilespmem:s11+$0xFFFFFF70] =	vst v50  }
0x221: {  	v50 =	vld [tilespmem:s8+$0xFFFFE010]  }
0x222: {  	v51 =	vld [tilespmem:s8+$0xFFFFF010]  }
0x223: {  	v52 =	vld [tilespmem:s8+$0x10]  }
0x224: {  	v53 =	vld [tilespmem:s8+$0x1010];
	_ =	sdelay $0x1  }
0x225: {  	v54 =	vshll.u32 v50, $0x10;
	v50 =	vand.u32 $0xFFFF0000, v50  }
0x226: {  	v55 =	vshll.u32 v51, $0x10;
	v51 =	vand.u32 $0xFFFF0000, v51;
	v54 =	vmul.f32 v54, v47  }
0x227: {  	v56 =	vshll.u32 v52, $0x10;
	v55 =	vmul.f32 v55, v49;
	v51 =	vmul.f32 v51, v49  }
0x228: {  	v52 =	vand.u32 $0xFFFF0000, v52;
	v57 =	vshll.u32 v53, $0x10;
	v56 =	vmul.f32 v56, v48  }
0x229: {  	v52 =	vmul.f32 v52, v48;
	v54 =	vadd.f32 v55, v54;
	v55 =	vmul.f32 v57, v46  }
0x22a: {  	v53 =	vand.u32 $0xFFFF0000, v53  }
0x22b: {  	v50 =	vmul.f32 v50, v47;
	v53 =	vmul.f32 v53, v46;
	v54 =	vadd.f32 v56, v54;
	_ =	sdelay $0x1  }
0x22c: {  	v50 =	vadd.f32 v51, v50;
	v54 =	vadd.f32 v55, v54;
	_ =	sdelay $0x1  }
0x22d: {  	v50 =	vadd.f32 v52, v50;
	[tilespmem:s11+$0xFFFFFF90] =	vst v54;
	_ =	sdelay $0x1  }
0x22e: {  	v50 =	vadd.f32 v53, v50;
	_ =	sdelay $0x1  }
0x22f: {  	[tilespmem:s11+$0xFFFFFFA0] =	vst v50  }
0x230: {  	v50 =	vld [tilespmem:s8+$0xFFFFE020]  }
0x231: {  	v51 =	vld [tilespmem:s8+$0xFFFFF020]  }
0x232: {  	v52 =	vld [tilespmem:s8+$0x20]  }
0x233: {  	v53 =	vld [tilespmem:s8+$0x1020];
	_ =	sdelay $0x1  }
0x234: {  	v54 =	vshll.u32 v50, $0x10;
	v50 =	vand.u32 $0xFFFF0000, v50  }
0x235: {  	v55 =	vshll.u32 v51, $0x10;
	v51 =	vand.u32 $0xFFFF0000, v51;
	v54 =	vmul.f32 v54, v47  }
0x236: {  	v56 =	vshll.u32 v52, $0x10;
	v55 =	vmul.f32 v55, v49;
	v51 =	vmul.f32 v51, v49  }
0x237: {  	v50 =	vmul.f32 v50, v47;
	v57 =	vshll.u32 v53, $0x10;
	v56 =	vmul.f32 v56, v48  }
0x238: {  	v52 =	vand.u32 $0xFFFF0000, v52;
	v54 =	vadd.f32 v55, v54;
	v55 =	vmul.f32 v57, v46  }
0x239: {  	v53 =	vand.u32 $0xFFFF0000, v53;
	v50 =	vadd.f32 v51, v50;
	v51 =	vmul.f32 v52, v48  }
0x23a: {  	v53 =	vmul.f32 v53, v46;
	v52 =	vadd.f32 v56, v54  }
0x23b: {  	v50 =	vadd.f32 v51, v50  }
0x23c: {  	v51 =	vadd.f32 v55, v52  }
0x23d: {  	v50 =	vadd.f32 v53, v50  }
0x23e: {  	[tilespmem:s11+$0xFFFFFFB0] =	vst v51  }
0x23f: {  	[tilespmem:s11+$0xFFFFFFC0] =	vst v50  }
0x240: {  	v50 =	vld [tilespmem:s8+$0xFFFFE030]  }
0x241: {  	v51 =	vld [tilespmem:s8+$0xFFFFF030]  }
0x242: {  	v52 =	vld [tilespmem:s8+$0x30]  }
0x243: {  	v53 =	vld [tilespmem:s8+$0x1030];
	_ =	sdelay $0x1  }
0x244: {  	v54 =	vshll.u32 v50, $0x10;
	v50 =	vand.u32 $0xFFFF0000, v50  }
0x245: {  	v55 =	vshll.u32 v51, $0x10;
	v51 =	vand.u32 $0xFFFF0000, v51;
	v54 =	vmul.f32 v54, v47  }
0x246: {  	v56 =	vshll.u32 v52, $0x10;
	v55 =	vmul.f32 v55, v49;
	v51 =	vmul.f32 v51, v49  }
0x247: {  	v50 =	vmul.f32 v50, v47;
	v57 =	vand.u32 $0xFFFF0000, v53;
	v56 =	vmul.f32 v56, v48  }
0x248: {  	v52 =	vand.u32 $0xFFFF0000, v52;
	v53 =	vshll.u32 v53, $0x10;
	v54 =	vadd.f32 v55, v54  }
0x249: {  	v50 =	vadd.f32 v51, v50;
	v51 =	vmul.f32 v52, v48;
	v52 =	vmul.f32 v57, v46  }
0x24a: {  	v53 =	vmul.f32 v53, v46;
	v54 =	vadd.f32 v56, v54  }
0x24b: {  	v50 =	vadd.f32 v51, v50  }
0x24c: {  	v51 =	vadd.f32 v53, v54  }
0x24d: {  	v50 =	vadd.f32 v52, v50  }
0x24e: {  	[tilespmem:s11+$0xFFFFFFD0] =	vst v51  }
0x24f: {  	[tilespmem:s11+$0xFFFFFFE0] =	vst v50  }
0x250: {  	v50 =	vld [tilespmem:s8+$0xFFFFE040]  }
0x251: {  	v51 =	vld [tilespmem:s8+$0xFFFFF040]  }
0x252: {  	v52 =	vld [tilespmem:s8+$0x40]  }
0x253: {  	v53 =	vld [tilespmem:s8+$0x1040];
	_ =	sdelay $0x1  }
0x254: {  	v54 =	vshll.u32 v50, $0x10;
	v50 =	vand.u32 $0xFFFF0000, v50  }
0x255: {  	v55 =	vshll.u32 v51, $0x10;
	v54 =	vmul.f32 v54, v47;
	v50 =	vmul.f32 v50, v47  }
0x256: {  	v51 =	vand.u32 $0xFFFF0000, v51;
	v56 =	vand.u32 $0xFFFF0000, v52;
	v55 =	vmul.f32 v55, v49  }
0x257: {  	v52 =	vshll.u32 v52, $0x10;
	v51 =	vmul.f32 v51, v49;
	v56 =	vmul.f32 v56, v48  }
0x258: {  	v57 =	vand.u32 $0xFFFF0000, v53;
	v52 =	vmul.f32 v52, v48;
	v54 =	vadd.f32 v55, v54  }
0x259: {  	v53 =	vshll.u32 v53, $0x10;
	v50 =	vadd.f32 v51, v50;
	v51 =	vmul.f32 v57, v46  }
0x25a: {  	v53 =	vmul.f32 v53, v46;
	v52 =	vadd.f32 v52, v54  }
0x25b: {  	v50 =	vadd.f32 v56, v50  }
0x25c: {  	s7 =	sand.u32 $0x3FFFFF80, s7;
	v52 =	vadd.f32 v53, v52  }
0x25d: {  	s7 =	sadd.s32 s7, s1;
	v50 =	vadd.f32 v51, v50  }
0x25e: {  	[tilespmem:s7+$0x0] =	vst v52  }
0x25f: {  	[tilespmem:s11+$0x0] =	vst v50  }
0x260: {  	v50 =	vld [tilespmem:s8+$0xFFFFE050]  }
0x261: {  	v51 =	vld [tilespmem:s8+$0xFFFFF050]  }
0x262: {  	v52 =	vld [tilespmem:s8+$0x50]  }
0x263: {  	v53 =	vld [tilespmem:s8+$0x1050];
	_ =	sdelay $0x1  }
0x264: {  	v54 =	vshll.u32 v50, $0x10;
	v50 =	vand.u32 $0xFFFF0000, v50  }
0x265: {  	v55 =	vand.u32 $0xFFFF0000, v51;
	v54 =	vmul.f32 v54, v47;
	v50 =	vmul.f32 v50, v47  }
0x266: {  	v51 =	vshll.u32 v51, $0x10;
	v56 =	vand.u32 $0xFFFF0000, v52;
	v55 =	vmul.f32 v55, v49  }
0x267: {  	v51 =	vmul.f32 v51, v49;
	v57 =	vand.u32 $0xFFFF0000, v53;
	v56 =	vmul.f32 v56, v48  }
0x268: {  	v52 =	vshll.u32 v52, $0x10;
	v50 =	vadd.f32 v55, v50;
	v55 =	vmul.f32 v57, v46  }
0x269: {  	v52 =	vmul.f32 v52, v48;
	v51 =	vadd.f32 v51, v54  }
0x26a: {  	v53 =	vshll.u32 v53, $0x10;
	v50 =	vadd.f32 v56, v50  }
0x26b: {  	v51 =	vadd.f32 v52, v51;
	v52 =	vmul.f32 v53, v46  }
0x26c: {  	v50 =	vadd.f32 v55, v50  }
0x26d: {  	v51 =	vadd.f32 v52, v51  }
0x26e: {  	[tilespmem:s11+$0x20] =	vst v50  }
0x26f: {  	[tilespmem:s11+$0x10] =	vst v51  }
0x270: {  	v50 =	vld [tilespmem:s8+$0xFFFFE060]  }
0x271: {  	v51 =	vld [tilespmem:s8+$0xFFFFF060]  }
0x272: {  	v52 =	vld [tilespmem:s8+$0x60]  }
0x273: {  	v53 =	vld [tilespmem:s8+$0x1060];
	_ =	sdelay $0x1  }
0x274: {  	v54 =	vshll.u32 v50, $0x10;
	v50 =	vand.u32 $0xFFFF0000, v50  }
0x275: {  	v55 =	vshll.u32 v51, $0x10;
	v51 =	vand.u32 $0xFFFF0000, v51;
	v54 =	vmul.f32 v54, v47  }
0x276: {  	v56 =	vshll.u32 v52, $0x10;
	v55 =	vmul.f32 v55, v49;
	v51 =	vmul.f32 v51, v49  }
0x277: {  	v52 =	vand.u32 $0xFFFF0000, v52;
	v57 =	vshll.u32 v53, $0x10;
	v56 =	vmul.f32 v56, v48  }
0x278: {  	v50 =	vmul.f32 v50, v47;
	v52 =	vmul.f32 v52, v48;
	v54 =	vadd.f32 v55, v54  }
0x279: {  	v53 =	vand.u32 $0xFFFF0000, v53;
	v55 =	vmul.f32 v57, v46  }
.Ltmp0:
0x27a: {  	v50 =	vadd.f32 v51, v50;
	v51 =	vmul.f32 v53, v46;
	v54 =	vadd.f32 v56, v54;
	(pc) =	sbr.rel @p0 .LBB2_4-.Ltmp0, $3  }
0x27b: {  	_ = 	snop  }
0x27c: {  	v50 =	vadd.f32 v52, v50;
	v53 =	vadd.f32 v55, v54;
	_ =	sdelay $0x1  }
0x27d: {  	v50 =	vadd.f32 v51, v50;
	[tilespmem:s11+$0x30] =	vst v53  }
0x27e: {  	_ = 	snop  }
0x27f: {  	[tilespmem:s26+$0x40] =	vst v50  }
0x280: {  	v45 =	vld [tilespmem:s6+$0xFFFFE070]  }
0x281: {  	v50 =	vld [tilespmem:s6+$0xFFFFF070];
	_ =	sdelay $0x1  }
0x282: {  	v51 =	vld [tilespmem:s6+$0x70];
	_ =	sdelay $0x1  }
0x283: {  	v52 =	vld [tilespmem:s6+$0x1070]  }
0x284: {  	v53 =	vshll.u32 v45, $0x10;
	v45 =	vand.u32 $0xFFFF0000, v45;
	v54 =	vand.u32 $0xFFFF0000, v50  }
0x285: {  	v50 =	vshll.u32 v50, $0x10;
	v45 =	vmul.f32 v45, v47;
	v54 =	vmul.f32 v54, v49  }
0x286: {  	v55 =	vand.u32 $0xFFFF0000, v51;
	v63 =	vmul.f32 v50, v49;
	v56 =	vmul.f32 v53, v47  }
0x287: {  	v57 =	vshll.u32 v51, $0x10;
	v58 =	vmul.f32 v55, v48;
	v45 =	vadd.f32 v54, v45  }
0x288: {  	v59 =	vand.u32 $0xFFFF0000, v52;
	v60 =	vmul.f32 v57, v48;
	v47 =	vadd.f32 v63, v56  }
0x289: {  	s1 =	sor.u32 s12, s10;
	v61 =	vshll.u32 v52, $0x10;
	v62 =	vmul.f32 v59, v46;
	v45 =	vadd.f32 v58, v45  }
0x28a: {  	s1 =	sadd.s32 s31, s1;
	v63 =	vmul.f32 v61, v46;
	v47 =	vadd.f32 v60, v47  }
0x28b: {  	s1 =	smul.u32 $0x103, s1;
	v45 =	vadd.f32 v62, v45  }
0x28c: {  	v46 =	vadd.f32 v63, v47  }
0x28d: {  	p0 =	seq.s32 s0, $0x1F;
	s1 =	sshrl.u32 s1, $0x3;
	[tilespmem:s26+$0x60] =	vst v45  }
.Ltmp1:
0x28e: {  	s1 =	sadd.s32 s2, s1;
	[tilespmem:s26+$0x50] =	vst v46;
	(pc) =	sbr.rel @p0 .LBB2_7-.Ltmp1, $4  }
0x28f: {  	[hbm4b:s1+s3] =	stream.linear.scatter [tilespmem:s16], [sflag:$0x3], $0x2060, $0x38;
	[tilespmem:$0xE480] =	vst v63  }
0x290: {  	_ =	swait.ge [sflag:s13], $0x2060  }
0x291: {  	[sflag:s13] =	ssyncset.done $0x0  }
0x292: {  	[sflag:s13] =	ssyncadd.s32 $0xFFFFDFA0  }
0x293: {  	s1 =	sadd.s32 $0x40, s12  }
0x294: {  	v45 =	vmov s1  }
0x295: {  	v45 =	vmul.u32 $0x3, v45;
	_ =	sdelay $0x1  }
0x296: {  	v45 =	vbroadcast v45, $0x0;
	_ =	sdelay $0x1  }
0x297: {  	v46 =	vor.u32 v0, v45  }
0x298: {  	v47 =	vor.u32 v1, v45;
	_ =	sdelay $0x1  }
0x299: {  	v45 =	vor.u32 v3, v45;
	_ =	sdelay $0x1  }
0x29a: {  	v46 =	vld.idx.msk [tilespmem:v46+s15+$0x0], $0xffff  }
0x29b: {  	v47 =	vld.idx.msk [tilespmem:v47+s15+$0x0], $0xffff;
	_ =	sdelay $0x1  }
0x29c: {  	v45 =	vld.idx.msk [tilespmem:v45+s15+$0x0], $0xffff;
	_ =	sdelay $0x2  }
0x29d: {  	v48 =	vshrl.u32 v46, $0x10;
	v49 =	vshrl.u32 v47, $0x10  }
0x29e: {  	v48 =	vand.u32 $0x1, v48;
	v49 =	vand.u32 $0x1, v49  }
0x29f: {  	v50 =	vshrl.u32 v45, $0x10;
	v48 =	vadd.s32 v48, v46;
	v49 =	vadd.s32 v49, v47  }
0x2a0: {  	v50 =	vand.u32 $0x1, v50;
	v48 =	vadd.s32 $0x7FFF, v48;
	v49 =	vadd.s32 $0x7FFF, v49  }
0x2a1: {  	v50 =	vadd.s32 v50, v45;
	v48 =	vand.u32 $0xFFFF0000, v48;
	v49 =	vand.u32 $0xFFFF0000, v49  }
0x2a2: {  	v50 =	vadd.s32 $0x7FFF, v50;
	v51 =	vmul.f32 v48, v19;
	v52 =	vmul.f32 v49, v20  }
0x2a3: {  	v50 =	vand.u32 $0xFFFF0000, v50  }
0x2a4: {  	v60 =	vmul.f32 v50, v21;
	v51 =	vadd.f32 v52, v51;
	_ =	sdelay $0x1  }
0x2a5: {  	v51 =	vadd.f32 v60, v51;
	_ =	sdelay $0x1  }
0x2a6: {  	v51 =	vadd.f32 v51, v22;
	_ =	sdelay $0x1  }
0x2a7: {  	v51 =	vmax.f32 v51, $9.999999970e-07  }
0x2a8: {  	v61 =	vmul.f32 v48, v23;
	(erf) = vrcp.f32 v51  }
0x2a9: {  	v62 =	vmul.f32 v49, v24;
	v53 =	vmul.f32 v48, v26  }
0x2aa: {  	v54 =	vmul.f32 v49, v27;
	v63 =	vmul.f32 v50, v25  }
0x2ab: {  	v48 =	vmul.f32 v48, v29;
	v49 =	vmul.f32 v49, v31  }
0x2ac: {  	v55 =	vmul.f32 v50, v28;
	v53 =	vadd.f32 v54, v53;
	v51 =	vadd.f32 v62, v61  }
0x2ad: {  	v58 =	vmul.f32 v50, v32;
	v48 =	vadd.f32 v49, v48  }
0x2ae: {  	v57 =	vadd.f32 v55, v53;
	v51 =	vadd.f32 v63, v51  }
0x2af: {  	v48 =	vadd.f32 v58, v48  }
0x2b0: {  	v60 =	vadd.f32 v57, v33;
	v59 =	vadd.f32 v51, v30  }
0x2b1: {  	v61 =	vpop (erf)  }
0x2b2: {  	v48 =	vadd.f32 v48, v34;
	v50 =	vmul.f32 v61, v59;
	v51 =	vmul.f32 v61, v60;
	_ =	sdelay $0x1  }
0x2b3: {  	v48 =	vmul.f32 v61, v48;
	v62 =	vshrl.u32 v50, $0x10;
	v63 =	vshrl.u32 v51, $0x10  }
0x2b4: {  	v49 =	vand.u32 $0x1, v62;
	v52 =	vand.u32 $0x1, v63  }
0x2b5: {  	v56 =	vshrl.u32 v48, $0x10;
	v49 =	vadd.s32 v49, v50;
	v55 =	vadd.s32 v52, v51  }
0x2b6: {  	v51 =	vand.u32 $0x1, v56;
	v49 =	vadd.s32 $0x7FFF, v49;
	v50 =	vadd.s32 $0x7FFF, v55  }
0x2b7: {  	v51 =	vadd.s32 v51, v48;
	v49 =	vand.u32 $0xFFFF0000, v49;
	v50 =	vand.u32 $0xFFFF0000, v50  }
0x2b8: {  	v51 =	vadd.s32 $0x7FFF, v51;
	v57 =	vmul.f32 v49, v35;
	v58 =	vmul.f32 v50, v36  }
0x2b9: {  	v51 =	vand.u32 $0xFFFF0000, v51  }
0x2ba: {  	v59 =	vmul.f32 v51, v37;
	v52 =	vadd.f32 v58, v57;
	_ =	sdelay $0x1  }
0x2bb: {  	v52 =	vadd.f32 v52, v59;
	_ =	sdelay $0x1  }
0x2bc: {  	v52 =	vmax.f32 v52, $9.999999970e-07  }
0x2bd: {  	(erf) = vrcp.f32 v52;
	_ =	sdelay $0x3  }
0x2be: {  	v60 =	vmul.f32 v49, v38;
	v61 =	vmul.f32 v50, v39  }
0x2bf: {  	v49 =	vmul.f32 v49, v40;
	v50 =	vmul.f32 v50, v41  }
0x2c0: {  	v62 =	vmul.f32 v51, v42;
	v52 =	vadd.f32 v61, v60  }
0x2c1: {  	v63 =	vmul.f32 v51, v43;
	v49 =	vadd.f32 v50, v49  }
0x2c2: {  	v54 =	vadd.f32 v52, v62  }
0x2c3: {  	v49 =	vadd.f32 v49, v63;
	v55 =	vpop (erf)  }
0x2c4: {  	v51 =	vmul.f32 v55, v54  }
0x2c5: {  	v49 =	vmul.f32 v55, v49  }
0x2c6: {  	v56 =	vmul.f32 v51, v17  }
0x2c7: {  	v57 =	vmul.f32 v49, v18  }
0x2c8: {  	v50 =	vadd.f32 v56, v56  }
0x2c9: {  	v52 =	vadd.f32 v57, v57  }
0x2ca: {  	v50 =	vadd.f32 $-1.000000000e+00, v50  }
0x2cb: {  	v52 =	vadd.f32 $-1.000000000e+00, v52  }
0x2cc: {  	v50 =	vadd.f32 $1.000000000e+00, v50  }
0x2cd: {  	v52 =	vadd.f32 $1.000000000e+00, v52  }
0x2ce: {  	v50 =	vmul.f32 $5.000000000e-01, v50  }
0x2cf: {  	v52 =	vmul.f32 $5.000000000e-01, v52  }
0x2d0: {  	v50 =	vmul.f32 $6.300000000e+01, v50  }
0x2d1: {  	v52 =	vmul.f32 $6.300000000e+01, v52  }
0x2d2: {  	v50 =	vmax.f32 v50, $-4.000000000e+00  }
0x2d3: {  	v52 =	vmax.f32 v52, $-4.000000000e+00;
	v50 =	vmin.f32 v50, $6.800000000e+01  }
0x2d4: {  	v52 =	vmin.f32 v52, $6.800000000e+01;
	v58 =	vtrunc.f32 v50  }
0x2d5: {  	v59 =	vtrunc.f32 v52;
	v53 =	vcvt.f32.s32 v58  }
0x2d6: {  	v54 =	vcvt.f32.s32 v59  }
0x2d7: {  	v53 =	vcvt.s32.f32 v53  }
0x2d8: {  	v54 =	vcvt.s32.f32 v54  }
0x2d9: {  	vm2 =	vgt.f32 v48, $1.000000010e-01;
	vm8 =	vge.f32 v51, $0.0e+00;
	vm0 =	vlt.f32 v50, v53  }
0x2da: {  	vm9 =	vlt.f32 v51, v15;
	vm1 =	vlt.f32 v52, v54;
	v60 =	vsel vm0, $0x3F800000, v4  }
0x2db: {  	v61 =	vsel vm1, $0x3F800000, v4;
	vm0 =	vmand vm2, vm8;
	v48 =	vsub.f32 v53, v60  }
0x2dc: {  	vm10 =	vge.f32 v49, $0.0e+00;
	v62 =	vsub.f32 v54, v61;
	vm0 =	vmand vm9, vm0  }
0x2dd: {  	vm11 =	vlt.f32 v49, v16;
	vm0 =	vmand vm10, vm0;
	v50 =	vsub.f32 v50, v48  }
0x2de: {  	v51 =	vsub.f32 v52, v62;
	vm0 =	vmand vm11, vm0;
	v61 =	vadd.f32 $1.000000000e+00, v48  }
0x2df: {  	vm12 =	vge.f32 v48, $0.0e+00;
	vm13 =	vle.f32 v48, $6.300000000e+01;
	v56 =	vadd.f32 $1.000000000e+00, v62  }
0x2e0: {  	v57 =	vmax.f32 v62, $0.0e+00;
	vm14 =	vge.f32 v62, $0.0e+00;
	v48 =	vmax.f32 v48, $0.0e+00  }
0x2e1: {  	vm4 =	vle.f32 v62, $6.300000000e+01;
	vm1 =	vmand vm12, vm13;
	v57 =	vmin.f32 v57, $6.300000000e+01  }
0x2e2: {  	v48 =	vmin.f32 v48, $6.300000000e+01;
	v63 =	vsub.f32 $1.000000000e+00, v50;
	v59 =	vsub.f32 $1.000000000e+00, v51  }
0x2e3: {  	vm1 =	vmand vm0, vm1;
	v57 =	vtrunc.f32 v57;
	v48 =	vtrunc.f32 v48  }
0x2e4: {  	vm15 =	vge.f32 v61, $0.0e+00;
	vm5 =	vle.f32 v61, $6.300000000e+01;
	v55 =	vmax.f32 v61, $0.0e+00  }
0x2e5: {  	vm8 =	vge.f32 v56, $0.0e+00;
	vm9 =	vle.f32 v56, $6.300000000e+01;
	vm3 =	vmand vm14, vm1  }
0x2e6: {  	v62 =	vcvt.f32.s32 v57;
	v48 =	vcvt.f32.s32 v48;
	v55 =	vmin.f32 v55, $6.300000000e+01  }
0x2e7: {  	vm1 =	vmand vm8, vm1;
	v60 =	vmul.f32 v59, v63;
	v54 =	vmul.f32 v59, v50  }
0x2e8: {  	v52 =	vmul.f32 v63, v51;
	vm3 =	vmand vm4, vm3;
	v55 =	vtrunc.f32 v55  }
0x2e9: {  	v63 =	vmax.f32 v56, $0.0e+00;
	vm1 =	vmand vm9, vm1;
	v53 =	vshll.u32 v62, $0x6  }
0x2ea: {  	v48 =	vadd.s32 v48, v44;
	v55 =	vcvt.f32.s32 v55;
	v57 =	vmin.f32 v63, $6.300000000e+01  }
0x2eb: {  	v49 =	vnsel vm3, $0x0, v60;
	vm3 =	vmand vm15, vm5;
	v58 =	vadd.s32 v53, v48  }
0x2ec: {  	v57 =	vtrunc.f32 v57;
	v63 =	vnsel vm1, $0x0, v52;
	vm3 =	vmand vm0, vm3;
	[tilespmem:$0x1980] =	vst v58  }
0x2ed: {  	s30 =	sadd.s32 $0x50, s12;
	v55 =	vadd.s32 v55, v44;
	v57 =	vcvt.f32.s32 v57;
	[tilespmem:$0x1A80] =	vst v49;
	vm2 =	vmand vm14, vm3  }
0x2ee: {  	v61 =	vmov s30;
	[tilespmem:$0x1AC0] =	vst v63;
	v53 =	vadd.s32 v53, v55;
	vm2 =	vmand vm4, vm2  }
0x2ef: {  	v62 =	vmul.u32 $0x3, v61;
	[tilespmem:$0x19A0] =	vst v53;
	v60 =	vshll.u32 v57, $0x6;
	v59 =	vnsel vm2, $0x0, v54  }
0x2f0: {  	v50 =	vmul.f32 v51, v50;
	vm10 =	vmand vm8, vm3;
	v48 =	vadd.s32 v60, v48;
	[tilespmem:$0x1AA0] =	vst v59  }
0x2f1: {  	v49 =	vbroadcast v62, $0x0;
	vm1 =	vmand vm9, vm10;
	v54 =	vadd.s32 v60, v55;
	[tilespmem:$0x19C0] =	vst v48  }
0x2f2: {  	v50 =	vnsel vm1, $0x0, v50;
	[tilespmem:$0x19E0] =	vst v54  }
0x2f3: {  	v56 =	vadd.s32 v0, v49;
	v55 =	vsel vm0, $0x1, v5;
	[tilespmem:$0x1AE0] =	vst v50  }
0x2f4: {  	v57 =	vadd.s32 v1, v49;
	[tilespmem:s12+$0xDCC0] =	vst v55  }
0x2f5: {  	[tilespmem:v6+s16+$0x0] =	vst.idx.msk $0xffff, v46  }
0x2f6: {  	v58 =	vadd.s32 v3, v49;
	[tilespmem:v7+s16+$0x0] =	vst.idx.msk $0xffff, v47  }
0x2f7: {  	[tilespmem:v8+s16+$0x0] =	vst.idx.msk $0xffff, v45  }
0x2f8: {  	v45 =	vld.idx.msk [tilespmem:v56+s15+$0x0], $0xffff  }
0x2f9: {  	v46 =	vld.idx.msk [tilespmem:v57+s15+$0x0], $0xffff;
	_ =	sdelay $0x1  }
0x2fa: {  	v47 =	vld.idx.msk [tilespmem:v58+s15+$0x0], $0xffff;
	_ =	sdelay $0x2  }
0x2fb: {  	v59 =	vshrl.u32 v45, $0x10;
	v60 =	vshrl.u32 v46, $0x10  }
0x2fc: {  	v48 =	vand.u32 $0x1, v59;
	v49 =	vand.u32 $0x1, v60  }
0x2fd: {  	v61 =	vshrl.u32 v47, $0x10;
	v48 =	vadd.s32 v48, v45;
	v49 =	vadd.s32 v49, v46  }
0x2fe: {  	v50 =	vand.u32 $0x1, v61;
	v48 =	vadd.s32 $0x7FFF, v48;
	v49 =	vadd.s32 $0x7FFF, v49  }
0x2ff: {  	v50 =	vadd.s32 v50, v47;
	v48 =	vand.u32 $0xFFFF0000, v48;
	v49 =	vand.u32 $0xFFFF0000, v49  }
0x300: {  	v50 =	vadd.s32 $0x7FFF, v50;
	v62 =	vmul.f32 v48, v19;
	v63 =	vmul.f32 v49, v20  }
0x301: {  	v50 =	vand.u32 $0xFFFF0000, v50  }
0x302: {  	v56 =	vmul.f32 v50, v21;
	v51 =	vadd.f32 v63, v62;
	_ =	sdelay $0x1  }
0x303: {  	v51 =	vadd.f32 v56, v51;
	_ =	sdelay $0x1  }
0x304: {  	v51 =	vadd.f32 v51, v22;
	_ =	sdelay $0x1  }
0x305: {  	v51 =	vmax.f32 v51, $9.999999970e-07  }
0x306: {  	v57 =	vmul.f32 v48, v23;
	(erf) = vrcp.f32 v51  }
0x307: {  	v58 =	vmul.f32 v49, v24;
	v59 =	vmul.f32 v48, v26  }
0x308: {  	v60 =	vmul.f32 v49, v27;
	v61 =	vmul.f32 v50, v25  }
0x309: {  	v48 =	vmul.f32 v48, v29;
	v49 =	vmul.f32 v49, v31  }
0x30a: {  	v62 =	vmul.f32 v50, v28;
	v53 =	vadd.f32 v60, v59;
	v51 =	vadd.f32 v58, v57  }
0x30b: {  	v54 =	vmul.f32 v50, v32;
	v48 =	vadd.f32 v49, v48  }
0x30c: {  	v63 =	vadd.f32 v62, v53;
	v51 =	vadd.f32 v61, v51  }
0x30d: {  	v48 =	vadd.f32 v54, v48  }
0x30e: {  	v56 =	vadd.f32 v63, v33;
	v55 =	vadd.f32 v51, v30  }
0x30f: {  	v57 =	vpop (erf)  }
0x310: {  	v48 =	vadd.f32 v48, v34;
	v50 =	vmul.f32 v57, v55;
	v51 =	vmul.f32 v57, v56;
	_ =	sdelay $0x1  }
0x311: {  	v48 =	vmul.f32 v57, v48;
	v58 =	vshrl.u32 v50, $0x10;
	v59 =	vshrl.u32 v51, $0x10  }
0x312: {  	v49 =	vand.u32 $0x1, v58;
	v52 =	vand.u32 $0x1, v59  }
0x313: {  	v61 =	vshrl.u32 v48, $0x10;
	v49 =	vadd.s32 v49, v50;
	v60 =	vadd.s32 v52, v51  }
0x314: {  	v51 =	vand.u32 $0x1, v61;
	v49 =	vadd.s32 $0x7FFF, v49;
	v50 =	vadd.s32 $0x7FFF, v60  }
0x315: {  	v51 =	vadd.s32 v51, v48;
	v49 =	vand.u32 $0xFFFF0000, v49;
	v50 =	vand.u32 $0xFFFF0000, v50  }
0x316: {  	v51 =	vadd.s32 $0x7FFF, v51;
	v62 =	vmul.f32 v49, v35;
	v63 =	vmul.f32 v50, v36  }
0x317: {  	v51 =	vand.u32 $0xFFFF0000, v51  }
0x318: {  	v56 =	vmul.f32 v51, v37;
	v52 =	vadd.f32 v63, v62;
	_ =	sdelay $0x1  }
0x319: {  	v52 =	vadd.f32 v52, v56;
	_ =	sdelay $0x1  }
0x31a: {  	v52 =	vmax.f32 v52, $9.999999970e-07  }
0x31b: {  	(erf) = vrcp.f32 v52;
	_ =	sdelay $0x3  }
0x31c: {  	v57 =	vmul.f32 v49, v38;
	v58 =	vmul.f32 v50, v39  }
0x31d: {  	v49 =	vmul.f32 v49, v40;
	v50 =	vmul.f32 v50, v41  }
0x31e: {  	v59 =	vmul.f32 v51, v42;
	v52 =	vadd.f32 v58, v57  }
0x31f: {  	v60 =	vmul.f32 v51, v43;
	v49 =	vadd.f32 v50, v49  }
0x320: {  	v61 =	vadd.f32 v52, v59  }
0x321: {  	v49 =	vadd.f32 v49, v60;
	v62 =	vpop (erf)  }
0x322: {  	v51 =	vmul.f32 v62, v61  }
0x323: {  	v49 =	vmul.f32 v62, v49  }
0x324: {  	v63 =	vmul.f32 v51, v17  }
0x325: {  	v56 =	vmul.f32 v49, v18  }
0x326: {  	v50 =	vadd.f32 v63, v63  }
0x327: {  	v52 =	vadd.f32 v56, v56  }
0x328: {  	v50 =	vadd.f32 $-1.000000000e+00, v50  }
0x329: {  	v52 =	vadd.f32 $-1.000000000e+00, v52  }
0x32a: {  	v50 =	vadd.f32 $1.000000000e+00, v50  }
0x32b: {  	v52 =	vadd.f32 $1.000000000e+00, v52  }
0x32c: {  	v50 =	vmul.f32 $5.000000000e-01, v50  }
0x32d: {  	v52 =	vmul.f32 $5.000000000e-01, v52  }
0x32e: {  	v50 =	vmul.f32 $6.300000000e+01, v50  }
0x32f: {  	v52 =	vmul.f32 $6.300000000e+01, v52  }
0x330: {  	v50 =	vmax.f32 v50, $-4.000000000e+00  }
0x331: {  	v52 =	vmax.f32 v52, $-4.000000000e+00;
	v50 =	vmin.f32 v50, $6.800000000e+01  }
0x332: {  	v52 =	vmin.f32 v52, $6.800000000e+01;
	v57 =	vtrunc.f32 v50  }
0x333: {  	v58 =	vtrunc.f32 v52;
	v53 =	vcvt.f32.s32 v57  }
0x334: {  	v54 =	vcvt.f32.s32 v58  }
0x335: {  	v53 =	vcvt.s32.f32 v53  }
0x336: {  	v54 =	vcvt.s32.f32 v54  }
0x337: {  	vm13 =	vgt.f32 v48, $1.000000010e-01;
	vm14 =	vge.f32 v51, $0.0e+00;
	vm11 =	vlt.f32 v50, v53  }
0x338: {  	vm15 =	vlt.f32 v51, v15;
	vm12 =	vlt.f32 v52, v54;
	v59 =	vsel vm11, $0x3F800000, v4  }
0x339: {  	vm0 =	vmand vm13, vm14;
	v60 =	vsel vm12, $0x3F800000, v4;
	v48 =	vsub.f32 v53, v59  }
0x33a: {  	vm4 =	vge.f32 v49, $0.0e+00;
	vm0 =	vmand vm15, vm0;
	v53 =	vsub.f32 v54, v60  }
0x33b: {  	vm5 =	vlt.f32 v49, v16;
	vm0 =	vmand vm4, vm0;
	v50 =	vsub.f32 v50, v48  }
0x33c: {  	vm0 =	vmand vm5, vm0;
	v51 =	vsub.f32 v52, v53;
	v63 =	vadd.f32 $1.000000000e+00, v48  }
0x33d: {  	vm6 =	vge.f32 v48, $0.0e+00;
	vm7 =	vle.f32 v48, $6.300000000e+01;
	v60 =	vmax.f32 v53, $0.0e+00  }
0x33e: {  	vm8 =	vge.f32 v53, $0.0e+00;
	v48 =	vmax.f32 v48, $0.0e+00;
	vm10 =	vle.f32 v53, $6.300000000e+01  }
0x33f: {  	v53 =	vadd.f32 $1.000000000e+00, v53;
	vm1 =	vmand vm6, vm7;
	v56 =	vmin.f32 v60, $6.300000000e+01  }
0x340: {  	v48 =	vmin.f32 v48, $6.300000000e+01;
	v52 =	vsub.f32 $1.000000000e+00, v50;
	v61 =	vsub.f32 $1.000000000e+00, v51  }
0x341: {  	vm1 =	vmand vm0, vm1;
	v56 =	vtrunc.f32 v56;
	v48 =	vtrunc.f32 v48  }
0x342: {  	vm11 =	vge.f32 v63, $0.0e+00;
	vm12 =	vle.f32 v63, $6.300000000e+01;
	v55 =	vmax.f32 v63, $0.0e+00  }
0x343: {  	vm13 =	vge.f32 v53, $0.0e+00;
	vm14 =	vle.f32 v53, $6.300000000e+01;
	vm9 =	vmand vm8, vm1  }
0x344: {  	v56 =	vcvt.f32.s32 v56;
	v48 =	vcvt.f32.s32 v48;
	v55 =	vmin.f32 v55, $6.300000000e+01  }
0x345: {  	vm1 =	vmand vm13, vm1;
	v62 =	vmul.f32 v61, v52;
	v54 =	vmul.f32 v61, v50  }
0x346: {  	vm3 =	vmand vm10, vm9;
	v55 =	vtrunc.f32 v55;
	v61 =	vmax.f32 v53, $0.0e+00  }
0x347: {  	v52 =	vmul.f32 v52, v51;
	vm1 =	vmand vm14, vm1;
	v56 =	vshll.u32 v56, $0x6  }
0x348: {  	v48 =	vadd.s32 v48, v44;
	v55 =	vcvt.f32.s32 v55;
	v57 =	vmin.f32 v61, $6.300000000e+01  }
0x349: {  	v49 =	vnsel vm3, $0x0, v62;
	vm3 =	vmand vm11, vm12;
	v62 =	vadd.s32 v56, v48  }
0x34a: {  	v57 =	vtrunc.f32 v57;
	v61 =	vnsel vm1, $0x0, v52;
	vm3 =	vmand vm0, vm3;
	[tilespmem:$0x1990] =	vst v62  }
0x34b: {  	v55 =	vadd.s32 v55, v44;
	v57 =	vcvt.f32.s32 v57;
	[tilespmem:$0x1A90] =	vst v49;
	vm2 =	vmand vm8, vm3  }
0x34c: {  	[tilespmem:$0x1AD0] =	vst v61;
	v58 =	vadd.s32 v56, v55;
	vm2 =	vmand vm10, vm2  }
0x34d: {  	[tilespmem:$0x19B0] =	vst v58;
	v59 =	vshll.u32 v57, $0x6;
	v63 =	vnsel vm2, $0x0, v54  }
0x34e: {  	v60 =	vmul.f32 v51, v50;
	vm15 =	vmand vm13, vm3;
	v48 =	vadd.s32 v59, v48;
	[tilespmem:$0x1AB0] =	vst v63  }
0x34f: {  	vm1 =	vmand vm14, vm15;
	v62 =	vadd.s32 v59, v55;
	[tilespmem:$0x19D0] =	vst v48  }
0x350: {  	v49 =	vnsel vm1, $0x0, v60;
	[tilespmem:$0x19F0] =	vst v62  }
0x351: {  	[tilespmem:$0x1AF0] =	vst v49;
	v63 =	vsel vm0, $0x1, v5  }
0x352: {  	[tilespmem:s12+$0xDCD0] =	vst v63  }
0x353: {  	[tilespmem:v12+s16+$0x0] =	vst.idx.msk $0xffff, v45  }
0x354: {  	[tilespmem:v13+s16+$0x0] =	vst.idx.msk $0xffff, v46  }
0x355: {  	[tilespmem:v14+s16+$0x0] =	vst.idx.msk $0xffff, v47  }
0x356: {  	[tilespmem:s18], [sflag:$0x1] =	stream.indirect.gather [hbm4b:s4+s14], $0x80, s17, s14, $0xb8;
	[tilespmem:$0xE480] =	vst v63  }
.LBB2_7:
0x357: {  	v49 =	vimm.s32 $0x0  }
0x358: {  	_ =	swait.ge [sflag:s23], $0x4000;
	v45 =	vadd.s32 $0x80, v49  }
0x359: {  	[sflag:s23] =	ssyncset.done $0x0;
	v46 =	vadd.s32 $0xA0, v49  }
0x35a: {  	s8 =	simm.s32 $0x0;
	[sflag:s23] =	ssyncadd.s32 $0xFFFFC000  }
0x35b: {  	v50 =	vadd.s32 $0xC0, v49;
	v51 =	vld [tilespmem:s8+$0x6B80]  }
0x35c: {  	v53 =	vld [tilespmem:s8+$0x5B80]  }
0x35d: {  	v52 =	vadd.s32 $0xE0, v49;
	v47 =	vld.idx.msk [tilespmem:v45+s22+$0x0], $0xffff  }
0x35e: {  	v48 =	vld.idx.msk [tilespmem:v46+s22+$0x0], $0xffff  }
0x35f: {  	v54 =	vld [tilespmem:s8+$0x7B80]  }
0x360: {  	v45 =	vld.idx.msk [tilespmem:v50+s22+$0x0], $0xffff  }
0x361: {  	v61 =	vld [tilespmem:s8+$0x8B80]  }
0x362: {  	v46 =	vld.idx.msk [tilespmem:v52+s22+$0x0], $0xffff;
	v62 =	vshll.u32 v53, $0x10;
	v53 =	vand.u32 $0xFFFF0000, v53;
	v55 =	vshll.u32 v51, $0x10  }
0x363: {  	v51 =	vand.u32 $0xFFFF0000, v51;
	v52 =	vmul.f32 v62, v47;
	v55 =	vmul.f32 v55, v48  }
0x364: {  	v56 =	vshll.u32 v54, $0x10;
	v53 =	vmul.f32 v53, v47;
	v51 =	vmul.f32 v51, v48  }
0x365: {  	v54 =	vand.u32 $0xFFFF0000, v54;
	v56 =	vmul.f32 v56, v45;
	v52 =	vadd.f32 v55, v52  }
0x366: {  	v63 =	vshll.u32 v61, $0x10;
	v57 =	vmul.f32 v54, v45;
	v51 =	vadd.f32 v51, v53  }
0x367: {  	v50 =	vand.u32 $0xFFFF0000, v61;
	v58 =	vmul.f32 v63, v46;
	v52 =	vadd.f32 v56, v52  }
0x368: {  	v50 =	vmul.f32 v50, v46;
	v51 =	vadd.f32 v57, v51  }
0x369: {  	v52 =	vadd.f32 v58, v52  }
0x36a: {  	s12 =	simm.s32 $0xBCD0;
	v50 =	vadd.f32 v50, v51  }
0x36b: {  	[tilespmem:s12+$0xFFFFFF10] =	vst v52  }
0x36c: {  	[tilespmem:s12+$0xFFFFFF20] =	vst v50  }
0x36d: {  	v50 =	vld [tilespmem:s8+$0x5B90]  }
0x36e: {  	v59 =	vld [tilespmem:s8+$0x6B90];
	_ =	sdelay $0x1  }
0x36f: {  	v52 =	vld [tilespmem:s8+$0x7B90];
	_ =	sdelay $0x1  }
0x370: {  	v53 =	vld [tilespmem:s8+$0x8B90]  }
0x371: {  	v60 =	vshll.u32 v50, $0x10;
	v50 =	vand.u32 $0xFFFF0000, v50;
	v61 =	vshll.u32 v59, $0x10  }
0x372: {  	v51 =	vand.u32 $0xFFFF0000, v59;
	v54 =	vmul.f32 v60, v47;
	v55 =	vmul.f32 v61, v48  }
0x373: {  	v62 =	vshll.u32 v52, $0x10;
	v51 =	vmul.f32 v51, v48;
	v50 =	vmul.f32 v50, v47  }
0x374: {  	v52 =	vand.u32 $0xFFFF0000, v52;
	v63 =	vmul.f32 v62, v45;
	v54 =	vadd.f32 v55, v54  }
0x375: {  	v60 =	vshll.u32 v53, $0x10;
	v61 =	vmul.f32 v52, v45;
	v50 =	vadd.f32 v51, v50  }
0x376: {  	v62 =	vand.u32 $0xFFFF0000, v53;
	v57 =	vmul.f32 v60, v46;
	v63 =	vadd.f32 v63, v54  }
0x377: {  	s11 =	simm.s32 $0x0;
	v58 =	vmul.f32 v62, v46;
	v50 =	vadd.f32 v61, v50  }
0x378: {  	s9 =	sand.u32 $0x3FFFFF80, s11;
	v59 =	vadd.f32 v57, v63  }
0x379: {  	s1 =	sadd.s32 $0xBC00, s9;
	v50 =	vadd.f32 v58, v50  }
0x37a: {  	[tilespmem:s1+$0x0] =	vst v59  }
0x37b: {  	[tilespmem:s12+$0xFFFFFF40] =	vst v50  }
0x37c: {  	v50 =	vld [tilespmem:s8+$0x5BA0]  }
0x37d: {  	v60 =	vld [tilespmem:s8+$0x6BA0];
	_ =	sdelay $0x1  }
0x37e: {  	v52 =	vld [tilespmem:s8+$0x7BA0];
	_ =	sdelay $0x1  }
0x37f: {  	v53 =	vld [tilespmem:s8+$0x8BA0]  }
0x380: {  	v61 =	vshll.u32 v50, $0x10;
	v50 =	vand.u32 $0xFFFF0000, v50;
	v62 =	vshll.u32 v60, $0x10  }
0x381: {  	v51 =	vand.u32 $0xFFFF0000, v60;
	v54 =	vmul.f32 v61, v47;
	v55 =	vmul.f32 v62, v48  }
0x382: {  	v63 =	vshll.u32 v52, $0x10;
	v50 =	vmul.f32 v50, v47;
	v51 =	vmul.f32 v51, v48  }
0x383: {  	v52 =	vand.u32 $0xFFFF0000, v52;
	v60 =	vmul.f32 v63, v45;
	v54 =	vadd.f32 v55, v54  }
0x384: {  	v61 =	vshll.u32 v53, $0x10;
	v62 =	vmul.f32 v52, v45;
	v50 =	vadd.f32 v51, v50  }
0x385: {  	v53 =	vand.u32 $0xFFFF0000, v53;
	v63 =	vmul.f32 v61, v46;
	v54 =	vadd.f32 v60, v54  }
0x386: {  	v56 =	vmul.f32 v53, v46;
	v50 =	vadd.f32 v62, v50  }
0x387: {  	v52 =	vadd.f32 v63, v54  }
0x388: {  	v50 =	vadd.f32 v56, v50  }
0x389: {  	[tilespmem:s12+$0xFFFFFF50] =	vst v52  }
0x38a: {  	[tilespmem:s12+$0xFFFFFF60] =	vst v50  }
0x38b: {  	v50 =	vld [tilespmem:s8+$0x5BB0]  }
0x38c: {  	v57 =	vld [tilespmem:s8+$0x6BB0];
	_ =	sdelay $0x1  }
0x38d: {  	v52 =	vld [tilespmem:s8+$0x7BB0];
	_ =	sdelay $0x1  }
0x38e: {  	v53 =	vld [tilespmem:s8+$0x8BB0]  }
0x38f: {  	v58 =	vshll.u32 v50, $0x10;
	v50 =	vand.u32 $0xFFFF0000, v50;
	v59 =	vshll.u32 v57, $0x10  }
0x390: {  	v51 =	vand.u32 $0xFFFF0000, v57;
	v54 =	vmul.f32 v58, v47;
	v55 =	vmul.f32 v59, v48  }
0x391: {  	v60 =	vshll.u32 v52, $0x10;
	v50 =	vmul.f32 v50, v47;
	v51 =	vmul.f32 v51, v48  }
0x392: {  	v52 =	vand.u32 $0xFFFF0000, v52;
	v61 =	vmul.f32 v60, v45;
	v54 =	vadd.f32 v55, v54  }
0x393: {  	v62 =	vshll.u32 v53, $0x10;
	v63 =	vmul.f32 v52, v45;
	v50 =	vadd.f32 v51, v50  }
0x394: {  	v53 =	vand.u32 $0xFFFF0000, v53;
	v57 =	vmul.f32 v62, v46;
	v54 =	vadd.f32 v61, v54  }
0x395: {  	v58 =	vmul.f32 v53, v46;
	v50 =	vadd.f32 v63, v50  }
0x396: {  	v52 =	vadd.f32 v57, v54  }
0x397: {  	v50 =	vadd.f32 v58, v50  }
0x398: {  	[tilespmem:s12+$0xFFFFFF70] =	vst v52  }
0x399: {  	[tilespmem:s12+$0xFFFFFF80] =	vst v50  }
0x39a: {  	v50 =	vld [tilespmem:s8+$0x5BC0]  }
0x39b: {  	v59 =	vld [tilespmem:s8+$0x6BC0];
	_ =	sdelay $0x1  }
0x39c: {  	v52 =	vld [tilespmem:s8+$0x7BC0];
	_ =	sdelay $0x1  }
0x39d: {  	v53 =	vld [tilespmem:s8+$0x8BC0]  }
0x39e: {  	v60 =	vshll.u32 v50, $0x10;
	v50 =	vand.u32 $0xFFFF0000, v50;
	v61 =	vshll.u32 v59, $0x10  }
0x39f: {  	v51 =	vand.u32 $0xFFFF0000, v59;
	v54 =	vmul.f32 v60, v47;
	v55 =	vmul.f32 v61, v48  }
0x3a0: {  	v62 =	vshll.u32 v52, $0x10;
	v50 =	vmul.f32 v50, v47;
	v51 =	vmul.f32 v51, v48  }
0x3a1: {  	v52 =	vand.u32 $0xFFFF0000, v52;
	v63 =	vmul.f32 v62, v45;
	v54 =	vadd.f32 v55, v54  }
0x3a2: {  	v60 =	vshll.u32 v53, $0x10;
	v61 =	vmul.f32 v52, v45;
	v50 =	vadd.f32 v51, v50  }
0x3a3: {  	v53 =	vand.u32 $0xFFFF0000, v53;
	v62 =	vmul.f32 v60, v46;
	v54 =	vadd.f32 v63, v54  }
0x3a4: {  	v50 =	vadd.f32 v61, v50;
	v63 =	vmul.f32 v53, v46  }
0x3a5: {  	v52 =	vadd.f32 v62, v54  }
0x3a6: {  	v50 =	vadd.f32 v63, v50  }
0x3a7: {  	[tilespmem:s12+$0xFFFFFF90] =	vst v52  }
0x3a8: {  	s25 =	simm.s32 $0xBC00;
	s6 =	simm.s32 $0x200;
	[tilespmem:s12+$0xFFFFFFA0] =	vst v50  }
0x3a9: {  	s7 =	simm.s32 $0xBDD3;
	s26 =	simm.s32 $0xBC80;
	s1 =	simm.s32 $0xBC80;
	v50 =	vld [tilespmem:s8+$0x5BD0]  }
.LBB2_8:
0x3aa: {  	s11 =	sadd.s32 $0x103, s11  }
0x3ab: {  	v51 =	vld [tilespmem:s8+$0x6BD0];
	v49 =	vadd.s32 $0x1, v49;
	s1 =	sadd.s32 $0x3, s1;
	s25 =	sadd.s32 $0x3, s25;
	s30 =	smov.u32 s6  }
0x3ac: {  	p0 =	sne.s32 s6, $0x3E00;
	s6 =	sadd.s32 $0x200, s6;
	s9 =	sadd.s32 s9, s26;
	v52 =	vld [tilespmem:s8+$0x7BD0]  }
0x3ad: {  	s26 =	smov.u32 s1;
	v53 =	vld [tilespmem:s8+$0x8BD0];
	_ =	sdelay $0x1  }
0x3ae: {  	v54 =	vshll.u32 v50, $0x10;
	v50 =	vand.u32 $0xFFFF0000, v50  }
0x3af: {  	v55 =	vshll.u32 v51, $0x10;
	v54 =	vmul.f32 v54, v47;
	v50 =	vmul.f32 v50, v47  }
0x3b0: {  	v51 =	vand.u32 $0xFFFF0000, v51;
	v56 =	vshll.u32 v52, $0x10;
	v55 =	vmul.f32 v55, v48  }
0x3b1: {  	v52 =	vand.u32 $0xFFFF0000, v52;
	v51 =	vmul.f32 v51, v48;
	v57 =	vshll.u32 v53, $0x10  }
0x3b2: {  	v54 =	vadd.f32 v55, v54;
	v55 =	vmul.f32 v56, v45;
	v56 =	vmul.f32 v57, v46  }
0x3b3: {  	v53 =	vand.u32 $0xFFFF0000, v53;
	v50 =	vadd.f32 v51, v50;
	v51 =	vmul.f32 v52, v45  }
0x3b4: {  	v53 =	vmul.f32 v53, v46;
	v52 =	vadd.f32 v55, v54  }
0x3b5: {  	v50 =	vadd.f32 v51, v50  }
0x3b6: {  	v51 =	vadd.f32 v56, v52  }
0x3b7: {  	v50 =	vadd.f32 v53, v50  }
0x3b8: {  	v52 =	vadd.s32 $0xA0, v49;
	[tilespmem:s9+$0x0] =	vst v51  }
0x3b9: {  	v51 =	vadd.s32 $0x80, v49;
	[tilespmem:s12+$0xFFFFFFC0] =	vst v50  }
0x3ba: {  	v50 =	vld [tilespmem:s8+$0x5BE0]  }
0x3bb: {  	v53 =	vadd.s32 $0xC0, v49;
	v54 =	vld [tilespmem:s8+$0x6BE0]  }
0x3bc: {  	v55 =	vld [tilespmem:s8+$0x7BE0]  }
0x3bd: {  	v56 =	vld [tilespmem:s8+$0x8BE0];
	_ =	sdelay $0x1  }
0x3be: {  	v57 =	vshll.u32 v50, $0x10;
	v50 =	vand.u32 $0xFFFF0000, v50  }
0x3bf: {  	v58 =	vshll.u32 v54, $0x10;
	v54 =	vand.u32 $0xFFFF0000, v54;
	v50 =	vmul.f32 v50, v47  }
0x3c0: {  	v59 =	vand.u32 $0xFFFF0000, v55;
	v58 =	vmul.f32 v58, v48;
	v54 =	vmul.f32 v54, v48  }
0x3c1: {  	v57 =	vmul.f32 v57, v47;
	v55 =	vshll.u32 v55, $0x10;
	v60 =	vand.u32 $0xFFFF0000, v56  }
0x3c2: {  	v50 =	vadd.f32 v54, v50;
	v54 =	vmul.f32 v59, v45;
	v59 =	vmul.f32 v60, v46  }
0x3c3: {  	v56 =	vshll.u32 v56, $0x10;
	v55 =	vmul.f32 v55, v45;
	v57 =	vadd.f32 v58, v57  }
0x3c4: {  	v56 =	vmul.f32 v56, v46;
	v50 =	vadd.f32 v54, v50  }
0x3c5: {  	v54 =	vadd.f32 v55, v57  }
0x3c6: {  	v50 =	vadd.f32 v59, v50  }
0x3c7: {  	v54 =	vadd.f32 v56, v54;
	_ =	sdelay $0x1  }
0x3c8: {  	[tilespmem:s12+$0xFFFFFFE0] =	vst v50  }
0x3c9: {  	[tilespmem:s12+$0xFFFFFFD0] =	vst v54  }
0x3ca: {  	v50 =	vld [tilespmem:s8+$0x5BF0]  }
0x3cb: {  	v54 =	vld [tilespmem:s8+$0x6BF0]  }
0x3cc: {  	v55 =	vld [tilespmem:s8+$0x7BF0]  }
0x3cd: {  	v56 =	vld [tilespmem:s8+$0x8BF0];
	_ =	sdelay $0x1  }
0x3ce: {  	v57 =	vshll.u32 v50, $0x10;
	v50 =	vand.u32 $0xFFFF0000, v50  }
0x3cf: {  	v58 =	vshll.u32 v54, $0x10;
	v54 =	vand.u32 $0xFFFF0000, v54;
	v57 =	vmul.f32 v57, v47  }
0x3d0: {  	v47 =	vmul.f32 v50, v47;
	v59 =	vand.u32 $0xFFFF0000, v55;
	v58 =	vmul.f32 v58, v48  }
0x3d1: {  	v50 =	vshll.u32 v55, $0x10;
	v48 =	vmul.f32 v54, v48;
	v54 =	vmul.f32 v59, v45  }
0x3d2: {  	v55 =	vshll.u32 v56, $0x10;
	v45 =	vmul.f32 v50, v45;
	v57 =	vadd.f32 v58, v57  }
0x3d3: {  	v50 =	vand.u32 $0xFFFF0000, v56;
	v55 =	vmul.f32 v55, v46;
	v47 =	vadd.f32 v48, v47  }
0x3d4: {  	v46 =	vmul.f32 v50, v46;
	v45 =	vadd.f32 v45, v57  }
0x3d5: {  	v47 =	vadd.f32 v54, v47  }
0x3d6: {  	v45 =	vadd.f32 v55, v45  }
0x3d7: {  	v46 =	vadd.f32 v46, v47  }
0x3d8: {  	[tilespmem:s12+$0xFFFFFFF0] =	vst v45  }
0x3d9: {  	s8 =	sshra.s32 s30, $0x2;
	[tilespmem:s12+$0x0] =	vst v46;
	s12 =	smov.u32 s7  }
0x3da: {  	v50 =	vld [tilespmem:s8+$0x7B80]  }
0x3db: {  	v45 =	vld.idx.msk [tilespmem:v53+s22+$0x0], $0xffff  }
0x3dc: {  	v46 =	vadd.s32 $0xE0, v49;
	v47 =	vld.idx.msk [tilespmem:v51+s22+$0x0], $0xffff  }
0x3dd: {  	v51 =	vld [tilespmem:s8+$0x6B80]  }
0x3de: {  	v53 =	vld [tilespmem:s8+$0x5B80]  }
0x3df: {  	v48 =	vld.idx.msk [tilespmem:v52+s22+$0x0], $0xffff  }
0x3e0: {  	v52 =	vld [tilespmem:s8+$0x8B80]  }
0x3e1: {  	v46 =	vld.idx.msk [tilespmem:v46+s22+$0x0], $0xffff;
	_ =	sdelay $0x1  }
0x3e2: {  	v55 =	vand.u32 $0xFFFF0000, v51;
	v54 =	vshll.u32 v53, $0x10;
	v53 =	vand.u32 $0xFFFF0000, v53  }
0x3e3: {  	v56 =	vshll.u32 v50, $0x10;
	v51 =	vshll.u32 v51, $0x10;
	v54 =	vmul.f32 v54, v47  }
0x3e4: {  	v56 =	vmul.f32 v56, v45;
	v51 =	vmul.f32 v51, v48;
	v57 =	vand.u32 $0xFFFF0000, v52  }
0x3e5: {  	v53 =	vmul.f32 v53, v47;
	v55 =	vmul.f32 v55, v48;
	v52 =	vshll.u32 v52, $0x10  }
0x3e6: {  	v50 =	vand.u32 $0xFFFF0000, v50;
	v51 =	vadd.f32 v51, v54;
	v52 =	vmul.f32 v52, v46  }
0x3e7: {  	v50 =	vmul.f32 v50, v45;
	v53 =	vadd.f32 v55, v53;
	v54 =	vmul.f32 v57, v46  }
0x3e8: {  	v51 =	vadd.f32 v56, v51  }
0x3e9: {  	v50 =	vadd.f32 v50, v53  }
0x3ea: {  	v51 =	vadd.f32 v52, v51  }
0x3eb: {  	v50 =	vadd.f32 v54, v50  }
0x3ec: {  	[tilespmem:s7+$0xFFFFFF10] =	vst v51  }
0x3ed: {  	[tilespmem:s7+$0xFFFFFF20] =	vst v50  }
0x3ee: {  	v50 =	vld [tilespmem:s8+$0x5B90]  }
0x3ef: {  	v51 =	vld [tilespmem:s8+$0x6B90];
	_ =	sdelay $0x1  }
0x3f0: {  	v52 =	vld [tilespmem:s8+$0x7B90];
	_ =	sdelay $0x1  }
0x3f1: {  	v53 =	vshll.u32 v50, $0x10;
	v50 =	vand.u32 $0xFFFF0000, v50;
	v54 =	vld [tilespmem:s8+$0x8B90]  }
0x3f2: {  	v55 =	vshll.u32 v51, $0x10;
	v51 =	vand.u32 $0xFFFF0000, v51;
	v53 =	vmul.f32 v53, v47  }
0x3f3: {  	v55 =	vmul.f32 v55, v48;
	v51 =	vmul.f32 v51, v48  }
0x3f4: {  	v50 =	vmul.f32 v50, v47;
	v56 =	vshll.u32 v52, $0x10  }
0x3f5: {  	v52 =	vand.u32 $0xFFFF0000, v52;
	v53 =	vadd.f32 v55, v53;
	v55 =	vmul.f32 v56, v45  }
0x3f6: {  	v50 =	vadd.f32 v51, v50;
	v51 =	vmul.f32 v52, v45;
	v56 =	vshll.u32 v54, $0x10  }
0x3f7: {  	v52 =	vand.u32 $0xFFFF0000, v54;
	v53 =	vadd.f32 v55, v53;
	v54 =	vmul.f32 v56, v46  }
0x3f8: {  	v50 =	vadd.f32 v51, v50;
	v51 =	vmul.f32 v52, v46  }
0x3f9: {  	s9 =	sand.u32 $0x3FFFFF80, s11;
	v52 =	vadd.f32 v54, v53  }
0x3fa: {  	s30 =	sadd.s32 s9, s25;
	v50 =	vadd.f32 v51, v50  }
0x3fb: {  	[tilespmem:s30+$0x0] =	vst v52  }
0x3fc: {  	[tilespmem:s7+$0xFFFFFF40] =	vst v50  }
0x3fd: {  	v50 =	vld [tilespmem:s8+$0x5BA0]  }
0x3fe: {  	v51 =	vld [tilespmem:s8+$0x6BA0]  }
0x3ff: {  	v52 =	vld [tilespmem:s8+$0x7BA0]  }
0x400: {  	v53 =	vld [tilespmem:s8+$0x8BA0];
	_ =	sdelay $0x1  }
0x401: {  	v54 =	vshll.u32 v50, $0x10;
	v50 =	vand.u32 $0xFFFF0000, v50  }
0x402: {  	v55 =	vshll.u32 v51, $0x10;
	v51 =	vand.u32 $0xFFFF0000, v51;
	v54 =	vmul.f32 v54, v47  }
0x403: {  	v50 =	vmul.f32 v50, v47;
	v56 =	vshll.u32 v52, $0x10;
	v55 =	vmul.f32 v55, v48  }
0x404: {  	v52 =	vand.u32 $0xFFFF0000, v52;
	v51 =	vmul.f32 v51, v48;
	v57 =	vshll.u32 v53, $0x10  }
0x405: {  	v54 =	vadd.f32 v55, v54;
	v55 =	vmul.f32 v56, v45;
	v56 =	vmul.f32 v57, v46  }
0x406: {  	v50 =	vadd.f32 v51, v50;
	v51 =	vmul.f32 v52, v45  }
0x407: {  	v52 =	vand.u32 $0xFFFF0000, v53;
	v53 =	vadd.f32 v55, v54  }
0x408: {  	v50 =	vadd.f32 v51, v50;
	v51 =	vmul.f32 v52, v46  }
0x409: {  	v52 =	vadd.f32 v56, v53  }
0x40a: {  	v50 =	vadd.f32 v51, v50  }
0x40b: {  	[tilespmem:s7+$0xFFFFFF50] =	vst v52  }
0x40c: {  	[tilespmem:s7+$0xFFFFFF60] =	vst v50  }
0x40d: {  	v50 =	vld [tilespmem:s8+$0x5BB0]  }
0x40e: {  	v51 =	vld [tilespmem:s8+$0x6BB0]  }
0x40f: {  	v52 =	vld [tilespmem:s8+$0x7BB0]  }
0x410: {  	v53 =	vld [tilespmem:s8+$0x8BB0];
	_ =	sdelay $0x1  }
0x411: {  	v54 =	vshll.u32 v50, $0x10;
	v50 =	vand.u32 $0xFFFF0000, v50  }
0x412: {  	v55 =	vshll.u32 v51, $0x10;
	v51 =	vand.u32 $0xFFFF0000, v51;
	v54 =	vmul.f32 v54, v47  }
0x413: {  	v50 =	vmul.f32 v50, v47;
	v56 =	vshll.u32 v52, $0x10;
	v55 =	vmul.f32 v55, v48  }
0x414: {  	v52 =	vand.u32 $0xFFFF0000, v52;
	v51 =	vmul.f32 v51, v48;
	v57 =	vshll.u32 v53, $0x10  }
0x415: {  	v54 =	vadd.f32 v55, v54;
	v55 =	vmul.f32 v56, v45;
	v56 =	vmul.f32 v57, v46  }
0x416: {  	v50 =	vadd.f32 v51, v50;
	v51 =	vmul.f32 v52, v45  }
0x417: {  	v52 =	vand.u32 $0xFFFF0000, v53;
	v53 =	vadd.f32 v55, v54  }
0x418: {  	v50 =	vadd.f32 v51, v50;
	v51 =	vmul.f32 v52, v46  }
0x419: {  	v52 =	vadd.f32 v56, v53  }
0x41a: {  	v50 =	vadd.f32 v51, v50  }
0x41b: {  	[tilespmem:s7+$0xFFFFFF70] =	vst v52  }
0x41c: {  	[tilespmem:s7+$0xFFFFFF80] =	vst v50  }
0x41d: {  	v50 =	vld [tilespmem:s8+$0x5BC0]  }
0x41e: {  	v51 =	vld [tilespmem:s8+$0x6BC0]  }
0x41f: {  	v52 =	vld [tilespmem:s8+$0x7BC0]  }
0x420: {  	v53 =	vld [tilespmem:s8+$0x8BC0];
	_ =	sdelay $0x1  }
0x421: {  	v54 =	vshll.u32 v50, $0x10  }
0x422: {  	v50 =	vand.u32 $0xFFFF0000, v50;
	v55 =	vshll.u32 v51, $0x10;
	v54 =	vmul.f32 v54, v47  }
0x423: {  	v51 =	vand.u32 $0xFFFF0000, v51;
	v50 =	vmul.f32 v50, v47;
	v55 =	vmul.f32 v55, v48  }
0x424: {  	v56 =	vshll.u32 v52, $0x10;
	v52 =	vand.u32 $0xFFFF0000, v52;
	v51 =	vmul.f32 v51, v48  }
0x425: {  	v57 =	vshll.u32 v53, $0x10;
	v54 =	vadd.f32 v55, v54;
	v55 =	vmul.f32 v56, v45  }
0x426: {  	v56 =	vmul.f32 v57, v46;
	v50 =	vadd.f32 v51, v50;
	v51 =	vmul.f32 v52, v45  }
0x427: {  	v52 =	vand.u32 $0xFFFF0000, v53;
	v53 =	vadd.f32 v55, v54  }
0x428: {  	v50 =	vadd.f32 v51, v50;
	v51 =	vmul.f32 v52, v46  }
.Ltmp2:
0x429: {  	v52 =	vadd.f32 v56, v53;
	(pc) =	sbr.rel @p0 .LBB2_8-.Ltmp2, $4  }
0x42a: {  	v50 =	vadd.f32 v51, v50  }
0x42b: {  	[tilespmem:s7+$0xFFFFFF90] =	vst v52  }
0x42c: {  	[tilespmem:s7+$0xFFFFFFA0] =	vst v50  }
0x42d: {  	s7 =	sadd.s32 $0x103, s7;
	v50 =	vld [tilespmem:s8+$0x5BD0]  }
0x42e: {  	v49 =	vld [tilespmem:s8+$0x6BD0];
	_ =	sdelay $0x1  }
0x42f: {  	v51 =	vld [tilespmem:s8+$0x7BD0];
	_ =	sdelay $0x1  }
0x430: {  	v52 =	vld [tilespmem:s8+$0x8BD0]  }
0x431: {  	v53 =	vshll.u32 v50, $0x10;
	v61 =	vand.u32 $0xFFFF0000, v50;
	v54 =	vshll.u32 v49, $0x10  }
0x432: {  	v53 =	vmul.f32 v53, v47;
	v49 =	vand.u32 $0xFFFF0000, v49;
	v54 =	vmul.f32 v54, v48  }
0x433: {  	v50 =	vmul.f32 v61, v47;
	v55 =	vshll.u32 v51, $0x10;
	v49 =	vmul.f32 v49, v48  }
0x434: {  	v51 =	vand.u32 $0xFFFF0000, v51;
	v62 =	vmul.f32 v55, v45;
	v53 =	vadd.f32 v54, v53  }
0x435: {  	v63 =	vshll.u32 v52, $0x10;
	v56 =	vmul.f32 v51, v45;
	v49 =	vadd.f32 v49, v50  }
0x436: {  	v52 =	vand.u32 $0xFFFF0000, v52;
	v57 =	vmul.f32 v63, v46;
	v53 =	vadd.f32 v62, v53  }
0x437: {  	v52 =	vmul.f32 v52, v46;
	v49 =	vadd.f32 v56, v49  }
0x438: {  	v58 =	vadd.f32 v57, v53  }
0x439: {  	s1 =	sadd.s32 s9, s26;
	v49 =	vadd.f32 v52, v49  }
0x43a: {  	[tilespmem:s1+$0x0] =	vst v58  }
0x43b: {  	[tilespmem:s12+$0xFFFFFFC0] =	vst v49  }
0x43c: {  	v49 =	vld [tilespmem:s8+$0x5BE0]  }
0x43d: {  	v50 =	vld [tilespmem:s8+$0x6BE0];
	_ =	sdelay $0x1  }
0x43e: {  	v59 =	vld [tilespmem:s8+$0x7BE0];
	_ =	sdelay $0x1  }
0x43f: {  	v60 =	vld [tilespmem:s8+$0x8BE0]  }
0x440: {  	v61 =	vshll.u32 v49, $0x10;
	v49 =	vand.u32 $0xFFFF0000, v49;
	v62 =	vand.u32 $0xFFFF0000, v50  }
0x441: {  	v50 =	vshll.u32 v50, $0x10;
	v49 =	vmul.f32 v49, v47;
	v54 =	vmul.f32 v62, v48  }
0x442: {  	v63 =	vand.u32 $0xFFFF0000, v59;
	v50 =	vmul.f32 v50, v48;
	v53 =	vmul.f32 v61, v47  }
0x443: {  	v51 =	vshll.u32 v59, $0x10;
	v57 =	vmul.f32 v63, v45;
	v49 =	vadd.f32 v54, v49  }
0x444: {  	v58 =	vand.u32 $0xFFFF0000, v60;
	v51 =	vmul.f32 v51, v45;
	v50 =	vadd.f32 v50, v53  }
0x445: {  	v52 =	vshll.u32 v60, $0x10;
	v59 =	vmul.f32 v58, v46;
	v49 =	vadd.f32 v57, v49  }
0x446: {  	v52 =	vmul.f32 v52, v46;
	v50 =	vadd.f32 v51, v50  }
0x447: {  	v49 =	vadd.f32 v59, v49  }
0x448: {  	v50 =	vadd.f32 v52, v50  }
0x449: {  	[tilespmem:s12+$0xFFFFFFE0] =	vst v49  }
0x44a: {  	[tilespmem:s12+$0xFFFFFFD0] =	vst v50  }
0x44b: {  	v49 =	vld [tilespmem:s8+$0x5BF0]  }
0x44c: {  	v50 =	vld [tilespmem:s8+$0x6BF0];
	_ =	sdelay $0x1  }
0x44d: {  	v60 =	vld [tilespmem:s8+$0x7BF0];
	_ =	sdelay $0x1  }
0x44e: {  	v52 =	vld [tilespmem:s8+$0x8BF0]  }
0x44f: {  	v61 =	vshll.u32 v49, $0x10;
	v49 =	vand.u32 $0xFFFF0000, v49;
	v62 =	vshll.u32 v50, $0x10  }
0x450: {  	v50 =	vand.u32 $0xFFFF0000, v50;
	v53 =	vmul.f32 v61, v47;
	v54 =	vmul.f32 v62, v48  }
0x451: {  	v55 =	vshll.u32 v60, $0x10;
	v63 =	vmul.f32 v49, v47;
	v56 =	vmul.f32 v50, v48  }
0x452: {  	v57 =	vand.u32 $0xFFFF0000, v60;
	v49 =	vmul.f32 v55, v45;
	v58 =	vadd.f32 v54, v53  }
0x453: {  	v60 =	vshll.u32 v52, $0x10;
	v59 =	vmul.f32 v57, v45;
	v47 =	vadd.f32 v56, v63  }
0x454: {  	s30 =	sor.u32 s5, s10;
	v61 =	vand.u32 $0xFFFF0000, v52;
	v50 =	vmul.f32 v60, v46;
	v49 =	vadd.f32 v49, v58  }
0x455: {  	s1 =	sadd.s32 s31, s30;
	v62 =	vmul.f32 v61, v46;
	v45 =	vadd.f32 v59, v47  }
0x456: {  	s1 =	smul.u32 $0x103, s1;
	v63 =	vadd.f32 v50, v49  }
0x457: {  	s0 =	sadd.s32 $0x1, s0;
	v45 =	vadd.f32 v62, v45  }
0x458: {  	p0 =	sne.s32 s0, $0x20;
	s1 =	sshrl.u32 s1, $0x3;
	[tilespmem:s12+$0xFFFFFFF0] =	vst v63  }
.Ltmp3:
0x459: {  	s1 =	sadd.s32 s2, s1;
	[tilespmem:s12+$0x0] =	vst v45;
	(pc) =	sbr.rel @p0 .LBB2_3-.Ltmp3, $4  }
0x45a: {  	[hbm4b:s1+s3] =	stream.linear.scatter [tilespmem:s24], [sflag:$0x3], $0x2060, $0x38;
	[tilespmem:$0xE480] =	vst v63  }
0x45b: {  	_ =	swait.ge [sflag:s13], $0x2060  }
0x45c: {  	[sflag:s13] =	ssyncset.done $0x0  }
0x45d: {  	[sflag:s13] =	ssyncadd.s32 $0xFFFFDFA0  }
0x45e: {  	s0 =	rddreg [dreg:$0xa];
	s28 =	sadd.s32 $0x1, s28  }
0x45f: {  	s1 =	rddreg [dreg:$0x7];
	s0 =	sshrl.u32 s0, $0x3;
	p0 =	sne.s32 s28, $0x4  }
.Ltmp4:
0x460: {  	s31 =	simm.s32 $0xDC80;
	s0 =	sadd.s32 s1, s0;
	(pc) =	sbr.rel @p0 .LBB2_2-.Ltmp4, $4  }
0x461: {  	[hbm4b:s0+s3] =	stream.linear.scatter [tilespmem:s31], [sflag:$0x3], $0x800, $0x38;
	[tilespmem:$0xE480] =	vst v63  }
0x462: {  	_ =	swait.ge [sflag:s13], $0x800  }
0x463: {  	[sflag:s13] =	ssyncset.done $0x0  }
0x464: {  	[sflag:s13] =	ssyncadd.s32 $0xFFFFF800  }
0x465: {  	s1 =	rddreg [dreg:$0x9]  }
0x466: {  	s0 =	rddreg [dreg:$0x8];
	s1 =	sadd.s32 $0x1, s1  }
0x467: {  	p0 =	sne.s32 s1, s0  }
.Ltmp5:
0x468: {  	_ = 	snop;
	(pc) =	sbr.rel @p0 .LBB2_1-.Ltmp5, $1  }
0x469: {  	_ =	sdelay $0x3  }
0x46a: {  	_ =	sfence.sel $0x180000  }
0x46b: {  	[bflag:$0x0] =	sbarrier.arrive $0xFFFF  }
0x46c: {  	_ =	strace $0x90000047  }
0x46d: {  	s0 =	stileid.u32;
	[bflag:$0x2] =	sbarrier.arrive $0xFFFF  }
0x46e: {  	p0 =	sne.s32 s0, $0x0;
	s0 =	rddreg [dreg:$0x3]  }
0x46f: {  	s0 =	sadd.s32 @!p0 $0x100000, s0  }
0x470: {  	[sflag:s0] =	ssyncadd.tile.s32 @!p0 $0x1;
	_ =	shalt  }
.Lfunc_end2:
_tile_overlayer_lowered:
.L_overlay_start_2:
0x471: {  	(tag) =	ssettag $0x2  }
0x472: {  	s0 =	rddreg [dreg:$0x0];
	s2 =	stileid.u32  }
0x473: {  	s1 =	rddreg [dreg:$0x1];
	p0 =	sne.s32 s2, $0x0  }
0x474: {  	s3 =	rddreg [dreg:$0x2];
	[bflag:$0x3] =	sbarrier.arrive $0xFFFF;
	s2 =	simm.s32 @!p0 $0x1C03  }
0x475: {  	[timem:s3], [sflag:s2] =	dma.local @!p0 [hbm:s0], s1  }
0x476: {  	s0 =	simm.s32 @!p0 $0x3  }
0x477: {  	_ =	swait.ge @!p0 [sflag:s0], s1  }
0x478: {  	s1 =	ssub.s32 @!p0 $0x0, s1;
	[sflag:s0] =	ssyncset.done @!p0 $0x0  }
0x479: {  	[sflag:s0] =	ssyncadd.s32 @!p0 s1  }
0x47a: {  	[bflag:$0x3] =	sbarrier.arrive $0xFFFF  }
0x47b: {  	_ =	shalt  }

// kernel: sparse-core-data-format-call.cloned.1.call-start
scs
called_computation_lowered:
.L_overlay_start_0:
0x0: {  	s2 =	sld [smem:$0x3FD9]  }
0x1: {  	s3 =	sld [smem:$0x3FFE];
	_ =	sdelay $0x1  }
0x2: {  	s1 =	srdreg.scid  }
0x3: {  	s0 =	sand.u32 $0x1, s1  }
0x4: {  	s15 =	sshll.u32 s0, $0xA;
	s2 =	sadd.s32 s3, s2  }
0x5: {  	s2 =	sadd.s32 s2, s15  }
0x6: {  	[smem:$0x3FC2] =	sst s2  }
0x7: {  	_ = 	snop  }
0x8: {  	s2 =	sld [smem:$0x3FD0];
	_ =	sdelay $0x2  }
0x9: {  	s16 =	simm.s32 $0xA;
	s4 =	simm.s32 $0x10  }
0xa: {  	[smem:s4], [sflag:s16] =	dma.local [hbm:s2], $0x1  }
0xb: {  	_ =	swait.eq [sflag:s16], $0x1  }
0xc: {  	[sflag:s16] =	ssyncset.done $0x0  }
0xd: {  	[sflag:s16] =	ssyncadd.s32 $0xFFFFFFFF  }
0xe: {  	s17 =	sld [smem:$0x10];
	(tm) =	ssettm $0x1  }
0xf: {  	s18 =	sld [smem:$0x3FFB];
	_ =	sdelay $0x3  }
0x10: {  	_ =	strace s18  }
0x11: {  	s3 =	sld [smem:$0x3FFC];
	_ =	sdelay $0x3  }
0x12: {  	_ =	strace s3  }
0x13: {  	s3 =	sld [smem:$0x3FFD];
	_ =	sdelay $0x3  }
0x14: {  	_ =	strace s3  }
0x15: {  	_ =	strace $0x8FFFFFFF  }
0x16: {  	s19 =	sld [smem:$0x3FDB];
	_ =	sdelay $0x1  }
0x17: {  	s20 =	simm.s32 $_scs_section_size  }
0x18: {  	s5 =	simm.s32 $_size__tile_overlayer_lowered;
	s6 =	simm.s32 $_tile_overlayer_lowered  }
0x19: {  	s23 =	simm.s32 $0x1BFF;
	s22 =	sshll.u32 s6, $0x1;
	s3 =	sadd.s32 s20, s19  }
0x1a: {  	s7 =	simm.s32 $0x0;
	s21 =	sshll.u32 s5, $0x1;
	s5 =	sadd.s32 s22, s3  }
0x1b: {  	[timem:s7], [sflag:s23] =	dma.local [hbm:s5], s21  }
0x1c: {  	_ =	swait.ge [sflag:s23], s21  }
0x1d: {  	s4 =	ssub.s32 $0x0, s21;
	[sflag:s23] =	ssyncset.done $0x0  }
0x1e: {  	[sflag:s23] =	ssyncadd.s32 s4;
	_ =	sdelay $0x1  }
0x1f: {  	s24 =	simm.s32 $0x1B8B  }
0x20: {  	_ =	swait.ge [sflag:s24], $0x1  }
0x21: {  	[sflag:s24] =	ssyncset.done $0x0  }
0x22: {  	s26 =	simm.s32 $0x1B8E;
	s25 =	sld [smem:$0x3FFE];
	[sflag:s24] =	ssyncadd.s32 $0xFFFFFFFF  }
0x23: {  	s27 =	simm.s32 $execute0_lowered;
	[smem:$0x3FD2] =	sst s26  }
0x24: {  	s5 =	sshll.u32 s27, $0x1;
	_ =	strace $0x80000049;
	[dreg:$0x1] =	wrdreg $0xFFFFFFFF  }
0x25: {  	s28 =	simm.s32 $_size_execute0_lowered;
	s3 =	sadd.s32 s3, s5;
	[dreg:$0x0] =	wrdreg $0x0  }
0x26: {  	s5 =	sshll.u32 s28, $0x1;
	[dreg:$0x2] =	wrdreg s3  }
0x27: {  	[dreg:$0x3] =	wrdreg s5  }
0x28: {  	[dreg:$0x4] =	wrdreg $0xC0  }
0x29: {  	_ =	task [dreg:s7], $0x5FFFF  }
0x2a: {  	[dreg:$0x1] =	wrdreg $0xFFFFFFFF  }
0x2b: {  	[dreg:$0x0] =	wrdreg $0x60  }
0x2c: {  	[dreg:$0x2] =	wrdreg s25  }
0x2d: {  	[dreg:$0x3] =	wrdreg s17  }
0x2e: {  	[dreg:$0x4] =	wrdreg $0x9  }
0x2f: {  	_ =	task.clear_ibuf [dreg:s7], $0x5FFFF;
	_ =	strace $0x90000049  }
0x30: {  	s29 =	simm.s32 $0x9;
	_ =	strace $0x8000004B  }
0x31: {  	_ =	swait.ge [sflag:s29], $0x1  }
0x32: {  	[sflag:s29] =	ssyncadd.s32 $0xFFFFFFFF  }
0x33: {  	_ =	strace $0x9000004B  }
0x34: {  	_ =	sfence  }
0x35: {  	s30 =	sld [smem:$0x0];
	_ =	sdelay $0x2  }
0x36: {  	s31 =	sshll.u32 s1, $0xD;
	s1 =	sshrl.u32 s1, $0x2  }
0x37: {  	s3 =	sand.u32 $0x4000, s31;
	s1 =	sadd.s32 s1, s30  }
0x38: {  	s0 =	sor.u32 s3, s0;
	s1 =	sshll.u32 s1, $0x11  }
0x39: {  	s0 =	sor.u32 s1, s0  }
0x3a: {  	s0 =	sadd.s32 $0x8F2B, s0  }
0x3b: {  	[sflag:s0] =	ssyncadd.remote.s32 $0x1  }
0x3c: {  	_ =	sfence.sel $0xFFFF  }
0x3d: {  	[dreg:$0x0] =	wrdreg $0xFFFFFFFF;
	(pc) =	sbr.abs _section_cstart, $3  }
0x3e: {  	[dreg:$0x1] =	wrdreg $0xFFFFFFFF  }
0x3f: {  	_ =	task.clear_ibuf [dreg:s7], $0x2FFFF;
	_ =	strace $0x9FFFFFFF  }
0x40: {  	(tm) =	ssettm $0x7FFFFFFF  }
0x41: {  	_ =	shalt  }
tec
execute0_lowered:
.L_overlay_start_1:
0x0: {  	(tag) =	ssettag $0x1  }
0x1: {  	s0 =	stileid.u32;
	s5 =	rddreg [dreg:$0x0]  }
0x2: {  	s1 =	srdreg.scid;
	s3 =	rddreg [dreg:$0x1];
	s6 =	simm.s32 $0x1  }
0x3: {  	s8 =	simm.s32 $0x2;
	s2 =	sshll.u32 s0, $0x5;
	s1 =	sshll.u32 s1, $0x9  }
0x4: {  	s18 =	simm.s32 $0x0;
	s9 =	simm.s32 $0x40000;
	s1 =	sor.u32 s2, s1  }
0x5: {  	s17 =	simm.s32 $0x0;
	s19 =	simm.s32 $0x0;
	s2 =	sand.u32 $0x380, s1  }
0x6: {  	s10 =	simm.s32 $0x0;
	s11 =	simm.s32 $0x0;
	s4 =	ssub.s32 $0x10000, s2  }
0x7: {  	s12 =	simm.s32 $0x0;
	s13 =	simm.s32 $0x0;
	s31 =	sand.u32 $0x380, s4  }
0x8: {  	s16 =	simm.s32 $0x0;
	s7 =	sand.u32 $0x3, s0;
	p0 =	sne.s32 s31, $0x0  }
.Ltmp0:
0x9: {  	s4 =	sshrl.u32 s4, $0xA;
	s6 =	simm.s32 @!p0 $0x0;
	(pc) =	sbr.rel .LBB1_1-.Ltmp0, $4  }
0xa: {  	s1 =	rddreg [dreg:$0x2];
	_ =	strace $0x8000004A;
	s6 =	sadd.s32 s6, s4  }
0xb: {  	s4 =	sadd.s32 $0x61A00, s5;
	s5 =	simm.s32 $0x1;
	s6 =	smul.u32 $0x3, s6  }
0xc: {  	s15 =	smov.u32 s7;
	s14 =	smov.u32 s2;
	[sflag:s5] =	ssyncpa.u1 $0x0  }
0xd: {  	p0 =	por $0x0, $0x0;
	[sflag:s8] =	ssyncpa.u1 $0x0;
	s8 =	sadd.s32 $0x1, s6  }
.LBB1_4:
0xe: {  	s24 =	sshra.s32 s24, $0x2  }
0xf: {  	s25 =	sshll.u32 s12, $0x7;
	s30 =	sand.u32 $0x78, s11;
	p2 =	sgt.s32 s12, $0x3  }
0x10: {  	s26 =	sshra.s32 s12, $0x1F;
	p1 =	sgt.s32 s10, $0x83;
	s27 =	sshra.s32 s11, $0x1F  }
0x11: {  	s31 =	sshra.s32 s10, $0x1F;
	s23 =	sadd.s32 s24, s23;
	s25 =	sand.u32 $0x180, s25  }
0x12: {  	s26 =	sand.u32 s26, s12;
	s24 =	sor.u32 s25, s30;
	s25 =	smov.u32 s12  }
0x13: {  	v5 =	vld [tilespmem:s21+$0xFFFFFFD0];
	s27 =	sand.u32 s27, s11;
	s30 =	sshll.u32 s11, $0x2;
	s25 =	simm.s32 @!p2 $0x3  }
0x14: {  	[tilespmem:s22+$0x2040 ss:$0x81] =	vst.msk $0xffff, v4;
	v58 =	vld [tilespmem:s21+$0xFFFFFFE0];
	p2 =	sgt.s32 s11, $0xFF80;
	s25 =	ssub.s32 s25, s26;
	s26 =	smov.u32 s11  }
0x15: {  	[tilespmem:s22+$0x2850 ss:$0x81] =	vst.msk $0xffff, v3;
	v59 =	vld [tilespmem:s21+$0xFFFFFFF0];
	s28 =	sadd.s32 $0xFFFFFFFD, s25;
	s26 =	simm.s32 @!p2 $0xFF80;
	s25 =	ssub.s32 $0x4, s25  }
0x16: {  	[tilespmem:s22+$0x3060 ss:$0x81] =	vst.msk $0xffff, v2;
	v60 =	vld [tilespmem:s21+$0x0];
	p2 =	sgt.s32 s28, $0x0;
	s28 =	smov.u32 s10;
	s26 =	ssub.s32 s26, s27  }
0x17: {  	[tilespmem:s22+$0x0 ss:$0x81] =	vst.msk $0xffff, v1;
	v61 =	vld [tilespmem:s21+$0x10];
	s27 =	sand.u32 s31, s10;
	s31 =	sand.u32 $0xFE00, s30;
	s28 =	simm.s32 @!p1 $0x83  }
0x18: {  	v62 =	vld [tilespmem:s21+$0x20];
	[tilespmem:s23+$0x3870 ss:$0x81] =	vst.msk $0xffff, v0;
	s25 =	simm.s32 @p2 $0x0;
	s22 =	ssub.s32 s28, s27;
	s28 =	sadd.s32 $0xFFFF0080, s26  }
0x19: {  	v63 =	vld [tilespmem:s21+$0xFFFFFFC0];
	[tilespmem:s23+$0x810 ss:$0x81] =	vst.msk $0xffff, v5;
	s21 =	sor.u32 s31, s24;
	s26 =	ssub.s32 $0x10000, s26;
	p1 =	sgt.s32 s28, $0x7F  }
0x1a: {  	[tilespmem:s23+$0x1020 ss:$0x81] =	vst.msk $0xffff, v58;
	s27 =	sshll.u32 s10, $0xF;
	s29 =	sadd.s32 $0xFFFFFF7D, s22;
	s26 =	simm.s32 @p1 $0x0  }
0x1b: {  	[tilespmem:s23+$0x1830 ss:$0x81] =	vst.msk $0xffff, v59;
	s22 =	ssub.s32 $0x103, s22;
	p1 =	sgt.s32 s29, $0x7F;
	s25 =	smul.u32 s25, s26  }
0x1c: {  	[tilespmem:s23+$0x2040 ss:$0x81] =	vst.msk $0xffff, v60;
	s28 =	sshrl.u32 s11, $0x1;
	s24 =	sadd.s32 s3, s27;
	s22 =	simm.s32 @p1 $0x0  }
0x1d: {  	[tilespmem:s23+$0x2850 ss:$0x81] =	vst.msk $0xffff, v61;
	s29 =	sand.u32 $0x7, s11;
	s22 =	smul.u32 s22, s25;
	s25 =	sand.u32 $0x6000, s28  }
0x1e: {  	[tilespmem:s23+$0x3060 ss:$0x81] =	vst.msk $0xffff, v62;
	s21 =	sshrl.u32 s21, $0x3;
	s30 =	sshll.u32 s29, $0x12;
	s24 =	sadd.s32 s25, s24  }
0x1f: {  	[tilespmem:s23+$0x0 ss:$0x81] =	vst.msk $0xffff, v63;
	s31 =	sor.u32 $0x80, s30;
	s22 =	sand.u32 $0x3FFFFFFF, s22;
	s21 =	sadd.s32 s21, s24  }
0x20: {  	[hbm4b:s21+s31] =	stream.strided.scatter [tilespmem:s20], [sflag:$0x2], s22, s9, s31, $0x20;
	[tilespmem:$0x10100] =	vst v63  }
.LBB1_5:
0x21: {  	p1 =	slt.u32 s16, $0x2;
	s21 =	smov.u32 s19  }
0x22: {  	p2 =	sgt.s32 @!p1 s18, $0x83;
	s20 =	sshra.s32 @!p1 s18, $0x1F;
	p3 =	sgt.s32 @!p1 s19, $0x3  }
0x23: {  	s22 =	sshra.s32 @!p1 s19, $0x1F;
	p2 =	por !p2, p1;
	s20 =	sand.u32 @!p1 s20, s18  }
0x24: {  	p3 =	por !p3, p1;
	s19 =	sand.u32 @!p1 s22, s19;
	s22 =	sshra.s32 @!p1 s17, $0x1F  }
0x25: {  	s21 =	simm.s32 @p3 $0x3;
	p3 =	sgt.s32 @!p1 s17, $0xFF80;
	s18 =	simm.s32 @p2 $0x83  }
0x26: {  	s19 =	ssub.s32 @!p1 s21, s19;
	p3 =	por !p3, p1;
	s21 =	smov.u32 s17  }
0x27: {  	s17 =	sand.u32 @!p1 s22, s17;
	s18 =	ssub.s32 @!p1 s18, s20;
	s21 =	simm.s32 @p3 $0xFF80  }
0x28: {  	s20 =	sadd.s32 @!p1 $0xFFFFFFFD, s19;
	s19 =	ssub.s32 @!p1 $0x4, s19;
	s17 =	ssub.s32 @!p1 s21, s17  }
0x29: {  	s21 =	sadd.s32 @!p1 $0xFFFFFF7D, s18;
	p2 =	sgt.s32 @!p1 s20, $0x0;
	s20 =	sadd.s32 @!p1 $0xFFFF0080, s17  }
0x2a: {  	s18 =	ssub.s32 @!p1 $0x103, s18;
	p2 =	por !p2, p1;
	p3 =	sgt.s32 @!p1 s20, $0x7F  }
0x2b: {  	s17 =	ssub.s32 @!p1 $0x10000, s17;
	s19 =	simm.s32 @!p2 $0x0;
	p2 =	por !p3, p1  }
0x2c: {  	s20 =	sadd.s32 $0x80, s13;
	p3 =	sgt.s32 @!p1 s21, $0x7F;
	s17 =	simm.s32 @!p2 $0x0  }
0x2d: {  	s21 =	smov.u32 s14;
	p2 =	por !p3, p1;
	s17 =	smul.u32 @!p1 s19, s17  }
0x2e: {  	s18 =	simm.s32 @!p2 $0x0;
	p2 =	sgt.s32 s20, $0x102;
	s19 =	sadd.s32 $0x400, s14  }
0x2f: {  	s22 =	smov.u32 s15;
	s21 =	smov.u32 @p2 s19  }
0x30: {  	s17 =	smul.u32 @!p1 s18, s17;
	p3 =	sgt.s32 s21, $0xFFFF;
	s18 =	sadd.s32 $0x4, s15  }
0x31: {  	p0 =	por !p0, !p0;
	s23 =	simm.s32 @!p1 $0x2;
	s22 =	smov.u32 @p3 s18  }
0x32: {  	s20 =	simm.s32 @p2 $0x0;
	s19 =	smov.u32 s12;
	p2 =	sgt.s32 s22, $0x3  }
0x33: {  	s12 =	smov.u32 s15;
	s22 =	smov.u32 @p2 s7;
	p2 =	sne.s32 s16, s8  }
.Ltmp1:
0x34: {  	s21 =	smov.u32 @p3 s2;
	s18 =	smov.u32 s10;
	(pc) =	sbr.rel @!p2 .LBB1_6-.Ltmp1, $4  }
0x35: {  	s10 =	smov.u32 s13;
	s13 =	smov.u32 s20;
	s17 =	sand.u32 @!p1 $0x3FFFFFFF, s17  }
0x36: {  	_ =	swait.ge @!p1 [sflag:s23], s17;
	s24 =	ssub.s32 @!p1 $0x0, s17;
	s17 =	smov.u32 s11  }
0x37: {  	s16 =	sadd.s32 $0x1, s16;
	s11 =	smov.u32 s14;
	[sflag:s23] =	ssyncset.done @!p1 $0x0  }
0x38: {  	s14 =	smov.u32 s21;
	s15 =	smov.u32 s22;
	[sflag:s23] =	ssyncadd.s32 @!p1 s24  }
.LBB1_1:
0x39: {  	p1 =	sge.u32 s16, s6  }
0x3a: {  	s20 =	sshrl.u32 @!p1 s14, $0x3  }
0x3b: {  	s21 =	sshll.u32 @!p1 s13, $0x3;
	s20 =	smul.u32 @!p1 $0xC00, s20  }
0x3c: {  	s22 =	sshll.u32 @!p1 s14, $0x7;
	s21 =	sand.u32 @!p1 $0xFFFFFC00, s21  }
0x3d: {  	s20 =	sadd.s32 @!p1 s20, s21;
	s21 =	sand.u32 @!p1 $0x380, s22  }
0x3e: {  	s22 =	sand.u32 @!p1 $0x7F, s13;
	s20 =	sor.u32 @!p1 s21, s20  }
0x3f: {  	s21 =	sor.u32 @!p1 s22, s20  }
0x40: {  	s22 =	smulhi.u32 @!p1 $0xAAAAAAAB, s21  }
0x41: {  	s20 =	smulhi.u32 @!p1 $0xAAAAAAAB, s20  }
0x42: {  	s22 =	sshrl.u32 @!p1 s22, $0x8  }
0x43: {  	s31 =	sadd.s32 $0xFFFFFFFF, s16;
	s20 =	sshrl.u32 @!p1 s20, $0x8;
	s22 =	smul.u32 @!p1 $0x180, s22  }
0x44: {  	s23 =	sxor.u32 @!p1 $0xFFFFFFFF, s16;
	s24 =	smul.u32 @!p1 $0x300000, s15;
	s20 =	sand.u32 @!p1 $0xFFFF, s20  }
0x45: {  	s23 =	sshll.u32 @!p1 s23, $0xE;
	s20 =	smul.u32 @!p1 $0x30, s20;
	s21 =	ssub.s32 @!p1 s21, s22  }
0x46: {  	s22 =	sand.u32 @!p1 $0x4000, s23;
	s23 =	sadd.s32 @!p1 s4, s24;
	s24 =	sand.u32 @!p1 $0x7, s21  }
0x47: {  	s21 =	sshrl.u32 @!p1 s21, $0x3;
	s20 =	sadd.s32 @!p1 s20, s23;
	s23 =	sshll.u32 @!p1 s24, $0x12  }
0x48: {  	s20 =	sadd.s32 @!p1 s21, s20;
	s21 =	sor.u32 @!p1 $0x400, s23;
	s23 =	simm.s32 @!p1 $0xC00  }
0x49: {  	[tilespmem:s22], [sflag:$0x1] =	stream.strided.gather @!p1 [hbm4b:s20+s21], $0x4000, s23, s21, $0x38;
	[tilespmem:$0x10100] =	vst v63  }
0x4a: {  	p1 =	sge.u32 s31, s6  }
.Ltmp2:
0x4b: {  	_ = 	snop;
	(pc) =	sbr.rel @p1 .LBB1_5-.Ltmp2, $1  }
0x4c: {  	_ =	sdelay $0x3  }
0x4d: {  	s20 =	simm.s32 $0x1  }
0x4e: {  	_ =	swait.ge [sflag:s5], $0x4000;
	s20 =	simm.s32 @!p0 $0x0  }
0x4f: {  	[sflag:s5] =	ssyncset.done $0x0;
	s21 =	sshll.u32 s20, $0xE  }
0x50: {  	[sflag:s5] =	ssyncadd.s32 $0xFFFFC000;
	s21 =	sor.u32 $0x40, s21  }
0x51: {  	s20 =	smul.u32 $0x10200, s20;
	v0 =	vld [tilespmem:s21+$0x30]  }
0x52: {  	v1 =	vld [tilespmem:s21+$0xFFFFFFD0]  }
0x53: {  	s20 =	sshrl.u32 s20, $0x2;
	v5 =	vld [tilespmem:s21+$0xFFFFFFE0]  }
0x54: {  	v6 =	vld [tilespmem:s21+$0xFFFFFFF0];
	s23 =	sor.u32 $0x8000, s20  }
0x55: {  	s31 =	sand.u32 $0x1, s16;
	v4 =	vld [tilespmem:s21+$0x0];
	s22 =	sadd.s32 $0x0, s23  }
0x56: {  	v3 =	vld [tilespmem:s21+$0x10];
	s20 =	smul.u32 $0x10200, s31;
	[tilespmem:s22+$0x3870 ss:$0x81] =	vst.msk $0xffff, v0  }
0x57: {  	v2 =	vld [tilespmem:s21+$0x20];
	[tilespmem:s22+$0x810 ss:$0x81] =	vst.msk $0xffff, v1  }
0x58: {  	s20 =	sshrl.u32 s20, $0x2;
	v1 =	vld [tilespmem:s21+$0xFFFFFFC0];
	[tilespmem:s22+$0x1020 ss:$0x81] =	vst.msk $0xffff, v5;
	s21 =	sadd.s32 $0x80, s21  }
0x59: {  	s24 =	simm.s32 $0x4;
	s25 =	simm.s32 $0x8;
	s20 =	sor.u32 $0x8000, s20;
	[tilespmem:s22+$0x1830 ss:$0x81] =	vst.msk $0xffff, v6;
	v0 =	vld [tilespmem:s21+$0x30]  }
.LBB1_3:
0x5a: {  	p1 =	sne.s32 s25, $0x1FC;
	v5 =	vld [tilespmem:s21+$0xFFFFFFD0];
	[tilespmem:s22+$0x2040 ss:$0x81] =	vst.msk $0xffff, v4  }
0x5b: {  	v6 =	vld [tilespmem:s21+$0xFFFFFFE0];
	[tilespmem:s22+$0x2850 ss:$0x81] =	vst.msk $0xffff, v3  }
0x5c: {  	s26 =	sshra.s32 s24, $0x2;
	s24 =	smov.u32 s25;
	v7 =	vld [tilespmem:s21+$0xFFFFFFF0];
	[tilespmem:s22+$0x3060 ss:$0x81] =	vst.msk $0xffff, v2  }
.Ltmp3:
0x5d: {  	v4 =	vld [tilespmem:s21+$0x0];
	[tilespmem:s22+$0x0 ss:$0x81] =	vst.msk $0xffff, v1;
	s22 =	sadd.s32 s26, s23;
	(pc) =	sbr.rel @p1 .LBB1_3-.Ltmp3, $4  }
0x5e: {  	v3 =	vld [tilespmem:s21+$0x10];
	[tilespmem:s22+$0x3870 ss:$0x81] =	vst.msk $0xffff, v0  }
0x5f: {  	[tilespmem:s22+$0x810 ss:$0x81] =	vst.msk $0xffff, v5;
	v2 =	vld [tilespmem:s21+$0x20]  }
0x60: {  	v1 =	vld [tilespmem:s21+$0xFFFFFFC0];
	[tilespmem:s22+$0x1020 ss:$0x81] =	vst.msk $0xffff, v6;
	s21 =	sadd.s32 $0x80, s21  }
0x61: {  	s25 =	sadd.s32 $0x4, s25;
	v0 =	vld [tilespmem:s21+$0x30];
	[tilespmem:s22+$0x1830 ss:$0x81] =	vst.msk $0xffff, v7  }
.Ltmp4:
0x62: {  	_ = 	snop;
	(pc) =	sbr.rel .LBB1_4-.Ltmp4, $1  }
0x63: {  	_ =	sdelay $0x3  }
.LBB1_6:
0x64: {  	_ =	sfence.sel $0x180000  }
0x65: {  	s2 =	simm.s32 $0x1;
	[bflag:$0x0] =	sbarrier.arrive $0xFFFF  }
0x66: {  	s31 =	simm.s32 $0x2;
	[sflag:s2] =	ssyncpa.u1 $0x1  }
0x67: {  	[sflag:s31] =	ssyncpa.u1 $0x1  }
0x68: {  	p0 =	sne.s32 s0, $0x0;
	_ =	strace $0x9000004A  }
0x69: {  	s0 =	sadd.s32 @!p0 $0x100000, s1;
	[bflag:$0x2] =	sbarrier.arrive $0xFFFF  }
0x6a: {  	[sflag:s0] =	ssyncadd.tile.s32 @!p0 $0x1;
	_ =	shalt  }
.Lfunc_end1:
_tile_overlayer_lowered:
.L_overlay_start_2:
0x6b: {  	(tag) =	ssettag $0x2  }
0x6c: {  	s0 =	rddreg [dreg:$0x0];
	s2 =	stileid.u32  }
0x6d: {  	s1 =	rddreg [dreg:$0x1];
	p0 =	sne.s32 s2, $0x0  }
0x6e: {  	s3 =	rddreg [dreg:$0x2];
	[bflag:$0x3] =	sbarrier.arrive $0xFFFF;
	s2 =	simm.s32 @!p0 $0x1C01  }
0x6f: {  	[timem:s3], [sflag:s2] =	dma.local @!p0 [hbm:s0], s1  }
0x70: {  	s0 =	simm.s32 @!p0 $0x1  }
0x71: {  	_ =	swait.ge @!p0 [sflag:s0], s1  }
0x72: {  	s1 =	ssub.s32 @!p0 $0x0, s1;
	[sflag:s0] =	ssyncset.done @!p0 $0x0  }
0x73: {  	[sflag:s0] =	ssyncadd.s32 @!p0 s1  }
0x74: {  	[bflag:$0x3] =	sbarrier.arrive $0xFFFF  }
0x75: {  	_ =	shalt  }

</sc_bundles>
